<compile_context>
chip_gen: v7x
topology: tpu7x:2x2x1
jax: 0.10.2.dev20260603
libtpu: 0.0.44.dev20260713+nightly
codegen_flags: <defaults>
</compile_context>

<pallas_src>
import functools

import jax
import jax.numpy as jnp
import numpy as np
from jax import lax
from jax.experimental import pallas as pl
from jax.experimental.pallas import tpu as pltpu
from jax.experimental.pallas import tpu_sc as plsc

_B = 64
_N = 100000
_CH = 128
_NCH = (_N + _CH - 1) // _CH
_PIECE = 16384
_NP = 7
_BUF = _NP * _PIECE
_NG = _BUF // (16 * _CH)
_NSEL = 12
_MAIN = 99840
_NEG = np.float32(-np.inf)


def _splat(x):
    return jnp.full((16,), x, jnp.int32)


def _piece_max(buf_ref, cm_ref, p):
    base = p * _PIECE

    def body(t, accs):
        off = base + t * 256
        accs = tuple(
            jnp.maximum(a, buf_ref[pl.ds(off + 16 * v, 16)])
            for v, a in enumerate(accs))
        return tuple(
            jnp.maximum(a, buf_ref[pl.ds(off + 128 + 16 * v, 16)])
            for v, a in enumerate(accs))

    accs = lax.fori_loop(
        0, 64, body,
        tuple(jnp.full((16,), _NEG, jnp.float32) for _ in range(8)))
    for v, a in enumerate(accs):
        cm_ref[pl.ds(p * 128 + 16 * v, 16)] = a


def _process_row(prob_hbm, tail_hbm, ri, buf_ref, cm_ref, ids_ref, lab_vmem,
                 sem_a, sem_b):
    iota = lax.iota(jnp.int32, 16)
    sems = [sem_a, sem_b]
    sizes = [_PIECE] * (_NP - 1) + [_MAIN - (_NP - 1) * _PIECE]

    def fire(p, sem):
        return pltpu.async_copy(
            prob_hbm.at[ri, pl.ds(p * _PIECE, sizes[p])],
            buf_ref.at[pl.ds(p * _PIECE, sizes[p])], sem)

    descs = [None] * _NP
    descs[0] = fire(0, sems[0])
    descs[1] = fire(1, sems[1])
    pltpu.sync_copy(tail_hbm.at[ri], buf_ref.at[pl.ds(_MAIN, 256)])
    for p in range(_NP):
        descs[p].wait()
        if p + 2 < _NP:
            descs[p + 2] = fire(p + 2, sems[p % 2])
        _piece_max(buf_ref, cm_ref, p)

    lane0 = iota == 0
    lab_s = jnp.max(plsc.load_gather(lab_vmem, [_splat(ri)]))
    idg = (lab_s // _PIECE) * 128 + (lab_s % 128)
    plsc.store_scatter(cm_ref, [_splat(idg)], jnp.full((16,), _NEG), mask=lane0)
    plsc.store_scatter(ids_ref, [_splat(_NSEL - 1)], _splat(idg), mask=lane0)

    def sel_body(t, _):
        def scan1(v, mvs):
            return tuple(
                jnp.maximum(m, cm_ref[pl.ds((v * 8 + u) * 16, 16)])
                for u, m in enumerate(mvs))

        mvs = lax.fori_loop(
            0, _NG // 8, scan1,
            tuple(jnp.full((16,), _NEG, jnp.float32) for _ in range(8)))
        mv = mvs[0]
        for m in mvs[1:]:
            mv = jnp.maximum(mv, m)
        mg = jnp.max(mv)

        def scan2(v, pvs):
            out = []
            for u, pv in enumerate(pvs):
                cv = cm_ref[pl.ds((v * 8 + u) * 16, 16)]
                out.append(jnp.minimum(
                    pv, jnp.where(cv == mg, iota + (v * 8 + u) * 16, 9999)))
            return tuple(out)

        pvs = lax.fori_loop(
            0, _NG // 8, scan2,
            tuple(jnp.full((16,), 9999, jnp.int32) for _ in range(8)))
        pv = pvs[0]
        for p2 in pvs[1:]:
            pv = jnp.minimum(pv, p2)
        pos = jnp.min(pv)
        plsc.store_scatter(cm_ref, [_splat(pos)], jnp.full((16,), _NEG), mask=lane0)
        plsc.store_scatter(ids_ref, [_splat(t)], _splat(pos), mask=lane0)
        return 0

    lax.fori_loop(0, _NSEL - 1, sel_body, 0)

    st = tuple(jnp.full((16,), _NEG, jnp.float32) for _ in range(11))

    def ins_body(t, st):
        k = t // 8
        j = t - k * 8
        idk = jnp.max(plsc.load_gather(ids_ref, [_splat(k)]))
        base = (idk // 128) * _PIECE + (idk % 128) + 2048 * j
        x = plsc.load_gather(buf_ref, [_splat(base) + iota * 128])
        out = []
        for s in st:
            hi = jnp.maximum(s, x)
            x = jnp.minimum(s, x)
            out.append(hi)
        return tuple(out)

    st = lax.fori_loop(0, _NSEL * 8, ins_body, st)

    def mrg_body(t, carry):
        st, sum11, v11 = carry
        mg = jnp.float32(-jnp.inf)
        for s in st:
            mg = jnp.maximum(mg, jnp.max(s))
        sum11 = sum11 + mg
        pv = jnp.full((16,), 9999, jnp.int32)
        for u, s in enumerate(st):
            pv = jnp.minimum(pv, jnp.where(s == mg, iota + u * 16, 9999))
        pos = jnp.min(pv)
        st = tuple(jnp.where(iota == pos - u * 16, _NEG, s)
                   for u, s in enumerate(st))
        return st, sum11, mg

    _, sum11, v11 = lax.fori_loop(
        0, 11, mrg_body, (st, jnp.float32(0.0), jnp.float32(0.0)))

    c = jnp.max(plsc.load_gather(buf_ref, [_splat(lab_s)]))
    sub = jnp.where(c >= v11, c, v11)
    return (sum11 - sub) * jnp.float32(0.1) - c


def _sc_loss(probas, tail, labels):
    mesh = plsc.VectorSubcoreMesh(core_axis_name="c", subcore_axis_name="s")

    @functools.partial(
        pl.kernel,
        out_type=jax.ShapeDtypeStruct((32, 16), jnp.float32),
        mesh=mesh,
        compiler_params=pltpu.CompilerParams(use_tc_tiling_on_sc=True,
                                             needs_layout_passes=False),
        scratch_types=[
            pltpu.VMEM((_BUF,), jnp.float32),
            pltpu.VMEM((16 * _NG,), jnp.float32),
            pltpu.VMEM((16,), jnp.int32),
            pltpu.VMEM((64,), jnp.int32),
            pltpu.VMEM((16,), jnp.float32),
            pltpu.SemaphoreType.DMA,
            pltpu.SemaphoreType.DMA,
        ],
    )
    def body(prob_hbm, tail_hbm, lab_hbm, out_hbm, buf_ref, cm_ref, ids_ref,
             lab_vmem, stage_ref, sem_a, sem_b):
        wid = lax.axis_index("s") * 2 + lax.axis_index("c")
        pltpu.sync_copy(lab_hbm, lab_vmem)

        def pre(t, _):
            buf_ref[pl.ds(_MAIN + 256 + 16 * t, 16)] = jnp.full(
                (16,), _NEG, jnp.float32)
            return 0

        lax.fori_loop(0, (_BUF - _MAIN - 256) // 16, pre, 0)

        loss = _process_row(prob_hbm, tail_hbm, wid, buf_ref, cm_ref,
                            ids_ref, lab_vmem, sem_a, sem_b)

        stage_ref[...] = jnp.full((16,), loss, jnp.float32)
        pltpu.sync_copy(stage_ref, out_hbm.at[wid])

    return body(probas, tail, labels)


def _reduce_kernel(part_ref, tc_ref, out_ref):
    out_ref[0, 0] = (jnp.sum(part_ref[:, 0:1]) + tc_ref[0]) * (1.0 / _B)


_K = 11
_W = 4096
_NB = (_N + _W - 1) // _W
_S = _W // 128


def _tc_half_kernel(prob_ref, lab_ref, out_ref, state_ref, cacc_ref):
    i = pl.program_id(0)
    nr = _B // 2

    @pl.when(i == 0)
    def _init():
        state_ref[...] = jnp.full((nr, _K * 128), -jnp.inf, jnp.float32)
        cacc_ref[...] = jnp.zeros((nr, 128), jnp.float32)

    st = [state_ref[:, j * 128:(j + 1) * 128] for j in range(_K)]
    cacc = cacc_ref[...]
    labs = lab_ref[...]
    base = i * _W
    lane = lax.broadcasted_iota(jnp.int32, (nr, 128), 1)
    for s in range(_S):
        x = prob_ref[:, s * 128:(s + 1) * 128]
        cols = base + s * 128 + lane
        valid = cols < _N
        cacc = cacc + jnp.where((cols == labs) & valid, x, 0.0)
        xm = jnp.where(valid, x, -jnp.inf)
        for j in range(_K):
            hi = jnp.maximum(st[j], xm)
            xm = jnp.minimum(st[j], xm)
            st[j] = hi
    for j in range(_K):
        state_ref[:, j * 128:(j + 1) * 128] = st[j]
    cacc_ref[...] = cacc

    @pl.when(i == _NB - 1)
    def _finish():
        a = state_ref[...]
        iota = lax.broadcasted_iota(jnp.int32, (nr, _K * 128), 1)
        sum11 = jnp.zeros((nr, 1), jnp.float32)
        m = jnp.zeros((nr, 1), jnp.float32)
        for _ in range(_K):
            m = jnp.max(a, axis=1, keepdims=True)
            sum11 = sum11 + m
            pos = jnp.min(jnp.where(a == m, iota, _K * 128),
                          axis=1, keepdims=True)
            a = jnp.where(iota == pos, -jnp.inf, a)
        v11 = m
        c = jnp.sum(cacc_ref[...], axis=1, keepdims=True)
        sub = jnp.where(c >= v11, c, v11)
        loss_rows = (sum11 - sub) * 0.1 - c
        out_ref[0] = jnp.sum(loss_rows)


def _tc_half(probas, lab2d):
    nr = _B // 2
    return pl.pallas_call(
        _tc_half_kernel,
        grid=(_NB,),
        in_specs=[
            pl.BlockSpec((nr, _W), lambda i: (1, i)),
            pl.BlockSpec((nr, 128), lambda i: (1, 0)),
        ],
        out_specs=pl.BlockSpec(memory_space=pltpu.SMEM),
        out_shape=jax.ShapeDtypeStruct((1,), jnp.float32),
        scratch_shapes=[
            pltpu.VMEM((nr, _K * 128), jnp.float32),
            pltpu.VMEM((nr, 128), jnp.float32),
        ],
    )(probas, lab2d)


@jax.jit
def kernel(probas, labels):
    tail = jnp.pad(probas[:, _MAIN:], ((0, 0), (0, 96)),
                   constant_values=-np.inf)
    labels32 = labels.astype(jnp.int32)
    partials = _sc_loss(probas, tail, labels32)
    lab2d = jnp.broadcast_to(labels32[:, None], (_B, 128))
    tcsum = _tc_half(probas, lab2d)
    out = pl.pallas_call(
        _reduce_kernel,
        in_specs=[
            pl.BlockSpec(memory_space=pltpu.VMEM),
            pl.BlockSpec(memory_space=pltpu.SMEM),
        ],
        out_specs=pl.BlockSpec(memory_space=pltpu.SMEM),
        out_shape=jax.ShapeDtypeStruct((1, 1), jnp.float32),
    )(partials, tcsum)
    return out[0, 0]

# --- scband reference (transcript-rebuilt; emitter-appended) ---
"""Pipeline reference for scband-embert-loss-22728966930830 (READ-ONLY COPY).

The authoritative reference and input builder live on the scoring server;
editing this copy changes nothing except your own understanding.
"""

import jax, jax.numpy as jnp
import numpy as np


def setup_inputs(seed: int = 0) -> dict:
    key = jax.random.key(seed)
    k1, k2 = jax.random.split(key)
    probas = jax.random.uniform(k1, (64, 100000), dtype=jnp.float32)
    labels = jax.random.randint(k2, (64,), 0, 100000)
    return {"probas": probas, "labels": labels}


def reference(probas, labels):
    # Faithful vectorized translation of the per-row python loop:
    # for each row i:
    #   mask = onehot(labels[i]); correct = mean(probas[i][mask]) = probas[i, labels[i]]
    #   wrong = mean(top10(probas[i][~mask]))
    #   loss += (wrong - correct) / B
    B, N = probas.shape
    correct_average_p = jnp.take_along_axis(probas, labels[:, None], axis=1)[:, 0]
    onehot = jax.nn.one_hot(labels, N, dtype=jnp.bool_)
    # Excluding the gold entry via -inf is equivalent to removing it before top-k
    masked = jnp.where(onehot, -jnp.inf, probas)
    top_vals, _ = jax.lax.top_k(masked, 10)
    wrong_average_p = jnp.mean(top_vals, axis=1)
    loss = jnp.sum((wrong_average_p - correct_average_p) * (1.0 / B))
    return loss

if __name__ == "__main__":
    import jax
    _d = setup_inputs()
    print(jax.jit(kernel)(*tuple(_d.values())))

</pallas_src>

<mosaic_0001>
#map = affine_map<(d0, d1) -> (0, 0)>
#map1 = affine_map<(d0, d1) -> (0)>
module attributes {stable_mosaic.version = 14 : i64} {
  func.func @body(%arg0: i32, %arg1: i32, %arg2: memref<64x100000xf32, #tpu.memory_space<hbm>>, %arg3: memref<64x256xf32, #tpu.memory_space<hbm>>, %arg4: memref<64xi32, #tpu.memory_space<hbm>>, %arg5: memref<32x16xf32, #tpu.memory_space<hbm>>, %arg6: memref<114688xf32, #tpu.memory_space<vmem>>, %arg7: memref<896xf32, #tpu.memory_space<vmem>>, %arg8: memref<16xi32, #tpu.memory_space<vmem>>, %arg9: memref<64xi32, #tpu.memory_space<vmem>>, %arg10: memref<16xf32, #tpu.memory_space<vmem>>, %arg11: memref<!tpu.dma_semaphore, #tpu.memory_space<semaphore_mem>>, %arg12: memref<!tpu.dma_semaphore, #tpu.memory_space<semaphore_mem>>) attributes {dimension_semantics = [#tpu.dimension_semantics<core_parallel>, #tpu.dimension_semantics<subcore_parallel>], iteration_bounds = array<i64: 2, 16>, scalar_prefetch = 0 : i64, scratch_operands = 7 : i64, tpu.core_type = #tpu.core_type<sc_vector_subcore>, window_params = [{transform_indices = #map}, {transform_indices = #map}, {transform_indices = #map1}, {transform_indices = #map}]} {
    %mul3A = arith.constant 2 : i32
    %mul3A_0 = arith.muli %arg1, %mul3A : i32
    %add3A = arith.addi %mul3A_0, %arg0 : i32
    "tpu.region"() ({
      %run_scoped3A = tpu.sem_alloc : memref<!tpu.dma_semaphore, #tpu.memory_space<semaphore_mem>>
      tpu.enqueue_dma source(%arg4 : memref<64xi32, #tpu.memory_space<hbm>>) target(%arg9 : memref<64xi32, #tpu.memory_space<vmem>>) target_semaphore(%run_scoped3A : memref<!tpu.dma_semaphore, #tpu.memory_space<semaphore_mem>>)
      tpu.wait_dma2 semaphore(%run_scoped3A : memref<!tpu.dma_semaphore, #tpu.memory_space<semaphore_mem>>) src(%arg4 : memref<64xi32, #tpu.memory_space<hbm>>) dst(%arg9 : memref<64xi32, #tpu.memory_space<vmem>>)
      tpu.yield
    }) : () -> ()
    %scan3A = arith.constant 0 : i32
    %scan3A_1 = arith.constant 0 : i32
    %scan3A_2 = arith.constant 912 : i32
    %scan3A_3 = arith.addi %scan3A_1, %scan3A_2 : i32
    %scan3A_4 = arith.constant 1 : i32
    %scan3A_5 = scf.for %scan3A_516 = %scan3A_1 to %scan3A_3 step %scan3A_4 iter_args(%scan3A_517 = %scan3A) -> (i32)  : i32 {
      %broadcast_in_dim3A_518 = arith.constant 0xFF800000 : f32
      %broadcast_in_dim3A_519 = vector.broadcast %broadcast_in_dim3A_518 : f32 to vector<16xf32>
      %mul3A_520 = arith.constant 16 : i32
      %mul3A_521 = arith.muli %mul3A_520, %scan3A_516 : i32
      %add3A_522 = arith.constant 100096 : i32
      %add3A_523 = arith.addi %add3A_522, %mul3A_521 : i32
      %swap3A_524 = arith.index_cast %add3A_523 : i32 to index
      %swap3A_525 = tpu.vector_load %arg6[%swap3A_524] {strides = array<i32>} : memref<114688xf32, #tpu.memory_space<vmem>>, vector<16xf32>,
      tpu.vector_store %arg6[%swap3A_524], %broadcast_in_dim3A_519 {strides = array<i32>} : memref<114688xf32, #tpu.memory_space<vmem>>, vector<16xf32>,
      %scan3A_526 = arith.constant 0 : i32
      scf.yield %scan3A_526 : i32
    }
    %scan3A_6 = arith.constant 912 : i32
    %iota3A = tpu.iota {dimensions = array<i32: 0>} : vector<16xi32>
    %dma_start3A = arith.constant 0 : i32
    %dma_start3A_7 = tpu.memref_slice %arg6[%dma_start3A] : memref<114688xf32, #tpu.memory_space<vmem>> -> memref<16384xf32, #tpu.memory_space<vmem>>
    %dma_start3A_8 = arith.constant 0 : i32
    %dma_start3A_9 = tpu.memref_slice %arg2[%add3A, %dma_start3A_8] : memref<64x100000xf32, #tpu.memory_space<hbm>> -> memref<1x16384xf32, #tpu.memory_space<hbm>>
    %dma_start3A_10 = tpu.memref_squeeze %dma_start3A_9 : memref<1x16384xf32, #tpu.memory_space<hbm>> -> memref<16384xf32, #tpu.memory_space<hbm>>
    %dma_start3A_11 = arith.constant 0 : i32
    %dma_start3A_12 = tpu.memref_slice %arg6[%dma_start3A_11] : memref<114688xf32, #tpu.memory_space<vmem>> -> memref<16384xf32, #tpu.memory_space<vmem>>
    %dma_start3A_13 = arith.constant 0 : i32
    %dma_start3A_14 = tpu.memref_slice %arg2[%add3A, %dma_start3A_13] : memref<64x100000xf32, #tpu.memory_space<hbm>> -> memref<1x16384xf32, #tpu.memory_space<hbm>>
    %dma_start3A_15 = tpu.memref_squeeze %dma_start3A_14 : memref<1x16384xf32, #tpu.memory_space<hbm>> -> memref<16384xf32, #tpu.memory_space<hbm>>
    tpu.enqueue_dma source(%dma_start3A_15 : memref<16384xf32, #tpu.memory_space<hbm>>) target(%dma_start3A_12 : memref<16384xf32, #tpu.memory_space<vmem>>) target_semaphore(%arg11 : memref<!tpu.dma_semaphore, #tpu.memory_space<semaphore_mem>>)
    %dma_start3A_16 = arith.constant 16384 : i32
    %dma_start3A_17 = tpu.memref_slice %arg6[%dma_start3A_16] : memref<114688xf32, #tpu.memory_space<vmem>> -> memref<16384xf32, #tpu.memory_space<vmem>>
    %dma_start3A_18 = arith.constant 16384 : i32
    %dma_start3A_19 = tpu.memref_slice %arg2[%add3A, %dma_start3A_18] : memref<64x100000xf32, #tpu.memory_space<hbm>> -> memref<1x16384xf32, #tpu.memory_space<hbm>>
    %dma_start3A_20 = tpu.memref_squeeze %dma_start3A_19 : memref<1x16384xf32, #tpu.memory_space<hbm>> -> memref<16384xf32, #tpu.memory_space<hbm>>
    %dma_start3A_21 = arith.constant 16384 : i32
    %dma_start3A_22 = tpu.memref_slice %arg6[%dma_start3A_21] : memref<114688xf32, #tpu.memory_space<vmem>> -> memref<16384xf32, #tpu.memory_space<vmem>>
    %dma_start3A_23 = arith.constant 16384 : i32
    %dma_start3A_24 = tpu.memref_slice %arg2[%add3A, %dma_start3A_23] : memref<64x100000xf32, #tpu.memory_space<hbm>> -> memref<1x16384xf32, #tpu.memory_space<hbm>>
    %dma_start3A_25 = tpu.memref_squeeze %dma_start3A_24 : memref<1x16384xf32, #tpu.memory_space<hbm>> -> memref<16384xf32, #tpu.memory_space<hbm>>
    tpu.enqueue_dma source(%dma_start3A_25 : memref<16384xf32, #tpu.memory_space<hbm>>) target(%dma_start3A_22 : memref<16384xf32, #tpu.memory_space<vmem>>) target_semaphore(%arg12 : memref<!tpu.dma_semaphore, #tpu.memory_space<semaphore_mem>>)
    "tpu.region"() ({
      %run_scoped3A = tpu.sem_alloc : memref<!tpu.dma_semaphore, #tpu.memory_space<semaphore_mem>>
      %dma_start3A_516 = arith.constant 99840 : i32
      %dma_start3A_517 = tpu.memref_slice %arg6[%dma_start3A_516] : memref<114688xf32, #tpu.memory_space<vmem>> -> memref<256xf32, #tpu.memory_space<vmem>>
      %dma_start3A_518 = arith.constant 0 : i32
      %dma_start3A_519 = tpu.memref_slice %arg3[%add3A, %dma_start3A_518] : memref<64x256xf32, #tpu.memory_space<hbm>> -> memref<1x256xf32, #tpu.memory_space<hbm>>
      %dma_start3A_520 = tpu.memref_squeeze %dma_start3A_519 : memref<1x256xf32, #tpu.memory_space<hbm>> -> memref<256xf32, #tpu.memory_space<hbm>>
      %dma_start3A_521 = arith.constant 99840 : i32
      %dma_start3A_522 = tpu.memref_slice %arg6[%dma_start3A_521] : memref<114688xf32, #tpu.memory_space<vmem>> -> memref<256xf32, #tpu.memory_space<vmem>>
      %dma_start3A_523 = arith.constant 0 : i32
      %dma_start3A_524 = tpu.memref_slice %arg3[%add3A, %dma_start3A_523] : memref<64x256xf32, #tpu.memory_space<hbm>> -> memref<1x256xf32, #tpu.memory_space<hbm>>
      %dma_start3A_525 = tpu.memref_squeeze %dma_start3A_524 : memref<1x256xf32, #tpu.memory_space<hbm>> -> memref<256xf32, #tpu.memory_space<hbm>>
      tpu.enqueue_dma source(%dma_start3A_525 : memref<256xf32, #tpu.memory_space<hbm>>) target(%dma_start3A_522 : memref<256xf32, #tpu.memory_space<vmem>>) target_semaphore(%run_scoped3A : memref<!tpu.dma_semaphore, #tpu.memory_space<semaphore_mem>>)
      %dma_wait3A_526 = arith.constant 99840 : i32
      %dma_wait3A_527 = tpu.memref_slice %arg6[%dma_wait3A_526] : memref<114688xf32, #tpu.memory_space<vmem>> -> memref<256xf32, #tpu.memory_space<vmem>>
      %dma_wait3A_528 = arith.constant 0 : i32
      %dma_wait3A_529 = tpu.memref_slice %arg3[%add3A, %dma_wait3A_528] : memref<64x256xf32, #tpu.memory_space<hbm>> -> memref<1x256xf32, #tpu.memory_space<hbm>>
      %dma_wait3A_530 = tpu.memref_squeeze %dma_wait3A_529 : memref<1x256xf32, #tpu.memory_space<hbm>> -> memref<256xf32, #tpu.memory_space<hbm>>
      %dma_wait3A_531 = arith.constant 99840 : i32
      %dma_wait3A_532 = tpu.memref_slice %arg6[%dma_wait3A_531] : memref<114688xf32, #tpu.memory_space<vmem>> -> memref<256xf32, #tpu.memory_space<vmem>>
      %dma_wait3A_533 = arith.constant 0 : i32
      %dma_wait3A_534 = tpu.memref_slice %arg3[%add3A, %dma_wait3A_533] : memref<64x256xf32, #tpu.memory_space<hbm>> -> memref<1x256xf32, #tpu.memory_space<hbm>>
      %dma_wait3A_535 = tpu.memref_squeeze %dma_wait3A_534 : memref<1x256xf32, #tpu.memory_space<hbm>> -> memref<256xf32, #tpu.memory_space<hbm>>
      tpu.wait_dma2 semaphore(%run_scoped3A : memref<!tpu.dma_semaphore, #tpu.memory_space<semaphore_mem>>) src(%dma_wait3A_535 : memref<256xf32, #tpu.memory_space<hbm>>) dst(%dma_wait3A_532 : memref<256xf32, #tpu.memory_space<vmem>>)
      tpu.yield
    }) : () -> ()
    %dma_wait3A = arith.constant 0 : i32
    %dma_wait3A_26 = tpu.memref_slice %arg6[%dma_wait3A] : memref<114688xf32, #tpu.memory_space<vmem>> -> memref<16384xf32, #tpu.memory_space<vmem>>
    %dma_wait3A_27 = arith.constant 0 : i32
    %dma_wait3A_28 = tpu.memref_slice %arg2[%add3A, %dma_wait3A_27] : memref<64x100000xf32, #tpu.memory_space<hbm>> -> memref<1x16384xf32, #tpu.memory_space<hbm>>
    %dma_wait3A_29 = tpu.memref_squeeze %dma_wait3A_28 : memref<1x16384xf32, #tpu.memory_space<hbm>> -> memref<16384xf32, #tpu.memory_space<hbm>>
    %dma_wait3A_30 = arith.constant 0 : i32
    %dma_wait3A_31 = tpu.memref_slice %arg6[%dma_wait3A_30] : memref<114688xf32, #tpu.memory_space<vmem>> -> memref<16384xf32, #tpu.memory_space<vmem>>
    %dma_wait3A_32 = arith.constant 0 : i32
    %dma_wait3A_33 = tpu.memref_slice %arg2[%add3A, %dma_wait3A_32] : memref<64x100000xf32, #tpu.memory_space<hbm>> -> memref<1x16384xf32, #tpu.memory_space<hbm>>
    %dma_wait3A_34 = tpu.memref_squeeze %dma_wait3A_33 : memref<1x16384xf32, #tpu.memory_space<hbm>> -> memref<16384xf32, #tpu.memory_space<hbm>>
    tpu.wait_dma2 semaphore(%arg11 : memref<!tpu.dma_semaphore, #tpu.memory_space<semaphore_mem>>) src(%dma_wait3A_34 : memref<16384xf32, #tpu.memory_space<hbm>>) dst(%dma_wait3A_31 : memref<16384xf32, #tpu.memory_space<vmem>>)
    %dma_start3A_35 = arith.constant 32768 : i32
    %dma_start3A_36 = tpu.memref_slice %arg6[%dma_start3A_35] : memref<114688xf32, #tpu.memory_space<vmem>> -> memref<16384xf32, #tpu.memory_space<vmem>>
    %dma_start3A_37 = arith.constant 32768 : i32
    %dma_start3A_38 = tpu.memref_slice %arg2[%add3A, %dma_start3A_37] : memref<64x100000xf32, #tpu.memory_space<hbm>> -> memref<1x16384xf32, #tpu.memory_space<hbm>>
    %dma_start3A_39 = tpu.memref_squeeze %dma_start3A_38 : memref<1x16384xf32, #tpu.memory_space<hbm>> -> memref<16384xf32, #tpu.memory_space<hbm>>
    %dma_start3A_40 = arith.constant 32768 : i32
    %dma_start3A_41 = tpu.memref_slice %arg6[%dma_start3A_40] : memref<114688xf32, #tpu.memory_space<vmem>> -> memref<16384xf32, #tpu.memory_space<vmem>>
    %dma_start3A_42 = arith.constant 32768 : i32
    %dma_start3A_43 = tpu.memref_slice %arg2[%add3A, %dma_start3A_42] : memref<64x100000xf32, #tpu.memory_space<hbm>> -> memref<1x16384xf32, #tpu.memory_space<hbm>>
    %dma_start3A_44 = tpu.memref_squeeze %dma_start3A_43 : memref<1x16384xf32, #tpu.memory_space<hbm>> -> memref<16384xf32, #tpu.memory_space<hbm>>
    tpu.enqueue_dma source(%dma_start3A_44 : memref<16384xf32, #tpu.memory_space<hbm>>) target(%dma_start3A_41 : memref<16384xf32, #tpu.memory_space<vmem>>) target_semaphore(%arg11 : memref<!tpu.dma_semaphore, #tpu.memory_space<semaphore_mem>>)
    %broadcast_in_dim3A = arith.constant 0xFF800000 : f32
    %broadcast_in_dim3A_45 = vector.broadcast %broadcast_in_dim3A : f32 to vector<16xf32>
    %broadcast_in_dim3A_46 = arith.constant 0xFF800000 : f32
    %broadcast_in_dim3A_47 = vector.broadcast %broadcast_in_dim3A_46 : f32 to vector<16xf32>
    %broadcast_in_dim3A_48 = arith.constant 0xFF800000 : f32
    %broadcast_in_dim3A_49 = vector.broadcast %broadcast_in_dim3A_48 : f32 to vector<16xf32>
    %broadcast_in_dim3A_50 = arith.constant 0xFF800000 : f32
    %broadcast_in_dim3A_51 = vector.broadcast %broadcast_in_dim3A_50 : f32 to vector<16xf32>
    %broadcast_in_dim3A_52 = arith.constant 0xFF800000 : f32
    %broadcast_in_dim3A_53 = vector.broadcast %broadcast_in_dim3A_52 : f32 to vector<16xf32>
    %broadcast_in_dim3A_54 = arith.constant 0xFF800000 : f32
    %broadcast_in_dim3A_55 = vector.broadcast %broadcast_in_dim3A_54 : f32 to vector<16xf32>
    %broadcast_in_dim3A_56 = arith.constant 0xFF800000 : f32
    %broadcast_in_dim3A_57 = vector.broadcast %broadcast_in_dim3A_56 : f32 to vector<16xf32>
    %broadcast_in_dim3A_58 = arith.constant 0xFF800000 : f32
    %broadcast_in_dim3A_59 = vector.broadcast %broadcast_in_dim3A_58 : f32 to vector<16xf32>
    %scan3A_60 = arith.constant 0 : i32
    %scan3A_61 = arith.constant 64 : i32
    %scan3A_62 = arith.addi %scan3A_60, %scan3A_61 : i32
    %scan3A_63 = arith.constant 1 : i32
    %scan3A_64:8 = scf.for %scan3A_516 = %scan3A_60 to %scan3A_62 step %scan3A_63 iter_args(%scan3A_517 = %broadcast_in_dim3A_45, %scan3A_518 = %broadcast_in_dim3A_47, %scan3A_519 = %broadcast_in_dim3A_49, %scan3A_520 = %broadcast_in_dim3A_51, %scan3A_521 = %broadcast_in_dim3A_53, %scan3A_522 = %broadcast_in_dim3A_55, %scan3A_523 = %broadcast_in_dim3A_57, %scan3A_524 = %broadcast_in_dim3A_59) -> (vector<16xf32>, vector<16xf32>, vector<16xf32>, vector<16xf32>, vector<16xf32>, vector<16xf32>, vector<16xf32>, vector<16xf32>)  : i32 {
      %mul3A_525 = arith.constant 256 : i32
      %mul3A_526 = arith.muli %scan3A_516, %mul3A_525 : i32
      %add3A_527 = arith.constant 0 : i32
      %add3A_528 = arith.addi %add3A_527, %mul3A_526 : i32
      %add3A_529 = arith.constant 0 : i32
      %add3A_530 = arith.addi %add3A_528, %add3A_529 : i32
      %get3A = arith.index_cast %add3A_530 : i32 to index
      %get3A_531 = tpu.vector_load %arg6[%get3A] {strides = array<i32>} : memref<114688xf32, #tpu.memory_space<vmem>>, vector<16xf32>,
      %max3A = arith.maximumf %scan3A_517, %get3A_531 : vector<16xf32>
      %add3A_532 = arith.constant 16 : i32
      %add3A_533 = arith.addi %add3A_528, %add3A_532 : i32
      %get3A_534 = arith.index_cast %add3A_533 : i32 to index
      %get3A_535 = tpu.vector_load %arg6[%get3A_534] {strides = array<i32>} : memref<114688xf32, #tpu.memory_space<vmem>>, vector<16xf32>,
      %max3A_536 = arith.maximumf %scan3A_518, %get3A_535 : vector<16xf32>
      %add3A_537 = arith.constant 32 : i32
      %add3A_538 = arith.addi %add3A_528, %add3A_537 : i32
      %get3A_539 = arith.index_cast %add3A_538 : i32 to index
      %get3A_540 = tpu.vector_load %arg6[%get3A_539] {strides = array<i32>} : memref<114688xf32, #tpu.memory_space<vmem>>, vector<16xf32>,
      %max3A_541 = arith.maximumf %scan3A_519, %get3A_540 : vector<16xf32>
      %add3A_542 = arith.constant 48 : i32
      %add3A_543 = arith.addi %add3A_528, %add3A_542 : i32
      %get3A_544 = arith.index_cast %add3A_543 : i32 to index
      %get3A_545 = tpu.vector_load %arg6[%get3A_544] {strides = array<i32>} : memref<114688xf32, #tpu.memory_space<vmem>>, vector<16xf32>,
      %max3A_546 = arith.maximumf %scan3A_520, %get3A_545 : vector<16xf32>
      %add3A_547 = arith.constant 64 : i32
      %add3A_548 = arith.addi %add3A_528, %add3A_547 : i32
      %get3A_549 = arith.index_cast %add3A_548 : i32 to index
      %get3A_550 = tpu.vector_load %arg6[%get3A_549] {strides = array<i32>} : memref<114688xf32, #tpu.memory_space<vmem>>, vector<16xf32>,
      %max3A_551 = arith.maximumf %scan3A_521, %get3A_550 : vector<16xf32>
      %add3A_552 = arith.constant 80 : i32
      %add3A_553 = arith.addi %add3A_528, %add3A_552 : i32
      %get3A_554 = arith.index_cast %add3A_553 : i32 to index
      %get3A_555 = tpu.vector_load %arg6[%get3A_554] {strides = array<i32>} : memref<114688xf32, #tpu.memory_space<vmem>>, vector<16xf32>,
      %max3A_556 = arith.maximumf %scan3A_522, %get3A_555 : vector<16xf32>
      %add3A_557 = arith.constant 96 : i32
      %add3A_558 = arith.addi %add3A_528, %add3A_557 : i32
      %get3A_559 = arith.index_cast %add3A_558 : i32 to index
      %get3A_560 = tpu.vector_load %arg6[%get3A_559] {strides = array<i32>} : memref<114688xf32, #tpu.memory_space<vmem>>, vector<16xf32>,
      %max3A_561 = arith.maximumf %scan3A_523, %get3A_560 : vector<16xf32>
      %add3A_562 = arith.constant 112 : i32
      %add3A_563 = arith.addi %add3A_528, %add3A_562 : i32
      %get3A_564 = arith.index_cast %add3A_563 : i32 to index
      %get3A_565 = tpu.vector_load %arg6[%get3A_564] {strides = array<i32>} : memref<114688xf32, #tpu.memory_space<vmem>>, vector<16xf32>,
      %max3A_566 = arith.maximumf %scan3A_524, %get3A_565 : vector<16xf32>
      %add3A_567 = arith.constant 128 : i32
      %add3A_568 = arith.addi %add3A_528, %add3A_567 : i32
      %add3A_569 = arith.constant 0 : i32
      %add3A_570 = arith.addi %add3A_568, %add3A_569 : i32
      %get3A_571 = arith.index_cast %add3A_570 : i32 to index
      %get3A_572 = tpu.vector_load %arg6[%get3A_571] {strides = array<i32>} : memref<114688xf32, #tpu.memory_space<vmem>>, vector<16xf32>,
      %max3A_573 = arith.maximumf %max3A, %get3A_572 : vector<16xf32>
      %add3A_574 = arith.constant 128 : i32
      %add3A_575 = arith.addi %add3A_528, %add3A_574 : i32
      %add3A_576 = arith.constant 16 : i32
      %add3A_577 = arith.addi %add3A_575, %add3A_576 : i32
      %get3A_578 = arith.index_cast %add3A_577 : i32 to index
      %get3A_579 = tpu.vector_load %arg6[%get3A_578] {strides = array<i32>} : memref<114688xf32, #tpu.memory_space<vmem>>, vector<16xf32>,
      %max3A_580 = arith.maximumf %max3A_536, %get3A_579 : vector<16xf32>
      %add3A_581 = arith.constant 128 : i32
      %add3A_582 = arith.addi %add3A_528, %add3A_581 : i32
      %add3A_583 = arith.constant 32 : i32
      %add3A_584 = arith.addi %add3A_582, %add3A_583 : i32
      %get3A_585 = arith.index_cast %add3A_584 : i32 to index
      %get3A_586 = tpu.vector_load %arg6[%get3A_585] {strides = array<i32>} : memref<114688xf32, #tpu.memory_space<vmem>>, vector<16xf32>,
      %max3A_587 = arith.maximumf %max3A_541, %get3A_586 : vector<16xf32>
      %add3A_588 = arith.constant 128 : i32
      %add3A_589 = arith.addi %add3A_528, %add3A_588 : i32
      %add3A_590 = arith.constant 48 : i32
      %add3A_591 = arith.addi %add3A_589, %add3A_590 : i32
      %get3A_592 = arith.index_cast %add3A_591 : i32 to index
      %get3A_593 = tpu.vector_load %arg6[%get3A_592] {strides = array<i32>} : memref<114688xf32, #tpu.memory_space<vmem>>, vector<16xf32>,
      %max3A_594 = arith.maximumf %max3A_546, %get3A_593 : vector<16xf32>
      %add3A_595 = arith.constant 128 : i32
      %add3A_596 = arith.addi %add3A_528, %add3A_595 : i32
      %add3A_597 = arith.constant 64 : i32
      %add3A_598 = arith.addi %add3A_596, %add3A_597 : i32
      %get3A_599 = arith.index_cast %add3A_598 : i32 to index
      %get3A_600 = tpu.vector_load %arg6[%get3A_599] {strides = array<i32>} : memref<114688xf32, #tpu.memory_space<vmem>>, vector<16xf32>,
      %max3A_601 = arith.maximumf %max3A_551, %get3A_600 : vector<16xf32>
      %add3A_602 = arith.constant 128 : i32
      %add3A_603 = arith.addi %add3A_528, %add3A_602 : i32
      %add3A_604 = arith.constant 80 : i32
      %add3A_605 = arith.addi %add3A_603, %add3A_604 : i32
      %get3A_606 = arith.index_cast %add3A_605 : i32 to index
      %get3A_607 = tpu.vector_load %arg6[%get3A_606] {strides = array<i32>} : memref<114688xf32, #tpu.memory_space<vmem>>, vector<16xf32>,
      %max3A_608 = arith.maximumf %max3A_556, %get3A_607 : vector<16xf32>
      %add3A_609 = arith.constant 128 : i32
      %add3A_610 = arith.addi %add3A_528, %add3A_609 : i32
      %add3A_611 = arith.constant 96 : i32
      %add3A_612 = arith.addi %add3A_610, %add3A_611 : i32
      %get3A_613 = arith.index_cast %add3A_612 : i32 to index
      %get3A_614 = tpu.vector_load %arg6[%get3A_613] {strides = array<i32>} : memref<114688xf32, #tpu.memory_space<vmem>>, vector<16xf32>,
      %max3A_615 = arith.maximumf %max3A_561, %get3A_614 : vector<16xf32>
      %add3A_616 = arith.constant 128 : i32
      %add3A_617 = arith.addi %add3A_528, %add3A_616 : i32
      %add3A_618 = arith.constant 112 : i32
      %add3A_619 = arith.addi %add3A_617, %add3A_618 : i32
      %get3A_620 = arith.index_cast %add3A_619 : i32 to index
      %get3A_621 = tpu.vector_load %arg6[%get3A_620] {strides = array<i32>} : memref<114688xf32, #tpu.memory_space<vmem>>, vector<16xf32>,
      %max3A_622 = arith.maximumf %max3A_566, %get3A_621 : vector<16xf32>
      scf.yield %max3A_573, %max3A_580, %max3A_587, %max3A_594, %max3A_601, %max3A_608, %max3A_615, %max3A_622 : vector<16xf32>, vector<16xf32>, vector<16xf32>, vector<16xf32>, vector<16xf32>, vector<16xf32>, vector<16xf32>, vector<16xf32>
    }
    %scan3A_65 = arith.constant 64 : i32
    %swap3A = arith.constant 0 : index
    %swap3A_66 = tpu.vector_load %arg7[%swap3A] {strides = array<i32>} : memref<896xf32, #tpu.memory_space<vmem>>, vector<16xf32>,
    tpu.vector_store %arg7[%swap3A], %scan3A_64#0 {strides = array<i32>} : memref<896xf32, #tpu.memory_space<vmem>>, vector<16xf32>,
    %swap3A_67 = arith.constant 16 : index
    %swap3A_68 = tpu.vector_load %arg7[%swap3A_67] {strides = array<i32>} : memref<896xf32, #tpu.memory_space<vmem>>, vector<16xf32>,
    tpu.vector_store %arg7[%swap3A_67], %scan3A_64#1 {strides = array<i32>} : memref<896xf32, #tpu.memory_space<vmem>>, vector<16xf32>,
    %swap3A_69 = arith.constant 32 : index
    %swap3A_70 = tpu.vector_load %arg7[%swap3A_69] {strides = array<i32>} : memref<896xf32, #tpu.memory_space<vmem>>, vector<16xf32>,
    tpu.vector_store %arg7[%swap3A_69], %scan3A_64#2 {strides = array<i32>} : memref<896xf32, #tpu.memory_space<vmem>>, vector<16xf32>,
    %swap3A_71 = arith.constant 48 : index
    %swap3A_72 = tpu.vector_load %arg7[%swap3A_71] {strides = array<i32>} : memref<896xf32, #tpu.memory_space<vmem>>, vector<16xf32>,
    tpu.vector_store %arg7[%swap3A_71], %scan3A_64#3 {strides = array<i32>} : memref<896xf32, #tpu.memory_space<vmem>>, vector<16xf32>,
    %swap3A_73 = arith.constant 64 : index
    %swap3A_74 = tpu.vector_load %arg7[%swap3A_73] {strides = array<i32>} : memref<896xf32, #tpu.memory_space<vmem>>, vector<16xf32>,
    tpu.vector_store %arg7[%swap3A_73], %scan3A_64#4 {strides = array<i32>} : memref<896xf32, #tpu.memory_space<vmem>>, vector<16xf32>,
    %swap3A_75 = arith.constant 80 : index
    %swap3A_76 = tpu.vector_load %arg7[%swap3A_75] {strides = array<i32>} : memref<896xf32, #tpu.memory_space<vmem>>, vector<16xf32>,
    tpu.vector_store %arg7[%swap3A_75], %scan3A_64#5 {strides = array<i32>} : memref<896xf32, #tpu.memory_space<vmem>>, vector<16xf32>,
    %swap3A_77 = arith.constant 96 : index
    %swap3A_78 = tpu.vector_load %arg7[%swap3A_77] {strides = array<i32>} : memref<896xf32, #tpu.memory_space<vmem>>, vector<16xf32>,
    tpu.vector_store %arg7[%swap3A_77], %scan3A_64#6 {strides = array<i32>} : memref<896xf32, #tpu.memory_space<vmem>>, vector<16xf32>,
    %swap3A_79 = arith.constant 112 : index
    %swap3A_80 = tpu.vector_load %arg7[%swap3A_79] {strides = array<i32>} : memref<896xf32, #tpu.memory_space<vmem>>, vector<16xf32>,
    tpu.vector_store %arg7[%swap3A_79], %scan3A_64#7 {strides = array<i32>} : memref<896xf32, #tpu.memory_space<vmem>>, vector<16xf32>,
    %dma_wait3A_81 = arith.constant 16384 : i32
    %dma_wait3A_82 = tpu.memref_slice %arg6[%dma_wait3A_81] : memref<114688xf32, #tpu.memory_space<vmem>> -> memref<16384xf32, #tpu.memory_space<vmem>>
    %dma_wait3A_83 = arith.constant 16384 : i32
    %dma_wait3A_84 = tpu.memref_slice %arg2[%add3A, %dma_wait3A_83] : memref<64x100000xf32, #tpu.memory_space<hbm>> -> memref<1x16384xf32, #tpu.memory_space<hbm>>
    %dma_wait3A_85 = tpu.memref_squeeze %dma_wait3A_84 : memref<1x16384xf32, #tpu.memory_space<hbm>> -> memref<16384xf32, #tpu.memory_space<hbm>>
    %dma_wait3A_86 = arith.constant 16384 : i32
    %dma_wait3A_87 = tpu.memref_slice %arg6[%dma_wait3A_86] : memref<114688xf32, #tpu.memory_space<vmem>> -> memref<16384xf32, #tpu.memory_space<vmem>>
    %dma_wait3A_88 = arith.constant 16384 : i32
    %dma_wait3A_89 = tpu.memref_slice %arg2[%add3A, %dma_wait3A_88] : memref<64x100000xf32, #tpu.memory_space<hbm>> -> memref<1x16384xf32, #tpu.memory_space<hbm>>
    %dma_wait3A_90 = tpu.memref_squeeze %dma_wait3A_89 : memref<1x16384xf32, #tpu.memory_space<hbm>> -> memref<16384xf32, #tpu.memory_space<hbm>>
    tpu.wait_dma2 semaphore(%arg12 : memref<!tpu.dma_semaphore, #tpu.memory_space<semaphore_mem>>) src(%dma_wait3A_90 : memref<16384xf32, #tpu.memory_space<hbm>>) dst(%dma_wait3A_87 : memref<16384xf32, #tpu.memory_space<vmem>>)
    %dma_start3A_91 = arith.constant 49152 : i32
    %dma_start3A_92 = tpu.memref_slice %arg6[%dma_start3A_91] : memref<114688xf32, #tpu.memory_space<vmem>> -> memref<16384xf32, #tpu.memory_space<vmem>>
    %dma_start3A_93 = arith.constant 49152 : i32
    %dma_start3A_94 = tpu.memref_slice %arg2[%add3A, %dma_start3A_93] : memref<64x100000xf32, #tpu.memory_space<hbm>> -> memref<1x16384xf32, #tpu.memory_space<hbm>>
    %dma_start3A_95 = tpu.memref_squeeze %dma_start3A_94 : memref<1x16384xf32, #tpu.memory_space<hbm>> -> memref<16384xf32, #tpu.memory_space<hbm>>
    %dma_start3A_96 = arith.constant 49152 : i32
    %dma_start3A_97 = tpu.memref_slice %arg6[%dma_start3A_96] : memref<114688xf32, #tpu.memory_space<vmem>> -> memref<16384xf32, #tpu.memory_space<vmem>>
    %dma_start3A_98 = arith.constant 49152 : i32
    %dma_start3A_99 = tpu.memref_slice %arg2[%add3A, %dma_start3A_98] : memref<64x100000xf32, #tpu.memory_space<hbm>> -> memref<1x16384xf32, #tpu.memory_space<hbm>>
    %dma_start3A_100 = tpu.memref_squeeze %dma_start3A_99 : memref<1x16384xf32, #tpu.memory_space<hbm>> -> memref<16384xf32, #tpu.memory_space<hbm>>
    tpu.enqueue_dma source(%dma_start3A_100 : memref<16384xf32, #tpu.memory_space<hbm>>) target(%dma_start3A_97 : memref<16384xf32, #tpu.memory_space<vmem>>) target_semaphore(%arg12 : memref<!tpu.dma_semaphore, #tpu.memory_space<semaphore_mem>>)
    %broadcast_in_dim3A_101 = arith.constant 0xFF800000 : f32
    %broadcast_in_dim3A_102 = vector.broadcast %broadcast_in_dim3A_101 : f32 to vector<16xf32>
    %broadcast_in_dim3A_103 = arith.constant 0xFF800000 : f32
    %broadcast_in_dim3A_104 = vector.broadcast %broadcast_in_dim3A_103 : f32 to vector<16xf32>
    %broadcast_in_dim3A_105 = arith.constant 0xFF800000 : f32
    %broadcast_in_dim3A_106 = vector.broadcast %broadcast_in_dim3A_105 : f32 to vector<16xf32>
    %broadcast_in_dim3A_107 = arith.constant 0xFF800000 : f32
    %broadcast_in_dim3A_108 = vector.broadcast %broadcast_in_dim3A_107 : f32 to vector<16xf32>
    %broadcast_in_dim3A_109 = arith.constant 0xFF800000 : f32
    %broadcast_in_dim3A_110 = vector.broadcast %broadcast_in_dim3A_109 : f32 to vector<16xf32>
    %broadcast_in_dim3A_111 = arith.constant 0xFF800000 : f32
    %broadcast_in_dim3A_112 = vector.broadcast %broadcast_in_dim3A_111 : f32 to vector<16xf32>
    %broadcast_in_dim3A_113 = arith.constant 0xFF800000 : f32
    %broadcast_in_dim3A_114 = vector.broadcast %broadcast_in_dim3A_113 : f32 to vector<16xf32>
    %broadcast_in_dim3A_115 = arith.constant 0xFF800000 : f32
    %broadcast_in_dim3A_116 = vector.broadcast %broadcast_in_dim3A_115 : f32 to vector<16xf32>
    %scan3A_117 = arith.constant 0 : i32
    %scan3A_118 = arith.constant 64 : i32
    %scan3A_119 = arith.addi %scan3A_117, %scan3A_118 : i32
    %scan3A_120 = arith.constant 1 : i32
    %scan3A_121:8 = scf.for %scan3A_516 = %scan3A_117 to %scan3A_119 step %scan3A_120 iter_args(%scan3A_517 = %broadcast_in_dim3A_102, %scan3A_518 = %broadcast_in_dim3A_104, %scan3A_519 = %broadcast_in_dim3A_106, %scan3A_520 = %broadcast_in_dim3A_108, %scan3A_521 = %broadcast_in_dim3A_110, %scan3A_522 = %broadcast_in_dim3A_112, %scan3A_523 = %broadcast_in_dim3A_114, %scan3A_524 = %broadcast_in_dim3A_116) -> (vector<16xf32>, vector<16xf32>, vector<16xf32>, vector<16xf32>, vector<16xf32>, vector<16xf32>, vector<16xf32>, vector<16xf32>)  : i32 {
      %mul3A_525 = arith.constant 256 : i32
      %mul3A_526 = arith.muli %scan3A_516, %mul3A_525 : i32
      %add3A_527 = arith.constant 16384 : i32
      %add3A_528 = arith.addi %add3A_527, %mul3A_526 : i32
      %add3A_529 = arith.constant 0 : i32
      %add3A_530 = arith.addi %add3A_528, %add3A_529 : i32
      %get3A = arith.index_cast %add3A_530 : i32 to index
      %get3A_531 = tpu.vector_load %arg6[%get3A] {strides = array<i32>} : memref<114688xf32, #tpu.memory_space<vmem>>, vector<16xf32>,
      %max3A = arith.maximumf %scan3A_517, %get3A_531 : vector<16xf32>
      %add3A_532 = arith.constant 16 : i32
      %add3A_533 = arith.addi %add3A_528, %add3A_532 : i32
      %get3A_534 = arith.index_cast %add3A_533 : i32 to index
      %get3A_535 = tpu.vector_load %arg6[%get3A_534] {strides = array<i32>} : memref<114688xf32, #tpu.memory_space<vmem>>, vector<16xf32>,
      %max3A_536 = arith.maximumf %scan3A_518, %get3A_535 : vector<16xf32>
      %add3A_537 = arith.constant 32 : i32
      %add3A_538 = arith.addi %add3A_528, %add3A_537 : i32
      %get3A_539 = arith.index_cast %add3A_538 : i32 to index
      %get3A_540 = tpu.vector_load %arg6[%get3A_539] {strides = array<i32>} : memref<114688xf32, #tpu.memory_space<vmem>>, vector<16xf32>,
      %max3A_541 = arith.maximumf %scan3A_519, %get3A_540 : vector<16xf32>
      %add3A_542 = arith.constant 48 : i32
      %add3A_543 = arith.addi %add3A_528, %add3A_542 : i32
      %get3A_544 = arith.index_cast %add3A_543 : i32 to index
      %get3A_545 = tpu.vector_load %arg6[%get3A_544] {strides = array<i32>} : memref<114688xf32, #tpu.memory_space<vmem>>, vector<16xf32>,
      %max3A_546 = arith.maximumf %scan3A_520, %get3A_545 : vector<16xf32>
      %add3A_547 = arith.constant 64 : i32
      %add3A_548 = arith.addi %add3A_528, %add3A_547 : i32
      %get3A_549 = arith.index_cast %add3A_548 : i32 to index
      %get3A_550 = tpu.vector_load %arg6[%get3A_549] {strides = array<i32>} : memref<114688xf32, #tpu.memory_space<vmem>>, vector<16xf32>,
      %max3A_551 = arith.maximumf %scan3A_521, %get3A_550 : vector<16xf32>
      %add3A_552 = arith.constant 80 : i32
      %add3A_553 = arith.addi %add3A_528, %add3A_552 : i32
      %get3A_554 = arith.index_cast %add3A_553 : i32 to index
      %get3A_555 = tpu.vector_load %arg6[%get3A_554] {strides = array<i32>} : memref<114688xf32, #tpu.memory_space<vmem>>, vector<16xf32>,
      %max3A_556 = arith.maximumf %scan3A_522, %get3A_555 : vector<16xf32>
      %add3A_557 = arith.constant 96 : i32
      %add3A_558 = arith.addi %add3A_528, %add3A_557 : i32
      %get3A_559 = arith.index_cast %add3A_558 : i32 to index
      %get3A_560 = tpu.vector_load %arg6[%get3A_559] {strides = array<i32>} : memref<114688xf32, #tpu.memory_space<vmem>>, vector<16xf32>,
      %max3A_561 = arith.maximumf %scan3A_523, %get3A_560 : vector<16xf32>
      %add3A_562 = arith.constant 112 : i32
      %add3A_563 = arith.addi %add3A_528, %add3A_562 : i32
      %get3A_564 = arith.index_cast %add3A_563 : i32 to index
      %get3A_565 = tpu.vector_load %arg6[%get3A_564] {strides = array<i32>} : memref<114688xf32, #tpu.memory_space<vmem>>, vector<16xf32>,
      %max3A_566 = arith.maximumf %scan3A_524, %get3A_565 : vector<16xf32>
      %add3A_567 = arith.constant 128 : i32
      %add3A_568 = arith.addi %add3A_528, %add3A_567 : i32
      %add3A_569 = arith.constant 0 : i32
      %add3A_570 = arith.addi %add3A_568, %add3A_569 : i32
      %get3A_571 = arith.index_cast %add3A_570 : i32 to index
      %get3A_572 = tpu.vector_load %arg6[%get3A_571] {strides = array<i32>} : memref<114688xf32, #tpu.memory_space<vmem>>, vector<16xf32>,
      %max3A_573 = arith.maximumf %max3A, %get3A_572 : vector<16xf32>
      %add3A_574 = arith.constant 128 : i32
      %add3A_575 = arith.addi %add3A_528, %add3A_574 : i32
      %add3A_576 = arith.constant 16 : i32
      %add3A_577 = arith.addi %add3A_575, %add3A_576 : i32
      %get3A_578 = arith.index_cast %add3A_577 : i32 to index
      %get3A_579 = tpu.vector_load %arg6[%get3A_578] {strides = array<i32>} : memref<114688xf32, #tpu.memory_space<vmem>>, vector<16xf32>,
      %max3A_580 = arith.maximumf %max3A_536, %get3A_579 : vector<16xf32>
      %add3A_581 = arith.constant 128 : i32
      %add3A_582 = arith.addi %add3A_528, %add3A_581 : i32
      %add3A_583 = arith.constant 32 : i32
      %add3A_584 = arith.addi %add3A_582, %add3A_583 : i32
      %get3A_585 = arith.index_cast %add3A_584 : i32 to index
      %get3A_586 = tpu.vector_load %arg6[%get3A_585] {strides = array<i32>} : memref<114688xf32, #tpu.memory_space<vmem>>, vector<16xf32>,
      %max3A_587 = arith.maximumf %max3A_541, %get3A_586 : vector<16xf32>
      %add3A_588 = arith.constant 128 : i32
      %add3A_589 = arith.addi %add3A_528, %add3A_588 : i32
      %add3A_590 = arith.constant 48 : i32
      %add3A_591 = arith.addi %add3A_589, %add3A_590 : i32
      %get3A_592 = arith.index_cast %add3A_591 : i32 to index
      %get3A_593 = tpu.vector_load %arg6[%get3A_592] {strides = array<i32>} : memref<114688xf32, #tpu.memory_space<vmem>>, vector<16xf32>,
      %max3A_594 = arith.maximumf %max3A_546, %get3A_593 : vector<16xf32>
      %add3A_595 = arith.constant 128 : i32
      %add3A_596 = arith.addi %add3A_528, %add3A_595 : i32
      %add3A_597 = arith.constant 64 : i32
      %add3A_598 = arith.addi %add3A_596, %add3A_597 : i32
      %get3A_599 = arith.index_cast %add3A_598 : i32 to index
      %get3A_600 = tpu.vector_load %arg6[%get3A_599] {strides = array<i32>} : memref<114688xf32, #tpu.memory_space<vmem>>, vector<16xf32>,
      %max3A_601 = arith.maximumf %max3A_551, %get3A_600 : vector<16xf32>
      %add3A_602 = arith.constant 128 : i32
      %add3A_603 = arith.addi %add3A_528, %add3A_602 : i32
      %add3A_604 = arith.constant 80 : i32
      %add3A_605 = arith.addi %add3A_603, %add3A_604 : i32
      %get3A_606 = arith.index_cast %add3A_605 : i32 to index
      %get3A_607 = tpu.vector_load %arg6[%get3A_606] {strides = array<i32>} : memref<114688xf32, #tpu.memory_space<vmem>>, vector<16xf32>,
      %max3A_608 = arith.maximumf %max3A_556, %get3A_607 : vector<16xf32>
      %add3A_609 = arith.constant 128 : i32
      %add3A_610 = arith.addi %add3A_528, %add3A_609 : i32
      %add3A_611 = arith.constant 96 : i32
      %add3A_612 = arith.addi %add3A_610, %add3A_611 : i32
      %get3A_613 = arith.index_cast %add3A_612 : i32 to index
      %get3A_614 = tpu.vector_load %arg6[%get3A_613] {strides = array<i32>} : memref<114688xf32, #tpu.memory_space<vmem>>, vector<16xf32>,
      %max3A_615 = arith.maximumf %max3A_561, %get3A_614 : vector<16xf32>
      %add3A_616 = arith.constant 128 : i32
      %add3A_617 = arith.addi %add3A_528, %add3A_616 : i32
      %add3A_618 = arith.constant 112 : i32
      %add3A_619 = arith.addi %add3A_617, %add3A_618 : i32
      %get3A_620 = arith.index_cast %add3A_619 : i32 to index
      %get3A_621 = tpu.vector_load %arg6[%get3A_620] {strides = array<i32>} : memref<114688xf32, #tpu.memory_space<vmem>>, vector<16xf32>,
      %max3A_622 = arith.maximumf %max3A_566, %get3A_621 : vector<16xf32>
      scf.yield %max3A_573, %max3A_580, %max3A_587, %max3A_594, %max3A_601, %max3A_608, %max3A_615, %max3A_622 : vector<16xf32>, vector<16xf32>, vector<16xf32>, vector<16xf32>, vector<16xf32>, vector<16xf32>, vector<16xf32>, vector<16xf32>
    }
    %scan3A_122 = arith.constant 64 : i32
    %swap3A_123 = arith.constant 128 : index
    %swap3A_124 = tpu.vector_load %arg7[%swap3A_123] {strides = array<i32>} : memref<896xf32, #tpu.memory_space<vmem>>, vector<16xf32>,
    tpu.vector_store %arg7[%swap3A_123], %scan3A_121#0 {strides = array<i32>} : memref<896xf32, #tpu.memory_space<vmem>>, vector<16xf32>,
    %swap3A_125 = arith.constant 144 : index
    %swap3A_126 = tpu.vector_load %arg7[%swap3A_125] {strides = array<i32>} : memref<896xf32, #tpu.memory_space<vmem>>, vector<16xf32>,
    tpu.vector_store %arg7[%swap3A_125], %scan3A_121#1 {strides = array<i32>} : memref<896xf32, #tpu.memory_space<vmem>>, vector<16xf32>,
    %swap3A_127 = arith.constant 160 : index
    %swap3A_128 = tpu.vector_load %arg7[%swap3A_127] {strides = array<i32>} : memref<896xf32, #tpu.memory_space<vmem>>, vector<16xf32>,
    tpu.vector_store %arg7[%swap3A_127], %scan3A_121#2 {strides = array<i32>} : memref<896xf32, #tpu.memory_space<vmem>>, vector<16xf32>,
    %swap3A_129 = arith.constant 176 : index
    %swap3A_130 = tpu.vector_load %arg7[%swap3A_129] {strides = array<i32>} : memref<896xf32, #tpu.memory_space<vmem>>, vector<16xf32>,
    tpu.vector_store %arg7[%swap3A_129], %scan3A_121#3 {strides = array<i32>} : memref<896xf32, #tpu.memory_space<vmem>>, vector<16xf32>,
    %swap3A_131 = arith.constant 192 : index
    %swap3A_132 = tpu.vector_load %arg7[%swap3A_131] {strides = array<i32>} : memref<896xf32, #tpu.memory_space<vmem>>, vector<16xf32>,
    tpu.vector_store %arg7[%swap3A_131], %scan3A_121#4 {strides = array<i32>} : memref<896xf32, #tpu.memory_space<vmem>>, vector<16xf32>,
    %swap3A_133 = arith.constant 208 : index
    %swap3A_134 = tpu.vector_load %arg7[%swap3A_133] {strides = array<i32>} : memref<896xf32, #tpu.memory_space<vmem>>, vector<16xf32>,
    tpu.vector_store %arg7[%swap3A_133], %scan3A_121#5 {strides = array<i32>} : memref<896xf32, #tpu.memory_space<vmem>>, vector<16xf32>,
    %swap3A_135 = arith.constant 224 : index
    %swap3A_136 = tpu.vector_load %arg7[%swap3A_135] {strides = array<i32>} : memref<896xf32, #tpu.memory_space<vmem>>, vector<16xf32>,
    tpu.vector_store %arg7[%swap3A_135], %scan3A_121#6 {strides = array<i32>} : memref<896xf32, #tpu.memory_space<vmem>>, vector<16xf32>,
    %swap3A_137 = arith.constant 240 : index
    %swap3A_138 = tpu.vector_load %arg7[%swap3A_137] {strides = array<i32>} : memref<896xf32, #tpu.memory_space<vmem>>, vector<16xf32>,
    tpu.vector_store %arg7[%swap3A_137], %scan3A_121#7 {strides = array<i32>} : memref<896xf32, #tpu.memory_space<vmem>>, vector<16xf32>,
    %dma_wait3A_139 = arith.constant 32768 : i32
    %dma_wait3A_140 = tpu.memref_slice %arg6[%dma_wait3A_139] : memref<114688xf32, #tpu.memory_space<vmem>> -> memref<16384xf32, #tpu.memory_space<vmem>>
    %dma_wait3A_141 = arith.constant 32768 : i32
    %dma_wait3A_142 = tpu.memref_slice %arg2[%add3A, %dma_wait3A_141] : memref<64x100000xf32, #tpu.memory_space<hbm>> -> memref<1x16384xf32, #tpu.memory_space<hbm>>
    %dma_wait3A_143 = tpu.memref_squeeze %dma_wait3A_142 : memref<1x16384xf32, #tpu.memory_space<hbm>> -> memref<16384xf32, #tpu.memory_space<hbm>>
    %dma_wait3A_144 = arith.constant 32768 : i32
    %dma_wait3A_145 = tpu.memref_slice %arg6[%dma_wait3A_144] : memref<114688xf32, #tpu.memory_space<vmem>> -> memref<16384xf32, #tpu.memory_space<vmem>>
    %dma_wait3A_146 = arith.constant 32768 : i32
    %dma_wait3A_147 = tpu.memref_slice %arg2[%add3A, %dma_wait3A_146] : memref<64x100000xf32, #tpu.memory_space<hbm>> -> memref<1x16384xf32, #tpu.memory_space<hbm>>
    %dma_wait3A_148 = tpu.memref_squeeze %dma_wait3A_147 : memref<1x16384xf32, #tpu.memory_space<hbm>> -> memref<16384xf32, #tpu.memory_space<hbm>>
    tpu.wait_dma2 semaphore(%arg11 : memref<!tpu.dma_semaphore, #tpu.memory_space<semaphore_mem>>) src(%dma_wait3A_148 : memref<16384xf32, #tpu.memory_space<hbm>>) dst(%dma_wait3A_145 : memref<16384xf32, #tpu.memory_space<vmem>>)
    %dma_start3A_149 = arith.constant 65536 : i32
    %dma_start3A_150 = tpu.memref_slice %arg6[%dma_start3A_149] : memref<114688xf32, #tpu.memory_space<vmem>> -> memref<16384xf32, #tpu.memory_space<vmem>>
    %dma_start3A_151 = arith.constant 65536 : i32
    %dma_start3A_152 = tpu.memref_slice %arg2[%add3A, %dma_start3A_151] : memref<64x100000xf32, #tpu.memory_space<hbm>> -> memref<1x16384xf32, #tpu.memory_space<hbm>>
    %dma_start3A_153 = tpu.memref_squeeze %dma_start3A_152 : memref<1x16384xf32, #tpu.memory_space<hbm>> -> memref<16384xf32, #tpu.memory_space<hbm>>
    %dma_start3A_154 = arith.constant 65536 : i32
    %dma_start3A_155 = tpu.memref_slice %arg6[%dma_start3A_154] : memref<114688xf32, #tpu.memory_space<vmem>> -> memref<16384xf32, #tpu.memory_space<vmem>>
    %dma_start3A_156 = arith.constant 65536 : i32
    %dma_start3A_157 = tpu.memref_slice %arg2[%add3A, %dma_start3A_156] : memref<64x100000xf32, #tpu.memory_space<hbm>> -> memref<1x16384xf32, #tpu.memory_space<hbm>>
    %dma_start3A_158 = tpu.memref_squeeze %dma_start3A_157 : memref<1x16384xf32, #tpu.memory_space<hbm>> -> memref<16384xf32, #tpu.memory_space<hbm>>
    tpu.enqueue_dma source(%dma_start3A_158 : memref<16384xf32, #tpu.memory_space<hbm>>) target(%dma_start3A_155 : memref<16384xf32, #tpu.memory_space<vmem>>) target_semaphore(%arg11 : memref<!tpu.dma_semaphore, #tpu.memory_space<semaphore_mem>>)
    %broadcast_in_dim3A_159 = arith.constant 0xFF800000 : f32
    %broadcast_in_dim3A_160 = vector.broadcast %broadcast_in_dim3A_159 : f32 to vector<16xf32>
    %broadcast_in_dim3A_161 = arith.constant 0xFF800000 : f32
    %broadcast_in_dim3A_162 = vector.broadcast %broadcast_in_dim3A_161 : f32 to vector<16xf32>
    %broadcast_in_dim3A_163 = arith.constant 0xFF800000 : f32
    %broadcast_in_dim3A_164 = vector.broadcast %broadcast_in_dim3A_163 : f32 to vector<16xf32>
    %broadcast_in_dim3A_165 = arith.constant 0xFF800000 : f32
    %broadcast_in_dim3A_166 = vector.broadcast %broadcast_in_dim3A_165 : f32 to vector<16xf32>
    %broadcast_in_dim3A_167 = arith.constant 0xFF800000 : f32
    %broadcast_in_dim3A_168 = vector.broadcast %broadcast_in_dim3A_167 : f32 to vector<16xf32>
    %broadcast_in_dim3A_169 = arith.constant 0xFF800000 : f32
    %broadcast_in_dim3A_170 = vector.broadcast %broadcast_in_dim3A_169 : f32 to vector<16xf32>
    %broadcast_in_dim3A_171 = arith.constant 0xFF800000 : f32
    %broadcast_in_dim3A_172 = vector.broadcast %broadcast_in_dim3A_171 : f32 to vector<16xf32>
    %broadcast_in_dim3A_173 = arith.constant 0xFF800000 : f32
    %broadcast_in_dim3A_174 = vector.broadcast %broadcast_in_dim3A_173 : f32 to vector<16xf32>
    %scan3A_175 = arith.constant 0 : i32
    %scan3A_176 = arith.constant 64 : i32
    %scan3A_177 = arith.addi %scan3A_175, %scan3A_176 : i32
    %scan3A_178 = arith.constant 1 : i32
    %scan3A_179:8 = scf.for %scan3A_516 = %scan3A_175 to %scan3A_177 step %scan3A_178 iter_args(%scan3A_517 = %broadcast_in_dim3A_160, %scan3A_518 = %broadcast_in_dim3A_162, %scan3A_519 = %broadcast_in_dim3A_164, %scan3A_520 = %broadcast_in_dim3A_166, %scan3A_521 = %broadcast_in_dim3A_168, %scan3A_522 = %broadcast_in_dim3A_170, %scan3A_523 = %broadcast_in_dim3A_172, %scan3A_524 = %broadcast_in_dim3A_174) -> (vector<16xf32>, vector<16xf32>, vector<16xf32>, vector<16xf32>, vector<16xf32>, vector<16xf32>, vector<16xf32>, vector<16xf32>)  : i32 {
      %mul3A_525 = arith.constant 256 : i32
      %mul3A_526 = arith.muli %scan3A_516, %mul3A_525 : i32
      %add3A_527 = arith.constant 32768 : i32
      %add3A_528 = arith.addi %add3A_527, %mul3A_526 : i32
      %add3A_529 = arith.constant 0 : i32
      %add3A_530 = arith.addi %add3A_528, %add3A_529 : i32
      %get3A = arith.index_cast %add3A_530 : i32 to index
      %get3A_531 = tpu.vector_load %arg6[%get3A] {strides = array<i32>} : memref<114688xf32, #tpu.memory_space<vmem>>, vector<16xf32>,
      %max3A = arith.maximumf %scan3A_517, %get3A_531 : vector<16xf32>
      %add3A_532 = arith.constant 16 : i32
      %add3A_533 = arith.addi %add3A_528, %add3A_532 : i32
      %get3A_534 = arith.index_cast %add3A_533 : i32 to index
      %get3A_535 = tpu.vector_load %arg6[%get3A_534] {strides = array<i32>} : memref<114688xf32, #tpu.memory_space<vmem>>, vector<16xf32>,
      %max3A_536 = arith.maximumf %scan3A_518, %get3A_535 : vector<16xf32>
      %add3A_537 = arith.constant 32 : i32
      %add3A_538 = arith.addi %add3A_528, %add3A_537 : i32
      %get3A_539 = arith.index_cast %add3A_538 : i32 to index
      %get3A_540 = tpu.vector_load %arg6[%get3A_539] {strides = array<i32>} : memref<114688xf32, #tpu.memory_space<vmem>>, vector<16xf32>,
      %max3A_541 = arith.maximumf %scan3A_519, %get3A_540 : vector<16xf32>
      %add3A_542 = arith.constant 48 : i32
      %add3A_543 = arith.addi %add3A_528, %add3A_542 : i32
      %get3A_544 = arith.index_cast %add3A_543 : i32 to index
      %get3A_545 = tpu.vector_load %arg6[%get3A_544] {strides = array<i32>} : memref<114688xf32, #tpu.memory_space<vmem>>, vector<16xf32>,
      %max3A_546 = arith.maximumf %scan3A_520, %get3A_545 : vector<16xf32>
      %add3A_547 = arith.constant 64 : i32
      %add3A_548 = arith.addi %add3A_528, %add3A_547 : i32
      %get3A_549 = arith.index_cast %add3A_548 : i32 to index
      %get3A_550 = tpu.vector_load %arg6[%get3A_549] {strides = array<i32>} : memref<114688xf32, #tpu.memory_space<vmem>>, vector<16xf32>,
      %max3A_551 = arith.maximumf %scan3A_521, %get3A_550 : vector<16xf32>
      %add3A_552 = arith.constant 80 : i32
      %add3A_553 = arith.addi %add3A_528, %add3A_552 : i32
      %get3A_554 = arith.index_cast %add3A_553 : i32 to index
      %get3A_555 = tpu.vector_load %arg6[%get3A_554] {strides = array<i32>} : memref<114688xf32, #tpu.memory_space<vmem>>, vector<16xf32>,
      %max3A_556 = arith.maximumf %scan3A_522, %get3A_555 : vector<16xf32>
      %add3A_557 = arith.constant 96 : i32
      %add3A_558 = arith.addi %add3A_528, %add3A_557 : i32
      %get3A_559 = arith.index_cast %add3A_558 : i32 to index
      %get3A_560 = tpu.vector_load %arg6[%get3A_559] {strides = array<i32>} : memref<114688xf32, #tpu.memory_space<vmem>>, vector<16xf32>,
      %max3A_561 = arith.maximumf %scan3A_523, %get3A_560 : vector<16xf32>
      %add3A_562 = arith.constant 112 : i32
      %add3A_563 = arith.addi %add3A_528, %add3A_562 : i32
      %get3A_564 = arith.index_cast %add3A_563 : i32 to index
      %get3A_565 = tpu.vector_load %arg6[%get3A_564] {strides = array<i32>} : memref<114688xf32, #tpu.memory_space<vmem>>, vector<16xf32>,
      %max3A_566 = arith.maximumf %scan3A_524, %get3A_565 : vector<16xf32>
      %add3A_567 = arith.constant 128 : i32
      %add3A_568 = arith.addi %add3A_528, %add3A_567 : i32
      %add3A_569 = arith.constant 0 : i32
      %add3A_570 = arith.addi %add3A_568, %add3A_569 : i32
      %get3A_571 = arith.index_cast %add3A_570 : i32 to index
      %get3A_572 = tpu.vector_load %arg6[%get3A_571] {strides = array<i32>} : memref<114688xf32, #tpu.memory_space<vmem>>, vector<16xf32>,
      %max3A_573 = arith.maximumf %max3A, %get3A_572 : vector<16xf32>
      %add3A_574 = arith.constant 128 : i32
      %add3A_575 = arith.addi %add3A_528, %add3A_574 : i32
      %add3A_576 = arith.constant 16 : i32
      %add3A_577 = arith.addi %add3A_575, %add3A_576 : i32
      %get3A_578 = arith.index_cast %add3A_577 : i32 to index
      %get3A_579 = tpu.vector_load %arg6[%get3A_578] {strides = array<i32>} : memref<114688xf32, #tpu.memory_space<vmem>>, vector<16xf32>,
      %max3A_580 = arith.maximumf %max3A_536, %get3A_579 : vector<16xf32>
      %add3A_581 = arith.constant 128 : i32
      %add3A_582 = arith.addi %add3A_528, %add3A_581 : i32
      %add3A_583 = arith.constant 32 : i32
      %add3A_584 = arith.addi %add3A_582, %add3A_583 : i32
      %get3A_585 = arith.index_cast %add3A_584 : i32 to index
      %get3A_586 = tpu.vector_load %arg6[%get3A_585] {strides = array<i32>} : memref<114688xf32, #tpu.memory_space<vmem>>, vector<16xf32>,
      %max3A_587 = arith.maximumf %max3A_541, %get3A_586 : vector<16xf32>
      %add3A_588 = arith.constant 128 : i32
      %add3A_589 = arith.addi %add3A_528, %add3A_588 : i32
      %add3A_590 = arith.constant 48 : i32
      %add3A_591 = arith.addi %add3A_589, %add3A_590 : i32
      %get3A_592 = arith.index_cast %add3A_591 : i32 to index
      %get3A_593 = tpu.vector_load %arg6[%get3A_592] {strides = array<i32>} : memref<114688xf32, #tpu.memory_space<vmem>>, vector<16xf32>,
      %max3A_594 = arith.maximumf %max3A_546, %get3A_593 : vector<16xf32>
      %add3A_595 = arith.constant 128 : i32
      %add3A_596 = arith.addi %add3A_528, %add3A_595 : i32
      %add3A_597 = arith.constant 64 : i32
      %add3A_598 = arith.addi %add3A_596, %add3A_597 : i32
      %get3A_599 = arith.index_cast %add3A_598 : i32 to index
      %get3A_600 = tpu.vector_load %arg6[%get3A_599] {strides = array<i32>} : memref<114688xf32, #tpu.memory_space<vmem>>, vector<16xf32>,
      %max3A_601 = arith.maximumf %max3A_551, %get3A_600 : vector<16xf32>
      %add3A_602 = arith.constant 128 : i32
      %add3A_603 = arith.addi %add3A_528, %add3A_602 : i32
      %add3A_604 = arith.constant 80 : i32
      %add3A_605 = arith.addi %add3A_603, %add3A_604 : i32
      %get3A_606 = arith.index_cast %add3A_605 : i32 to index
      %get3A_607 = tpu.vector_load %arg6[%get3A_606] {strides = array<i32>} : memref<114688xf32, #tpu.memory_space<vmem>>, vector<16xf32>,
      %max3A_608 = arith.maximumf %max3A_556, %get3A_607 : vector<16xf32>
      %add3A_609 = arith.constant 128 : i32
      %add3A_610 = arith.addi %add3A_528, %add3A_609 : i32
      %add3A_611 = arith.constant 96 : i32
      %add3A_612 = arith.addi %add3A_610, %add3A_611 : i32
      %get3A_613 = arith.index_cast %add3A_612 : i32 to index
      %get3A_614 = tpu.vector_load %arg6[%get3A_613] {strides = array<i32>} : memref<114688xf32, #tpu.memory_space<vmem>>, vector<16xf32>,
      %max3A_615 = arith.maximumf %max3A_561, %get3A_614 : vector<16xf32>
      %add3A_616 = arith.constant 128 : i32
      %add3A_617 = arith.addi %add3A_528, %add3A_616 : i32
      %add3A_618 = arith.constant 112 : i32
      %add3A_619 = arith.addi %add3A_617, %add3A_618 : i32
      %get3A_620 = arith.index_cast %add3A_619 : i32 to index
      %get3A_621 = tpu.vector_load %arg6[%get3A_620] {strides = array<i32>} : memref<114688xf32, #tpu.memory_space<vmem>>, vector<16xf32>,
      %max3A_622 = arith.maximumf %max3A_566, %get3A_621 : vector<16xf32>
      scf.yield %max3A_573, %max3A_580, %max3A_587, %max3A_594, %max3A_601, %max3A_608, %max3A_615, %max3A_622 : vector<16xf32>, vector<16xf32>, vector<16xf32>, vector<16xf32>, vector<16xf32>, vector<16xf32>, vector<16xf32>, vector<16xf32>
    }
    %scan3A_180 = arith.constant 64 : i32
    %swap3A_181 = arith.constant 256 : index
    %swap3A_182 = tpu.vector_load %arg7[%swap3A_181] {strides = array<i32>} : memref<896xf32, #tpu.memory_space<vmem>>, vector<16xf32>,
    tpu.vector_store %arg7[%swap3A_181], %scan3A_179#0 {strides = array<i32>} : memref<896xf32, #tpu.memory_space<vmem>>, vector<16xf32>,
    %swap3A_183 = arith.constant 272 : index
    %swap3A_184 = tpu.vector_load %arg7[%swap3A_183] {strides = array<i32>} : memref<896xf32, #tpu.memory_space<vmem>>, vector<16xf32>,
    tpu.vector_store %arg7[%swap3A_183], %scan3A_179#1 {strides = array<i32>} : memref<896xf32, #tpu.memory_space<vmem>>, vector<16xf32>,
    %swap3A_185 = arith.constant 288 : index
    %swap3A_186 = tpu.vector_load %arg7[%swap3A_185] {strides = array<i32>} : memref<896xf32, #tpu.memory_space<vmem>>, vector<16xf32>,
    tpu.vector_store %arg7[%swap3A_185], %scan3A_179#2 {strides = array<i32>} : memref<896xf32, #tpu.memory_space<vmem>>, vector<16xf32>,
    %swap3A_187 = arith.constant 304 : index
    %swap3A_188 = tpu.vector_load %arg7[%swap3A_187] {strides = array<i32>} : memref<896xf32, #tpu.memory_space<vmem>>, vector<16xf32>,
    tpu.vector_store %arg7[%swap3A_187], %scan3A_179#3 {strides = array<i32>} : memref<896xf32, #tpu.memory_space<vmem>>, vector<16xf32>,
    %swap3A_189 = arith.constant 320 : index
    %swap3A_190 = tpu.vector_load %arg7[%swap3A_189] {strides = array<i32>} : memref<896xf32, #tpu.memory_space<vmem>>, vector<16xf32>,
    tpu.vector_store %arg7[%swap3A_189], %scan3A_179#4 {strides = array<i32>} : memref<896xf32, #tpu.memory_space<vmem>>, vector<16xf32>,
    %swap3A_191 = arith.constant 336 : index
    %swap3A_192 = tpu.vector_load %arg7[%swap3A_191] {strides = array<i32>} : memref<896xf32, #tpu.memory_space<vmem>>, vector<16xf32>,
    tpu.vector_store %arg7[%swap3A_191], %scan3A_179#5 {strides = array<i32>} : memref<896xf32, #tpu.memory_space<vmem>>, vector<16xf32>,
    %swap3A_193 = arith.constant 352 : index
    %swap3A_194 = tpu.vector_load %arg7[%swap3A_193] {strides = array<i32>} : memref<896xf32, #tpu.memory_space<vmem>>, vector<16xf32>,
    tpu.vector_store %arg7[%swap3A_193], %scan3A_179#6 {strides = array<i32>} : memref<896xf32, #tpu.memory_space<vmem>>, vector<16xf32>,
    %swap3A_195 = arith.constant 368 : index
    %swap3A_196 = tpu.vector_load %arg7[%swap3A_195] {strides = array<i32>} : memref<896xf32, #tpu.memory_space<vmem>>, vector<16xf32>,
    tpu.vector_store %arg7[%swap3A_195], %scan3A_179#7 {strides = array<i32>} : memref<896xf32, #tpu.memory_space<vmem>>, vector<16xf32>,
    %dma_wait3A_197 = arith.constant 49152 : i32
    %dma_wait3A_198 = tpu.memref_slice %arg6[%dma_wait3A_197] : memref<114688xf32, #tpu.memory_space<vmem>> -> memref<16384xf32, #tpu.memory_space<vmem>>
    %dma_wait3A_199 = arith.constant 49152 : i32
    %dma_wait3A_200 = tpu.memref_slice %arg2[%add3A, %dma_wait3A_199] : memref<64x100000xf32, #tpu.memory_space<hbm>> -> memref<1x16384xf32, #tpu.memory_space<hbm>>
    %dma_wait3A_201 = tpu.memref_squeeze %dma_wait3A_200 : memref<1x16384xf32, #tpu.memory_space<hbm>> -> memref<16384xf32, #tpu.memory_space<hbm>>
    %dma_wait3A_202 = arith.constant 49152 : i32
    %dma_wait3A_203 = tpu.memref_slice %arg6[%dma_wait3A_202] : memref<114688xf32, #tpu.memory_space<vmem>> -> memref<16384xf32, #tpu.memory_space<vmem>>
    %dma_wait3A_204 = arith.constant 49152 : i32
    %dma_wait3A_205 = tpu.memref_slice %arg2[%add3A, %dma_wait3A_204] : memref<64x100000xf32, #tpu.memory_space<hbm>> -> memref<1x16384xf32, #tpu.memory_space<hbm>>
    %dma_wait3A_206 = tpu.memref_squeeze %dma_wait3A_205 : memref<1x16384xf32, #tpu.memory_space<hbm>> -> memref<16384xf32, #tpu.memory_space<hbm>>
    tpu.wait_dma2 semaphore(%arg12 : memref<!tpu.dma_semaphore, #tpu.memory_space<semaphore_mem>>) src(%dma_wait3A_206 : memref<16384xf32, #tpu.memory_space<hbm>>) dst(%dma_wait3A_203 : memref<16384xf32, #tpu.memory_space<vmem>>)
    %dma_start3A_207 = arith.constant 81920 : i32
    %dma_start3A_208 = tpu.memref_slice %arg6[%dma_start3A_207] : memref<114688xf32, #tpu.memory_space<vmem>> -> memref<16384xf32, #tpu.memory_space<vmem>>
    %dma_start3A_209 = arith.constant 81920 : i32
    %dma_start3A_210 = tpu.memref_slice %arg2[%add3A, %dma_start3A_209] : memref<64x100000xf32, #tpu.memory_space<hbm>> -> memref<1x16384xf32, #tpu.memory_space<hbm>>
    %dma_start3A_211 = tpu.memref_squeeze %dma_start3A_210 : memref<1x16384xf32, #tpu.memory_space<hbm>> -> memref<16384xf32, #tpu.memory_space<hbm>>
    %dma_start3A_212 = arith.constant 81920 : i32
    %dma_start3A_213 = tpu.memref_slice %arg6[%dma_start3A_212] : memref<114688xf32, #tpu.memory_space<vmem>> -> memref<16384xf32, #tpu.memory_space<vmem>>
    %dma_start3A_214 = arith.constant 81920 : i32
    %dma_start3A_215 = tpu.memref_slice %arg2[%add3A, %dma_start3A_214] : memref<64x100000xf32, #tpu.memory_space<hbm>> -> memref<1x16384xf32, #tpu.memory_space<hbm>>
    %dma_start3A_216 = tpu.memref_squeeze %dma_start3A_215 : memref<1x16384xf32, #tpu.memory_space<hbm>> -> memref<16384xf32, #tpu.memory_space<hbm>>
    tpu.enqueue_dma source(%dma_start3A_216 : memref<16384xf32, #tpu.memory_space<hbm>>) target(%dma_start3A_213 : memref<16384xf32, #tpu.memory_space<vmem>>) target_semaphore(%arg12 : memref<!tpu.dma_semaphore, #tpu.memory_space<semaphore_mem>>)
    %broadcast_in_dim3A_217 = arith.constant 0xFF800000 : f32
    %broadcast_in_dim3A_218 = vector.broadcast %broadcast_in_dim3A_217 : f32 to vector<16xf32>
    %broadcast_in_dim3A_219 = arith.constant 0xFF800000 : f32
    %broadcast_in_dim3A_220 = vector.broadcast %broadcast_in_dim3A_219 : f32 to vector<16xf32>
    %broadcast_in_dim3A_221 = arith.constant 0xFF800000 : f32
    %broadcast_in_dim3A_222 = vector.broadcast %broadcast_in_dim3A_221 : f32 to vector<16xf32>
    %broadcast_in_dim3A_223 = arith.constant 0xFF800000 : f32
    %broadcast_in_dim3A_224 = vector.broadcast %broadcast_in_dim3A_223 : f32 to vector<16xf32>
    %broadcast_in_dim3A_225 = arith.constant 0xFF800000 : f32
    %broadcast_in_dim3A_226 = vector.broadcast %broadcast_in_dim3A_225 : f32 to vector<16xf32>
    %broadcast_in_dim3A_227 = arith.constant 0xFF800000 : f32
    %broadcast_in_dim3A_228 = vector.broadcast %broadcast_in_dim3A_227 : f32 to vector<16xf32>
    %broadcast_in_dim3A_229 = arith.constant 0xFF800000 : f32
    %broadcast_in_dim3A_230 = vector.broadcast %broadcast_in_dim3A_229 : f32 to vector<16xf32>
    %broadcast_in_dim3A_231 = arith.constant 0xFF800000 : f32
    %broadcast_in_dim3A_232 = vector.broadcast %broadcast_in_dim3A_231 : f32 to vector<16xf32>
    %scan3A_233 = arith.constant 0 : i32
    %scan3A_234 = arith.constant 64 : i32
    %scan3A_235 = arith.addi %scan3A_233, %scan3A_234 : i32
    %scan3A_236 = arith.constant 1 : i32
    %scan3A_237:8 = scf.for %scan3A_516 = %scan3A_233 to %scan3A_235 step %scan3A_236 iter_args(%scan3A_517 = %broadcast_in_dim3A_218, %scan3A_518 = %broadcast_in_dim3A_220, %scan3A_519 = %broadcast_in_dim3A_222, %scan3A_520 = %broadcast_in_dim3A_224, %scan3A_521 = %broadcast_in_dim3A_226, %scan3A_522 = %broadcast_in_dim3A_228, %scan3A_523 = %broadcast_in_dim3A_230, %scan3A_524 = %broadcast_in_dim3A_232) -> (vector<16xf32>, vector<16xf32>, vector<16xf32>, vector<16xf32>, vector<16xf32>, vector<16xf32>, vector<16xf32>, vector<16xf32>)  : i32 {
      %mul3A_525 = arith.constant 256 : i32
      %mul3A_526 = arith.muli %scan3A_516, %mul3A_525 : i32
      %add3A_527 = arith.constant 49152 : i32
      %add3A_528 = arith.addi %add3A_527, %mul3A_526 : i32
      %add3A_529 = arith.constant 0 : i32
      %add3A_530 = arith.addi %add3A_528, %add3A_529 : i32
      %get3A = arith.index_cast %add3A_530 : i32 to index
      %get3A_531 = tpu.vector_load %arg6[%get3A] {strides = array<i32>} : memref<114688xf32, #tpu.memory_space<vmem>>, vector<16xf32>,
      %max3A = arith.maximumf %scan3A_517, %get3A_531 : vector<16xf32>
      %add3A_532 = arith.constant 16 : i32
      %add3A_533 = arith.addi %add3A_528, %add3A_532 : i32
      %get3A_534 = arith.index_cast %add3A_533 : i32 to index
      %get3A_535 = tpu.vector_load %arg6[%get3A_534] {strides = array<i32>} : memref<114688xf32, #tpu.memory_space<vmem>>, vector<16xf32>,
      %max3A_536 = arith.maximumf %scan3A_518, %get3A_535 : vector<16xf32>
      %add3A_537 = arith.constant 32 : i32
      %add3A_538 = arith.addi %add3A_528, %add3A_537 : i32
      %get3A_539 = arith.index_cast %add3A_538 : i32 to index
      %get3A_540 = tpu.vector_load %arg6[%get3A_539] {strides = array<i32>} : memref<114688xf32, #tpu.memory_space<vmem>>, vector<16xf32>,
      %max3A_541 = arith.maximumf %scan3A_519, %get3A_540 : vector<16xf32>
      %add3A_542 = arith.constant 48 : i32
      %add3A_543 = arith.addi %add3A_528, %add3A_542 : i32
      %get3A_544 = arith.index_cast %add3A_543 : i32 to index
      %get3A_545 = tpu.vector_load %arg6[%get3A_544] {strides = array<i32>} : memref<114688xf32, #tpu.memory_space<vmem>>, vector<16xf32>,
      %max3A_546 = arith.maximumf %scan3A_520, %get3A_545 : vector<16xf32>
      %add3A_547 = arith.constant 64 : i32
      %add3A_548 = arith.addi %add3A_528, %add3A_547 : i32
      %get3A_549 = arith.index_cast %add3A_548 : i32 to index
      %get3A_550 = tpu.vector_load %arg6[%get3A_549] {strides = array<i32>} : memref<114688xf32, #tpu.memory_space<vmem>>, vector<16xf32>,
      %max3A_551 = arith.maximumf %scan3A_521, %get3A_550 : vector<16xf32>
      %add3A_552 = arith.constant 80 : i32
      %add3A_553 = arith.addi %add3A_528, %add3A_552 : i32
      %get3A_554 = arith.index_cast %add3A_553 : i32 to index
      %get3A_555 = tpu.vector_load %arg6[%get3A_554] {strides = array<i32>} : memref<114688xf32, #tpu.memory_space<vmem>>, vector<16xf32>,
      %max3A_556 = arith.maximumf %scan3A_522, %get3A_555 : vector<16xf32>
      %add3A_557 = arith.constant 96 : i32
      %add3A_558 = arith.addi %add3A_528, %add3A_557 : i32
      %get3A_559 = arith.index_cast %add3A_558 : i32 to index
      %get3A_560 = tpu.vector_load %arg6[%get3A_559] {strides = array<i32>} : memref<114688xf32, #tpu.memory_space<vmem>>, vector<16xf32>,
      %max3A_561 = arith.maximumf %scan3A_523, %get3A_560 : vector<16xf32>
      %add3A_562 = arith.constant 112 : i32
      %add3A_563 = arith.addi %add3A_528, %add3A_562 : i32
      %get3A_564 = arith.index_cast %add3A_563 : i32 to index
      %get3A_565 = tpu.vector_load %arg6[%get3A_564] {strides = array<i32>} : memref<114688xf32, #tpu.memory_space<vmem>>, vector<16xf32>,
      %max3A_566 = arith.maximumf %scan3A_524, %get3A_565 : vector<16xf32>
      %add3A_567 = arith.constant 128 : i32
      %add3A_568 = arith.addi %add3A_528, %add3A_567 : i32
      %add3A_569 = arith.constant 0 : i32
      %add3A_570 = arith.addi %add3A_568, %add3A_569 : i32
      %get3A_571 = arith.index_cast %add3A_570 : i32 to index
      %get3A_572 = tpu.vector_load %arg6[%get3A_571] {strides = array<i32>} : memref<114688xf32, #tpu.memory_space<vmem>>, vector<16xf32>,
      %max3A_573 = arith.maximumf %max3A, %get3A_572 : vector<16xf32>
      %add3A_574 = arith.constant 128 : i32
      %add3A_575 = arith.addi %add3A_528, %add3A_574 : i32
      %add3A_576 = arith.constant 16 : i32
      %add3A_577 = arith.addi %add3A_575, %add3A_576 : i32
      %get3A_578 = arith.index_cast %add3A_577 : i32 to index
      %get3A_579 = tpu.vector_load %arg6[%get3A_578] {strides = array<i32>} : memref<114688xf32, #tpu.memory_space<vmem>>, vector<16xf32>,
      %max3A_580 = arith.maximumf %max3A_536, %get3A_579 : vector<16xf32>
      %add3A_581 = arith.constant 128 : i32
      %add3A_582 = arith.addi %add3A_528, %add3A_581 : i32
      %add3A_583 = arith.constant 32 : i32
      %add3A_584 = arith.addi %add3A_582, %add3A_583 : i32
      %get3A_585 = arith.index_cast %add3A_584 : i32 to index
      %get3A_586 = tpu.vector_load %arg6[%get3A_585] {strides = array<i32>} : memref<114688xf32, #tpu.memory_space<vmem>>, vector<16xf32>,
      %max3A_587 = arith.maximumf %max3A_541, %get3A_586 : vector<16xf32>
      %add3A_588 = arith.constant 128 : i32
      %add3A_589 = arith.addi %add3A_528, %add3A_588 : i32
      %add3A_590 = arith.constant 48 : i32
      %add3A_591 = arith.addi %add3A_589, %add3A_590 : i32
      %get3A_592 = arith.index_cast %add3A_591 : i32 to index
      %get3A_593 = tpu.vector_load %arg6[%get3A_592] {strides = array<i32>} : memref<114688xf32, #tpu.memory_space<vmem>>, vector<16xf32>,
      %max3A_594 = arith.maximumf %max3A_546, %get3A_593 : vector<16xf32>
      %add3A_595 = arith.constant 128 : i32
      %add3A_596 = arith.addi %add3A_528, %add3A_595 : i32
      %add3A_597 = arith.constant 64 : i32
      %add3A_598 = arith.addi %add3A_596, %add3A_597 : i32
      %get3A_599 = arith.index_cast %add3A_598 : i32 to index
      %get3A_600 = tpu.vector_load %arg6[%get3A_599] {strides = array<i32>} : memref<114688xf32, #tpu.memory_space<vmem>>, vector<16xf32>,
      %max3A_601 = arith.maximumf %max3A_551, %get3A_600 : vector<16xf32>
      %add3A_602 = arith.constant 128 : i32
      %add3A_603 = arith.addi %add3A_528, %add3A_602 : i32
      %add3A_604 = arith.constant 80 : i32
      %add3A_605 = arith.addi %add3A_603, %add3A_604 : i32
      %get3A_606 = arith.index_cast %add3A_605 : i32 to index
      %get3A_607 = tpu.vector_load %arg6[%get3A_606] {strides = array<i32>} : memref<114688xf32, #tpu.memory_space<vmem>>, vector<16xf32>,
      %max3A_608 = arith.maximumf %max3A_556, %get3A_607 : vector<16xf32>
      %add3A_609 = arith.constant 128 : i32
      %add3A_610 = arith.addi %add3A_528, %add3A_609 : i32
      %add3A_611 = arith.constant 96 : i32
      %add3A_612 = arith.addi %add3A_610, %add3A_611 : i32
      %get3A_613 = arith.index_cast %add3A_612 : i32 to index
      %get3A_614 = tpu.vector_load %arg6[%get3A_613] {strides = array<i32>} : memref<114688xf32, #tpu.memory_space<vmem>>, vector<16xf32>,
      %max3A_615 = arith.maximumf %max3A_561, %get3A_614 : vector<16xf32>
      %add3A_616 = arith.constant 128 : i32
      %add3A_617 = arith.addi %add3A_528, %add3A_616 : i32
      %add3A_618 = arith.constant 112 : i32
      %add3A_619 = arith.addi %add3A_617, %add3A_618 : i32
      %get3A_620 = arith.index_cast %add3A_619 : i32 to index
      %get3A_621 = tpu.vector_load %arg6[%get3A_620] {strides = array<i32>} : memref<114688xf32, #tpu.memory_space<vmem>>, vector<16xf32>,
      %max3A_622 = arith.maximumf %max3A_566, %get3A_621 : vector<16xf32>
      scf.yield %max3A_573, %max3A_580, %max3A_587, %max3A_594, %max3A_601, %max3A_608, %max3A_615, %max3A_622 : vector<16xf32>, vector<16xf32>, vector<16xf32>, vector<16xf32>, vector<16xf32>, vector<16xf32>, vector<16xf32>, vector<16xf32>
    }
    %scan3A_238 = arith.constant 64 : i32
    %swap3A_239 = arith.constant 384 : index
    %swap3A_240 = tpu.vector_load %arg7[%swap3A_239] {strides = array<i32>} : memref<896xf32, #tpu.memory_space<vmem>>, vector<16xf32>,
    tpu.vector_store %arg7[%swap3A_239], %scan3A_237#0 {strides = array<i32>} : memref<896xf32, #tpu.memory_space<vmem>>, vector<16xf32>,
    %swap3A_241 = arith.constant 400 : index
    %swap3A_242 = tpu.vector_load %arg7[%swap3A_241] {strides = array<i32>} : memref<896xf32, #tpu.memory_space<vmem>>, vector<16xf32>,
    tpu.vector_store %arg7[%swap3A_241], %scan3A_237#1 {strides = array<i32>} : memref<896xf32, #tpu.memory_space<vmem>>, vector<16xf32>,
    %swap3A_243 = arith.constant 416 : index
    %swap3A_244 = tpu.vector_load %arg7[%swap3A_243] {strides = array<i32>} : memref<896xf32, #tpu.memory_space<vmem>>, vector<16xf32>,
    tpu.vector_store %arg7[%swap3A_243], %scan3A_237#2 {strides = array<i32>} : memref<896xf32, #tpu.memory_space<vmem>>, vector<16xf32>,
    %swap3A_245 = arith.constant 432 : index
    %swap3A_246 = tpu.vector_load %arg7[%swap3A_245] {strides = array<i32>} : memref<896xf32, #tpu.memory_space<vmem>>, vector<16xf32>,
    tpu.vector_store %arg7[%swap3A_245], %scan3A_237#3 {strides = array<i32>} : memref<896xf32, #tpu.memory_space<vmem>>, vector<16xf32>,
    %swap3A_247 = arith.constant 448 : index
    %swap3A_248 = tpu.vector_load %arg7[%swap3A_247] {strides = array<i32>} : memref<896xf32, #tpu.memory_space<vmem>>, vector<16xf32>,
    tpu.vector_store %arg7[%swap3A_247], %scan3A_237#4 {strides = array<i32>} : memref<896xf32, #tpu.memory_space<vmem>>, vector<16xf32>,
    %swap3A_249 = arith.constant 464 : index
    %swap3A_250 = tpu.vector_load %arg7[%swap3A_249] {strides = array<i32>} : memref<896xf32, #tpu.memory_space<vmem>>, vector<16xf32>,
    tpu.vector_store %arg7[%swap3A_249], %scan3A_237#5 {strides = array<i32>} : memref<896xf32, #tpu.memory_space<vmem>>, vector<16xf32>,
    %swap3A_251 = arith.constant 480 : index
    %swap3A_252 = tpu.vector_load %arg7[%swap3A_251] {strides = array<i32>} : memref<896xf32, #tpu.memory_space<vmem>>, vector<16xf32>,
    tpu.vector_store %arg7[%swap3A_251], %scan3A_237#6 {strides = array<i32>} : memref<896xf32, #tpu.memory_space<vmem>>, vector<16xf32>,
    %swap3A_253 = arith.constant 496 : index
    %swap3A_254 = tpu.vector_load %arg7[%swap3A_253] {strides = array<i32>} : memref<896xf32, #tpu.memory_space<vmem>>, vector<16xf32>,
    tpu.vector_store %arg7[%swap3A_253], %scan3A_237#7 {strides = array<i32>} : memref<896xf32, #tpu.memory_space<vmem>>, vector<16xf32>,
    %dma_wait3A_255 = arith.constant 65536 : i32
    %dma_wait3A_256 = tpu.memref_slice %arg6[%dma_wait3A_255] : memref<114688xf32, #tpu.memory_space<vmem>> -> memref<16384xf32, #tpu.memory_space<vmem>>
    %dma_wait3A_257 = arith.constant 65536 : i32
    %dma_wait3A_258 = tpu.memref_slice %arg2[%add3A, %dma_wait3A_257] : memref<64x100000xf32, #tpu.memory_space<hbm>> -> memref<1x16384xf32, #tpu.memory_space<hbm>>
    %dma_wait3A_259 = tpu.memref_squeeze %dma_wait3A_258 : memref<1x16384xf32, #tpu.memory_space<hbm>> -> memref<16384xf32, #tpu.memory_space<hbm>>
    %dma_wait3A_260 = arith.constant 65536 : i32
    %dma_wait3A_261 = tpu.memref_slice %arg6[%dma_wait3A_260] : memref<114688xf32, #tpu.memory_space<vmem>> -> memref<16384xf32, #tpu.memory_space<vmem>>
    %dma_wait3A_262 = arith.constant 65536 : i32
    %dma_wait3A_263 = tpu.memref_slice %arg2[%add3A, %dma_wait3A_262] : memref<64x100000xf32, #tpu.memory_space<hbm>> -> memref<1x16384xf32, #tpu.memory_space<hbm>>
    %dma_wait3A_264 = tpu.memref_squeeze %dma_wait3A_263 : memref<1x16384xf32, #tpu.memory_space<hbm>> -> memref<16384xf32, #tpu.memory_space<hbm>>
    tpu.wait_dma2 semaphore(%arg11 : memref<!tpu.dma_semaphore, #tpu.memory_space<semaphore_mem>>) src(%dma_wait3A_264 : memref<16384xf32, #tpu.memory_space<hbm>>) dst(%dma_wait3A_261 : memref<16384xf32, #tpu.memory_space<vmem>>)
    %dma_start3A_265 = arith.constant 98304 : i32
    %dma_start3A_266 = tpu.memref_slice %arg6[%dma_start3A_265] : memref<114688xf32, #tpu.memory_space<vmem>> -> memref<1536xf32, #tpu.memory_space<vmem>>
    %dma_start3A_267 = arith.constant 98304 : i32
    %dma_start3A_268 = tpu.memref_slice %arg2[%add3A, %dma_start3A_267] : memref<64x100000xf32, #tpu.memory_space<hbm>> -> memref<1x1536xf32, #tpu.memory_space<hbm>>
    %dma_start3A_269 = tpu.memref_squeeze %dma_start3A_268 : memref<1x1536xf32, #tpu.memory_space<hbm>> -> memref<1536xf32, #tpu.memory_space<hbm>>
    %dma_start3A_270 = arith.constant 98304 : i32
    %dma_start3A_271 = tpu.memref_slice %arg6[%dma_start3A_270] : memref<114688xf32, #tpu.memory_space<vmem>> -> memref<1536xf32, #tpu.memory_space<vmem>>
    %dma_start3A_272 = arith.constant 98304 : i32
    %dma_start3A_273 = tpu.memref_slice %arg2[%add3A, %dma_start3A_272] : memref<64x100000xf32, #tpu.memory_space<hbm>> -> memref<1x1536xf32, #tpu.memory_space<hbm>>
    %dma_start3A_274 = tpu.memref_squeeze %dma_start3A_273 : memref<1x1536xf32, #tpu.memory_space<hbm>> -> memref<1536xf32, #tpu.memory_space<hbm>>
    tpu.enqueue_dma source(%dma_start3A_274 : memref<1536xf32, #tpu.memory_space<hbm>>) target(%dma_start3A_271 : memref<1536xf32, #tpu.memory_space<vmem>>) target_semaphore(%arg11 : memref<!tpu.dma_semaphore, #tpu.memory_space<semaphore_mem>>)
    %broadcast_in_dim3A_275 = arith.constant 0xFF800000 : f32
    %broadcast_in_dim3A_276 = vector.broadcast %broadcast_in_dim3A_275 : f32 to vector<16xf32>
    %broadcast_in_dim3A_277 = arith.constant 0xFF800000 : f32
    %broadcast_in_dim3A_278 = vector.broadcast %broadcast_in_dim3A_277 : f32 to vector<16xf32>
    %broadcast_in_dim3A_279 = arith.constant 0xFF800000 : f32
    %broadcast_in_dim3A_280 = vector.broadcast %broadcast_in_dim3A_279 : f32 to vector<16xf32>
    %broadcast_in_dim3A_281 = arith.constant 0xFF800000 : f32
    %broadcast_in_dim3A_282 = vector.broadcast %broadcast_in_dim3A_281 : f32 to vector<16xf32>
    %broadcast_in_dim3A_283 = arith.constant 0xFF800000 : f32
    %broadcast_in_dim3A_284 = vector.broadcast %broadcast_in_dim3A_283 : f32 to vector<16xf32>
    %broadcast_in_dim3A_285 = arith.constant 0xFF800000 : f32
    %broadcast_in_dim3A_286 = vector.broadcast %broadcast_in_dim3A_285 : f32 to vector<16xf32>
    %broadcast_in_dim3A_287 = arith.constant 0xFF800000 : f32
    %broadcast_in_dim3A_288 = vector.broadcast %broadcast_in_dim3A_287 : f32 to vector<16xf32>
    %broadcast_in_dim3A_289 = arith.constant 0xFF800000 : f32
    %broadcast_in_dim3A_290 = vector.broadcast %broadcast_in_dim3A_289 : f32 to vector<16xf32>
    %scan3A_291 = arith.constant 0 : i32
    %scan3A_292 = arith.constant 64 : i32
    %scan3A_293 = arith.addi %scan3A_291, %scan3A_292 : i32
    %scan3A_294 = arith.constant 1 : i32
    %scan3A_295:8 = scf.for %scan3A_516 = %scan3A_291 to %scan3A_293 step %scan3A_294 iter_args(%scan3A_517 = %broadcast_in_dim3A_276, %scan3A_518 = %broadcast_in_dim3A_278, %scan3A_519 = %broadcast_in_dim3A_280, %scan3A_520 = %broadcast_in_dim3A_282, %scan3A_521 = %broadcast_in_dim3A_284, %scan3A_522 = %broadcast_in_dim3A_286, %scan3A_523 = %broadcast_in_dim3A_288, %scan3A_524 = %broadcast_in_dim3A_290) -> (vector<16xf32>, vector<16xf32>, vector<16xf32>, vector<16xf32>, vector<16xf32>, vector<16xf32>, vector<16xf32>, vector<16xf32>)  : i32 {
      %mul3A_525 = arith.constant 256 : i32
      %mul3A_526 = arith.muli %scan3A_516, %mul3A_525 : i32
      %add3A_527 = arith.constant 65536 : i32
      %add3A_528 = arith.addi %add3A_527, %mul3A_526 : i32
      %add3A_529 = arith.constant 0 : i32
      %add3A_530 = arith.addi %add3A_528, %add3A_529 : i32
      %get3A = arith.index_cast %add3A_530 : i32 to index
      %get3A_531 = tpu.vector_load %arg6[%get3A] {strides = array<i32>} : memref<114688xf32, #tpu.memory_space<vmem>>, vector<16xf32>,
      %max3A = arith.maximumf %scan3A_517, %get3A_531 : vector<16xf32>
      %add3A_532 = arith.constant 16 : i32
      %add3A_533 = arith.addi %add3A_528, %add3A_532 : i32
      %get3A_534 = arith.index_cast %add3A_533 : i32 to index
      %get3A_535 = tpu.vector_load %arg6[%get3A_534] {strides = array<i32>} : memref<114688xf32, #tpu.memory_space<vmem>>, vector<16xf32>,
      %max3A_536 = arith.maximumf %scan3A_518, %get3A_535 : vector<16xf32>
      %add3A_537 = arith.constant 32 : i32
      %add3A_538 = arith.addi %add3A_528, %add3A_537 : i32
      %get3A_539 = arith.index_cast %add3A_538 : i32 to index
      %get3A_540 = tpu.vector_load %arg6[%get3A_539] {strides = array<i32>} : memref<114688xf32, #tpu.memory_space<vmem>>, vector<16xf32>,
      %max3A_541 = arith.maximumf %scan3A_519, %get3A_540 : vector<16xf32>
      %add3A_542 = arith.constant 48 : i32
      %add3A_543 = arith.addi %add3A_528, %add3A_542 : i32
      %get3A_544 = arith.index_cast %add3A_543 : i32 to index
      %get3A_545 = tpu.vector_load %arg6[%get3A_544] {strides = array<i32>} : memref<114688xf32, #tpu.memory_space<vmem>>, vector<16xf32>,
      %max3A_546 = arith.maximumf %scan3A_520, %get3A_545 : vector<16xf32>
      %add3A_547 = arith.constant 64 : i32
      %add3A_548 = arith.addi %add3A_528, %add3A_547 : i32
      %get3A_549 = arith.index_cast %add3A_548 : i32 to index
      %get3A_550 = tpu.vector_load %arg6[%get3A_549] {strides = array<i32>} : memref<114688xf32, #tpu.memory_space<vmem>>, vector<16xf32>,
      %max3A_551 = arith.maximumf %scan3A_521, %get3A_550 : vector<16xf32>
      %add3A_552 = arith.constant 80 : i32
      %add3A_553 = arith.addi %add3A_528, %add3A_552 : i32
      %get3A_554 = arith.index_cast %add3A_553 : i32 to index
      %get3A_555 = tpu.vector_load %arg6[%get3A_554] {strides = array<i32>} : memref<114688xf32, #tpu.memory_space<vmem>>, vector<16xf32>,
      %max3A_556 = arith.maximumf %scan3A_522, %get3A_555 : vector<16xf32>
      %add3A_557 = arith.constant 96 : i32
      %add3A_558 = arith.addi %add3A_528, %add3A_557 : i32
      %get3A_559 = arith.index_cast %add3A_558 : i32 to index
      %get3A_560 = tpu.vector_load %arg6[%get3A_559] {strides = array<i32>} : memref<114688xf32, #tpu.memory_space<vmem>>, vector<16xf32>,
      %max3A_561 = arith.maximumf %scan3A_523, %get3A_560 : vector<16xf32>
      %add3A_562 = arith.constant 112 : i32
      %add3A_563 = arith.addi %add3A_528, %add3A_562 : i32
      %get3A_564 = arith.index_cast %add3A_563 : i32 to index
      %get3A_565 = tpu.vector_load %arg6[%get3A_564] {strides = array<i32>} : memref<114688xf32, #tpu.memory_space<vmem>>, vector<16xf32>,
      %max3A_566 = arith.maximumf %scan3A_524, %get3A_565 : vector<16xf32>
      %add3A_567 = arith.constant 128 : i32
      %add3A_568 = arith.addi %add3A_528, %add3A_567 : i32
      %add3A_569 = arith.constant 0 : i32
      %add3A_570 = arith.addi %add3A_568, %add3A_569 : i32
      %get3A_571 = arith.index_cast %add3A_570 : i32 to index
      %get3A_572 = tpu.vector_load %arg6[%get3A_571] {strides = array<i32>} : memref<114688xf32, #tpu.memory_space<vmem>>, vector<16xf32>,
      %max3A_573 = arith.maximumf %max3A, %get3A_572 : vector<16xf32>
      %add3A_574 = arith.constant 128 : i32
      %add3A_575 = arith.addi %add3A_528, %add3A_574 : i32
      %add3A_576 = arith.constant 16 : i32
      %add3A_577 = arith.addi %add3A_575, %add3A_576 : i32
      %get3A_578 = arith.index_cast %add3A_577 : i32 to index
      %get3A_579 = tpu.vector_load %arg6[%get3A_578] {strides = array<i32>} : memref<114688xf32, #tpu.memory_space<vmem>>, vector<16xf32>,
      %max3A_580 = arith.maximumf %max3A_536, %get3A_579 : vector<16xf32>
      %add3A_581 = arith.constant 128 : i32
      %add3A_582 = arith.addi %add3A_528, %add3A_581 : i32
      %add3A_583 = arith.constant 32 : i32
      %add3A_584 = arith.addi %add3A_582, %add3A_583 : i32
      %get3A_585 = arith.index_cast %add3A_584 : i32 to index
      %get3A_586 = tpu.vector_load %arg6[%get3A_585] {strides = array<i32>} : memref<114688xf32, #tpu.memory_space<vmem>>, vector<16xf32>,
      %max3A_587 = arith.maximumf %max3A_541, %get3A_586 : vector<16xf32>
      %add3A_588 = arith.constant 128 : i32
      %add3A_589 = arith.addi %add3A_528, %add3A_588 : i32
      %add3A_590 = arith.constant 48 : i32
      %add3A_591 = arith.addi %add3A_589, %add3A_590 : i32
      %get3A_592 = arith.index_cast %add3A_591 : i32 to index
      %get3A_593 = tpu.vector_load %arg6[%get3A_592] {strides = array<i32>} : memref<114688xf32, #tpu.memory_space<vmem>>, vector<16xf32>,
      %max3A_594 = arith.maximumf %max3A_546, %get3A_593 : vector<16xf32>
      %add3A_595 = arith.constant 128 : i32
      %add3A_596 = arith.addi %add3A_528, %add3A_595 : i32
      %add3A_597 = arith.constant 64 : i32
      %add3A_598 = arith.addi %add3A_596, %add3A_597 : i32
      %get3A_599 = arith.index_cast %add3A_598 : i32 to index
      %get3A_600 = tpu.vector_load %arg6[%get3A_599] {strides = array<i32>} : memref<114688xf32, #tpu.memory_space<vmem>>, vector<16xf32>,
      %max3A_601 = arith.maximumf %max3A_551, %get3A_600 : vector<16xf32>
      %add3A_602 = arith.constant 128 : i32
      %add3A_603 = arith.addi %add3A_528, %add3A_602 : i32
      %add3A_604 = arith.constant 80 : i32
      %add3A_605 = arith.addi %add3A_603, %add3A_604 : i32
      %get3A_606 = arith.index_cast %add3A_605 : i32 to index
      %get3A_607 = tpu.vector_load %arg6[%get3A_606] {strides = array<i32>} : memref<114688xf32, #tpu.memory_space<vmem>>, vector<16xf32>,
      %max3A_608 = arith.maximumf %max3A_556, %get3A_607 : vector<16xf32>
      %add3A_609 = arith.constant 128 : i32
      %add3A_610 = arith.addi %add3A_528, %add3A_609 : i32
      %add3A_611 = arith.constant 96 : i32
      %add3A_612 = arith.addi %add3A_610, %add3A_611 : i32
      %get3A_613 = arith.index_cast %add3A_612 : i32 to index
      %get3A_614 = tpu.vector_load %arg6[%get3A_613] {strides = array<i32>} : memref<114688xf32, #tpu.memory_space<vmem>>, vector<16xf32>,
      %max3A_615 = arith.maximumf %max3A_561, %get3A_614 : vector<16xf32>
      %add3A_616 = arith.constant 128 : i32
      %add3A_617 = arith.addi %add3A_528, %add3A_616 : i32
      %add3A_618 = arith.constant 112 : i32
      %add3A_619 = arith.addi %add3A_617, %add3A_618 : i32
      %get3A_620 = arith.index_cast %add3A_619 : i32 to index
      %get3A_621 = tpu.vector_load %arg6[%get3A_620] {strides = array<i32>} : memref<114688xf32, #tpu.memory_space<vmem>>, vector<16xf32>,
      %max3A_622 = arith.maximumf %max3A_566, %get3A_621 : vector<16xf32>
      scf.yield %max3A_573, %max3A_580, %max3A_587, %max3A_594, %max3A_601, %max3A_608, %max3A_615, %max3A_622 : vector<16xf32>, vector<16xf32>, vector<16xf32>, vector<16xf32>, vector<16xf32>, vector<16xf32>, vector<16xf32>, vector<16xf32>
    }
    %scan3A_296 = arith.constant 64 : i32
    %swap3A_297 = arith.constant 512 : index
    %swap3A_298 = tpu.vector_load %arg7[%swap3A_297] {strides = array<i32>} : memref<896xf32, #tpu.memory_space<vmem>>, vector<16xf32>,
    tpu.vector_store %arg7[%swap3A_297], %scan3A_295#0 {strides = array<i32>} : memref<896xf32, #tpu.memory_space<vmem>>, vector<16xf32>,
    %swap3A_299 = arith.constant 528 : index
    %swap3A_300 = tpu.vector_load %arg7[%swap3A_299] {strides = array<i32>} : memref<896xf32, #tpu.memory_space<vmem>>, vector<16xf32>,
    tpu.vector_store %arg7[%swap3A_299], %scan3A_295#1 {strides = array<i32>} : memref<896xf32, #tpu.memory_space<vmem>>, vector<16xf32>,
    %swap3A_301 = arith.constant 544 : index
    %swap3A_302 = tpu.vector_load %arg7[%swap3A_301] {strides = array<i32>} : memref<896xf32, #tpu.memory_space<vmem>>, vector<16xf32>,
    tpu.vector_store %arg7[%swap3A_301], %scan3A_295#2 {strides = array<i32>} : memref<896xf32, #tpu.memory_space<vmem>>, vector<16xf32>,
    %swap3A_303 = arith.constant 560 : index
    %swap3A_304 = tpu.vector_load %arg7[%swap3A_303] {strides = array<i32>} : memref<896xf32, #tpu.memory_space<vmem>>, vector<16xf32>,
    tpu.vector_store %arg7[%swap3A_303], %scan3A_295#3 {strides = array<i32>} : memref<896xf32, #tpu.memory_space<vmem>>, vector<16xf32>,
    %swap3A_305 = arith.constant 576 : index
    %swap3A_306 = tpu.vector_load %arg7[%swap3A_305] {strides = array<i32>} : memref<896xf32, #tpu.memory_space<vmem>>, vector<16xf32>,
    tpu.vector_store %arg7[%swap3A_305], %scan3A_295#4 {strides = array<i32>} : memref<896xf32, #tpu.memory_space<vmem>>, vector<16xf32>,
    %swap3A_307 = arith.constant 592 : index
    %swap3A_308 = tpu.vector_load %arg7[%swap3A_307] {strides = array<i32>} : memref<896xf32, #tpu.memory_space<vmem>>, vector<16xf32>,
    tpu.vector_store %arg7[%swap3A_307], %scan3A_295#5 {strides = array<i32>} : memref<896xf32, #tpu.memory_space<vmem>>, vector<16xf32>,
    %swap3A_309 = arith.constant 608 : index
    %swap3A_310 = tpu.vector_load %arg7[%swap3A_309] {strides = array<i32>} : memref<896xf32, #tpu.memory_space<vmem>>, vector<16xf32>,
    tpu.vector_store %arg7[%swap3A_309], %scan3A_295#6 {strides = array<i32>} : memref<896xf32, #tpu.memory_space<vmem>>, vector<16xf32>,
    %swap3A_311 = arith.constant 624 : index
    %swap3A_312 = tpu.vector_load %arg7[%swap3A_311] {strides = array<i32>} : memref<896xf32, #tpu.memory_space<vmem>>, vector<16xf32>,
    tpu.vector_store %arg7[%swap3A_311], %scan3A_295#7 {strides = array<i32>} : memref<896xf32, #tpu.memory_space<vmem>>, vector<16xf32>,
    %dma_wait3A_313 = arith.constant 81920 : i32
    %dma_wait3A_314 = tpu.memref_slice %arg6[%dma_wait3A_313] : memref<114688xf32, #tpu.memory_space<vmem>> -> memref<16384xf32, #tpu.memory_space<vmem>>
    %dma_wait3A_315 = arith.constant 81920 : i32
    %dma_wait3A_316 = tpu.memref_slice %arg2[%add3A, %dma_wait3A_315] : memref<64x100000xf32, #tpu.memory_space<hbm>> -> memref<1x16384xf32, #tpu.memory_space<hbm>>
    %dma_wait3A_317 = tpu.memref_squeeze %dma_wait3A_316 : memref<1x16384xf32, #tpu.memory_space<hbm>> -> memref<16384xf32, #tpu.memory_space<hbm>>
    %dma_wait3A_318 = arith.constant 81920 : i32
    %dma_wait3A_319 = tpu.memref_slice %arg6[%dma_wait3A_318] : memref<114688xf32, #tpu.memory_space<vmem>> -> memref<16384xf32, #tpu.memory_space<vmem>>
    %dma_wait3A_320 = arith.constant 81920 : i32
    %dma_wait3A_321 = tpu.memref_slice %arg2[%add3A, %dma_wait3A_320] : memref<64x100000xf32, #tpu.memory_space<hbm>> -> memref<1x16384xf32, #tpu.memory_space<hbm>>
    %dma_wait3A_322 = tpu.memref_squeeze %dma_wait3A_321 : memref<1x16384xf32, #tpu.memory_space<hbm>> -> memref<16384xf32, #tpu.memory_space<hbm>>
    tpu.wait_dma2 semaphore(%arg12 : memref<!tpu.dma_semaphore, #tpu.memory_space<semaphore_mem>>) src(%dma_wait3A_322 : memref<16384xf32, #tpu.memory_space<hbm>>) dst(%dma_wait3A_319 : memref<16384xf32, #tpu.memory_space<vmem>>)
    %broadcast_in_dim3A_323 = arith.constant 0xFF800000 : f32
    %broadcast_in_dim3A_324 = vector.broadcast %broadcast_in_dim3A_323 : f32 to vector<16xf32>
    %broadcast_in_dim3A_325 = arith.constant 0xFF800000 : f32
    %broadcast_in_dim3A_326 = vector.broadcast %broadcast_in_dim3A_325 : f32 to vector<16xf32>
    %broadcast_in_dim3A_327 = arith.constant 0xFF800000 : f32
    %broadcast_in_dim3A_328 = vector.broadcast %broadcast_in_dim3A_327 : f32 to vector<16xf32>
    %broadcast_in_dim3A_329 = arith.constant 0xFF800000 : f32
    %broadcast_in_dim3A_330 = vector.broadcast %broadcast_in_dim3A_329 : f32 to vector<16xf32>
    %broadcast_in_dim3A_331 = arith.constant 0xFF800000 : f32
    %broadcast_in_dim3A_332 = vector.broadcast %broadcast_in_dim3A_331 : f32 to vector<16xf32>
    %broadcast_in_dim3A_333 = arith.constant 0xFF800000 : f32
    %broadcast_in_dim3A_334 = vector.broadcast %broadcast_in_dim3A_333 : f32 to vector<16xf32>
    %broadcast_in_dim3A_335 = arith.constant 0xFF800000 : f32
    %broadcast_in_dim3A_336 = vector.broadcast %broadcast_in_dim3A_335 : f32 to vector<16xf32>
    %broadcast_in_dim3A_337 = arith.constant 0xFF800000 : f32
    %broadcast_in_dim3A_338 = vector.broadcast %broadcast_in_dim3A_337 : f32 to vector<16xf32>
    %scan3A_339 = arith.constant 0 : i32
    %scan3A_340 = arith.constant 64 : i32
    %scan3A_341 = arith.addi %scan3A_339, %scan3A_340 : i32
    %scan3A_342 = arith.constant 1 : i32
    %scan3A_343:8 = scf.for %scan3A_516 = %scan3A_339 to %scan3A_341 step %scan3A_342 iter_args(%scan3A_517 = %broadcast_in_dim3A_324, %scan3A_518 = %broadcast_in_dim3A_326, %scan3A_519 = %broadcast_in_dim3A_328, %scan3A_520 = %broadcast_in_dim3A_330, %scan3A_521 = %broadcast_in_dim3A_332, %scan3A_522 = %broadcast_in_dim3A_334, %scan3A_523 = %broadcast_in_dim3A_336, %scan3A_524 = %broadcast_in_dim3A_338) -> (vector<16xf32>, vector<16xf32>, vector<16xf32>, vector<16xf32>, vector<16xf32>, vector<16xf32>, vector<16xf32>, vector<16xf32>)  : i32 {
      %mul3A_525 = arith.constant 256 : i32
      %mul3A_526 = arith.muli %scan3A_516, %mul3A_525 : i32
      %add3A_527 = arith.constant 81920 : i32
      %add3A_528 = arith.addi %add3A_527, %mul3A_526 : i32
      %add3A_529 = arith.constant 0 : i32
      %add3A_530 = arith.addi %add3A_528, %add3A_529 : i32
      %get3A = arith.index_cast %add3A_530 : i32 to index
      %get3A_531 = tpu.vector_load %arg6[%get3A] {strides = array<i32>} : memref<114688xf32, #tpu.memory_space<vmem>>, vector<16xf32>,
      %max3A = arith.maximumf %scan3A_517, %get3A_531 : vector<16xf32>
      %add3A_532 = arith.constant 16 : i32
      %add3A_533 = arith.addi %add3A_528, %add3A_532 : i32
      %get3A_534 = arith.index_cast %add3A_533 : i32 to index
      %get3A_535 = tpu.vector_load %arg6[%get3A_534] {strides = array<i32>} : memref<114688xf32, #tpu.memory_space<vmem>>, vector<16xf32>,
      %max3A_536 = arith.maximumf %scan3A_518, %get3A_535 : vector<16xf32>
      %add3A_537 = arith.constant 32 : i32
      %add3A_538 = arith.addi %add3A_528, %add3A_537 : i32
      %get3A_539 = arith.index_cast %add3A_538 : i32 to index
      %get3A_540 = tpu.vector_load %arg6[%get3A_539] {strides = array<i32>} : memref<114688xf32, #tpu.memory_space<vmem>>, vector<16xf32>,
      %max3A_541 = arith.maximumf %scan3A_519, %get3A_540 : vector<16xf32>
      %add3A_542 = arith.constant 48 : i32
      %add3A_543 = arith.addi %add3A_528, %add3A_542 : i32
      %get3A_544 = arith.index_cast %add3A_543 : i32 to index
      %get3A_545 = tpu.vector_load %arg6[%get3A_544] {strides = array<i32>} : memref<114688xf32, #tpu.memory_space<vmem>>, vector<16xf32>,
      %max3A_546 = arith.maximumf %scan3A_520, %get3A_545 : vector<16xf32>
      %add3A_547 = arith.constant 64 : i32
      %add3A_548 = arith.addi %add3A_528, %add3A_547 : i32
      %get3A_549 = arith.index_cast %add3A_548 : i32 to index
      %get3A_550 = tpu.vector_load %arg6[%get3A_549] {strides = array<i32>} : memref<114688xf32, #tpu.memory_space<vmem>>, vector<16xf32>,
      %max3A_551 = arith.maximumf %scan3A_521, %get3A_550 : vector<16xf32>
      %add3A_552 = arith.constant 80 : i32
      %add3A_553 = arith.addi %add3A_528, %add3A_552 : i32
      %get3A_554 = arith.index_cast %add3A_553 : i32 to index
      %get3A_555 = tpu.vector_load %arg6[%get3A_554] {strides = array<i32>} : memref<114688xf32, #tpu.memory_space<vmem>>, vector<16xf32>,
      %max3A_556 = arith.maximumf %scan3A_522, %get3A_555 : vector<16xf32>
      %add3A_557 = arith.constant 96 : i32
      %add3A_558 = arith.addi %add3A_528, %add3A_557 : i32
      %get3A_559 = arith.index_cast %add3A_558 : i32 to index
      %get3A_560 = tpu.vector_load %arg6[%get3A_559] {strides = array<i32>} : memref<114688xf32, #tpu.memory_space<vmem>>, vector<16xf32>,
      %max3A_561 = arith.maximumf %scan3A_523, %get3A_560 : vector<16xf32>
      %add3A_562 = arith.constant 112 : i32
      %add3A_563 = arith.addi %add3A_528, %add3A_562 : i32
      %get3A_564 = arith.index_cast %add3A_563 : i32 to index
      %get3A_565 = tpu.vector_load %arg6[%get3A_564] {strides = array<i32>} : memref<114688xf32, #tpu.memory_space<vmem>>, vector<16xf32>,
      %max3A_566 = arith.maximumf %scan3A_524, %get3A_565 : vector<16xf32>
      %add3A_567 = arith.constant 128 : i32
      %add3A_568 = arith.addi %add3A_528, %add3A_567 : i32
      %add3A_569 = arith.constant 0 : i32
      %add3A_570 = arith.addi %add3A_568, %add3A_569 : i32
      %get3A_571 = arith.index_cast %add3A_570 : i32 to index
      %get3A_572 = tpu.vector_load %arg6[%get3A_571] {strides = array<i32>} : memref<114688xf32, #tpu.memory_space<vmem>>, vector<16xf32>,
      %max3A_573 = arith.maximumf %max3A, %get3A_572 : vector<16xf32>
      %add3A_574 = arith.constant 128 : i32
      %add3A_575 = arith.addi %add3A_528, %add3A_574 : i32
      %add3A_576 = arith.constant 16 : i32
      %add3A_577 = arith.addi %add3A_575, %add3A_576 : i32
      %get3A_578 = arith.index_cast %add3A_577 : i32 to index
      %get3A_579 = tpu.vector_load %arg6[%get3A_578] {strides = array<i32>} : memref<114688xf32, #tpu.memory_space<vmem>>, vector<16xf32>,
      %max3A_580 = arith.maximumf %max3A_536, %get3A_579 : vector<16xf32>
      %add3A_581 = arith.constant 128 : i32
      %add3A_582 = arith.addi %add3A_528, %add3A_581 : i32
      %add3A_583 = arith.constant 32 : i32
      %add3A_584 = arith.addi %add3A_582, %add3A_583 : i32
      %get3A_585 = arith.index_cast %add3A_584 : i32 to index
      %get3A_586 = tpu.vector_load %arg6[%get3A_585] {strides = array<i32>} : memref<114688xf32, #tpu.memory_space<vmem>>, vector<16xf32>,
      %max3A_587 = arith.maximumf %max3A_541, %get3A_586 : vector<16xf32>
      %add3A_588 = arith.constant 128 : i32
      %add3A_589 = arith.addi %add3A_528, %add3A_588 : i32
      %add3A_590 = arith.constant 48 : i32
      %add3A_591 = arith.addi %add3A_589, %add3A_590 : i32
      %get3A_592 = arith.index_cast %add3A_591 : i32 to index
      %get3A_593 = tpu.vector_load %arg6[%get3A_592] {strides = array<i32>} : memref<114688xf32, #tpu.memory_space<vmem>>, vector<16xf32>,
      %max3A_594 = arith.maximumf %max3A_546, %get3A_593 : vector<16xf32>
      %add3A_595 = arith.constant 128 : i32
      %add3A_596 = arith.addi %add3A_528, %add3A_595 : i32
      %add3A_597 = arith.constant 64 : i32
      %add3A_598 = arith.addi %add3A_596, %add3A_597 : i32
      %get3A_599 = arith.index_cast %add3A_598 : i32 to index
      %get3A_600 = tpu.vector_load %arg6[%get3A_599] {strides = array<i32>} : memref<114688xf32, #tpu.memory_space<vmem>>, vector<16xf32>,
      %max3A_601 = arith.maximumf %max3A_551, %get3A_600 : vector<16xf32>
      %add3A_602 = arith.constant 128 : i32
      %add3A_603 = arith.addi %add3A_528, %add3A_602 : i32
      %add3A_604 = arith.constant 80 : i32
      %add3A_605 = arith.addi %add3A_603, %add3A_604 : i32
      %get3A_606 = arith.index_cast %add3A_605 : i32 to index
      %get3A_607 = tpu.vector_load %arg6[%get3A_606] {strides = array<i32>} : memref<114688xf32, #tpu.memory_space<vmem>>, vector<16xf32>,
      %max3A_608 = arith.maximumf %max3A_556, %get3A_607 : vector<16xf32>
      %add3A_609 = arith.constant 128 : i32
      %add3A_610 = arith.addi %add3A_528, %add3A_609 : i32
      %add3A_611 = arith.constant 96 : i32
      %add3A_612 = arith.addi %add3A_610, %add3A_611 : i32
      %get3A_613 = arith.index_cast %add3A_612 : i32 to index
      %get3A_614 = tpu.vector_load %arg6[%get3A_613] {strides = array<i32>} : memref<114688xf32, #tpu.memory_space<vmem>>, vector<16xf32>,
      %max3A_615 = arith.maximumf %max3A_561, %get3A_614 : vector<16xf32>
      %add3A_616 = arith.constant 128 : i32
      %add3A_617 = arith.addi %add3A_528, %add3A_616 : i32
      %add3A_618 = arith.constant 112 : i32
      %add3A_619 = arith.addi %add3A_617, %add3A_618 : i32
      %get3A_620 = arith.index_cast %add3A_619 : i32 to index
      %get3A_621 = tpu.vector_load %arg6[%get3A_620] {strides = array<i32>} : memref<114688xf32, #tpu.memory_space<vmem>>, vector<16xf32>,
      %max3A_622 = arith.maximumf %max3A_566, %get3A_621 : vector<16xf32>
      scf.yield %max3A_573, %max3A_580, %max3A_587, %max3A_594, %max3A_601, %max3A_608, %max3A_615, %max3A_622 : vector<16xf32>, vector<16xf32>, vector<16xf32>, vector<16xf32>, vector<16xf32>, vector<16xf32>, vector<16xf32>, vector<16xf32>
    }
    %scan3A_344 = arith.constant 64 : i32
    %swap3A_345 = arith.constant 640 : index
    %swap3A_346 = tpu.vector_load %arg7[%swap3A_345] {strides = array<i32>} : memref<896xf32, #tpu.memory_space<vmem>>, vector<16xf32>,
    tpu.vector_store %arg7[%swap3A_345], %scan3A_343#0 {strides = array<i32>} : memref<896xf32, #tpu.memory_space<vmem>>, vector<16xf32>,
    %swap3A_347 = arith.constant 656 : index
    %swap3A_348 = tpu.vector_load %arg7[%swap3A_347] {strides = array<i32>} : memref<896xf32, #tpu.memory_space<vmem>>, vector<16xf32>,
    tpu.vector_store %arg7[%swap3A_347], %scan3A_343#1 {strides = array<i32>} : memref<896xf32, #tpu.memory_space<vmem>>, vector<16xf32>,
    %swap3A_349 = arith.constant 672 : index
    %swap3A_350 = tpu.vector_load %arg7[%swap3A_349] {strides = array<i32>} : memref<896xf32, #tpu.memory_space<vmem>>, vector<16xf32>,
    tpu.vector_store %arg7[%swap3A_349], %scan3A_343#2 {strides = array<i32>} : memref<896xf32, #tpu.memory_space<vmem>>, vector<16xf32>,
    %swap3A_351 = arith.constant 688 : index
    %swap3A_352 = tpu.vector_load %arg7[%swap3A_351] {strides = array<i32>} : memref<896xf32, #tpu.memory_space<vmem>>, vector<16xf32>,
    tpu.vector_store %arg7[%swap3A_351], %scan3A_343#3 {strides = array<i32>} : memref<896xf32, #tpu.memory_space<vmem>>, vector<16xf32>,
    %swap3A_353 = arith.constant 704 : index
    %swap3A_354 = tpu.vector_load %arg7[%swap3A_353] {strides = array<i32>} : memref<896xf32, #tpu.memory_space<vmem>>, vector<16xf32>,
    tpu.vector_store %arg7[%swap3A_353], %scan3A_343#4 {strides = array<i32>} : memref<896xf32, #tpu.memory_space<vmem>>, vector<16xf32>,
    %swap3A_355 = arith.constant 720 : index
    %swap3A_356 = tpu.vector_load %arg7[%swap3A_355] {strides = array<i32>} : memref<896xf32, #tpu.memory_space<vmem>>, vector<16xf32>,
    tpu.vector_store %arg7[%swap3A_355], %scan3A_343#5 {strides = array<i32>} : memref<896xf32, #tpu.memory_space<vmem>>, vector<16xf32>,
    %swap3A_357 = arith.constant 736 : index
    %swap3A_358 = tpu.vector_load %arg7[%swap3A_357] {strides = array<i32>} : memref<896xf32, #tpu.memory_space<vmem>>, vector<16xf32>,
    tpu.vector_store %arg7[%swap3A_357], %scan3A_343#6 {strides = array<i32>} : memref<896xf32, #tpu.memory_space<vmem>>, vector<16xf32>,
    %swap3A_359 = arith.constant 752 : index
    %swap3A_360 = tpu.vector_load %arg7[%swap3A_359] {strides = array<i32>} : memref<896xf32, #tpu.memory_space<vmem>>, vector<16xf32>,
    tpu.vector_store %arg7[%swap3A_359], %scan3A_343#7 {strides = array<i32>} : memref<896xf32, #tpu.memory_space<vmem>>, vector<16xf32>,
    %dma_wait3A_361 = arith.constant 98304 : i32
    %dma_wait3A_362 = tpu.memref_slice %arg6[%dma_wait3A_361] : memref<114688xf32, #tpu.memory_space<vmem>> -> memref<1536xf32, #tpu.memory_space<vmem>>
    %dma_wait3A_363 = arith.constant 98304 : i32
    %dma_wait3A_364 = tpu.memref_slice %arg2[%add3A, %dma_wait3A_363] : memref<64x100000xf32, #tpu.memory_space<hbm>> -> memref<1x1536xf32, #tpu.memory_space<hbm>>
    %dma_wait3A_365 = tpu.memref_squeeze %dma_wait3A_364 : memref<1x1536xf32, #tpu.memory_space<hbm>> -> memref<1536xf32, #tpu.memory_space<hbm>>
    %dma_wait3A_366 = arith.constant 98304 : i32
    %dma_wait3A_367 = tpu.memref_slice %arg6[%dma_wait3A_366] : memref<114688xf32, #tpu.memory_space<vmem>> -> memref<1536xf32, #tpu.memory_space<vmem>>
    %dma_wait3A_368 = arith.constant 98304 : i32
    %dma_wait3A_369 = tpu.memref_slice %arg2[%add3A, %dma_wait3A_368] : memref<64x100000xf32, #tpu.memory_space<hbm>> -> memref<1x1536xf32, #tpu.memory_space<hbm>>
    %dma_wait3A_370 = tpu.memref_squeeze %dma_wait3A_369 : memref<1x1536xf32, #tpu.memory_space<hbm>> -> memref<1536xf32, #tpu.memory_space<hbm>>
    tpu.wait_dma2 semaphore(%arg11 : memref<!tpu.dma_semaphore, #tpu.memory_space<semaphore_mem>>) src(%dma_wait3A_370 : memref<1536xf32, #tpu.memory_space<hbm>>) dst(%dma_wait3A_367 : memref<1536xf32, #tpu.memory_space<vmem>>)
    %broadcast_in_dim3A_371 = arith.constant 0xFF800000 : f32
    %broadcast_in_dim3A_372 = vector.broadcast %broadcast_in_dim3A_371 : f32 to vector<16xf32>
    %broadcast_in_dim3A_373 = arith.constant 0xFF800000 : f32
    %broadcast_in_dim3A_374 = vector.broadcast %broadcast_in_dim3A_373 : f32 to vector<16xf32>
    %broadcast_in_dim3A_375 = arith.constant 0xFF800000 : f32
    %broadcast_in_dim3A_376 = vector.broadcast %broadcast_in_dim3A_375 : f32 to vector<16xf32>
    %broadcast_in_dim3A_377 = arith.constant 0xFF800000 : f32
    %broadcast_in_dim3A_378 = vector.broadcast %broadcast_in_dim3A_377 : f32 to vector<16xf32>
    %broadcast_in_dim3A_379 = arith.constant 0xFF800000 : f32
    %broadcast_in_dim3A_380 = vector.broadcast %broadcast_in_dim3A_379 : f32 to vector<16xf32>
    %broadcast_in_dim3A_381 = arith.constant 0xFF800000 : f32
    %broadcast_in_dim3A_382 = vector.broadcast %broadcast_in_dim3A_381 : f32 to vector<16xf32>
    %broadcast_in_dim3A_383 = arith.constant 0xFF800000 : f32
    %broadcast_in_dim3A_384 = vector.broadcast %broadcast_in_dim3A_383 : f32 to vector<16xf32>
    %broadcast_in_dim3A_385 = arith.constant 0xFF800000 : f32
    %broadcast_in_dim3A_386 = vector.broadcast %broadcast_in_dim3A_385 : f32 to vector<16xf32>
    %scan3A_387 = arith.constant 0 : i32
    %scan3A_388 = arith.constant 64 : i32
    %scan3A_389 = arith.addi %scan3A_387, %scan3A_388 : i32
    %scan3A_390 = arith.constant 1 : i32
    %scan3A_391:8 = scf.for %scan3A_516 = %scan3A_387 to %scan3A_389 step %scan3A_390 iter_args(%scan3A_517 = %broadcast_in_dim3A_372, %scan3A_518 = %broadcast_in_dim3A_374, %scan3A_519 = %broadcast_in_dim3A_376, %scan3A_520 = %broadcast_in_dim3A_378, %scan3A_521 = %broadcast_in_dim3A_380, %scan3A_522 = %broadcast_in_dim3A_382, %scan3A_523 = %broadcast_in_dim3A_384, %scan3A_524 = %broadcast_in_dim3A_386) -> (vector<16xf32>, vector<16xf32>, vector<16xf32>, vector<16xf32>, vector<16xf32>, vector<16xf32>, vector<16xf32>, vector<16xf32>)  : i32 {
      %mul3A_525 = arith.constant 256 : i32
      %mul3A_526 = arith.muli %scan3A_516, %mul3A_525 : i32
      %add3A_527 = arith.constant 98304 : i32
      %add3A_528 = arith.addi %add3A_527, %mul3A_526 : i32
      %add3A_529 = arith.constant 0 : i32
      %add3A_530 = arith.addi %add3A_528, %add3A_529 : i32
      %get3A = arith.index_cast %add3A_530 : i32 to index
      %get3A_531 = tpu.vector_load %arg6[%get3A] {strides = array<i32>} : memref<114688xf32, #tpu.memory_space<vmem>>, vector<16xf32>,
      %max3A = arith.maximumf %scan3A_517, %get3A_531 : vector<16xf32>
      %add3A_532 = arith.constant 16 : i32
      %add3A_533 = arith.addi %add3A_528, %add3A_532 : i32
      %get3A_534 = arith.index_cast %add3A_533 : i32 to index
      %get3A_535 = tpu.vector_load %arg6[%get3A_534] {strides = array<i32>} : memref<114688xf32, #tpu.memory_space<vmem>>, vector<16xf32>,
      %max3A_536 = arith.maximumf %scan3A_518, %get3A_535 : vector<16xf32>
      %add3A_537 = arith.constant 32 : i32
      %add3A_538 = arith.addi %add3A_528, %add3A_537 : i32
      %get3A_539 = arith.index_cast %add3A_538 : i32 to index
      %get3A_540 = tpu.vector_load %arg6[%get3A_539] {strides = array<i32>} : memref<114688xf32, #tpu.memory_space<vmem>>, vector<16xf32>,
      %max3A_541 = arith.maximumf %scan3A_519, %get3A_540 : vector<16xf32>
      %add3A_542 = arith.constant 48 : i32
      %add3A_543 = arith.addi %add3A_528, %add3A_542 : i32
      %get3A_544 = arith.index_cast %add3A_543 : i32 to index
      %get3A_545 = tpu.vector_load %arg6[%get3A_544] {strides = array<i32>} : memref<114688xf32, #tpu.memory_space<vmem>>, vector<16xf32>,
      %max3A_546 = arith.maximumf %scan3A_520, %get3A_545 : vector<16xf32>
      %add3A_547 = arith.constant 64 : i32
      %add3A_548 = arith.addi %add3A_528, %add3A_547 : i32
      %get3A_549 = arith.index_cast %add3A_548 : i32 to index
      %get3A_550 = tpu.vector_load %arg6[%get3A_549] {strides = array<i32>} : memref<114688xf32, #tpu.memory_space<vmem>>, vector<16xf32>,
      %max3A_551 = arith.maximumf %scan3A_521, %get3A_550 : vector<16xf32>
      %add3A_552 = arith.constant 80 : i32
      %add3A_553 = arith.addi %add3A_528, %add3A_552 : i32
      %get3A_554 = arith.index_cast %add3A_553 : i32 to index
      %get3A_555 = tpu.vector_load %arg6[%get3A_554] {strides = array<i32>} : memref<114688xf32, #tpu.memory_space<vmem>>, vector<16xf32>,
      %max3A_556 = arith.maximumf %scan3A_522, %get3A_555 : vector<16xf32>
      %add3A_557 = arith.constant 96 : i32
      %add3A_558 = arith.addi %add3A_528, %add3A_557 : i32
      %get3A_559 = arith.index_cast %add3A_558 : i32 to index
      %get3A_560 = tpu.vector_load %arg6[%get3A_559] {strides = array<i32>} : memref<114688xf32, #tpu.memory_space<vmem>>, vector<16xf32>,
      %max3A_561 = arith.maximumf %scan3A_523, %get3A_560 : vector<16xf32>
      %add3A_562 = arith.constant 112 : i32
      %add3A_563 = arith.addi %add3A_528, %add3A_562 : i32
      %get3A_564 = arith.index_cast %add3A_563 : i32 to index
      %get3A_565 = tpu.vector_load %arg6[%get3A_564] {strides = array<i32>} : memref<114688xf32, #tpu.memory_space<vmem>>, vector<16xf32>,
      %max3A_566 = arith.maximumf %scan3A_524, %get3A_565 : vector<16xf32>
      %add3A_567 = arith.constant 128 : i32
      %add3A_568 = arith.addi %add3A_528, %add3A_567 : i32
      %add3A_569 = arith.constant 0 : i32
      %add3A_570 = arith.addi %add3A_568, %add3A_569 : i32
      %get3A_571 = arith.index_cast %add3A_570 : i32 to index
      %get3A_572 = tpu.vector_load %arg6[%get3A_571] {strides = array<i32>} : memref<114688xf32, #tpu.memory_space<vmem>>, vector<16xf32>,
      %max3A_573 = arith.maximumf %max3A, %get3A_572 : vector<16xf32>
      %add3A_574 = arith.constant 128 : i32
      %add3A_575 = arith.addi %add3A_528, %add3A_574 : i32
      %add3A_576 = arith.constant 16 : i32
      %add3A_577 = arith.addi %add3A_575, %add3A_576 : i32
      %get3A_578 = arith.index_cast %add3A_577 : i32 to index
      %get3A_579 = tpu.vector_load %arg6[%get3A_578] {strides = array<i32>} : memref<114688xf32, #tpu.memory_space<vmem>>, vector<16xf32>,
      %max3A_580 = arith.maximumf %max3A_536, %get3A_579 : vector<16xf32>
      %add3A_581 = arith.constant 128 : i32
      %add3A_582 = arith.addi %add3A_528, %add3A_581 : i32
      %add3A_583 = arith.constant 32 : i32
      %add3A_584 = arith.addi %add3A_582, %add3A_583 : i32
      %get3A_585 = arith.index_cast %add3A_584 : i32 to index
      %get3A_586 = tpu.vector_load %arg6[%get3A_585] {strides = array<i32>} : memref<114688xf32, #tpu.memory_space<vmem>>, vector<16xf32>,
      %max3A_587 = arith.maximumf %max3A_541, %get3A_586 : vector<16xf32>
      %add3A_588 = arith.constant 128 : i32
      %add3A_589 = arith.addi %add3A_528, %add3A_588 : i32
      %add3A_590 = arith.constant 48 : i32
      %add3A_591 = arith.addi %add3A_589, %add3A_590 : i32
      %get3A_592 = arith.index_cast %add3A_591 : i32 to index
      %get3A_593 = tpu.vector_load %arg6[%get3A_592] {strides = array<i32>} : memref<114688xf32, #tpu.memory_space<vmem>>, vector<16xf32>,
      %max3A_594 = arith.maximumf %max3A_546, %get3A_593 : vector<16xf32>
      %add3A_595 = arith.constant 128 : i32
      %add3A_596 = arith.addi %add3A_528, %add3A_595 : i32
      %add3A_597 = arith.constant 64 : i32
      %add3A_598 = arith.addi %add3A_596, %add3A_597 : i32
      %get3A_599 = arith.index_cast %add3A_598 : i32 to index
      %get3A_600 = tpu.vector_load %arg6[%get3A_599] {strides = array<i32>} : memref<114688xf32, #tpu.memory_space<vmem>>, vector<16xf32>,
      %max3A_601 = arith.maximumf %max3A_551, %get3A_600 : vector<16xf32>
      %add3A_602 = arith.constant 128 : i32
      %add3A_603 = arith.addi %add3A_528, %add3A_602 : i32
      %add3A_604 = arith.constant 80 : i32
      %add3A_605 = arith.addi %add3A_603, %add3A_604 : i32
      %get3A_606 = arith.index_cast %add3A_605 : i32 to index
      %get3A_607 = tpu.vector_load %arg6[%get3A_606] {strides = array<i32>} : memref<114688xf32, #tpu.memory_space<vmem>>, vector<16xf32>,
      %max3A_608 = arith.maximumf %max3A_556, %get3A_607 : vector<16xf32>
      %add3A_609 = arith.constant 128 : i32
      %add3A_610 = arith.addi %add3A_528, %add3A_609 : i32
      %add3A_611 = arith.constant 96 : i32
      %add3A_612 = arith.addi %add3A_610, %add3A_611 : i32
      %get3A_613 = arith.index_cast %add3A_612 : i32 to index
      %get3A_614 = tpu.vector_load %arg6[%get3A_613] {strides = array<i32>} : memref<114688xf32, #tpu.memory_space<vmem>>, vector<16xf32>,
      %max3A_615 = arith.maximumf %max3A_561, %get3A_614 : vector<16xf32>
      %add3A_616 = arith.constant 128 : i32
      %add3A_617 = arith.addi %add3A_528, %add3A_616 : i32
      %add3A_618 = arith.constant 112 : i32
      %add3A_619 = arith.addi %add3A_617, %add3A_618 : i32
      %get3A_620 = arith.index_cast %add3A_619 : i32 to index
      %get3A_621 = tpu.vector_load %arg6[%get3A_620] {strides = array<i32>} : memref<114688xf32, #tpu.memory_space<vmem>>, vector<16xf32>,
      %max3A_622 = arith.maximumf %max3A_566, %get3A_621 : vector<16xf32>
      scf.yield %max3A_573, %max3A_580, %max3A_587, %max3A_594, %max3A_601, %max3A_608, %max3A_615, %max3A_622 : vector<16xf32>, vector<16xf32>, vector<16xf32>, vector<16xf32>, vector<16xf32>, vector<16xf32>, vector<16xf32>, vector<16xf32>
    }
    %scan3A_392 = arith.constant 64 : i32
    %swap3A_393 = arith.constant 768 : index
    %swap3A_394 = tpu.vector_load %arg7[%swap3A_393] {strides = array<i32>} : memref<896xf32, #tpu.memory_space<vmem>>, vector<16xf32>,
    tpu.vector_store %arg7[%swap3A_393], %scan3A_391#0 {strides = array<i32>} : memref<896xf32, #tpu.memory_space<vmem>>, vector<16xf32>,
    %swap3A_395 = arith.constant 784 : index
    %swap3A_396 = tpu.vector_load %arg7[%swap3A_395] {strides = array<i32>} : memref<896xf32, #tpu.memory_space<vmem>>, vector<16xf32>,
    tpu.vector_store %arg7[%swap3A_395], %scan3A_391#1 {strides = array<i32>} : memref<896xf32, #tpu.memory_space<vmem>>, vector<16xf32>,
    %swap3A_397 = arith.constant 800 : index
    %swap3A_398 = tpu.vector_load %arg7[%swap3A_397] {strides = array<i32>} : memref<896xf32, #tpu.memory_space<vmem>>, vector<16xf32>,
    tpu.vector_store %arg7[%swap3A_397], %scan3A_391#2 {strides = array<i32>} : memref<896xf32, #tpu.memory_space<vmem>>, vector<16xf32>,
    %swap3A_399 = arith.constant 816 : index
    %swap3A_400 = tpu.vector_load %arg7[%swap3A_399] {strides = array<i32>} : memref<896xf32, #tpu.memory_space<vmem>>, vector<16xf32>,
    tpu.vector_store %arg7[%swap3A_399], %scan3A_391#3 {strides = array<i32>} : memref<896xf32, #tpu.memory_space<vmem>>, vector<16xf32>,
    %swap3A_401 = arith.constant 832 : index
    %swap3A_402 = tpu.vector_load %arg7[%swap3A_401] {strides = array<i32>} : memref<896xf32, #tpu.memory_space<vmem>>, vector<16xf32>,
    tpu.vector_store %arg7[%swap3A_401], %scan3A_391#4 {strides = array<i32>} : memref<896xf32, #tpu.memory_space<vmem>>, vector<16xf32>,
    %swap3A_403 = arith.constant 848 : index
    %swap3A_404 = tpu.vector_load %arg7[%swap3A_403] {strides = array<i32>} : memref<896xf32, #tpu.memory_space<vmem>>, vector<16xf32>,
    tpu.vector_store %arg7[%swap3A_403], %scan3A_391#5 {strides = array<i32>} : memref<896xf32, #tpu.memory_space<vmem>>, vector<16xf32>,
    %swap3A_405 = arith.constant 864 : index
    %swap3A_406 = tpu.vector_load %arg7[%swap3A_405] {strides = array<i32>} : memref<896xf32, #tpu.memory_space<vmem>>, vector<16xf32>,
    tpu.vector_store %arg7[%swap3A_405], %scan3A_391#6 {strides = array<i32>} : memref<896xf32, #tpu.memory_space<vmem>>, vector<16xf32>,
    %swap3A_407 = arith.constant 880 : index
    %swap3A_408 = tpu.vector_load %arg7[%swap3A_407] {strides = array<i32>} : memref<896xf32, #tpu.memory_space<vmem>>, vector<16xf32>,
    tpu.vector_store %arg7[%swap3A_407], %scan3A_391#7 {strides = array<i32>} : memref<896xf32, #tpu.memory_space<vmem>>, vector<16xf32>,
    %eq3A = arith.constant 0 : i32
    %eq3A_409 = vector.broadcast %eq3A : i32 to vector<16xi32>
    %eq3A_410 = arith.cmpi eq, %iota3A, %eq3A_409 : vector<16xi32>
    %broadcast_in_dim3A_411 = vector.broadcast %add3A : i32 to vector<16xi32>
    %gather3A = tpu.vector_load_idx %arg9[%broadcast_in_dim3A_411] : memref<64xi32, #tpu.memory_space<vmem>>[vector<16xi32>], vector<16xi32>,
    %reduce_max3A = arith.constant true
    %reduce_max3A_412 = vector.broadcast %reduce_max3A : i1 to vector<16xi1>
    %reduce_max3A_413 = arith.constant -2147483648 : i32
    %reduce_max3A_414 = vector.broadcast %reduce_max3A_413 : i32 to vector<16xi32>
    %reduce_max3A_415 = arith.xori %gather3A, %reduce_max3A_414 : vector<16xi32>
    %reduce_max3A_416 = tpu.scan <max>, %reduce_max3A_415 masked %reduce_max3A_412 : vector<16xi32>, vector<16xi1> -> vector<16xi32>
    %reduce_max3A_417 = arith.xori %reduce_max3A_416, %reduce_max3A_414 : vector<16xi32>
    %reduce_max3A_418 = vector.extract %reduce_max3A_417[15] : i32 from vector<16xi32>
    %jit3A = arith.constant 16384 : i32
    %div3A = arith.divsi %reduce_max3A_418, %jit3A : i32
    %sign3A = arith.constant 0 : i32
    %sign3A_419 = arith.cmpi sgt, %reduce_max3A_418, %sign3A : i32
    %sign3A_420 = arith.extui %sign3A_419 : i1 to i32
    %sign3A_421 = arith.constant 0 : i32
    %sign3A_422 = arith.cmpi slt, %reduce_max3A_418, %sign3A_421 : i32
    %sign3A_423 = arith.extui %sign3A_422 : i1 to i32
    %sign3A_424 = arith.subi %sign3A_420, %sign3A_423 : i32
    %sign3A_425 = arith.constant 0 : i32
    %sign3A_426 = arith.cmpi sgt, %jit3A, %sign3A_425 : i32
    %sign3A_427 = arith.extui %sign3A_426 : i1 to i32
    %sign3A_428 = arith.constant 0 : i32
    %sign3A_429 = arith.cmpi slt, %jit3A, %sign3A_428 : i32
    %sign3A_430 = arith.extui %sign3A_429 : i1 to i32
    %sign3A_431 = arith.subi %sign3A_427, %sign3A_430 : i32
    %ne3A = arith.cmpi ne, %sign3A_424, %sign3A_431 : i32
    %rem3A = arith.remsi %reduce_max3A_418, %jit3A : i32
    %ne3A_432 = arith.constant 0 : i32
    %ne3A_433 = arith.cmpi ne, %rem3A, %ne3A_432 : i32
    %and3A = arith.andi %ne3A, %ne3A_433 : i1
    %sub3A = arith.constant 1 : i32
    %sub3A_434 = arith.subi %div3A, %sub3A : i32
    %select_n3A = arith.select %and3A, %sub3A_434, %div3A : i32
    %mul3A_435 = arith.constant 128 : i32
    %mul3A_436 = arith.muli %select_n3A, %mul3A_435 : i32
    %jit3A_437 = arith.constant 128 : i32
    %eq3A_438 = arith.constant 0 : i32
    %eq3A_439 = arith.cmpi eq, %jit3A_437, %eq3A_438 : i32
    %jit3A_440 = arith.constant 1 : i32
    %select_n3A_441 = arith.select %eq3A_439, %jit3A_440, %jit3A_437 : i32
    %rem3A_442 = arith.remsi %reduce_max3A_418, %select_n3A_441 : i32
    %ne3A_443 = arith.constant 0 : i32
    %ne3A_444 = arith.cmpi ne, %rem3A_442, %ne3A_443 : i32
    %lt3A = arith.constant 0 : i32
    %lt3A_445 = arith.cmpi slt, %rem3A_442, %lt3A : i32
    %lt3A_446 = arith.constant 0 : i32
    %lt3A_447 = arith.cmpi slt, %select_n3A_441, %lt3A_446 : i32
    %ne3A_448 = arith.xori %lt3A_445, %lt3A_447 : i1
    %and3A_449 = arith.andi %ne3A_448, %ne3A_444 : i1
    %add3A_450 = arith.addi %rem3A_442, %select_n3A_441 : i32
    %select_n3A_451 = arith.select %and3A_449, %add3A_450, %rem3A_442 : i32
    %add3A_452 = arith.addi %mul3A_436, %select_n3A_451 : i32
    %broadcast_in_dim3A_453 = vector.broadcast %add3A_452 : i32 to vector<16xi32>
    %broadcast_in_dim3A_454 = arith.constant 0xFF800000 : f32
    %broadcast_in_dim3A_455 = vector.broadcast %broadcast_in_dim3A_454 : f32 to vector<16xf32>
    tpu.vector_store_idx %arg7[%broadcast_in_dim3A_453], %broadcast_in_dim3A_455 masked %eq3A_410 : memref<896xf32, #tpu.memory_space<vmem>>[vector<16xi32>], vector<16xf32>, vector<16xi1>
    %broadcast_in_dim3A_456 = arith.constant 11 : i32
    %broadcast_in_dim3A_457 = vector.broadcast %broadcast_in_dim3A_456 : i32 to vector<16xi32>
    %broadcast_in_dim3A_458 = vector.broadcast %add3A_452 : i32 to vector<16xi32>
    tpu.vector_store_idx %arg8[%broadcast_in_dim3A_457], %broadcast_in_dim3A_458 masked %eq3A_410 : memref<16xi32, #tpu.memory_space<vmem>>[vector<16xi32>], vector<16xi32>, vector<16xi1>
    %scan3A_459 = arith.constant 0 : i32
    %scan3A_460 = arith.constant 0 : i32
    %scan3A_461 = arith.constant 11 : i32
    %scan3A_462 = arith.addi %scan3A_460, %scan3A_461 : i32
    %scan3A_463 = arith.constant 1 : i32
    %scan3A_464 = scf.for %scan3A_516 = %scan3A_460 to %scan3A_462 step %scan3A_463 iter_args(%scan3A_517 = %scan3A_459) -> (i32)  : i32 {
      %broadcast_in_dim3A_518 = arith.constant 0xFF800000 : f32
      %broadcast_in_dim3A_519 = vector.broadcast %broadcast_in_dim3A_518 : f32 to vector<16xf32>
      %broadcast_in_dim3A_520 = arith.constant 0xFF800000 : f32
      %broadcast_in_dim3A_521 = vector.broadcast %broadcast_in_dim3A_520 : f32 to vector<16xf32>
      %broadcast_in_dim3A_522 = arith.constant 0xFF800000 : f32
      %broadcast_in_dim3A_523 = vector.broadcast %broadcast_in_dim3A_522 : f32 to vector<16xf32>
      %broadcast_in_dim3A_524 = arith.constant 0xFF800000 : f32
      %broadcast_in_dim3A_525 = vector.broadcast %broadcast_in_dim3A_524 : f32 to vector<16xf32>
      %broadcast_in_dim3A_526 = arith.constant 0xFF800000 : f32
      %broadcast_in_dim3A_527 = vector.broadcast %broadcast_in_dim3A_526 : f32 to vector<16xf32>
      %broadcast_in_dim3A_528 = arith.constant 0xFF800000 : f32
      %broadcast_in_dim3A_529 = vector.broadcast %broadcast_in_dim3A_528 : f32 to vector<16xf32>
      %broadcast_in_dim3A_530 = arith.constant 0xFF800000 : f32
      %broadcast_in_dim3A_531 = vector.broadcast %broadcast_in_dim3A_530 : f32 to vector<16xf32>
      %broadcast_in_dim3A_532 = arith.constant 0xFF800000 : f32
      %broadcast_in_dim3A_533 = vector.broadcast %broadcast_in_dim3A_532 : f32 to vector<16xf32>
      %scan3A_534 = arith.constant 0 : i32
      %scan3A_535 = arith.constant 7 : i32
      %scan3A_536 = arith.addi %scan3A_534, %scan3A_535 : i32
      %scan3A_537 = arith.constant 1 : i32
      %scan3A_538:8 = scf.for %scan3A_591 = %scan3A_534 to %scan3A_536 step %scan3A_537 iter_args(%scan3A_592 = %broadcast_in_dim3A_519, %scan3A_593 = %broadcast_in_dim3A_521, %scan3A_594 = %broadcast_in_dim3A_523, %scan3A_595 = %broadcast_in_dim3A_525, %scan3A_596 = %broadcast_in_dim3A_527, %scan3A_597 = %broadcast_in_dim3A_529, %scan3A_598 = %broadcast_in_dim3A_531, %scan3A_599 = %broadcast_in_dim3A_533) -> (vector<16xf32>, vector<16xf32>, vector<16xf32>, vector<16xf32>, vector<16xf32>, vector<16xf32>, vector<16xf32>, vector<16xf32>)  : i32 {
        %mul3A_600 = arith.constant 8 : i32
        %mul3A_601 = arith.muli %scan3A_591, %mul3A_600 : i32
        %add3A_602 = arith.constant 0 : i32
        %add3A_603 = arith.addi %mul3A_601, %add3A_602 : i32
        %mul3A_604 = arith.constant 16 : i32
        %mul3A_605 = arith.muli %add3A_603, %mul3A_604 : i32
        %get3A = arith.index_cast %mul3A_605 : i32 to index
        %get3A_606 = tpu.vector_load %arg7[%get3A] {strides = array<i32>} : memref<896xf32, #tpu.memory_space<vmem>>, vector<16xf32>,
        %max3A_607 = arith.maximumf %scan3A_592, %get3A_606 : vector<16xf32>
        %mul3A_608 = arith.constant 8 : i32
        %mul3A_609 = arith.muli %scan3A_591, %mul3A_608 : i32
        %add3A_610 = arith.constant 1 : i32
        %add3A_611 = arith.addi %mul3A_609, %add3A_610 : i32
        %mul3A_612 = arith.constant 16 : i32
        %mul3A_613 = arith.muli %add3A_611, %mul3A_612 : i32
        %get3A_614 = arith.index_cast %mul3A_613 : i32 to index
        %get3A_615 = tpu.vector_load %arg7[%get3A_614] {strides = array<i32>} : memref<896xf32, #tpu.memory_space<vmem>>, vector<16xf32>,
        %max3A_616 = arith.maximumf %scan3A_593, %get3A_615 : vector<16xf32>
        %mul3A_617 = arith.constant 8 : i32
        %mul3A_618 = arith.muli %scan3A_591, %mul3A_617 : i32
        %add3A_619 = arith.constant 2 : i32
        %add3A_620 = arith.addi %mul3A_618, %add3A_619 : i32
        %mul3A_621 = arith.constant 16 : i32
        %mul3A_622 = arith.muli %add3A_620, %mul3A_621 : i32
        %get3A_623 = arith.index_cast %mul3A_622 : i32 to index
        %get3A_624 = tpu.vector_load %arg7[%get3A_623] {strides = array<i32>} : memref<896xf32, #tpu.memory_space<vmem>>, vector<16xf32>,
        %max3A_625 = arith.maximumf %scan3A_594, %get3A_624 : vector<16xf32>
        %mul3A_626 = arith.constant 8 : i32
        %mul3A_627 = arith.muli %scan3A_591, %mul3A_626 : i32
        %add3A_628 = arith.constant 3 : i32
        %add3A_629 = arith.addi %mul3A_627, %add3A_628 : i32
        %mul3A_630 = arith.constant 16 : i32
        %mul3A_631 = arith.muli %add3A_629, %mul3A_630 : i32
        %get3A_632 = arith.index_cast %mul3A_631 : i32 to index
        %get3A_633 = tpu.vector_load %arg7[%get3A_632] {strides = array<i32>} : memref<896xf32, #tpu.memory_space<vmem>>, vector<16xf32>,
        %max3A_634 = arith.maximumf %scan3A_595, %get3A_633 : vector<16xf32>
        %mul3A_635 = arith.constant 8 : i32
        %mul3A_636 = arith.muli %scan3A_591, %mul3A_635 : i32
        %add3A_637 = arith.constant 4 : i32
        %add3A_638 = arith.addi %mul3A_636, %add3A_637 : i32
        %mul3A_639 = arith.constant 16 : i32
        %mul3A_640 = arith.muli %add3A_638, %mul3A_639 : i32
        %get3A_641 = arith.index_cast %mul3A_640 : i32 to index
        %get3A_642 = tpu.vector_load %arg7[%get3A_641] {strides = array<i32>} : memref<896xf32, #tpu.memory_space<vmem>>, vector<16xf32>,
        %max3A_643 = arith.maximumf %scan3A_596, %get3A_642 : vector<16xf32>
        %mul3A_644 = arith.constant 8 : i32
        %mul3A_645 = arith.muli %scan3A_591, %mul3A_644 : i32
        %add3A_646 = arith.constant 5 : i32
        %add3A_647 = arith.addi %mul3A_645, %add3A_646 : i32
        %mul3A_648 = arith.constant 16 : i32
        %mul3A_649 = arith.muli %add3A_647, %mul3A_648 : i32
        %get3A_650 = arith.index_cast %mul3A_649 : i32 to index
        %get3A_651 = tpu.vector_load %arg7[%get3A_650] {strides = array<i32>} : memref<896xf32, #tpu.memory_space<vmem>>, vector<16xf32>,
        %max3A_652 = arith.maximumf %scan3A_597, %get3A_651 : vector<16xf32>
        %mul3A_653 = arith.constant 8 : i32
        %mul3A_654 = arith.muli %scan3A_591, %mul3A_653 : i32
        %add3A_655 = arith.constant 6 : i32
        %add3A_656 = arith.addi %mul3A_654, %add3A_655 : i32
        %mul3A_657 = arith.constant 16 : i32
        %mul3A_658 = arith.muli %add3A_656, %mul3A_657 : i32
        %get3A_659 = arith.index_cast %mul3A_658 : i32 to index
        %get3A_660 = tpu.vector_load %arg7[%get3A_659] {strides = array<i32>} : memref<896xf32, #tpu.memory_space<vmem>>, vector<16xf32>,
        %max3A_661 = arith.maximumf %scan3A_598, %get3A_660 : vector<16xf32>
        %mul3A_662 = arith.constant 8 : i32
        %mul3A_663 = arith.muli %scan3A_591, %mul3A_662 : i32
        %add3A_664 = arith.constant 7 : i32
        %add3A_665 = arith.addi %mul3A_663, %add3A_664 : i32
        %mul3A_666 = arith.constant 16 : i32
        %mul3A_667 = arith.muli %add3A_665, %mul3A_666 : i32
        %get3A_668 = arith.index_cast %mul3A_667 : i32 to index
        %get3A_669 = tpu.vector_load %arg7[%get3A_668] {strides = array<i32>} : memref<896xf32, #tpu.memory_space<vmem>>, vector<16xf32>,
        %max3A_670 = arith.maximumf %scan3A_599, %get3A_669 : vector<16xf32>
        scf.yield %max3A_607, %max3A_616, %max3A_625, %max3A_634, %max3A_643, %max3A_652, %max3A_661, %max3A_670 : vector<16xf32>, vector<16xf32>, vector<16xf32>, vector<16xf32>, vector<16xf32>, vector<16xf32>, vector<16xf32>, vector<16xf32>
      }
      %scan3A_539 = arith.constant 7 : i32
      %max3A = arith.maximumf %scan3A_538#0, %scan3A_538#1 : vector<16xf32>
      %max3A_540 = arith.maximumf %max3A, %scan3A_538#2 : vector<16xf32>
      %max3A_541 = arith.maximumf %max3A_540, %scan3A_538#3 : vector<16xf32>
      %max3A_542 = arith.maximumf %max3A_541, %scan3A_538#4 : vector<16xf32>
      %max3A_543 = arith.maximumf %max3A_542, %scan3A_538#5 : vector<16xf32>
      %max3A_544 = arith.maximumf %max3A_543, %scan3A_538#6 : vector<16xf32>
      %max3A_545 = arith.maximumf %max3A_544, %scan3A_538#7 : vector<16xf32>
      %reduce_max3A_546 = arith.constant true
      %reduce_max3A_547 = vector.broadcast %reduce_max3A_546 : i1 to vector<16xi1>
      %reduce_max3A_548 = tpu.scan <max>, %max3A_545 masked %reduce_max3A_547 : vector<16xf32>, vector<16xi1> -> vector<16xf32>
      %reduce_max3A_549 = vector.extract %reduce_max3A_548[15] : f32 from vector<16xf32>
      %broadcast_in_dim3A_550 = arith.constant 9999 : i32
      %broadcast_in_dim3A_551 = vector.broadcast %broadcast_in_dim3A_550 : i32 to vector<16xi32>
      %broadcast_in_dim3A_552 = arith.constant 9999 : i32
      %broadcast_in_dim3A_553 = vector.broadcast %broadcast_in_dim3A_552 : i32 to vector<16xi32>
      %broadcast_in_dim3A_554 = arith.constant 9999 : i32
      %broadcast_in_dim3A_555 = vector.broadcast %broadcast_in_dim3A_554 : i32 to vector<16xi32>
      %broadcast_in_dim3A_556 = arith.constant 9999 : i32
      %broadcast_in_dim3A_557 = vector.broadcast %broadcast_in_dim3A_556 : i32 to vector<16xi32>
      %broadcast_in_dim3A_558 = arith.constant 9999 : i32
      %broadcast_in_dim3A_559 = vector.broadcast %broadcast_in_dim3A_558 : i32 to vector<16xi32>
      %broadcast_in_dim3A_560 = arith.constant 9999 : i32
      %broadcast_in_dim3A_561 = vector.broadcast %broadcast_in_dim3A_560 : i32 to vector<16xi32>
      %broadcast_in_dim3A_562 = arith.constant 9999 : i32
      %broadcast_in_dim3A_563 = vector.broadcast %broadcast_in_dim3A_562 : i32 to vector<16xi32>
      %broadcast_in_dim3A_564 = arith.constant 9999 : i32
      %broadcast_in_dim3A_565 = vector.broadcast %broadcast_in_dim3A_564 : i32 to vector<16xi32>
      %scan3A_566 = arith.constant 0 : i32
      %scan3A_567 = arith.constant 7 : i32
      %scan3A_568 = arith.addi %scan3A_566, %scan3A_567 : i32
      %scan3A_569 = arith.constant 1 : i32
      %scan3A_570:8 = scf.for %scan3A_591 = %scan3A_566 to %scan3A_568 step %scan3A_569 iter_args(%scan3A_592 = %broadcast_in_dim3A_551, %scan3A_593 = %broadcast_in_dim3A_553, %scan3A_594 = %broadcast_in_dim3A_555, %scan3A_595 = %broadcast_in_dim3A_557, %scan3A_596 = %broadcast_in_dim3A_559, %scan3A_597 = %broadcast_in_dim3A_561, %scan3A_598 = %broadcast_in_dim3A_563, %scan3A_599 = %broadcast_in_dim3A_565) -> (vector<16xi32>, vector<16xi32>, vector<16xi32>, vector<16xi32>, vector<16xi32>, vector<16xi32>, vector<16xi32>, vector<16xi32>)  : i32 {
        %mul3A_600 = arith.constant 8 : i32
        %mul3A_601 = arith.muli %scan3A_591, %mul3A_600 : i32
        %add3A_602 = arith.constant 0 : i32
        %add3A_603 = arith.addi %mul3A_601, %add3A_602 : i32
        %mul3A_604 = arith.constant 16 : i32
        %mul3A_605 = arith.muli %add3A_603, %mul3A_604 : i32
        %get3A = arith.index_cast %mul3A_605 : i32 to index
        %get3A_606 = tpu.vector_load %arg7[%get3A] {strides = array<i32>} : memref<896xf32, #tpu.memory_space<vmem>>, vector<16xf32>,
        %eq3A_607 = vector.broadcast %reduce_max3A_549 : f32 to vector<16xf32>
        %eq3A_608 = arith.cmpf oeq, %get3A_606, %eq3A_607 : vector<16xf32>
        %mul3A_609 = arith.constant 8 : i32
        %mul3A_610 = arith.muli %scan3A_591, %mul3A_609 : i32
        %add3A_611 = arith.constant 0 : i32
        %add3A_612 = arith.addi %mul3A_610, %add3A_611 : i32
        %mul3A_613 = arith.constant 16 : i32
        %mul3A_614 = arith.muli %add3A_612, %mul3A_613 : i32
        %add3A_615 = vector.broadcast %mul3A_614 : i32 to vector<16xi32>
        %add3A_616 = arith.addi %iota3A, %add3A_615 : vector<16xi32>
        %jit3A_617 = arith.constant 9999 : i32
        %broadcast_in_dim3A_618 = vector.broadcast %jit3A_617 : i32 to vector<16xi32>
        %select_n3A_619 = arith.select %eq3A_608, %add3A_616, %broadcast_in_dim3A_618 : vector<16xi1>, vector<16xi32>
        %min3A_620 = arith.minsi %scan3A_592, %select_n3A_619 : vector<16xi32>
        %mul3A_621 = arith.constant 8 : i32
        %mul3A_622 = arith.muli %scan3A_591, %mul3A_621 : i32
        %add3A_623 = arith.constant 1 : i32
        %add3A_624 = arith.addi %mul3A_622, %add3A_623 : i32
        %mul3A_625 = arith.constant 16 : i32
        %mul3A_626 = arith.muli %add3A_624, %mul3A_625 : i32
        %get3A_627 = arith.index_cast %mul3A_626 : i32 to index
        %get3A_628 = tpu.vector_load %arg7[%get3A_627] {strides = array<i32>} : memref<896xf32, #tpu.memory_space<vmem>>, vector<16xf32>,
        %eq3A_629 = vector.broadcast %reduce_max3A_549 : f32 to vector<16xf32>
        %eq3A_630 = arith.cmpf oeq, %get3A_628, %eq3A_629 : vector<16xf32>
        %mul3A_631 = arith.constant 8 : i32
        %mul3A_632 = arith.muli %scan3A_591, %mul3A_631 : i32
        %add3A_633 = arith.constant 1 : i32
        %add3A_634 = arith.addi %mul3A_632, %add3A_633 : i32
        %mul3A_635 = arith.constant 16 : i32
        %mul3A_636 = arith.muli %add3A_634, %mul3A_635 : i32
        %add3A_637 = vector.broadcast %mul3A_636 : i32 to vector<16xi32>
        %add3A_638 = arith.addi %iota3A, %add3A_637 : vector<16xi32>
        %jit3A_639 = arith.constant 9999 : i32
        %broadcast_in_dim3A_640 = vector.broadcast %jit3A_639 : i32 to vector<16xi32>
        %select_n3A_641 = arith.select %eq3A_630, %add3A_638, %broadcast_in_dim3A_640 : vector<16xi1>, vector<16xi32>
        %min3A_642 = arith.minsi %scan3A_593, %select_n3A_641 : vector<16xi32>
        %mul3A_643 = arith.constant 8 : i32
        %mul3A_644 = arith.muli %scan3A_591, %mul3A_643 : i32
        %add3A_645 = arith.constant 2 : i32
        %add3A_646 = arith.addi %mul3A_644, %add3A_645 : i32
        %mul3A_647 = arith.constant 16 : i32
        %mul3A_648 = arith.muli %add3A_646, %mul3A_647 : i32
        %get3A_649 = arith.index_cast %mul3A_648 : i32 to index
        %get3A_650 = tpu.vector_load %arg7[%get3A_649] {strides = array<i32>} : memref<896xf32, #tpu.memory_space<vmem>>, vector<16xf32>,
        %eq3A_651 = vector.broadcast %reduce_max3A_549 : f32 to vector<16xf32>
        %eq3A_652 = arith.cmpf oeq, %get3A_650, %eq3A_651 : vector<16xf32>
        %mul3A_653 = arith.constant 8 : i32
        %mul3A_654 = arith.muli %scan3A_591, %mul3A_653 : i32
        %add3A_655 = arith.constant 2 : i32
        %add3A_656 = arith.addi %mul3A_654, %add3A_655 : i32
        %mul3A_657 = arith.constant 16 : i32
        %mul3A_658 = arith.muli %add3A_656, %mul3A_657 : i32
        %add3A_659 = vector.broadcast %mul3A_658 : i32 to vector<16xi32>
        %add3A_660 = arith.addi %iota3A, %add3A_659 : vector<16xi32>
        %jit3A_661 = arith.constant 9999 : i32
        %broadcast_in_dim3A_662 = vector.broadcast %jit3A_661 : i32 to vector<16xi32>
        %select_n3A_663 = arith.select %eq3A_652, %add3A_660, %broadcast_in_dim3A_662 : vector<16xi1>, vector<16xi32>
        %min3A_664 = arith.minsi %scan3A_594, %select_n3A_663 : vector<16xi32>
        %mul3A_665 = arith.constant 8 : i32
        %mul3A_666 = arith.muli %scan3A_591, %mul3A_665 : i32
        %add3A_667 = arith.constant 3 : i32
        %add3A_668 = arith.addi %mul3A_666, %add3A_667 : i32
        %mul3A_669 = arith.constant 16 : i32
        %mul3A_670 = arith.muli %add3A_668, %mul3A_669 : i32
        %get3A_671 = arith.index_cast %mul3A_670 : i32 to index
        %get3A_672 = tpu.vector_load %arg7[%get3A_671] {strides = array<i32>} : memref<896xf32, #tpu.memory_space<vmem>>, vector<16xf32>,
        %eq3A_673 = vector.broadcast %reduce_max3A_549 : f32 to vector<16xf32>
        %eq3A_674 = arith.cmpf oeq, %get3A_672, %eq3A_673 : vector<16xf32>
        %mul3A_675 = arith.constant 8 : i32
        %mul3A_676 = arith.muli %scan3A_591, %mul3A_675 : i32
        %add3A_677 = arith.constant 3 : i32
        %add3A_678 = arith.addi %mul3A_676, %add3A_677 : i32
        %mul3A_679 = arith.constant 16 : i32
        %mul3A_680 = arith.muli %add3A_678, %mul3A_679 : i32
        %add3A_681 = vector.broadcast %mul3A_680 : i32 to vector<16xi32>
        %add3A_682 = arith.addi %iota3A, %add3A_681 : vector<16xi32>
        %jit3A_683 = arith.constant 9999 : i32
        %broadcast_in_dim3A_684 = vector.broadcast %jit3A_683 : i32 to vector<16xi32>
        %select_n3A_685 = arith.select %eq3A_674, %add3A_682, %broadcast_in_dim3A_684 : vector<16xi1>, vector<16xi32>
        %min3A_686 = arith.minsi %scan3A_595, %select_n3A_685 : vector<16xi32>
        %mul3A_687 = arith.constant 8 : i32
        %mul3A_688 = arith.muli %scan3A_591, %mul3A_687 : i32
        %add3A_689 = arith.constant 4 : i32
        %add3A_690 = arith.addi %mul3A_688, %add3A_689 : i32
        %mul3A_691 = arith.constant 16 : i32
        %mul3A_692 = arith.muli %add3A_690, %mul3A_691 : i32
        %get3A_693 = arith.index_cast %mul3A_692 : i32 to index
        %get3A_694 = tpu.vector_load %arg7[%get3A_693] {strides = array<i32>} : memref<896xf32, #tpu.memory_space<vmem>>, vector<16xf32>,
        %eq3A_695 = vector.broadcast %reduce_max3A_549 : f32 to vector<16xf32>
        %eq3A_696 = arith.cmpf oeq, %get3A_694, %eq3A_695 : vector<16xf32>
        %mul3A_697 = arith.constant 8 : i32
        %mul3A_698 = arith.muli %scan3A_591, %mul3A_697 : i32
        %add3A_699 = arith.constant 4 : i32
        %add3A_700 = arith.addi %mul3A_698, %add3A_699 : i32
        %mul3A_701 = arith.constant 16 : i32
        %mul3A_702 = arith.muli %add3A_700, %mul3A_701 : i32
        %add3A_703 = vector.broadcast %mul3A_702 : i32 to vector<16xi32>
        %add3A_704 = arith.addi %iota3A, %add3A_703 : vector<16xi32>
        %jit3A_705 = arith.constant 9999 : i32
        %broadcast_in_dim3A_706 = vector.broadcast %jit3A_705 : i32 to vector<16xi32>
        %select_n3A_707 = arith.select %eq3A_696, %add3A_704, %broadcast_in_dim3A_706 : vector<16xi1>, vector<16xi32>
        %min3A_708 = arith.minsi %scan3A_596, %select_n3A_707 : vector<16xi32>
        %mul3A_709 = arith.constant 8 : i32
        %mul3A_710 = arith.muli %scan3A_591, %mul3A_709 : i32
        %add3A_711 = arith.constant 5 : i32
        %add3A_712 = arith.addi %mul3A_710, %add3A_711 : i32
        %mul3A_713 = arith.constant 16 : i32
        %mul3A_714 = arith.muli %add3A_712, %mul3A_713 : i32
        %get3A_715 = arith.index_cast %mul3A_714 : i32 to index
        %get3A_716 = tpu.vector_load %arg7[%get3A_715] {strides = array<i32>} : memref<896xf32, #tpu.memory_space<vmem>>, vector<16xf32>,
        %eq3A_717 = vector.broadcast %reduce_max3A_549 : f32 to vector<16xf32>
        %eq3A_718 = arith.cmpf oeq, %get3A_716, %eq3A_717 : vector<16xf32>
        %mul3A_719 = arith.constant 8 : i32
        %mul3A_720 = arith.muli %scan3A_591, %mul3A_719 : i32
        %add3A_721 = arith.constant 5 : i32
        %add3A_722 = arith.addi %mul3A_720, %add3A_721 : i32
        %mul3A_723 = arith.constant 16 : i32
        %mul3A_724 = arith.muli %add3A_722, %mul3A_723 : i32
        %add3A_725 = vector.broadcast %mul3A_724 : i32 to vector<16xi32>
        %add3A_726 = arith.addi %iota3A, %add3A_725 : vector<16xi32>
        %jit3A_727 = arith.constant 9999 : i32
        %broadcast_in_dim3A_728 = vector.broadcast %jit3A_727 : i32 to vector<16xi32>
        %select_n3A_729 = arith.select %eq3A_718, %add3A_726, %broadcast_in_dim3A_728 : vector<16xi1>, vector<16xi32>
        %min3A_730 = arith.minsi %scan3A_597, %select_n3A_729 : vector<16xi32>
        %mul3A_731 = arith.constant 8 : i32
        %mul3A_732 = arith.muli %scan3A_591, %mul3A_731 : i32
        %add3A_733 = arith.constant 6 : i32
        %add3A_734 = arith.addi %mul3A_732, %add3A_733 : i32
        %mul3A_735 = arith.constant 16 : i32
        %mul3A_736 = arith.muli %add3A_734, %mul3A_735 : i32
        %get3A_737 = arith.index_cast %mul3A_736 : i32 to index
        %get3A_738 = tpu.vector_load %arg7[%get3A_737] {strides = array<i32>} : memref<896xf32, #tpu.memory_space<vmem>>, vector<16xf32>,
        %eq3A_739 = vector.broadcast %reduce_max3A_549 : f32 to vector<16xf32>
        %eq3A_740 = arith.cmpf oeq, %get3A_738, %eq3A_739 : vector<16xf32>
        %mul3A_741 = arith.constant 8 : i32
        %mul3A_742 = arith.muli %scan3A_591, %mul3A_741 : i32
        %add3A_743 = arith.constant 6 : i32
        %add3A_744 = arith.addi %mul3A_742, %add3A_743 : i32
        %mul3A_745 = arith.constant 16 : i32
        %mul3A_746 = arith.muli %add3A_744, %mul3A_745 : i32
        %add3A_747 = vector.broadcast %mul3A_746 : i32 to vector<16xi32>
        %add3A_748 = arith.addi %iota3A, %add3A_747 : vector<16xi32>
        %jit3A_749 = arith.constant 9999 : i32
        %broadcast_in_dim3A_750 = vector.broadcast %jit3A_749 : i32 to vector<16xi32>
        %select_n3A_751 = arith.select %eq3A_740, %add3A_748, %broadcast_in_dim3A_750 : vector<16xi1>, vector<16xi32>
        %min3A_752 = arith.minsi %scan3A_598, %select_n3A_751 : vector<16xi32>
        %mul3A_753 = arith.constant 8 : i32
        %mul3A_754 = arith.muli %scan3A_591, %mul3A_753 : i32
        %add3A_755 = arith.constant 7 : i32
        %add3A_756 = arith.addi %mul3A_754, %add3A_755 : i32
        %mul3A_757 = arith.constant 16 : i32
        %mul3A_758 = arith.muli %add3A_756, %mul3A_757 : i32
        %get3A_759 = arith.index_cast %mul3A_758 : i32 to index
        %get3A_760 = tpu.vector_load %arg7[%get3A_759] {strides = array<i32>} : memref<896xf32, #tpu.memory_space<vmem>>, vector<16xf32>,
        %eq3A_761 = vector.broadcast %reduce_max3A_549 : f32 to vector<16xf32>
        %eq3A_762 = arith.cmpf oeq, %get3A_760, %eq3A_761 : vector<16xf32>
        %mul3A_763 = arith.constant 8 : i32
        %mul3A_764 = arith.muli %scan3A_591, %mul3A_763 : i32
        %add3A_765 = arith.constant 7 : i32
        %add3A_766 = arith.addi %mul3A_764, %add3A_765 : i32
        %mul3A_767 = arith.constant 16 : i32
        %mul3A_768 = arith.muli %add3A_766, %mul3A_767 : i32
        %add3A_769 = vector.broadcast %mul3A_768 : i32 to vector<16xi32>
        %add3A_770 = arith.addi %iota3A, %add3A_769 : vector<16xi32>
        %jit3A_771 = arith.constant 9999 : i32
        %broadcast_in_dim3A_772 = vector.broadcast %jit3A_771 : i32 to vector<16xi32>
        %select_n3A_773 = arith.select %eq3A_762, %add3A_770, %broadcast_in_dim3A_772 : vector<16xi1>, vector<16xi32>
        %min3A_774 = arith.minsi %scan3A_599, %select_n3A_773 : vector<16xi32>
        scf.yield %min3A_620, %min3A_642, %min3A_664, %min3A_686, %min3A_708, %min3A_730, %min3A_752, %min3A_774 : vector<16xi32>, vector<16xi32>, vector<16xi32>, vector<16xi32>, vector<16xi32>, vector<16xi32>, vector<16xi32>, vector<16xi32>
      }
      %scan3A_571 = arith.constant 7 : i32
      %min3A = arith.minsi %scan3A_570#0, %scan3A_570#1 : vector<16xi32>
      %min3A_572 = arith.minsi %min3A, %scan3A_570#2 : vector<16xi32>
      %min3A_573 = arith.minsi %min3A_572, %scan3A_570#3 : vector<16xi32>
      %min3A_574 = arith.minsi %min3A_573, %scan3A_570#4 : vector<16xi32>
      %min3A_575 = arith.minsi %min3A_574, %scan3A_570#5 : vector<16xi32>
      %min3A_576 = arith.minsi %min3A_575, %scan3A_570#6 : vector<16xi32>
      %min3A_577 = arith.minsi %min3A_576, %scan3A_570#7 : vector<16xi32>
      %reduce_min3A = arith.constant true
      %reduce_min3A_578 = vector.broadcast %reduce_min3A : i1 to vector<16xi1>
      %reduce_min3A_579 = arith.constant -2147483648 : i32
      %reduce_min3A_580 = vector.broadcast %reduce_min3A_579 : i32 to vector<16xi32>
      %reduce_min3A_581 = arith.xori %min3A_577, %reduce_min3A_580 : vector<16xi32>
      %reduce_min3A_582 = tpu.scan <min>, %reduce_min3A_581 masked %reduce_min3A_578 : vector<16xi32>, vector<16xi1> -> vector<16xi32>
      %reduce_min3A_583 = arith.xori %reduce_min3A_582, %reduce_min3A_580 : vector<16xi32>
      %reduce_min3A_584 = vector.extract %reduce_min3A_583[15] : i32 from vector<16xi32>
      %broadcast_in_dim3A_585 = vector.broadcast %reduce_min3A_584 : i32 to vector<16xi32>
      %broadcast_in_dim3A_586 = arith.constant 0xFF800000 : f32
      %broadcast_in_dim3A_587 = vector.broadcast %broadcast_in_dim3A_586 : f32 to vector<16xf32>
      tpu.vector_store_idx %arg7[%broadcast_in_dim3A_585], %broadcast_in_dim3A_587 masked %eq3A_410 : memref<896xf32, #tpu.memory_space<vmem>>[vector<16xi32>], vector<16xf32>, vector<16xi1>
      %broadcast_in_dim3A_588 = vector.broadcast %scan3A_516 : i32 to vector<16xi32>
      %broadcast_in_dim3A_589 = vector.broadcast %reduce_min3A_584 : i32 to vector<16xi32>
      tpu.vector_store_idx %arg8[%broadcast_in_dim3A_588], %broadcast_in_dim3A_589 masked %eq3A_410 : memref<16xi32, #tpu.memory_space<vmem>>[vector<16xi32>], vector<16xi32>, vector<16xi1>
      %scan3A_590 = arith.constant 0 : i32
      scf.yield %scan3A_590 : i32
    }
    %scan3A_465 = arith.constant 11 : i32
    %broadcast_in_dim3A_466 = arith.constant 0xFF800000 : f32
    %broadcast_in_dim3A_467 = vector.broadcast %broadcast_in_dim3A_466 : f32 to vector<16xf32>
    %broadcast_in_dim3A_468 = arith.constant 0xFF800000 : f32
    %broadcast_in_dim3A_469 = vector.broadcast %broadcast_in_dim3A_468 : f32 to vector<16xf32>
    %broadcast_in_dim3A_470 = arith.constant 0xFF800000 : f32
    %broadcast_in_dim3A_471 = vector.broadcast %broadcast_in_dim3A_470 : f32 to vector<16xf32>
    %broadcast_in_dim3A_472 = arith.constant 0xFF800000 : f32
    %broadcast_in_dim3A_473 = vector.broadcast %broadcast_in_dim3A_472 : f32 to vector<16xf32>
    %broadcast_in_dim3A_474 = arith.constant 0xFF800000 : f32
    %broadcast_in_dim3A_475 = vector.broadcast %broadcast_in_dim3A_474 : f32 to vector<16xf32>
    %broadcast_in_dim3A_476 = arith.constant 0xFF800000 : f32
    %broadcast_in_dim3A_477 = vector.broadcast %broadcast_in_dim3A_476 : f32 to vector<16xf32>
    %broadcast_in_dim3A_478 = arith.constant 0xFF800000 : f32
    %broadcast_in_dim3A_479 = vector.broadcast %broadcast_in_dim3A_478 : f32 to vector<16xf32>
    %broadcast_in_dim3A_480 = arith.constant 0xFF800000 : f32
    %broadcast_in_dim3A_481 = vector.broadcast %broadcast_in_dim3A_480 : f32 to vector<16xf32>
    %broadcast_in_dim3A_482 = arith.constant 0xFF800000 : f32
    %broadcast_in_dim3A_483 = vector.broadcast %broadcast_in_dim3A_482 : f32 to vector<16xf32>
    %broadcast_in_dim3A_484 = arith.constant 0xFF800000 : f32
    %broadcast_in_dim3A_485 = vector.broadcast %broadcast_in_dim3A_484 : f32 to vector<16xf32>
    %broadcast_in_dim3A_486 = arith.constant 0xFF800000 : f32
    %broadcast_in_dim3A_487 = vector.broadcast %broadcast_in_dim3A_486 : f32 to vector<16xf32>
    %scan3A_488 = arith.constant 0 : i32
    %scan3A_489 = arith.constant 96 : i32
    %scan3A_490 = arith.addi %scan3A_488, %scan3A_489 : i32
    %scan3A_491 = arith.constant 1 : i32
    %scan3A_492:11 = scf.for %scan3A_516 = %scan3A_488 to %scan3A_490 step %scan3A_491 iter_args(%scan3A_517 = %broadcast_in_dim3A_467, %scan3A_518 = %broadcast_in_dim3A_469, %scan3A_519 = %broadcast_in_dim3A_471, %scan3A_520 = %broadcast_in_dim3A_473, %scan3A_521 = %broadcast_in_dim3A_475, %scan3A_522 = %broadcast_in_dim3A_477, %scan3A_523 = %broadcast_in_dim3A_479, %scan3A_524 = %broadcast_in_dim3A_481, %scan3A_525 = %broadcast_in_dim3A_483, %scan3A_526 = %broadcast_in_dim3A_485, %scan3A_527 = %broadcast_in_dim3A_487) -> (vector<16xf32>, vector<16xf32>, vector<16xf32>, vector<16xf32>, vector<16xf32>, vector<16xf32>, vector<16xf32>, vector<16xf32>, vector<16xf32>, vector<16xf32>, vector<16xf32>)  : i32 {
      %jit3A_528 = arith.constant 8 : i32
      %div3A_529 = arith.divsi %scan3A_516, %jit3A_528 : i32
      %sign3A_530 = arith.constant 0 : i32
      %sign3A_531 = arith.cmpi sgt, %scan3A_516, %sign3A_530 : i32
      %sign3A_532 = arith.extui %sign3A_531 : i1 to i32
      %sign3A_533 = arith.constant 0 : i32
      %sign3A_534 = arith.cmpi slt, %scan3A_516, %sign3A_533 : i32
      %sign3A_535 = arith.extui %sign3A_534 : i1 to i32
      %sign3A_536 = arith.subi %sign3A_532, %sign3A_535 : i32
      %sign3A_537 = arith.constant 0 : i32
      %sign3A_538 = arith.cmpi sgt, %jit3A_528, %sign3A_537 : i32
      %sign3A_539 = arith.extui %sign3A_538 : i1 to i32
      %sign3A_540 = arith.constant 0 : i32
      %sign3A_541 = arith.cmpi slt, %jit3A_528, %sign3A_540 : i32
      %sign3A_542 = arith.extui %sign3A_541 : i1 to i32
      %sign3A_543 = arith.subi %sign3A_539, %sign3A_542 : i32
      %ne3A_544 = arith.cmpi ne, %sign3A_536, %sign3A_543 : i32
      %rem3A_545 = arith.remsi %scan3A_516, %jit3A_528 : i32
      %ne3A_546 = arith.constant 0 : i32
      %ne3A_547 = arith.cmpi ne, %rem3A_545, %ne3A_546 : i32
      %and3A_548 = arith.andi %ne3A_544, %ne3A_547 : i1
      %sub3A_549 = arith.constant 1 : i32
      %sub3A_550 = arith.subi %div3A_529, %sub3A_549 : i32
      %select_n3A_551 = arith.select %and3A_548, %sub3A_550, %div3A_529 : i32
      %mul3A_552 = arith.constant 8 : i32
      %mul3A_553 = arith.muli %select_n3A_551, %mul3A_552 : i32
      %sub3A_554 = arith.subi %scan3A_516, %mul3A_553 : i32
      %broadcast_in_dim3A_555 = vector.broadcast %select_n3A_551 : i32 to vector<16xi32>
      %gather3A_556 = tpu.vector_load_idx %arg8[%broadcast_in_dim3A_555] : memref<16xi32, #tpu.memory_space<vmem>>[vector<16xi32>], vector<16xi32>,
      %reduce_max3A_557 = arith.constant true
      %reduce_max3A_558 = vector.broadcast %reduce_max3A_557 : i1 to vector<16xi1>
      %reduce_max3A_559 = arith.constant -2147483648 : i32
      %reduce_max3A_560 = vector.broadcast %reduce_max3A_559 : i32 to vector<16xi32>
      %reduce_max3A_561 = arith.xori %gather3A_556, %reduce_max3A_560 : vector<16xi32>
      %reduce_max3A_562 = tpu.scan <max>, %reduce_max3A_561 masked %reduce_max3A_558 : vector<16xi32>, vector<16xi1> -> vector<16xi32>
      %reduce_max3A_563 = arith.xori %reduce_max3A_562, %reduce_max3A_560 : vector<16xi32>
      %reduce_max3A_564 = vector.extract %reduce_max3A_563[15] : i32 from vector<16xi32>
      %jit3A_565 = arith.constant 128 : i32
      %div3A_566 = arith.divsi %reduce_max3A_564, %jit3A_565 : i32
      %sign3A_567 = arith.constant 0 : i32
      %sign3A_568 = arith.cmpi sgt, %reduce_max3A_564, %sign3A_567 : i32
      %sign3A_569 = arith.extui %sign3A_568 : i1 to i32
      %sign3A_570 = arith.constant 0 : i32
      %sign3A_571 = arith.cmpi slt, %reduce_max3A_564, %sign3A_570 : i32
      %sign3A_572 = arith.extui %sign3A_571 : i1 to i32
      %sign3A_573 = arith.subi %sign3A_569, %sign3A_572 : i32
      %sign3A_574 = arith.constant 0 : i32
      %sign3A_575 = arith.cmpi sgt, %jit3A_565, %sign3A_574 : i32
      %sign3A_576 = arith.extui %sign3A_575 : i1 to i32
      %sign3A_577 = arith.constant 0 : i32
      %sign3A_578 = arith.cmpi slt, %jit3A_565, %sign3A_577 : i32
      %sign3A_579 = arith.extui %sign3A_578 : i1 to i32
      %sign3A_580 = arith.subi %sign3A_576, %sign3A_579 : i32
      %ne3A_581 = arith.cmpi ne, %sign3A_573, %sign3A_580 : i32
      %rem3A_582 = arith.remsi %reduce_max3A_564, %jit3A_565 : i32
      %ne3A_583 = arith.constant 0 : i32
      %ne3A_584 = arith.cmpi ne, %rem3A_582, %ne3A_583 : i32
      %and3A_585 = arith.andi %ne3A_581, %ne3A_584 : i1
      %sub3A_586 = arith.constant 1 : i32
      %sub3A_587 = arith.subi %div3A_566, %sub3A_586 : i32
      %select_n3A_588 = arith.select %and3A_585, %sub3A_587, %div3A_566 : i32
      %mul3A_589 = arith.constant 16384 : i32
      %mul3A_590 = arith.muli %select_n3A_588, %mul3A_589 : i32
      %jit3A_591 = arith.constant 128 : i32
      %eq3A_592 = arith.constant 0 : i32
      %eq3A_593 = arith.cmpi eq, %jit3A_591, %eq3A_592 : i32
      %jit3A_594 = arith.constant 1 : i32
      %select_n3A_595 = arith.select %eq3A_593, %jit3A_594, %jit3A_591 : i32
      %rem3A_596 = arith.remsi %reduce_max3A_564, %select_n3A_595 : i32
      %ne3A_597 = arith.constant 0 : i32
      %ne3A_598 = arith.cmpi ne, %rem3A_596, %ne3A_597 : i32
      %lt3A_599 = arith.constant 0 : i32
      %lt3A_600 = arith.cmpi slt, %rem3A_596, %lt3A_599 : i32
      %lt3A_601 = arith.constant 0 : i32
      %lt3A_602 = arith.cmpi slt, %select_n3A_595, %lt3A_601 : i32
      %ne3A_603 = arith.xori %lt3A_600, %lt3A_602 : i1
      %and3A_604 = arith.andi %ne3A_603, %ne3A_598 : i1
      %add3A_605 = arith.addi %rem3A_596, %select_n3A_595 : i32
      %select_n3A_606 = arith.select %and3A_604, %add3A_605, %rem3A_596 : i32
      %add3A_607 = arith.addi %mul3A_590, %select_n3A_606 : i32
      %mul3A_608 = arith.constant 2048 : i32
      %mul3A_609 = arith.muli %mul3A_608, %sub3A_554 : i32
      %add3A_610 = arith.addi %add3A_607, %mul3A_609 : i32
      %broadcast_in_dim3A_611 = vector.broadcast %add3A_610 : i32 to vector<16xi32>
      %mul3A_612 = arith.constant 128 : i32
      %mul3A_613 = vector.broadcast %mul3A_612 : i32 to vector<16xi32>
      %mul3A_614 = arith.muli %iota3A, %mul3A_613 : vector<16xi32>
      %add3A_615 = arith.addi %broadcast_in_dim3A_611, %mul3A_614 : vector<16xi32>
      %gather3A_616 = tpu.vector_load_idx %arg6[%add3A_615] : memref<114688xf32, #tpu.memory_space<vmem>>[vector<16xi32>], vector<16xf32>,
      %max3A = arith.maximumf %scan3A_517, %gather3A_616 : vector<16xf32>
      %min3A = arith.minimumf %scan3A_517, %gather3A_616 : vector<16xf32>
      %max3A_617 = arith.maximumf %scan3A_518, %min3A : vector<16xf32>
      %min3A_618 = arith.minimumf %scan3A_518, %min3A : vector<16xf32>
      %max3A_619 = arith.maximumf %scan3A_519, %min3A_618 : vector<16xf32>
      %min3A_620 = arith.minimumf %scan3A_519, %min3A_618 : vector<16xf32>
      %max3A_621 = arith.maximumf %scan3A_520, %min3A_620 : vector<16xf32>
      %min3A_622 = arith.minimumf %scan3A_520, %min3A_620 : vector<16xf32>
      %max3A_623 = arith.maximumf %scan3A_521, %min3A_622 : vector<16xf32>
      %min3A_624 = arith.minimumf %scan3A_521, %min3A_622 : vector<16xf32>
      %max3A_625 = arith.maximumf %scan3A_522, %min3A_624 : vector<16xf32>
      %min3A_626 = arith.minimumf %scan3A_522, %min3A_624 : vector<16xf32>
      %max3A_627 = arith.maximumf %scan3A_523, %min3A_626 : vector<16xf32>
      %min3A_628 = arith.minimumf %scan3A_523, %min3A_626 : vector<16xf32>
      %max3A_629 = arith.maximumf %scan3A_524, %min3A_628 : vector<16xf32>
      %min3A_630 = arith.minimumf %scan3A_524, %min3A_628 : vector<16xf32>
      %max3A_631 = arith.maximumf %scan3A_525, %min3A_630 : vector<16xf32>
      %min3A_632 = arith.minimumf %scan3A_525, %min3A_630 : vector<16xf32>
      %max3A_633 = arith.maximumf %scan3A_526, %min3A_632 : vector<16xf32>
      %min3A_634 = arith.minimumf %scan3A_526, %min3A_632 : vector<16xf32>
      %max3A_635 = arith.maximumf %scan3A_527, %min3A_634 : vector<16xf32>
      %min3A_636 = arith.minimumf %scan3A_527, %min3A_634 : vector<16xf32>
      scf.yield %max3A, %max3A_617, %max3A_619, %max3A_621, %max3A_623, %max3A_625, %max3A_627, %max3A_629, %max3A_631, %max3A_633, %max3A_635 : vector<16xf32>, vector<16xf32>, vector<16xf32>, vector<16xf32>, vector<16xf32>, vector<16xf32>, vector<16xf32>, vector<16xf32>, vector<16xf32>, vector<16xf32>, vector<16xf32>
    }
    %scan3A_493 = arith.constant 96 : i32
    %scan3A_494 = arith.constant 0.000000e+00 : f32
    %scan3A_495 = arith.constant 0.000000e+00 : f32
    %scan3A_496 = arith.constant 0 : i32
    %scan3A_497 = arith.constant 11 : i32
    %scan3A_498 = arith.addi %scan3A_496, %scan3A_497 : i32
    %scan3A_499 = arith.constant 1 : i32
    %scan3A_500:13 = scf.for %scan3A_516 = %scan3A_496 to %scan3A_498 step %scan3A_499 iter_args(%scan3A_517 = %scan3A_492#0, %scan3A_518 = %scan3A_492#1, %scan3A_519 = %scan3A_492#2, %scan3A_520 = %scan3A_492#3, %scan3A_521 = %scan3A_492#4, %scan3A_522 = %scan3A_492#5, %scan3A_523 = %scan3A_492#6, %scan3A_524 = %scan3A_492#7, %scan3A_525 = %scan3A_492#8, %scan3A_526 = %scan3A_492#9, %scan3A_527 = %scan3A_492#10, %scan3A_528 = %scan3A_494, %scan3A_529 = %scan3A_495) -> (vector<16xf32>, vector<16xf32>, vector<16xf32>, vector<16xf32>, vector<16xf32>, vector<16xf32>, vector<16xf32>, vector<16xf32>, vector<16xf32>, vector<16xf32>, vector<16xf32>, f32, f32)  : i32 {
      %reduce_max3A_530 = arith.constant true
      %reduce_max3A_531 = vector.broadcast %reduce_max3A_530 : i1 to vector<16xi1>
      %reduce_max3A_532 = tpu.scan <max>, %scan3A_517 masked %reduce_max3A_531 : vector<16xf32>, vector<16xi1> -> vector<16xf32>
      %reduce_max3A_533 = vector.extract %reduce_max3A_532[15] : f32 from vector<16xf32>
      %max3A = arith.constant 0xFF800000 : f32
      %max3A_534 = arith.maximumf %max3A, %reduce_max3A_533 : f32
      %reduce_max3A_535 = arith.constant true
      %reduce_max3A_536 = vector.broadcast %reduce_max3A_535 : i1 to vector<16xi1>
      %reduce_max3A_537 = tpu.scan <max>, %scan3A_518 masked %reduce_max3A_536 : vector<16xf32>, vector<16xi1> -> vector<16xf32>
      %reduce_max3A_538 = vector.extract %reduce_max3A_537[15] : f32 from vector<16xf32>
      %max3A_539 = arith.maximumf %max3A_534, %reduce_max3A_538 : f32
      %reduce_max3A_540 = arith.constant true
      %reduce_max3A_541 = vector.broadcast %reduce_max3A_540 : i1 to vector<16xi1>
      %reduce_max3A_542 = tpu.scan <max>, %scan3A_519 masked %reduce_max3A_541 : vector<16xf32>, vector<16xi1> -> vector<16xf32>
      %reduce_max3A_543 = vector.extract %reduce_max3A_542[15] : f32 from vector<16xf32>
      %max3A_544 = arith.maximumf %max3A_539, %reduce_max3A_543 : f32
      %reduce_max3A_545 = arith.constant true
      %reduce_max3A_546 = vector.broadcast %reduce_max3A_545 : i1 to vector<16xi1>
      %reduce_max3A_547 = tpu.scan <max>, %scan3A_520 masked %reduce_max3A_546 : vector<16xf32>, vector<16xi1> -> vector<16xf32>
      %reduce_max3A_548 = vector.extract %reduce_max3A_547[15] : f32 from vector<16xf32>
      %max3A_549 = arith.maximumf %max3A_544, %reduce_max3A_548 : f32
      %reduce_max3A_550 = arith.constant true
      %reduce_max3A_551 = vector.broadcast %reduce_max3A_550 : i1 to vector<16xi1>
      %reduce_max3A_552 = tpu.scan <max>, %scan3A_521 masked %reduce_max3A_551 : vector<16xf32>, vector<16xi1> -> vector<16xf32>
      %reduce_max3A_553 = vector.extract %reduce_max3A_552[15] : f32 from vector<16xf32>
      %max3A_554 = arith.maximumf %max3A_549, %reduce_max3A_553 : f32
      %reduce_max3A_555 = arith.constant true
      %reduce_max3A_556 = vector.broadcast %reduce_max3A_555 : i1 to vector<16xi1>
      %reduce_max3A_557 = tpu.scan <max>, %scan3A_522 masked %reduce_max3A_556 : vector<16xf32>, vector<16xi1> -> vector<16xf32>
      %reduce_max3A_558 = vector.extract %reduce_max3A_557[15] : f32 from vector<16xf32>
      %max3A_559 = arith.maximumf %max3A_554, %reduce_max3A_558 : f32
      %reduce_max3A_560 = arith.constant true
      %reduce_max3A_561 = vector.broadcast %reduce_max3A_560 : i1 to vector<16xi1>
      %reduce_max3A_562 = tpu.scan <max>, %scan3A_523 masked %reduce_max3A_561 : vector<16xf32>, vector<16xi1> -> vector<16xf32>
      %reduce_max3A_563 = vector.extract %reduce_max3A_562[15] : f32 from vector<16xf32>
      %max3A_564 = arith.maximumf %max3A_559, %reduce_max3A_563 : f32
      %reduce_max3A_565 = arith.constant true
      %reduce_max3A_566 = vector.broadcast %reduce_max3A_565 : i1 to vector<16xi1>
      %reduce_max3A_567 = tpu.scan <max>, %scan3A_524 masked %reduce_max3A_566 : vector<16xf32>, vector<16xi1> -> vector<16xf32>
      %reduce_max3A_568 = vector.extract %reduce_max3A_567[15] : f32 from vector<16xf32>
      %max3A_569 = arith.maximumf %max3A_564, %reduce_max3A_568 : f32
      %reduce_max3A_570 = arith.constant true
      %reduce_max3A_571 = vector.broadcast %reduce_max3A_570 : i1 to vector<16xi1>
      %reduce_max3A_572 = tpu.scan <max>, %scan3A_525 masked %reduce_max3A_571 : vector<16xf32>, vector<16xi1> -> vector<16xf32>
      %reduce_max3A_573 = vector.extract %reduce_max3A_572[15] : f32 from vector<16xf32>
      %max3A_574 = arith.maximumf %max3A_569, %reduce_max3A_573 : f32
      %reduce_max3A_575 = arith.constant true
      %reduce_max3A_576 = vector.broadcast %reduce_max3A_575 : i1 to vector<16xi1>
      %reduce_max3A_577 = tpu.scan <max>, %scan3A_526 masked %reduce_max3A_576 : vector<16xf32>, vector<16xi1> -> vector<16xf32>
      %reduce_max3A_578 = vector.extract %reduce_max3A_577[15] : f32 from vector<16xf32>
      %max3A_579 = arith.maximumf %max3A_574, %reduce_max3A_578 : f32
      %reduce_max3A_580 = arith.constant true
      %reduce_max3A_581 = vector.broadcast %reduce_max3A_580 : i1 to vector<16xi1>
      %reduce_max3A_582 = tpu.scan <max>, %scan3A_527 masked %reduce_max3A_581 : vector<16xf32>, vector<16xi1> -> vector<16xf32>
      %reduce_max3A_583 = vector.extract %reduce_max3A_582[15] : f32 from vector<16xf32>
      %max3A_584 = arith.maximumf %max3A_579, %reduce_max3A_583 : f32
      %add3A_585 = arith.addf %scan3A_528, %max3A_584 : f32
      %broadcast_in_dim3A_586 = arith.constant 9999 : i32
      %broadcast_in_dim3A_587 = vector.broadcast %broadcast_in_dim3A_586 : i32 to vector<16xi32>
      %eq3A_588 = vector.broadcast %max3A_584 : f32 to vector<16xf32>
      %eq3A_589 = arith.cmpf oeq, %scan3A_517, %eq3A_588 : vector<16xf32>
      %add3A_590 = arith.constant 0 : i32
      %add3A_591 = vector.broadcast %add3A_590 : i32 to vector<16xi32>
      %add3A_592 = arith.addi %iota3A, %add3A_591 : vector<16xi32>
      %jit3A_593 = arith.constant 9999 : i32
      %broadcast_in_dim3A_594 = vector.broadcast %jit3A_593 : i32 to vector<16xi32>
      %select_n3A_595 = arith.select %eq3A_589, %add3A_592, %broadcast_in_dim3A_594 : vector<16xi1>, vector<16xi32>
      %min3A = arith.minsi %broadcast_in_dim3A_587, %select_n3A_595 : vector<16xi32>
      %eq3A_596 = vector.broadcast %max3A_584 : f32 to vector<16xf32>
      %eq3A_597 = arith.cmpf oeq, %scan3A_518, %eq3A_596 : vector<16xf32>
      %add3A_598 = arith.constant 16 : i32
      %add3A_599 = vector.broadcast %add3A_598 : i32 to vector<16xi32>
      %add3A_600 = arith.addi %iota3A, %add3A_599 : vector<16xi32>
      %jit3A_601 = arith.constant 9999 : i32
      %broadcast_in_dim3A_602 = vector.broadcast %jit3A_601 : i32 to vector<16xi32>
      %select_n3A_603 = arith.select %eq3A_597, %add3A_600, %broadcast_in_dim3A_602 : vector<16xi1>, vector<16xi32>
      %min3A_604 = arith.minsi %min3A, %select_n3A_603 : vector<16xi32>
      %eq3A_605 = vector.broadcast %max3A_584 : f32 to vector<16xf32>
      %eq3A_606 = arith.cmpf oeq, %scan3A_519, %eq3A_605 : vector<16xf32>
      %add3A_607 = arith.constant 32 : i32
      %add3A_608 = vector.broadcast %add3A_607 : i32 to vector<16xi32>
      %add3A_609 = arith.addi %iota3A, %add3A_608 : vector<16xi32>
      %jit3A_610 = arith.constant 9999 : i32
      %broadcast_in_dim3A_611 = vector.broadcast %jit3A_610 : i32 to vector<16xi32>
      %select_n3A_612 = arith.select %eq3A_606, %add3A_609, %broadcast_in_dim3A_611 : vector<16xi1>, vector<16xi32>
      %min3A_613 = arith.minsi %min3A_604, %select_n3A_612 : vector<16xi32>
      %eq3A_614 = vector.broadcast %max3A_584 : f32 to vector<16xf32>
      %eq3A_615 = arith.cmpf oeq, %scan3A_520, %eq3A_614 : vector<16xf32>
      %add3A_616 = arith.constant 48 : i32
      %add3A_617 = vector.broadcast %add3A_616 : i32 to vector<16xi32>
      %add3A_618 = arith.addi %iota3A, %add3A_617 : vector<16xi32>
      %jit3A_619 = arith.constant 9999 : i32
      %broadcast_in_dim3A_620 = vector.broadcast %jit3A_619 : i32 to vector<16xi32>
      %select_n3A_621 = arith.select %eq3A_615, %add3A_618, %broadcast_in_dim3A_620 : vector<16xi1>, vector<16xi32>
      %min3A_622 = arith.minsi %min3A_613, %select_n3A_621 : vector<16xi32>
      %eq3A_623 = vector.broadcast %max3A_584 : f32 to vector<16xf32>
      %eq3A_624 = arith.cmpf oeq, %scan3A_521, %eq3A_623 : vector<16xf32>
      %add3A_625 = arith.constant 64 : i32
      %add3A_626 = vector.broadcast %add3A_625 : i32 to vector<16xi32>
      %add3A_627 = arith.addi %iota3A, %add3A_626 : vector<16xi32>
      %jit3A_628 = arith.constant 9999 : i32
      %broadcast_in_dim3A_629 = vector.broadcast %jit3A_628 : i32 to vector<16xi32>
      %select_n3A_630 = arith.select %eq3A_624, %add3A_627, %broadcast_in_dim3A_629 : vector<16xi1>, vector<16xi32>
      %min3A_631 = arith.minsi %min3A_622, %select_n3A_630 : vector<16xi32>
      %eq3A_632 = vector.broadcast %max3A_584 : f32 to vector<16xf32>
      %eq3A_633 = arith.cmpf oeq, %scan3A_522, %eq3A_632 : vector<16xf32>
      %add3A_634 = arith.constant 80 : i32
      %add3A_635 = vector.broadcast %add3A_634 : i32 to vector<16xi32>
      %add3A_636 = arith.addi %iota3A, %add3A_635 : vector<16xi32>
      %jit3A_637 = arith.constant 9999 : i32
      %broadcast_in_dim3A_638 = vector.broadcast %jit3A_637 : i32 to vector<16xi32>
      %select_n3A_639 = arith.select %eq3A_633, %add3A_636, %broadcast_in_dim3A_638 : vector<16xi1>, vector<16xi32>
      %min3A_640 = arith.minsi %min3A_631, %select_n3A_639 : vector<16xi32>
      %eq3A_641 = vector.broadcast %max3A_584 : f32 to vector<16xf32>
      %eq3A_642 = arith.cmpf oeq, %scan3A_523, %eq3A_641 : vector<16xf32>
      %add3A_643 = arith.constant 96 : i32
      %add3A_644 = vector.broadcast %add3A_643 : i32 to vector<16xi32>
      %add3A_645 = arith.addi %iota3A, %add3A_644 : vector<16xi32>
      %jit3A_646 = arith.constant 9999 : i32
      %broadcast_in_dim3A_647 = vector.broadcast %jit3A_646 : i32 to vector<16xi32>
      %select_n3A_648 = arith.select %eq3A_642, %add3A_645, %broadcast_in_dim3A_647 : vector<16xi1>, vector<16xi32>
      %min3A_649 = arith.minsi %min3A_640, %select_n3A_648 : vector<16xi32>
      %eq3A_650 = vector.broadcast %max3A_584 : f32 to vector<16xf32>
      %eq3A_651 = arith.cmpf oeq, %scan3A_524, %eq3A_650 : vector<16xf32>
      %add3A_652 = arith.constant 112 : i32
      %add3A_653 = vector.broadcast %add3A_652 : i32 to vector<16xi32>
      %add3A_654 = arith.addi %iota3A, %add3A_653 : vector<16xi32>
      %jit3A_655 = arith.constant 9999 : i32
      %broadcast_in_dim3A_656 = vector.broadcast %jit3A_655 : i32 to vector<16xi32>
      %select_n3A_657 = arith.select %eq3A_651, %add3A_654, %broadcast_in_dim3A_656 : vector<16xi1>, vector<16xi32>
      %min3A_658 = arith.minsi %min3A_649, %select_n3A_657 : vector<16xi32>
      %eq3A_659 = vector.broadcast %max3A_584 : f32 to vector<16xf32>
      %eq3A_660 = arith.cmpf oeq, %scan3A_525, %eq3A_659 : vector<16xf32>
      %add3A_661 = arith.constant 128 : i32
      %add3A_662 = vector.broadcast %add3A_661 : i32 to vector<16xi32>
      %add3A_663 = arith.addi %iota3A, %add3A_662 : vector<16xi32>
      %jit3A_664 = arith.constant 9999 : i32
      %broadcast_in_dim3A_665 = vector.broadcast %jit3A_664 : i32 to vector<16xi32>
      %select_n3A_666 = arith.select %eq3A_660, %add3A_663, %broadcast_in_dim3A_665 : vector<16xi1>, vector<16xi32>
      %min3A_667 = arith.minsi %min3A_658, %select_n3A_666 : vector<16xi32>
      %eq3A_668 = vector.broadcast %max3A_584 : f32 to vector<16xf32>
      %eq3A_669 = arith.cmpf oeq, %scan3A_526, %eq3A_668 : vector<16xf32>
      %add3A_670 = arith.constant 144 : i32
      %add3A_671 = vector.broadcast %add3A_670 : i32 to vector<16xi32>
      %add3A_672 = arith.addi %iota3A, %add3A_671 : vector<16xi32>
      %jit3A_673 = arith.constant 9999 : i32
      %broadcast_in_dim3A_674 = vector.broadcast %jit3A_673 : i32 to vector<16xi32>
      %select_n3A_675 = arith.select %eq3A_669, %add3A_672, %broadcast_in_dim3A_674 : vector<16xi1>, vector<16xi32>
      %min3A_676 = arith.minsi %min3A_667, %select_n3A_675 : vector<16xi32>
      %eq3A_677 = vector.broadcast %max3A_584 : f32 to vector<16xf32>
      %eq3A_678 = arith.cmpf oeq, %scan3A_527, %eq3A_677 : vector<16xf32>
      %add3A_679 = arith.constant 160 : i32
      %add3A_680 = vector.broadcast %add3A_679 : i32 to vector<16xi32>
      %add3A_681 = arith.addi %iota3A, %add3A_680 : vector<16xi32>
      %jit3A_682 = arith.constant 9999 : i32
      %broadcast_in_dim3A_683 = vector.broadcast %jit3A_682 : i32 to vector<16xi32>
      %select_n3A_684 = arith.select %eq3A_678, %add3A_681, %broadcast_in_dim3A_683 : vector<16xi1>, vector<16xi32>
      %min3A_685 = arith.minsi %min3A_676, %select_n3A_684 : vector<16xi32>
      %reduce_min3A = arith.constant true
      %reduce_min3A_686 = vector.broadcast %reduce_min3A : i1 to vector<16xi1>
      %reduce_min3A_687 = arith.constant -2147483648 : i32
      %reduce_min3A_688 = vector.broadcast %reduce_min3A_687 : i32 to vector<16xi32>
      %reduce_min3A_689 = arith.xori %min3A_685, %reduce_min3A_688 : vector<16xi32>
      %reduce_min3A_690 = tpu.scan <min>, %reduce_min3A_689 masked %reduce_min3A_686 : vector<16xi32>, vector<16xi1> -> vector<16xi32>
      %reduce_min3A_691 = arith.xori %reduce_min3A_690, %reduce_min3A_688 : vector<16xi32>
      %reduce_min3A_692 = vector.extract %reduce_min3A_691[15] : i32 from vector<16xi32>
      %sub3A_693 = arith.constant 0 : i32
      %sub3A_694 = arith.subi %reduce_min3A_692, %sub3A_693 : i32
      %eq3A_695 = vector.broadcast %sub3A_694 : i32 to vector<16xi32>
      %eq3A_696 = arith.cmpi eq, %iota3A, %eq3A_695 : vector<16xi32>
      %jit3A_697 = arith.constant 0xFF800000 : f32
      %broadcast_in_dim3A_698 = vector.broadcast %jit3A_697 : f32 to vector<16xf32>
      %select_n3A_699 = arith.select %eq3A_696, %broadcast_in_dim3A_698, %scan3A_517 : vector<16xi1>, vector<16xf32>
      %sub3A_700 = arith.constant 16 : i32
      %sub3A_701 = arith.subi %reduce_min3A_692, %sub3A_700 : i32
      %eq3A_702 = vector.broadcast %sub3A_701 : i32 to vector<16xi32>
      %eq3A_703 = arith.cmpi eq, %iota3A, %eq3A_702 : vector<16xi32>
      %jit3A_704 = arith.constant 0xFF800000 : f32
      %broadcast_in_dim3A_705 = vector.broadcast %jit3A_704 : f32 to vector<16xf32>
      %select_n3A_706 = arith.select %eq3A_703, %broadcast_in_dim3A_705, %scan3A_518 : vector<16xi1>, vector<16xf32>
      %sub3A_707 = arith.constant 32 : i32
      %sub3A_708 = arith.subi %reduce_min3A_692, %sub3A_707 : i32
      %eq3A_709 = vector.broadcast %sub3A_708 : i32 to vector<16xi32>
      %eq3A_710 = arith.cmpi eq, %iota3A, %eq3A_709 : vector<16xi32>
      %jit3A_711 = arith.constant 0xFF800000 : f32
      %broadcast_in_dim3A_712 = vector.broadcast %jit3A_711 : f32 to vector<16xf32>
      %select_n3A_713 = arith.select %eq3A_710, %broadcast_in_dim3A_712, %scan3A_519 : vector<16xi1>, vector<16xf32>
      %sub3A_714 = arith.constant 48 : i32
      %sub3A_715 = arith.subi %reduce_min3A_692, %sub3A_714 : i32
      %eq3A_716 = vector.broadcast %sub3A_715 : i32 to vector<16xi32>
      %eq3A_717 = arith.cmpi eq, %iota3A, %eq3A_716 : vector<16xi32>
      %jit3A_718 = arith.constant 0xFF800000 : f32
      %broadcast_in_dim3A_719 = vector.broadcast %jit3A_718 : f32 to vector<16xf32>
      %select_n3A_720 = arith.select %eq3A_717, %broadcast_in_dim3A_719, %scan3A_520 : vector<16xi1>, vector<16xf32>
      %sub3A_721 = arith.constant 64 : i32
      %sub3A_722 = arith.subi %reduce_min3A_692, %sub3A_721 : i32
      %eq3A_723 = vector.broadcast %sub3A_722 : i32 to vector<16xi32>
      %eq3A_724 = arith.cmpi eq, %iota3A, %eq3A_723 : vector<16xi32>
      %jit3A_725 = arith.constant 0xFF800000 : f32
      %broadcast_in_dim3A_726 = vector.broadcast %jit3A_725 : f32 to vector<16xf32>
      %select_n3A_727 = arith.select %eq3A_724, %broadcast_in_dim3A_726, %scan3A_521 : vector<16xi1>, vector<16xf32>
      %sub3A_728 = arith.constant 80 : i32
      %sub3A_729 = arith.subi %reduce_min3A_692, %sub3A_728 : i32
      %eq3A_730 = vector.broadcast %sub3A_729 : i32 to vector<16xi32>
      %eq3A_731 = arith.cmpi eq, %iota3A, %eq3A_730 : vector<16xi32>
      %jit3A_732 = arith.constant 0xFF800000 : f32
      %broadcast_in_dim3A_733 = vector.broadcast %jit3A_732 : f32 to vector<16xf32>
      %select_n3A_734 = arith.select %eq3A_731, %broadcast_in_dim3A_733, %scan3A_522 : vector<16xi1>, vector<16xf32>
      %sub3A_735 = arith.constant 96 : i32
      %sub3A_736 = arith.subi %reduce_min3A_692, %sub3A_735 : i32
      %eq3A_737 = vector.broadcast %sub3A_736 : i32 to vector<16xi32>
      %eq3A_738 = arith.cmpi eq, %iota3A, %eq3A_737 : vector<16xi32>
      %jit3A_739 = arith.constant 0xFF800000 : f32
      %broadcast_in_dim3A_740 = vector.broadcast %jit3A_739 : f32 to vector<16xf32>
      %select_n3A_741 = arith.select %eq3A_738, %broadcast_in_dim3A_740, %scan3A_523 : vector<16xi1>, vector<16xf32>
      %sub3A_742 = arith.constant 112 : i32
      %sub3A_743 = arith.subi %reduce_min3A_692, %sub3A_742 : i32
      %eq3A_744 = vector.broadcast %sub3A_743 : i32 to vector<16xi32>
      %eq3A_745 = arith.cmpi eq, %iota3A, %eq3A_744 : vector<16xi32>
      %jit3A_746 = arith.constant 0xFF800000 : f32
      %broadcast_in_dim3A_747 = vector.broadcast %jit3A_746 : f32 to vector<16xf32>
      %select_n3A_748 = arith.select %eq3A_745, %broadcast_in_dim3A_747, %scan3A_524 : vector<16xi1>, vector<16xf32>
      %sub3A_749 = arith.constant 128 : i32
      %sub3A_750 = arith.subi %reduce_min3A_692, %sub3A_749 : i32
      %eq3A_751 = vector.broadcast %sub3A_750 : i32 to vector<16xi32>
      %eq3A_752 = arith.cmpi eq, %iota3A, %eq3A_751 : vector<16xi32>
      %jit3A_753 = arith.constant 0xFF800000 : f32
      %broadcast_in_dim3A_754 = vector.broadcast %jit3A_753 : f32 to vector<16xf32>
      %select_n3A_755 = arith.select %eq3A_752, %broadcast_in_dim3A_754, %scan3A_525 : vector<16xi1>, vector<16xf32>
      %sub3A_756 = arith.constant 144 : i32
      %sub3A_757 = arith.subi %reduce_min3A_692, %sub3A_756 : i32
      %eq3A_758 = vector.broadcast %sub3A_757 : i32 to vector<16xi32>
      %eq3A_759 = arith.cmpi eq, %iota3A, %eq3A_758 : vector<16xi32>
      %jit3A_760 = arith.constant 0xFF800000 : f32
      %broadcast_in_dim3A_761 = vector.broadcast %jit3A_760 : f32 to vector<16xf32>
      %select_n3A_762 = arith.select %eq3A_759, %broadcast_in_dim3A_761, %scan3A_526 : vector<16xi1>, vector<16xf32>
      %sub3A_763 = arith.constant 160 : i32
      %sub3A_764 = arith.subi %reduce_min3A_692, %sub3A_763 : i32
      %eq3A_765 = vector.broadcast %sub3A_764 : i32 to vector<16xi32>
      %eq3A_766 = arith.cmpi eq, %iota3A, %eq3A_765 : vector<16xi32>
      %jit3A_767 = arith.constant 0xFF800000 : f32
      %broadcast_in_dim3A_768 = vector.broadcast %jit3A_767 : f32 to vector<16xf32>
      %select_n3A_769 = arith.select %eq3A_766, %broadcast_in_dim3A_768, %scan3A_527 : vector<16xi1>, vector<16xf32>
      scf.yield %select_n3A_699, %select_n3A_706, %select_n3A_713, %select_n3A_720, %select_n3A_727, %select_n3A_734, %select_n3A_741, %select_n3A_748, %select_n3A_755, %select_n3A_762, %select_n3A_769, %add3A_585, %max3A_584 : vector<16xf32>, vector<16xf32>, vector<16xf32>, vector<16xf32>, vector<16xf32>, vector<16xf32>, vector<16xf32>, vector<16xf32>, vector<16xf32>, vector<16xf32>, vector<16xf32>, f32, f32
    }
    %scan3A_501 = arith.constant 11 : i32
    %broadcast_in_dim3A_502 = vector.broadcast %reduce_max3A_418 : i32 to vector<16xi32>
    %gather3A_503 = tpu.vector_load_idx %arg6[%broadcast_in_dim3A_502] : memref<114688xf32, #tpu.memory_space<vmem>>[vector<16xi32>], vector<16xf32>,
    %reduce_max3A_504 = arith.constant true
    %reduce_max3A_505 = vector.broadcast %reduce_max3A_504 : i1 to vector<16xi1>
    %reduce_max3A_506 = tpu.scan <max>, %gather3A_503 masked %reduce_max3A_505 : vector<16xf32>, vector<16xi1> -> vector<16xf32>
    %reduce_max3A_507 = vector.extract %reduce_max3A_506[15] : f32 from vector<16xf32>
    %ge3A = arith.cmpf oge, %reduce_max3A_507, %scan3A_500#12 : f32
    %select_n3A_508 = arith.select %ge3A, %reduce_max3A_507, %scan3A_500#12 : f32
    %sub3A_509 = arith.subf %scan3A_500#11, %select_n3A_508 : f32
    %mul3A_510 = arith.constant 1.000000e-01 : f32
    %mul3A_511 = arith.mulf %sub3A_509, %mul3A_510 : f32
    %sub3A_512 = arith.subf %mul3A_511, %reduce_max3A_507 : f32
    %broadcast_in_dim3A_513 = vector.broadcast %sub3A_512 : f32 to vector<16xf32>
    %swap3A_514 = arith.constant 0 : index
    %swap3A_515 = tpu.vector_load %arg10[%swap3A_514] {strides = array<i32>} : memref<16xf32, #tpu.memory_space<vmem>>, vector<16xf32>,
    tpu.vector_store %arg10[%swap3A_514], %broadcast_in_dim3A_513 {strides = array<i32>} : memref<16xf32, #tpu.memory_space<vmem>>, vector<16xf32>,
    "tpu.region"() ({
      %run_scoped3A = tpu.sem_alloc : memref<!tpu.dma_semaphore, #tpu.memory_space<semaphore_mem>>
      %dma_start3A_516 = arith.constant 0 : i32
      %dma_start3A_517 = tpu.memref_slice %arg5[%add3A, %dma_start3A_516] : memref<32x16xf32, #tpu.memory_space<hbm>> -> memref<1x16xf32, #tpu.memory_space<hbm>>
      %dma_start3A_518 = tpu.memref_squeeze %dma_start3A_517 : memref<1x16xf32, #tpu.memory_space<hbm>> -> memref<16xf32, #tpu.memory_space<hbm>>
      %dma_start3A_519 = arith.constant 0 : i32
      %dma_start3A_520 = tpu.memref_slice %arg5[%add3A, %dma_start3A_519] : memref<32x16xf32, #tpu.memory_space<hbm>> -> memref<1x16xf32, #tpu.memory_space<hbm>>
      %dma_start3A_521 = tpu.memref_squeeze %dma_start3A_520 : memref<1x16xf32, #tpu.memory_space<hbm>> -> memref<16xf32, #tpu.memory_space<hbm>>
      tpu.enqueue_dma source(%arg10 : memref<16xf32, #tpu.memory_space<vmem>>) target(%dma_start3A_521 : memref<16xf32, #tpu.memory_space<hbm>>) target_semaphore(%run_scoped3A : memref<!tpu.dma_semaphore, #tpu.memory_space<semaphore_mem>>)
      %dma_wait3A_522 = arith.constant 0 : i32
      %dma_wait3A_523 = tpu.memref_slice %arg5[%add3A, %dma_wait3A_522] : memref<32x16xf32, #tpu.memory_space<hbm>> -> memref<1x16xf32, #tpu.memory_space<hbm>>
      %dma_wait3A_524 = tpu.memref_squeeze %dma_wait3A_523 : memref<1x16xf32, #tpu.memory_space<hbm>> -> memref<16xf32, #tpu.memory_space<hbm>>
      %dma_wait3A_525 = arith.constant 0 : i32
      %dma_wait3A_526 = tpu.memref_slice %arg5[%add3A, %dma_wait3A_525] : memref<32x16xf32, #tpu.memory_space<hbm>> -> memref<1x16xf32, #tpu.memory_space<hbm>>
      %dma_wait3A_527 = tpu.memref_squeeze %dma_wait3A_526 : memref<1x16xf32, #tpu.memory_space<hbm>> -> memref<16xf32, #tpu.memory_space<hbm>>
      tpu.wait_dma2 semaphore(%run_scoped3A : memref<!tpu.dma_semaphore, #tpu.memory_space<semaphore_mem>>) src(%arg10 : memref<16xf32, #tpu.memory_space<vmem>>) dst(%dma_wait3A_527 : memref<16xf32, #tpu.memory_space<hbm>>)
      tpu.yield
    }) : () -> ()
    return
  }
}

module attributes {stable_mosaic.version = 14 : i64} {
  func.func @_reduce_kernel(%arg0: memref<32x16xf32, #tpu.memory_space<vmem>>, %arg1: memref<1xf32, #tpu.memory_space<smem>>, %arg2: memref<1x1xf32, #tpu.memory_space<smem>>) attributes {dimension_semantics = [], scalar_prefetch = 0 : i64, scratch_operands = 0 : i64, tpu.core_type = #tpu.core_type<tc>} {
    %get3A = arith.constant 0 : index
    %get3A_0 = arith.constant 0 : index
    %get3A_1 = vector.load %arg0[%get3A, %get3A_0] : memref<32x16xf32, #tpu.memory_space<vmem>>, vector<32x1xf32>
    %reduce_sum3A = vector.shape_cast %get3A_1 : vector<32x1xf32> to vector<1x32x1xf32>
    %reduce_sum3A_2 = arith.constant dense<0.000000e+00> : vector<1xf32>
    %reduce_sum3A_3 = vector.multi_reduction <add>, %reduce_sum3A, %reduce_sum3A_2 [1, 2] : vector<1x32x1xf32> to vector<1xf32>
    %reduce_sum3A_4 = vector.shape_cast %reduce_sum3A_3 : vector<1xf32> to vector<1x1x1xf32>
    %reduce_sum3A_5 = vector.extract %reduce_sum3A_4[0, 0, 0] : f32 from vector<1x1x1xf32>
    %get3A_6 = arith.constant 0 : index
    %get3A_7 = memref.load %arg1[%get3A_6] : memref<1xf32, #tpu.memory_space<smem>>
    %add3A = arith.addf %reduce_sum3A_5, %get3A_7 : f32
    %mul3A = arith.constant 1.562500e-02 : f32
    %mul3A_8 = arith.mulf %add3A, %mul3A : f32
    %swap3A = arith.constant 0 : index
    %swap3A_9 = arith.constant 0 : index
    %swap3A_10 = memref.load %arg2[%swap3A, %swap3A_9] : memref<1x1xf32, #tpu.memory_space<smem>>
    memref.store %mul3A_8, %arg2[%swap3A, %swap3A_9] : memref<1x1xf32, #tpu.memory_space<smem>>
    return
  }
}

module attributes {stable_mosaic.version = 14 : i64} {
  func.func @_tc_half_kernel(%arg0: i32, %arg1: memref<32x4096xf32, #tpu.memory_space<vmem>>, %arg2: memref<32x128xi32, #tpu.memory_space<vmem>>, %arg3: memref<1xf32, #tpu.memory_space<smem>>, %arg4: memref<32x1408xf32, #tpu.memory_space<vmem>>, %arg5: memref<32x128xf32, #tpu.memory_space<vmem>>) attributes {dimension_semantics = [#tpu.dimension_semantics<arbitrary>], iteration_bounds = array<i64: 25>, scalar_prefetch = 0 : i64, scratch_operands = 2 : i64, tpu.core_type = #tpu.core_type<tc>, window_params = [{transform_indices = @transform_0, window_bounds = array<i64: 32, 4096>}, {transform_indices = @transform_1, window_bounds = array<i64: 32, 128>}, {transform_indices = @transform_2, window_bounds = array<i64: 1>}]} {
    %eq3A = arith.constant 0 : i32
    %eq3A_0 = arith.cmpi eq, %arg0, %eq3A : i32
    %convert_element_type3A = arith.extui %eq3A_0 : i1 to i32
    %cond3A = arith.constant 0 : i32
    %cond3A_1 = arith.cmpi ne, %convert_element_type3A, %cond3A : i32
    scf.if %cond3A_1 {
      %broadcast_in_dim3A_1353 = arith.constant 0xFF800000 : f32
      %broadcast_in_dim3A_1354 = vector.broadcast %broadcast_in_dim3A_1353 : f32 to vector<32x1408xf32>
      %swap3A_1355 = arith.constant 0 : index
      %swap3A_1356 = arith.constant 0 : index
      %swap3A_1357 = vector.load %arg4[%swap3A_1355, %swap3A_1356] : memref<32x1408xf32, #tpu.memory_space<vmem>>, vector<32x1408xf32>
      tpu.vector_store %arg4[%swap3A_1355, %swap3A_1356], %broadcast_in_dim3A_1354 {strides = array<i32>} : memref<32x1408xf32, #tpu.memory_space<vmem>>, vector<32x1408xf32>,
      %broadcast_in_dim3A_1358 = arith.constant 0.000000e+00 : f32
      %broadcast_in_dim3A_1359 = vector.broadcast %broadcast_in_dim3A_1358 : f32 to vector<32x128xf32>
      %swap3A_1360 = arith.constant 0 : index
      %swap3A_1361 = arith.constant 0 : index
      %swap3A_1362 = vector.load %arg5[%swap3A_1360, %swap3A_1361] : memref<32x128xf32, #tpu.memory_space<vmem>>, vector<32x128xf32>
      tpu.vector_store %arg5[%swap3A_1360, %swap3A_1361], %broadcast_in_dim3A_1359 {strides = array<i32>} : memref<32x128xf32, #tpu.memory_space<vmem>>, vector<32x128xf32>,
    } else {
    }
    %get3A = arith.constant 0 : index
    %get3A_2 = arith.constant 0 : index
    %get3A_3 = vector.load %arg4[%get3A, %get3A_2] : memref<32x1408xf32, #tpu.memory_space<vmem>>, vector<32x128xf32>
    %get3A_4 = arith.constant 0 : index
    %get3A_5 = arith.constant 128 : index
    %get3A_6 = vector.load %arg4[%get3A_4, %get3A_5] : memref<32x1408xf32, #tpu.memory_space<vmem>>, vector<32x128xf32>
    %get3A_7 = arith.constant 0 : index
    %get3A_8 = arith.constant 256 : index
    %get3A_9 = vector.load %arg4[%get3A_7, %get3A_8] : memref<32x1408xf32, #tpu.memory_space<vmem>>, vector<32x128xf32>
    %get3A_10 = arith.constant 0 : index
    %get3A_11 = arith.constant 384 : index
    %get3A_12 = vector.load %arg4[%get3A_10, %get3A_11] : memref<32x1408xf32, #tpu.memory_space<vmem>>, vector<32x128xf32>
    %get3A_13 = arith.constant 0 : index
    %get3A_14 = arith.constant 512 : index
    %get3A_15 = vector.load %arg4[%get3A_13, %get3A_14] : memref<32x1408xf32, #tpu.memory_space<vmem>>, vector<32x128xf32>
    %get3A_16 = arith.constant 0 : index
    %get3A_17 = arith.constant 640 : index
    %get3A_18 = vector.load %arg4[%get3A_16, %get3A_17] : memref<32x1408xf32, #tpu.memory_space<vmem>>, vector<32x128xf32>
    %get3A_19 = arith.constant 0 : index
    %get3A_20 = arith.constant 768 : index
    %get3A_21 = vector.load %arg4[%get3A_19, %get3A_20] : memref<32x1408xf32, #tpu.memory_space<vmem>>, vector<32x128xf32>
    %get3A_22 = arith.constant 0 : index
    %get3A_23 = arith.constant 896 : index
    %get3A_24 = vector.load %arg4[%get3A_22, %get3A_23] : memref<32x1408xf32, #tpu.memory_space<vmem>>, vector<32x128xf32>
    %get3A_25 = arith.constant 0 : index
    %get3A_26 = arith.constant 1024 : index
    %get3A_27 = vector.load %arg4[%get3A_25, %get3A_26] : memref<32x1408xf32, #tpu.memory_space<vmem>>, vector<32x128xf32>
    %get3A_28 = arith.constant 0 : index
    %get3A_29 = arith.constant 1152 : index
    %get3A_30 = vector.load %arg4[%get3A_28, %get3A_29] : memref<32x1408xf32, #tpu.memory_space<vmem>>, vector<32x128xf32>
    %get3A_31 = arith.constant 0 : index
    %get3A_32 = arith.constant 1280 : index
    %get3A_33 = vector.load %arg4[%get3A_31, %get3A_32] : memref<32x1408xf32, #tpu.memory_space<vmem>>, vector<32x128xf32>
    %get3A_34 = arith.constant 0 : index
    %get3A_35 = arith.constant 0 : index
    %get3A_36 = vector.load %arg5[%get3A_34, %get3A_35] : memref<32x128xf32, #tpu.memory_space<vmem>>, vector<32x128xf32>
    %get3A_37 = arith.constant 0 : index
    %get3A_38 = arith.constant 0 : index
    %get3A_39 = vector.load %arg2[%get3A_37, %get3A_38] : memref<32x128xi32, #tpu.memory_space<vmem>>, vector<32x128xi32>
    %mul3A = arith.constant 4096 : i32
    %mul3A_40 = arith.muli %arg0, %mul3A : i32
    %iota3A = tpu.iota {dimensions = array<i32: 1>} : vector<32x128xi32>
    %get3A_41 = arith.constant 0 : index
    %get3A_42 = arith.constant 0 : index
    %get3A_43 = vector.load %arg1[%get3A_41, %get3A_42] : memref<32x4096xf32, #tpu.memory_space<vmem>>, vector<32x128xf32>
    %add3A = arith.constant 0 : i32
    %add3A_44 = arith.addi %mul3A_40, %add3A : i32
    %add3A_45 = vector.broadcast %add3A_44 : i32 to vector<32x128xi32>
    %add3A_46 = arith.addi %add3A_45, %iota3A : vector<32x128xi32>
    %lt3A = arith.constant 100000 : i32
    %lt3A_47 = vector.broadcast %lt3A : i32 to vector<32x128xi32>
    %lt3A_48 = arith.cmpi slt, %add3A_46, %lt3A_47 : vector<32x128xi32>
    %eq3A_49 = arith.cmpi eq, %add3A_46, %get3A_39 : vector<32x128xi32>
    %and3A = arith.andi %eq3A_49, %lt3A_48 : vector<32x128xi1>
    %jit3A = arith.constant 0.000000e+00 : f32
    %broadcast_in_dim3A = vector.broadcast %jit3A : f32 to vector<32x128xf32>
    %select_n3A = arith.select %and3A, %get3A_43, %broadcast_in_dim3A : vector<32x128xi1>, vector<32x128xf32>
    %add3A_50 = arith.addf %get3A_36, %select_n3A : vector<32x128xf32>
    %jit3A_51 = arith.constant 0xFF800000 : f32
    %broadcast_in_dim3A_52 = vector.broadcast %jit3A_51 : f32 to vector<32x128xf32>
    %select_n3A_53 = arith.select %lt3A_48, %get3A_43, %broadcast_in_dim3A_52 : vector<32x128xi1>, vector<32x128xf32>
    %max3A = arith.maximumf %get3A_3, %select_n3A_53 : vector<32x128xf32>
    %min3A = arith.minimumf %get3A_3, %select_n3A_53 : vector<32x128xf32>
    %max3A_54 = arith.maximumf %get3A_6, %min3A : vector<32x128xf32>
    %min3A_55 = arith.minimumf %get3A_6, %min3A : vector<32x128xf32>
    %max3A_56 = arith.maximumf %get3A_9, %min3A_55 : vector<32x128xf32>
    %min3A_57 = arith.minimumf %get3A_9, %min3A_55 : vector<32x128xf32>
    %max3A_58 = arith.maximumf %get3A_12, %min3A_57 : vector<32x128xf32>
    %min3A_59 = arith.minimumf %get3A_12, %min3A_57 : vector<32x128xf32>
    %max3A_60 = arith.maximumf %get3A_15, %min3A_59 : vector<32x128xf32>
    %min3A_61 = arith.minimumf %get3A_15, %min3A_59 : vector<32x128xf32>
    %max3A_62 = arith.maximumf %get3A_18, %min3A_61 : vector<32x128xf32>
    %min3A_63 = arith.minimumf %get3A_18, %min3A_61 : vector<32x128xf32>
    %max3A_64 = arith.maximumf %get3A_21, %min3A_63 : vector<32x128xf32>
    %min3A_65 = arith.minimumf %get3A_21, %min3A_63 : vector<32x128xf32>
    %max3A_66 = arith.maximumf %get3A_24, %min3A_65 : vector<32x128xf32>
    %min3A_67 = arith.minimumf %get3A_24, %min3A_65 : vector<32x128xf32>
    %max3A_68 = arith.maximumf %get3A_27, %min3A_67 : vector<32x128xf32>
    %min3A_69 = arith.minimumf %get3A_27, %min3A_67 : vector<32x128xf32>
    %max3A_70 = arith.maximumf %get3A_30, %min3A_69 : vector<32x128xf32>
    %min3A_71 = arith.minimumf %get3A_30, %min3A_69 : vector<32x128xf32>
    %max3A_72 = arith.maximumf %get3A_33, %min3A_71 : vector<32x128xf32>
    %get3A_73 = arith.constant 0 : index
    %get3A_74 = arith.constant 128 : index
    %get3A_75 = vector.load %arg1[%get3A_73, %get3A_74] : memref<32x4096xf32, #tpu.memory_space<vmem>>, vector<32x128xf32>
    %add3A_76 = arith.constant 128 : i32
    %add3A_77 = arith.addi %mul3A_40, %add3A_76 : i32
    %add3A_78 = vector.broadcast %add3A_77 : i32 to vector<32x128xi32>
    %add3A_79 = arith.addi %add3A_78, %iota3A : vector<32x128xi32>
    %lt3A_80 = arith.constant 100000 : i32
    %lt3A_81 = vector.broadcast %lt3A_80 : i32 to vector<32x128xi32>
    %lt3A_82 = arith.cmpi slt, %add3A_79, %lt3A_81 : vector<32x128xi32>
    %eq3A_83 = arith.cmpi eq, %add3A_79, %get3A_39 : vector<32x128xi32>
    %and3A_84 = arith.andi %eq3A_83, %lt3A_82 : vector<32x128xi1>
    %jit3A_85 = arith.constant 0.000000e+00 : f32
    %broadcast_in_dim3A_86 = vector.broadcast %jit3A_85 : f32 to vector<32x128xf32>
    %select_n3A_87 = arith.select %and3A_84, %get3A_75, %broadcast_in_dim3A_86 : vector<32x128xi1>, vector<32x128xf32>
    %add3A_88 = arith.addf %add3A_50, %select_n3A_87 : vector<32x128xf32>
    %jit3A_89 = arith.constant 0xFF800000 : f32
    %broadcast_in_dim3A_90 = vector.broadcast %jit3A_89 : f32 to vector<32x128xf32>
    %select_n3A_91 = arith.select %lt3A_82, %get3A_75, %broadcast_in_dim3A_90 : vector<32x128xi1>, vector<32x128xf32>
    %max3A_92 = arith.maximumf %max3A, %select_n3A_91 : vector<32x128xf32>
    %min3A_93 = arith.minimumf %max3A, %select_n3A_91 : vector<32x128xf32>
    %max3A_94 = arith.maximumf %max3A_54, %min3A_93 : vector<32x128xf32>
    %min3A_95 = arith.minimumf %max3A_54, %min3A_93 : vector<32x128xf32>
    %max3A_96 = arith.maximumf %max3A_56, %min3A_95 : vector<32x128xf32>
    %min3A_97 = arith.minimumf %max3A_56, %min3A_95 : vector<32x128xf32>
    %max3A_98 = arith.maximumf %max3A_58, %min3A_97 : vector<32x128xf32>
    %min3A_99 = arith.minimumf %max3A_58, %min3A_97 : vector<32x128xf32>
    %max3A_100 = arith.maximumf %max3A_60, %min3A_99 : vector<32x128xf32>
    %min3A_101 = arith.minimumf %max3A_60, %min3A_99 : vector<32x128xf32>
    %max3A_102 = arith.maximumf %max3A_62, %min3A_101 : vector<32x128xf32>
    %min3A_103 = arith.minimumf %max3A_62, %min3A_101 : vector<32x128xf32>
    %max3A_104 = arith.maximumf %max3A_64, %min3A_103 : vector<32x128xf32>
    %min3A_105 = arith.minimumf %max3A_64, %min3A_103 : vector<32x128xf32>
    %max3A_106 = arith.maximumf %max3A_66, %min3A_105 : vector<32x128xf32>
    %min3A_107 = arith.minimumf %max3A_66, %min3A_105 : vector<32x128xf32>
    %max3A_108 = arith.maximumf %max3A_68, %min3A_107 : vector<32x128xf32>
    %min3A_109 = arith.minimumf %max3A_68, %min3A_107 : vector<32x128xf32>
    %max3A_110 = arith.maximumf %max3A_70, %min3A_109 : vector<32x128xf32>
    %min3A_111 = arith.minimumf %max3A_70, %min3A_109 : vector<32x128xf32>
    %max3A_112 = arith.maximumf %max3A_72, %min3A_111 : vector<32x128xf32>
    %get3A_113 = arith.constant 0 : index
    %get3A_114 = arith.constant 256 : index
    %get3A_115 = vector.load %arg1[%get3A_113, %get3A_114] : memref<32x4096xf32, #tpu.memory_space<vmem>>, vector<32x128xf32>
    %add3A_116 = arith.constant 256 : i32
    %add3A_117 = arith.addi %mul3A_40, %add3A_116 : i32
    %add3A_118 = vector.broadcast %add3A_117 : i32 to vector<32x128xi32>
    %add3A_119 = arith.addi %add3A_118, %iota3A : vector<32x128xi32>
    %lt3A_120 = arith.constant 100000 : i32
    %lt3A_121 = vector.broadcast %lt3A_120 : i32 to vector<32x128xi32>
    %lt3A_122 = arith.cmpi slt, %add3A_119, %lt3A_121 : vector<32x128xi32>
    %eq3A_123 = arith.cmpi eq, %add3A_119, %get3A_39 : vector<32x128xi32>
    %and3A_124 = arith.andi %eq3A_123, %lt3A_122 : vector<32x128xi1>
    %jit3A_125 = arith.constant 0.000000e+00 : f32
    %broadcast_in_dim3A_126 = vector.broadcast %jit3A_125 : f32 to vector<32x128xf32>
    %select_n3A_127 = arith.select %and3A_124, %get3A_115, %broadcast_in_dim3A_126 : vector<32x128xi1>, vector<32x128xf32>
    %add3A_128 = arith.addf %add3A_88, %select_n3A_127 : vector<32x128xf32>
    %jit3A_129 = arith.constant 0xFF800000 : f32
    %broadcast_in_dim3A_130 = vector.broadcast %jit3A_129 : f32 to vector<32x128xf32>
    %select_n3A_131 = arith.select %lt3A_122, %get3A_115, %broadcast_in_dim3A_130 : vector<32x128xi1>, vector<32x128xf32>
    %max3A_132 = arith.maximumf %max3A_92, %select_n3A_131 : vector<32x128xf32>
    %min3A_133 = arith.minimumf %max3A_92, %select_n3A_131 : vector<32x128xf32>
    %max3A_134 = arith.maximumf %max3A_94, %min3A_133 : vector<32x128xf32>
    %min3A_135 = arith.minimumf %max3A_94, %min3A_133 : vector<32x128xf32>
    %max3A_136 = arith.maximumf %max3A_96, %min3A_135 : vector<32x128xf32>
    %min3A_137 = arith.minimumf %max3A_96, %min3A_135 : vector<32x128xf32>
    %max3A_138 = arith.maximumf %max3A_98, %min3A_137 : vector<32x128xf32>
    %min3A_139 = arith.minimumf %max3A_98, %min3A_137 : vector<32x128xf32>
    %max3A_140 = arith.maximumf %max3A_100, %min3A_139 : vector<32x128xf32>
    %min3A_141 = arith.minimumf %max3A_100, %min3A_139 : vector<32x128xf32>
    %max3A_142 = arith.maximumf %max3A_102, %min3A_141 : vector<32x128xf32>
    %min3A_143 = arith.minimumf %max3A_102, %min3A_141 : vector<32x128xf32>
    %max3A_144 = arith.maximumf %max3A_104, %min3A_143 : vector<32x128xf32>
    %min3A_145 = arith.minimumf %max3A_104, %min3A_143 : vector<32x128xf32>
    %max3A_146 = arith.maximumf %max3A_106, %min3A_145 : vector<32x128xf32>
    %min3A_147 = arith.minimumf %max3A_106, %min3A_145 : vector<32x128xf32>
    %max3A_148 = arith.maximumf %max3A_108, %min3A_147 : vector<32x128xf32>
    %min3A_149 = arith.minimumf %max3A_108, %min3A_147 : vector<32x128xf32>
    %max3A_150 = arith.maximumf %max3A_110, %min3A_149 : vector<32x128xf32>
    %min3A_151 = arith.minimumf %max3A_110, %min3A_149 : vector<32x128xf32>
    %max3A_152 = arith.maximumf %max3A_112, %min3A_151 : vector<32x128xf32>
    %get3A_153 = arith.constant 0 : index
    %get3A_154 = arith.constant 384 : index
    %get3A_155 = vector.load %arg1[%get3A_153, %get3A_154] : memref<32x4096xf32, #tpu.memory_space<vmem>>, vector<32x128xf32>
    %add3A_156 = arith.constant 384 : i32
    %add3A_157 = arith.addi %mul3A_40, %add3A_156 : i32
    %add3A_158 = vector.broadcast %add3A_157 : i32 to vector<32x128xi32>
    %add3A_159 = arith.addi %add3A_158, %iota3A : vector<32x128xi32>
    %lt3A_160 = arith.constant 100000 : i32
    %lt3A_161 = vector.broadcast %lt3A_160 : i32 to vector<32x128xi32>
    %lt3A_162 = arith.cmpi slt, %add3A_159, %lt3A_161 : vector<32x128xi32>
    %eq3A_163 = arith.cmpi eq, %add3A_159, %get3A_39 : vector<32x128xi32>
    %and3A_164 = arith.andi %eq3A_163, %lt3A_162 : vector<32x128xi1>
    %jit3A_165 = arith.constant 0.000000e+00 : f32
    %broadcast_in_dim3A_166 = vector.broadcast %jit3A_165 : f32 to vector<32x128xf32>
    %select_n3A_167 = arith.select %and3A_164, %get3A_155, %broadcast_in_dim3A_166 : vector<32x128xi1>, vector<32x128xf32>
    %add3A_168 = arith.addf %add3A_128, %select_n3A_167 : vector<32x128xf32>
    %jit3A_169 = arith.constant 0xFF800000 : f32
    %broadcast_in_dim3A_170 = vector.broadcast %jit3A_169 : f32 to vector<32x128xf32>
    %select_n3A_171 = arith.select %lt3A_162, %get3A_155, %broadcast_in_dim3A_170 : vector<32x128xi1>, vector<32x128xf32>
    %max3A_172 = arith.maximumf %max3A_132, %select_n3A_171 : vector<32x128xf32>
    %min3A_173 = arith.minimumf %max3A_132, %select_n3A_171 : vector<32x128xf32>
    %max3A_174 = arith.maximumf %max3A_134, %min3A_173 : vector<32x128xf32>
    %min3A_175 = arith.minimumf %max3A_134, %min3A_173 : vector<32x128xf32>
    %max3A_176 = arith.maximumf %max3A_136, %min3A_175 : vector<32x128xf32>
    %min3A_177 = arith.minimumf %max3A_136, %min3A_175 : vector<32x128xf32>
    %max3A_178 = arith.maximumf %max3A_138, %min3A_177 : vector<32x128xf32>
    %min3A_179 = arith.minimumf %max3A_138, %min3A_177 : vector<32x128xf32>
    %max3A_180 = arith.maximumf %max3A_140, %min3A_179 : vector<32x128xf32>
    %min3A_181 = arith.minimumf %max3A_140, %min3A_179 : vector<32x128xf32>
    %max3A_182 = arith.maximumf %max3A_142, %min3A_181 : vector<32x128xf32>
    %min3A_183 = arith.minimumf %max3A_142, %min3A_181 : vector<32x128xf32>
    %max3A_184 = arith.maximumf %max3A_144, %min3A_183 : vector<32x128xf32>
    %min3A_185 = arith.minimumf %max3A_144, %min3A_183 : vector<32x128xf32>
    %max3A_186 = arith.maximumf %max3A_146, %min3A_185 : vector<32x128xf32>
    %min3A_187 = arith.minimumf %max3A_146, %min3A_185 : vector<32x128xf32>
    %max3A_188 = arith.maximumf %max3A_148, %min3A_187 : vector<32x128xf32>
    %min3A_189 = arith.minimumf %max3A_148, %min3A_187 : vector<32x128xf32>
    %max3A_190 = arith.maximumf %max3A_150, %min3A_189 : vector<32x128xf32>
    %min3A_191 = arith.minimumf %max3A_150, %min3A_189 : vector<32x128xf32>
    %max3A_192 = arith.maximumf %max3A_152, %min3A_191 : vector<32x128xf32>
    %get3A_193 = arith.constant 0 : index
    %get3A_194 = arith.constant 512 : index
    %get3A_195 = vector.load %arg1[%get3A_193, %get3A_194] : memref<32x4096xf32, #tpu.memory_space<vmem>>, vector<32x128xf32>
    %add3A_196 = arith.constant 512 : i32
    %add3A_197 = arith.addi %mul3A_40, %add3A_196 : i32
    %add3A_198 = vector.broadcast %add3A_197 : i32 to vector<32x128xi32>
    %add3A_199 = arith.addi %add3A_198, %iota3A : vector<32x128xi32>
    %lt3A_200 = arith.constant 100000 : i32
    %lt3A_201 = vector.broadcast %lt3A_200 : i32 to vector<32x128xi32>
    %lt3A_202 = arith.cmpi slt, %add3A_199, %lt3A_201 : vector<32x128xi32>
    %eq3A_203 = arith.cmpi eq, %add3A_199, %get3A_39 : vector<32x128xi32>
    %and3A_204 = arith.andi %eq3A_203, %lt3A_202 : vector<32x128xi1>
    %jit3A_205 = arith.constant 0.000000e+00 : f32
    %broadcast_in_dim3A_206 = vector.broadcast %jit3A_205 : f32 to vector<32x128xf32>
    %select_n3A_207 = arith.select %and3A_204, %get3A_195, %broadcast_in_dim3A_206 : vector<32x128xi1>, vector<32x128xf32>
    %add3A_208 = arith.addf %add3A_168, %select_n3A_207 : vector<32x128xf32>
    %jit3A_209 = arith.constant 0xFF800000 : f32
    %broadcast_in_dim3A_210 = vector.broadcast %jit3A_209 : f32 to vector<32x128xf32>
    %select_n3A_211 = arith.select %lt3A_202, %get3A_195, %broadcast_in_dim3A_210 : vector<32x128xi1>, vector<32x128xf32>
    %max3A_212 = arith.maximumf %max3A_172, %select_n3A_211 : vector<32x128xf32>
    %min3A_213 = arith.minimumf %max3A_172, %select_n3A_211 : vector<32x128xf32>
    %max3A_214 = arith.maximumf %max3A_174, %min3A_213 : vector<32x128xf32>
    %min3A_215 = arith.minimumf %max3A_174, %min3A_213 : vector<32x128xf32>
    %max3A_216 = arith.maximumf %max3A_176, %min3A_215 : vector<32x128xf32>
    %min3A_217 = arith.minimumf %max3A_176, %min3A_215 : vector<32x128xf32>
    %max3A_218 = arith.maximumf %max3A_178, %min3A_217 : vector<32x128xf32>
    %min3A_219 = arith.minimumf %max3A_178, %min3A_217 : vector<32x128xf32>
    %max3A_220 = arith.maximumf %max3A_180, %min3A_219 : vector<32x128xf32>
    %min3A_221 = arith.minimumf %max3A_180, %min3A_219 : vector<32x128xf32>
    %max3A_222 = arith.maximumf %max3A_182, %min3A_221 : vector<32x128xf32>
    %min3A_223 = arith.minimumf %max3A_182, %min3A_221 : vector<32x128xf32>
    %max3A_224 = arith.maximumf %max3A_184, %min3A_223 : vector<32x128xf32>
    %min3A_225 = arith.minimumf %max3A_184, %min3A_223 : vector<32x128xf32>
    %max3A_226 = arith.maximumf %max3A_186, %min3A_225 : vector<32x128xf32>
    %min3A_227 = arith.minimumf %max3A_186, %min3A_225 : vector<32x128xf32>
    %max3A_228 = arith.maximumf %max3A_188, %min3A_227 : vector<32x128xf32>
    %min3A_229 = arith.minimumf %max3A_188, %min3A_227 : vector<32x128xf32>
    %max3A_230 = arith.maximumf %max3A_190, %min3A_229 : vector<32x128xf32>
    %min3A_231 = arith.minimumf %max3A_190, %min3A_229 : vector<32x128xf32>
    %max3A_232 = arith.maximumf %max3A_192, %min3A_231 : vector<32x128xf32>
    %get3A_233 = arith.constant 0 : index
    %get3A_234 = arith.constant 640 : index
    %get3A_235 = vector.load %arg1[%get3A_233, %get3A_234] : memref<32x4096xf32, #tpu.memory_space<vmem>>, vector<32x128xf32>
    %add3A_236 = arith.constant 640 : i32
    %add3A_237 = arith.addi %mul3A_40, %add3A_236 : i32
    %add3A_238 = vector.broadcast %add3A_237 : i32 to vector<32x128xi32>
    %add3A_239 = arith.addi %add3A_238, %iota3A : vector<32x128xi32>
    %lt3A_240 = arith.constant 100000 : i32
    %lt3A_241 = vector.broadcast %lt3A_240 : i32 to vector<32x128xi32>
    %lt3A_242 = arith.cmpi slt, %add3A_239, %lt3A_241 : vector<32x128xi32>
    %eq3A_243 = arith.cmpi eq, %add3A_239, %get3A_39 : vector<32x128xi32>
    %and3A_244 = arith.andi %eq3A_243, %lt3A_242 : vector<32x128xi1>
    %jit3A_245 = arith.constant 0.000000e+00 : f32
    %broadcast_in_dim3A_246 = vector.broadcast %jit3A_245 : f32 to vector<32x128xf32>
    %select_n3A_247 = arith.select %and3A_244, %get3A_235, %broadcast_in_dim3A_246 : vector<32x128xi1>, vector<32x128xf32>
    %add3A_248 = arith.addf %add3A_208, %select_n3A_247 : vector<32x128xf32>
    %jit3A_249 = arith.constant 0xFF800000 : f32
    %broadcast_in_dim3A_250 = vector.broadcast %jit3A_249 : f32 to vector<32x128xf32>
    %select_n3A_251 = arith.select %lt3A_242, %get3A_235, %broadcast_in_dim3A_250 : vector<32x128xi1>, vector<32x128xf32>
    %max3A_252 = arith.maximumf %max3A_212, %select_n3A_251 : vector<32x128xf32>
    %min3A_253 = arith.minimumf %max3A_212, %select_n3A_251 : vector<32x128xf32>
    %max3A_254 = arith.maximumf %max3A_214, %min3A_253 : vector<32x128xf32>
    %min3A_255 = arith.minimumf %max3A_214, %min3A_253 : vector<32x128xf32>
    %max3A_256 = arith.maximumf %max3A_216, %min3A_255 : vector<32x128xf32>
    %min3A_257 = arith.minimumf %max3A_216, %min3A_255 : vector<32x128xf32>
    %max3A_258 = arith.maximumf %max3A_218, %min3A_257 : vector<32x128xf32>
    %min3A_259 = arith.minimumf %max3A_218, %min3A_257 : vector<32x128xf32>
    %max3A_260 = arith.maximumf %max3A_220, %min3A_259 : vector<32x128xf32>
    %min3A_261 = arith.minimumf %max3A_220, %min3A_259 : vector<32x128xf32>
    %max3A_262 = arith.maximumf %max3A_222, %min3A_261 : vector<32x128xf32>
    %min3A_263 = arith.minimumf %max3A_222, %min3A_261 : vector<32x128xf32>
    %max3A_264 = arith.maximumf %max3A_224, %min3A_263 : vector<32x128xf32>
    %min3A_265 = arith.minimumf %max3A_224, %min3A_263 : vector<32x128xf32>
    %max3A_266 = arith.maximumf %max3A_226, %min3A_265 : vector<32x128xf32>
    %min3A_267 = arith.minimumf %max3A_226, %min3A_265 : vector<32x128xf32>
    %max3A_268 = arith.maximumf %max3A_228, %min3A_267 : vector<32x128xf32>
    %min3A_269 = arith.minimumf %max3A_228, %min3A_267 : vector<32x128xf32>
    %max3A_270 = arith.maximumf %max3A_230, %min3A_269 : vector<32x128xf32>
    %min3A_271 = arith.minimumf %max3A_230, %min3A_269 : vector<32x128xf32>
    %max3A_272 = arith.maximumf %max3A_232, %min3A_271 : vector<32x128xf32>
    %get3A_273 = arith.constant 0 : index
    %get3A_274 = arith.constant 768 : index
    %get3A_275 = vector.load %arg1[%get3A_273, %get3A_274] : memref<32x4096xf32, #tpu.memory_space<vmem>>, vector<32x128xf32>
    %add3A_276 = arith.constant 768 : i32
    %add3A_277 = arith.addi %mul3A_40, %add3A_276 : i32
    %add3A_278 = vector.broadcast %add3A_277 : i32 to vector<32x128xi32>
    %add3A_279 = arith.addi %add3A_278, %iota3A : vector<32x128xi32>
    %lt3A_280 = arith.constant 100000 : i32
    %lt3A_281 = vector.broadcast %lt3A_280 : i32 to vector<32x128xi32>
    %lt3A_282 = arith.cmpi slt, %add3A_279, %lt3A_281 : vector<32x128xi32>
    %eq3A_283 = arith.cmpi eq, %add3A_279, %get3A_39 : vector<32x128xi32>
    %and3A_284 = arith.andi %eq3A_283, %lt3A_282 : vector<32x128xi1>
    %jit3A_285 = arith.constant 0.000000e+00 : f32
    %broadcast_in_dim3A_286 = vector.broadcast %jit3A_285 : f32 to vector<32x128xf32>
    %select_n3A_287 = arith.select %and3A_284, %get3A_275, %broadcast_in_dim3A_286 : vector<32x128xi1>, vector<32x128xf32>
    %add3A_288 = arith.addf %add3A_248, %select_n3A_287 : vector<32x128xf32>
    %jit3A_289 = arith.constant 0xFF800000 : f32
    %broadcast_in_dim3A_290 = vector.broadcast %jit3A_289 : f32 to vector<32x128xf32>
    %select_n3A_291 = arith.select %lt3A_282, %get3A_275, %broadcast_in_dim3A_290 : vector<32x128xi1>, vector<32x128xf32>
    %max3A_292 = arith.maximumf %max3A_252, %select_n3A_291 : vector<32x128xf32>
    %min3A_293 = arith.minimumf %max3A_252, %select_n3A_291 : vector<32x128xf32>
    %max3A_294 = arith.maximumf %max3A_254, %min3A_293 : vector<32x128xf32>
    %min3A_295 = arith.minimumf %max3A_254, %min3A_293 : vector<32x128xf32>
    %max3A_296 = arith.maximumf %max3A_256, %min3A_295 : vector<32x128xf32>
    %min3A_297 = arith.minimumf %max3A_256, %min3A_295 : vector<32x128xf32>
    %max3A_298 = arith.maximumf %max3A_258, %min3A_297 : vector<32x128xf32>
    %min3A_299 = arith.minimumf %max3A_258, %min3A_297 : vector<32x128xf32>
    %max3A_300 = arith.maximumf %max3A_260, %min3A_299 : vector<32x128xf32>
    %min3A_301 = arith.minimumf %max3A_260, %min3A_299 : vector<32x128xf32>
    %max3A_302 = arith.maximumf %max3A_262, %min3A_301 : vector<32x128xf32>
    %min3A_303 = arith.minimumf %max3A_262, %min3A_301 : vector<32x128xf32>
    %max3A_304 = arith.maximumf %max3A_264, %min3A_303 : vector<32x128xf32>
    %min3A_305 = arith.minimumf %max3A_264, %min3A_303 : vector<32x128xf32>
    %max3A_306 = arith.maximumf %max3A_266, %min3A_305 : vector<32x128xf32>
    %min3A_307 = arith.minimumf %max3A_266, %min3A_305 : vector<32x128xf32>
    %max3A_308 = arith.maximumf %max3A_268, %min3A_307 : vector<32x128xf32>
    %min3A_309 = arith.minimumf %max3A_268, %min3A_307 : vector<32x128xf32>
    %max3A_310 = arith.maximumf %max3A_270, %min3A_309 : vector<32x128xf32>
    %min3A_311 = arith.minimumf %max3A_270, %min3A_309 : vector<32x128xf32>
    %max3A_312 = arith.maximumf %max3A_272, %min3A_311 : vector<32x128xf32>
    %get3A_313 = arith.constant 0 : index
    %get3A_314 = arith.constant 896 : index
    %get3A_315 = vector.load %arg1[%get3A_313, %get3A_314] : memref<32x4096xf32, #tpu.memory_space<vmem>>, vector<32x128xf32>
    %add3A_316 = arith.constant 896 : i32
    %add3A_317 = arith.addi %mul3A_40, %add3A_316 : i32
    %add3A_318 = vector.broadcast %add3A_317 : i32 to vector<32x128xi32>
    %add3A_319 = arith.addi %add3A_318, %iota3A : vector<32x128xi32>
    %lt3A_320 = arith.constant 100000 : i32
    %lt3A_321 = vector.broadcast %lt3A_320 : i32 to vector<32x128xi32>
    %lt3A_322 = arith.cmpi slt, %add3A_319, %lt3A_321 : vector<32x128xi32>
    %eq3A_323 = arith.cmpi eq, %add3A_319, %get3A_39 : vector<32x128xi32>
    %and3A_324 = arith.andi %eq3A_323, %lt3A_322 : vector<32x128xi1>
    %jit3A_325 = arith.constant 0.000000e+00 : f32
    %broadcast_in_dim3A_326 = vector.broadcast %jit3A_325 : f32 to vector<32x128xf32>
    %select_n3A_327 = arith.select %and3A_324, %get3A_315, %broadcast_in_dim3A_326 : vector<32x128xi1>, vector<32x128xf32>
    %add3A_328 = arith.addf %add3A_288, %select_n3A_327 : vector<32x128xf32>
    %jit3A_329 = arith.constant 0xFF800000 : f32
    %broadcast_in_dim3A_330 = vector.broadcast %jit3A_329 : f32 to vector<32x128xf32>
    %select_n3A_331 = arith.select %lt3A_322, %get3A_315, %broadcast_in_dim3A_330 : vector<32x128xi1>, vector<32x128xf32>
    %max3A_332 = arith.maximumf %max3A_292, %select_n3A_331 : vector<32x128xf32>
    %min3A_333 = arith.minimumf %max3A_292, %select_n3A_331 : vector<32x128xf32>
    %max3A_334 = arith.maximumf %max3A_294, %min3A_333 : vector<32x128xf32>
    %min3A_335 = arith.minimumf %max3A_294, %min3A_333 : vector<32x128xf32>
    %max3A_336 = arith.maximumf %max3A_296, %min3A_335 : vector<32x128xf32>
    %min3A_337 = arith.minimumf %max3A_296, %min3A_335 : vector<32x128xf32>
    %max3A_338 = arith.maximumf %max3A_298, %min3A_337 : vector<32x128xf32>
    %min3A_339 = arith.minimumf %max3A_298, %min3A_337 : vector<32x128xf32>
    %max3A_340 = arith.maximumf %max3A_300, %min3A_339 : vector<32x128xf32>
    %min3A_341 = arith.minimumf %max3A_300, %min3A_339 : vector<32x128xf32>
    %max3A_342 = arith.maximumf %max3A_302, %min3A_341 : vector<32x128xf32>
    %min3A_343 = arith.minimumf %max3A_302, %min3A_341 : vector<32x128xf32>
    %max3A_344 = arith.maximumf %max3A_304, %min3A_343 : vector<32x128xf32>
    %min3A_345 = arith.minimumf %max3A_304, %min3A_343 : vector<32x128xf32>
    %max3A_346 = arith.maximumf %max3A_306, %min3A_345 : vector<32x128xf32>
    %min3A_347 = arith.minimumf %max3A_306, %min3A_345 : vector<32x128xf32>
    %max3A_348 = arith.maximumf %max3A_308, %min3A_347 : vector<32x128xf32>
    %min3A_349 = arith.minimumf %max3A_308, %min3A_347 : vector<32x128xf32>
    %max3A_350 = arith.maximumf %max3A_310, %min3A_349 : vector<32x128xf32>
    %min3A_351 = arith.minimumf %max3A_310, %min3A_349 : vector<32x128xf32>
    %max3A_352 = arith.maximumf %max3A_312, %min3A_351 : vector<32x128xf32>
    %get3A_353 = arith.constant 0 : index
    %get3A_354 = arith.constant 1024 : index
    %get3A_355 = vector.load %arg1[%get3A_353, %get3A_354] : memref<32x4096xf32, #tpu.memory_space<vmem>>, vector<32x128xf32>
    %add3A_356 = arith.constant 1024 : i32
    %add3A_357 = arith.addi %mul3A_40, %add3A_356 : i32
    %add3A_358 = vector.broadcast %add3A_357 : i32 to vector<32x128xi32>
    %add3A_359 = arith.addi %add3A_358, %iota3A : vector<32x128xi32>
    %lt3A_360 = arith.constant 100000 : i32
    %lt3A_361 = vector.broadcast %lt3A_360 : i32 to vector<32x128xi32>
    %lt3A_362 = arith.cmpi slt, %add3A_359, %lt3A_361 : vector<32x128xi32>
    %eq3A_363 = arith.cmpi eq, %add3A_359, %get3A_39 : vector<32x128xi32>
    %and3A_364 = arith.andi %eq3A_363, %lt3A_362 : vector<32x128xi1>
    %jit3A_365 = arith.constant 0.000000e+00 : f32
    %broadcast_in_dim3A_366 = vector.broadcast %jit3A_365 : f32 to vector<32x128xf32>
    %select_n3A_367 = arith.select %and3A_364, %get3A_355, %broadcast_in_dim3A_366 : vector<32x128xi1>, vector<32x128xf32>
    %add3A_368 = arith.addf %add3A_328, %select_n3A_367 : vector<32x128xf32>
    %jit3A_369 = arith.constant 0xFF800000 : f32
    %broadcast_in_dim3A_370 = vector.broadcast %jit3A_369 : f32 to vector<32x128xf32>
    %select_n3A_371 = arith.select %lt3A_362, %get3A_355, %broadcast_in_dim3A_370 : vector<32x128xi1>, vector<32x128xf32>
    %max3A_372 = arith.maximumf %max3A_332, %select_n3A_371 : vector<32x128xf32>
    %min3A_373 = arith.minimumf %max3A_332, %select_n3A_371 : vector<32x128xf32>
    %max3A_374 = arith.maximumf %max3A_334, %min3A_373 : vector<32x128xf32>
    %min3A_375 = arith.minimumf %max3A_334, %min3A_373 : vector<32x128xf32>
    %max3A_376 = arith.maximumf %max3A_336, %min3A_375 : vector<32x128xf32>
    %min3A_377 = arith.minimumf %max3A_336, %min3A_375 : vector<32x128xf32>
    %max3A_378 = arith.maximumf %max3A_338, %min3A_377 : vector<32x128xf32>
    %min3A_379 = arith.minimumf %max3A_338, %min3A_377 : vector<32x128xf32>
    %max3A_380 = arith.maximumf %max3A_340, %min3A_379 : vector<32x128xf32>
    %min3A_381 = arith.minimumf %max3A_340, %min3A_379 : vector<32x128xf32>
    %max3A_382 = arith.maximumf %max3A_342, %min3A_381 : vector<32x128xf32>
    %min3A_383 = arith.minimumf %max3A_342, %min3A_381 : vector<32x128xf32>
    %max3A_384 = arith.maximumf %max3A_344, %min3A_383 : vector<32x128xf32>
    %min3A_385 = arith.minimumf %max3A_344, %min3A_383 : vector<32x128xf32>
    %max3A_386 = arith.maximumf %max3A_346, %min3A_385 : vector<32x128xf32>
    %min3A_387 = arith.minimumf %max3A_346, %min3A_385 : vector<32x128xf32>
    %max3A_388 = arith.maximumf %max3A_348, %min3A_387 : vector<32x128xf32>
    %min3A_389 = arith.minimumf %max3A_348, %min3A_387 : vector<32x128xf32>
    %max3A_390 = arith.maximumf %max3A_350, %min3A_389 : vector<32x128xf32>
    %min3A_391 = arith.minimumf %max3A_350, %min3A_389 : vector<32x128xf32>
    %max3A_392 = arith.maximumf %max3A_352, %min3A_391 : vector<32x128xf32>
    %get3A_393 = arith.constant 0 : index
    %get3A_394 = arith.constant 1152 : index
    %get3A_395 = vector.load %arg1[%get3A_393, %get3A_394] : memref<32x4096xf32, #tpu.memory_space<vmem>>, vector<32x128xf32>
    %add3A_396 = arith.constant 1152 : i32
    %add3A_397 = arith.addi %mul3A_40, %add3A_396 : i32
    %add3A_398 = vector.broadcast %add3A_397 : i32 to vector<32x128xi32>
    %add3A_399 = arith.addi %add3A_398, %iota3A : vector<32x128xi32>
    %lt3A_400 = arith.constant 100000 : i32
    %lt3A_401 = vector.broadcast %lt3A_400 : i32 to vector<32x128xi32>
    %lt3A_402 = arith.cmpi slt, %add3A_399, %lt3A_401 : vector<32x128xi32>
    %eq3A_403 = arith.cmpi eq, %add3A_399, %get3A_39 : vector<32x128xi32>
    %and3A_404 = arith.andi %eq3A_403, %lt3A_402 : vector<32x128xi1>
    %jit3A_405 = arith.constant 0.000000e+00 : f32
    %broadcast_in_dim3A_406 = vector.broadcast %jit3A_405 : f32 to vector<32x128xf32>
    %select_n3A_407 = arith.select %and3A_404, %get3A_395, %broadcast_in_dim3A_406 : vector<32x128xi1>, vector<32x128xf32>
    %add3A_408 = arith.addf %add3A_368, %select_n3A_407 : vector<32x128xf32>
    %jit3A_409 = arith.constant 0xFF800000 : f32
    %broadcast_in_dim3A_410 = vector.broadcast %jit3A_409 : f32 to vector<32x128xf32>
    %select_n3A_411 = arith.select %lt3A_402, %get3A_395, %broadcast_in_dim3A_410 : vector<32x128xi1>, vector<32x128xf32>
    %max3A_412 = arith.maximumf %max3A_372, %select_n3A_411 : vector<32x128xf32>
    %min3A_413 = arith.minimumf %max3A_372, %select_n3A_411 : vector<32x128xf32>
    %max3A_414 = arith.maximumf %max3A_374, %min3A_413 : vector<32x128xf32>
    %min3A_415 = arith.minimumf %max3A_374, %min3A_413 : vector<32x128xf32>
    %max3A_416 = arith.maximumf %max3A_376, %min3A_415 : vector<32x128xf32>
    %min3A_417 = arith.minimumf %max3A_376, %min3A_415 : vector<32x128xf32>
    %max3A_418 = arith.maximumf %max3A_378, %min3A_417 : vector<32x128xf32>
    %min3A_419 = arith.minimumf %max3A_378, %min3A_417 : vector<32x128xf32>
    %max3A_420 = arith.maximumf %max3A_380, %min3A_419 : vector<32x128xf32>
    %min3A_421 = arith.minimumf %max3A_380, %min3A_419 : vector<32x128xf32>
    %max3A_422 = arith.maximumf %max3A_382, %min3A_421 : vector<32x128xf32>
    %min3A_423 = arith.minimumf %max3A_382, %min3A_421 : vector<32x128xf32>
    %max3A_424 = arith.maximumf %max3A_384, %min3A_423 : vector<32x128xf32>
    %min3A_425 = arith.minimumf %max3A_384, %min3A_423 : vector<32x128xf32>
    %max3A_426 = arith.maximumf %max3A_386, %min3A_425 : vector<32x128xf32>
    %min3A_427 = arith.minimumf %max3A_386, %min3A_425 : vector<32x128xf32>
    %max3A_428 = arith.maximumf %max3A_388, %min3A_427 : vector<32x128xf32>
    %min3A_429 = arith.minimumf %max3A_388, %min3A_427 : vector<32x128xf32>
    %max3A_430 = arith.maximumf %max3A_390, %min3A_429 : vector<32x128xf32>
    %min3A_431 = arith.minimumf %max3A_390, %min3A_429 : vector<32x128xf32>
    %max3A_432 = arith.maximumf %max3A_392, %min3A_431 : vector<32x128xf32>
    %get3A_433 = arith.constant 0 : index
    %get3A_434 = arith.constant 1280 : index
    %get3A_435 = vector.load %arg1[%get3A_433, %get3A_434] : memref<32x4096xf32, #tpu.memory_space<vmem>>, vector<32x128xf32>
    %add3A_436 = arith.constant 1280 : i32
    %add3A_437 = arith.addi %mul3A_40, %add3A_436 : i32
    %add3A_438 = vector.broadcast %add3A_437 : i32 to vector<32x128xi32>
    %add3A_439 = arith.addi %add3A_438, %iota3A : vector<32x128xi32>
    %lt3A_440 = arith.constant 100000 : i32
    %lt3A_441 = vector.broadcast %lt3A_440 : i32 to vector<32x128xi32>
    %lt3A_442 = arith.cmpi slt, %add3A_439, %lt3A_441 : vector<32x128xi32>
    %eq3A_443 = arith.cmpi eq, %add3A_439, %get3A_39 : vector<32x128xi32>
    %and3A_444 = arith.andi %eq3A_443, %lt3A_442 : vector<32x128xi1>
    %jit3A_445 = arith.constant 0.000000e+00 : f32
    %broadcast_in_dim3A_446 = vector.broadcast %jit3A_445 : f32 to vector<32x128xf32>
    %select_n3A_447 = arith.select %and3A_444, %get3A_435, %broadcast_in_dim3A_446 : vector<32x128xi1>, vector<32x128xf32>
    %add3A_448 = arith.addf %add3A_408, %select_n3A_447 : vector<32x128xf32>
    %jit3A_449 = arith.constant 0xFF800000 : f32
    %broadcast_in_dim3A_450 = vector.broadcast %jit3A_449 : f32 to vector<32x128xf32>
    %select_n3A_451 = arith.select %lt3A_442, %get3A_435, %broadcast_in_dim3A_450 : vector<32x128xi1>, vector<32x128xf32>
    %max3A_452 = arith.maximumf %max3A_412, %select_n3A_451 : vector<32x128xf32>
    %min3A_453 = arith.minimumf %max3A_412, %select_n3A_451 : vector<32x128xf32>
    %max3A_454 = arith.maximumf %max3A_414, %min3A_453 : vector<32x128xf32>
    %min3A_455 = arith.minimumf %max3A_414, %min3A_453 : vector<32x128xf32>
    %max3A_456 = arith.maximumf %max3A_416, %min3A_455 : vector<32x128xf32>
    %min3A_457 = arith.minimumf %max3A_416, %min3A_455 : vector<32x128xf32>
    %max3A_458 = arith.maximumf %max3A_418, %min3A_457 : vector<32x128xf32>
    %min3A_459 = arith.minimumf %max3A_418, %min3A_457 : vector<32x128xf32>
    %max3A_460 = arith.maximumf %max3A_420, %min3A_459 : vector<32x128xf32>
    %min3A_461 = arith.minimumf %max3A_420, %min3A_459 : vector<32x128xf32>
    %max3A_462 = arith.maximumf %max3A_422, %min3A_461 : vector<32x128xf32>
    %min3A_463 = arith.minimumf %max3A_422, %min3A_461 : vector<32x128xf32>
    %max3A_464 = arith.maximumf %max3A_424, %min3A_463 : vector<32x128xf32>
    %min3A_465 = arith.minimumf %max3A_424, %min3A_463 : vector<32x128xf32>
    %max3A_466 = arith.maximumf %max3A_426, %min3A_465 : vector<32x128xf32>
    %min3A_467 = arith.minimumf %max3A_426, %min3A_465 : vector<32x128xf32>
    %max3A_468 = arith.maximumf %max3A_428, %min3A_467 : vector<32x128xf32>
    %min3A_469 = arith.minimumf %max3A_428, %min3A_467 : vector<32x128xf32>
    %max3A_470 = arith.maximumf %max3A_430, %min3A_469 : vector<32x128xf32>
    %min3A_471 = arith.minimumf %max3A_430, %min3A_469 : vector<32x128xf32>
    %max3A_472 = arith.maximumf %max3A_432, %min3A_471 : vector<32x128xf32>
    %get3A_473 = arith.constant 0 : index
    %get3A_474 = arith.constant 1408 : index
    %get3A_475 = vector.load %arg1[%get3A_473, %get3A_474] : memref<32x4096xf32, #tpu.memory_space<vmem>>, vector<32x128xf32>
    %add3A_476 = arith.constant 1408 : i32
    %add3A_477 = arith.addi %mul3A_40, %add3A_476 : i32
    %add3A_478 = vector.broadcast %add3A_477 : i32 to vector<32x128xi32>
    %add3A_479 = arith.addi %add3A_478, %iota3A : vector<32x128xi32>
    %lt3A_480 = arith.constant 100000 : i32
    %lt3A_481 = vector.broadcast %lt3A_480 : i32 to vector<32x128xi32>
    %lt3A_482 = arith.cmpi slt, %add3A_479, %lt3A_481 : vector<32x128xi32>
    %eq3A_483 = arith.cmpi eq, %add3A_479, %get3A_39 : vector<32x128xi32>
    %and3A_484 = arith.andi %eq3A_483, %lt3A_482 : vector<32x128xi1>
    %jit3A_485 = arith.constant 0.000000e+00 : f32
    %broadcast_in_dim3A_486 = vector.broadcast %jit3A_485 : f32 to vector<32x128xf32>
    %select_n3A_487 = arith.select %and3A_484, %get3A_475, %broadcast_in_dim3A_486 : vector<32x128xi1>, vector<32x128xf32>
    %add3A_488 = arith.addf %add3A_448, %select_n3A_487 : vector<32x128xf32>
    %jit3A_489 = arith.constant 0xFF800000 : f32
    %broadcast_in_dim3A_490 = vector.broadcast %jit3A_489 : f32 to vector<32x128xf32>
    %select_n3A_491 = arith.select %lt3A_482, %get3A_475, %broadcast_in_dim3A_490 : vector<32x128xi1>, vector<32x128xf32>
    %max3A_492 = arith.maximumf %max3A_452, %select_n3A_491 : vector<32x128xf32>
    %min3A_493 = arith.minimumf %max3A_452, %select_n3A_491 : vector<32x128xf32>
    %max3A_494 = arith.maximumf %max3A_454, %min3A_493 : vector<32x128xf32>
    %min3A_495 = arith.minimumf %max3A_454, %min3A_493 : vector<32x128xf32>
    %max3A_496 = arith.maximumf %max3A_456, %min3A_495 : vector<32x128xf32>
    %min3A_497 = arith.minimumf %max3A_456, %min3A_495 : vector<32x128xf32>
    %max3A_498 = arith.maximumf %max3A_458, %min3A_497 : vector<32x128xf32>
    %min3A_499 = arith.minimumf %max3A_458, %min3A_497 : vector<32x128xf32>
    %max3A_500 = arith.maximumf %max3A_460, %min3A_499 : vector<32x128xf32>
    %min3A_501 = arith.minimumf %max3A_460, %min3A_499 : vector<32x128xf32>
    %max3A_502 = arith.maximumf %max3A_462, %min3A_501 : vector<32x128xf32>
    %min3A_503 = arith.minimumf %max3A_462, %min3A_501 : vector<32x128xf32>
    %max3A_504 = arith.maximumf %max3A_464, %min3A_503 : vector<32x128xf32>
    %min3A_505 = arith.minimumf %max3A_464, %min3A_503 : vector<32x128xf32>
    %max3A_506 = arith.maximumf %max3A_466, %min3A_505 : vector<32x128xf32>
    %min3A_507 = arith.minimumf %max3A_466, %min3A_505 : vector<32x128xf32>
    %max3A_508 = arith.maximumf %max3A_468, %min3A_507 : vector<32x128xf32>
    %min3A_509 = arith.minimumf %max3A_468, %min3A_507 : vector<32x128xf32>
    %max3A_510 = arith.maximumf %max3A_470, %min3A_509 : vector<32x128xf32>
    %min3A_511 = arith.minimumf %max3A_470, %min3A_509 : vector<32x128xf32>
    %max3A_512 = arith.maximumf %max3A_472, %min3A_511 : vector<32x128xf32>
    %get3A_513 = arith.constant 0 : index
    %get3A_514 = arith.constant 1536 : index
    %get3A_515 = vector.load %arg1[%get3A_513, %get3A_514] : memref<32x4096xf32, #tpu.memory_space<vmem>>, vector<32x128xf32>
    %add3A_516 = arith.constant 1536 : i32
    %add3A_517 = arith.addi %mul3A_40, %add3A_516 : i32
    %add3A_518 = vector.broadcast %add3A_517 : i32 to vector<32x128xi32>
    %add3A_519 = arith.addi %add3A_518, %iota3A : vector<32x128xi32>
    %lt3A_520 = arith.constant 100000 : i32
    %lt3A_521 = vector.broadcast %lt3A_520 : i32 to vector<32x128xi32>
    %lt3A_522 = arith.cmpi slt, %add3A_519, %lt3A_521 : vector<32x128xi32>
    %eq3A_523 = arith.cmpi eq, %add3A_519, %get3A_39 : vector<32x128xi32>
    %and3A_524 = arith.andi %eq3A_523, %lt3A_522 : vector<32x128xi1>
    %jit3A_525 = arith.constant 0.000000e+00 : f32
    %broadcast_in_dim3A_526 = vector.broadcast %jit3A_525 : f32 to vector<32x128xf32>
    %select_n3A_527 = arith.select %and3A_524, %get3A_515, %broadcast_in_dim3A_526 : vector<32x128xi1>, vector<32x128xf32>
    %add3A_528 = arith.addf %add3A_488, %select_n3A_527 : vector<32x128xf32>
    %jit3A_529 = arith.constant 0xFF800000 : f32
    %broadcast_in_dim3A_530 = vector.broadcast %jit3A_529 : f32 to vector<32x128xf32>
    %select_n3A_531 = arith.select %lt3A_522, %get3A_515, %broadcast_in_dim3A_530 : vector<32x128xi1>, vector<32x128xf32>
    %max3A_532 = arith.maximumf %max3A_492, %select_n3A_531 : vector<32x128xf32>
    %min3A_533 = arith.minimumf %max3A_492, %select_n3A_531 : vector<32x128xf32>
    %max3A_534 = arith.maximumf %max3A_494, %min3A_533 : vector<32x128xf32>
    %min3A_535 = arith.minimumf %max3A_494, %min3A_533 : vector<32x128xf32>
    %max3A_536 = arith.maximumf %max3A_496, %min3A_535 : vector<32x128xf32>
    %min3A_537 = arith.minimumf %max3A_496, %min3A_535 : vector<32x128xf32>
    %max3A_538 = arith.maximumf %max3A_498, %min3A_537 : vector<32x128xf32>
    %min3A_539 = arith.minimumf %max3A_498, %min3A_537 : vector<32x128xf32>
    %max3A_540 = arith.maximumf %max3A_500, %min3A_539 : vector<32x128xf32>
    %min3A_541 = arith.minimumf %max3A_500, %min3A_539 : vector<32x128xf32>
    %max3A_542 = arith.maximumf %max3A_502, %min3A_541 : vector<32x128xf32>
    %min3A_543 = arith.minimumf %max3A_502, %min3A_541 : vector<32x128xf32>
    %max3A_544 = arith.maximumf %max3A_504, %min3A_543 : vector<32x128xf32>
    %min3A_545 = arith.minimumf %max3A_504, %min3A_543 : vector<32x128xf32>
    %max3A_546 = arith.maximumf %max3A_506, %min3A_545 : vector<32x128xf32>
    %min3A_547 = arith.minimumf %max3A_506, %min3A_545 : vector<32x128xf32>
    %max3A_548 = arith.maximumf %max3A_508, %min3A_547 : vector<32x128xf32>
    %min3A_549 = arith.minimumf %max3A_508, %min3A_547 : vector<32x128xf32>
    %max3A_550 = arith.maximumf %max3A_510, %min3A_549 : vector<32x128xf32>
    %min3A_551 = arith.minimumf %max3A_510, %min3A_549 : vector<32x128xf32>
    %max3A_552 = arith.maximumf %max3A_512, %min3A_551 : vector<32x128xf32>
    %get3A_553 = arith.constant 0 : index
    %get3A_554 = arith.constant 1664 : index
    %get3A_555 = vector.load %arg1[%get3A_553, %get3A_554] : memref<32x4096xf32, #tpu.memory_space<vmem>>, vector<32x128xf32>
    %add3A_556 = arith.constant 1664 : i32
    %add3A_557 = arith.addi %mul3A_40, %add3A_556 : i32
    %add3A_558 = vector.broadcast %add3A_557 : i32 to vector<32x128xi32>
    %add3A_559 = arith.addi %add3A_558, %iota3A : vector<32x128xi32>
    %lt3A_560 = arith.constant 100000 : i32
    %lt3A_561 = vector.broadcast %lt3A_560 : i32 to vector<32x128xi32>
    %lt3A_562 = arith.cmpi slt, %add3A_559, %lt3A_561 : vector<32x128xi32>
    %eq3A_563 = arith.cmpi eq, %add3A_559, %get3A_39 : vector<32x128xi32>
    %and3A_564 = arith.andi %eq3A_563, %lt3A_562 : vector<32x128xi1>
    %jit3A_565 = arith.constant 0.000000e+00 : f32
    %broadcast_in_dim3A_566 = vector.broadcast %jit3A_565 : f32 to vector<32x128xf32>
    %select_n3A_567 = arith.select %and3A_564, %get3A_555, %broadcast_in_dim3A_566 : vector<32x128xi1>, vector<32x128xf32>
    %add3A_568 = arith.addf %add3A_528, %select_n3A_567 : vector<32x128xf32>
    %jit3A_569 = arith.constant 0xFF800000 : f32
    %broadcast_in_dim3A_570 = vector.broadcast %jit3A_569 : f32 to vector<32x128xf32>
    %select_n3A_571 = arith.select %lt3A_562, %get3A_555, %broadcast_in_dim3A_570 : vector<32x128xi1>, vector<32x128xf32>
    %max3A_572 = arith.maximumf %max3A_532, %select_n3A_571 : vector<32x128xf32>
    %min3A_573 = arith.minimumf %max3A_532, %select_n3A_571 : vector<32x128xf32>
    %max3A_574 = arith.maximumf %max3A_534, %min3A_573 : vector<32x128xf32>
    %min3A_575 = arith.minimumf %max3A_534, %min3A_573 : vector<32x128xf32>
    %max3A_576 = arith.maximumf %max3A_536, %min3A_575 : vector<32x128xf32>
    %min3A_577 = arith.minimumf %max3A_536, %min3A_575 : vector<32x128xf32>
    %max3A_578 = arith.maximumf %max3A_538, %min3A_577 : vector<32x128xf32>
    %min3A_579 = arith.minimumf %max3A_538, %min3A_577 : vector<32x128xf32>
    %max3A_580 = arith.maximumf %max3A_540, %min3A_579 : vector<32x128xf32>
    %min3A_581 = arith.minimumf %max3A_540, %min3A_579 : vector<32x128xf32>
    %max3A_582 = arith.maximumf %max3A_542, %min3A_581 : vector<32x128xf32>
    %min3A_583 = arith.minimumf %max3A_542, %min3A_581 : vector<32x128xf32>
    %max3A_584 = arith.maximumf %max3A_544, %min3A_583 : vector<32x128xf32>
    %min3A_585 = arith.minimumf %max3A_544, %min3A_583 : vector<32x128xf32>
    %max3A_586 = arith.maximumf %max3A_546, %min3A_585 : vector<32x128xf32>
    %min3A_587 = arith.minimumf %max3A_546, %min3A_585 : vector<32x128xf32>
    %max3A_588 = arith.maximumf %max3A_548, %min3A_587 : vector<32x128xf32>
    %min3A_589 = arith.minimumf %max3A_548, %min3A_587 : vector<32x128xf32>
    %max3A_590 = arith.maximumf %max3A_550, %min3A_589 : vector<32x128xf32>
    %min3A_591 = arith.minimumf %max3A_550, %min3A_589 : vector<32x128xf32>
    %max3A_592 = arith.maximumf %max3A_552, %min3A_591 : vector<32x128xf32>
    %get3A_593 = arith.constant 0 : index
    %get3A_594 = arith.constant 1792 : index
    %get3A_595 = vector.load %arg1[%get3A_593, %get3A_594] : memref<32x4096xf32, #tpu.memory_space<vmem>>, vector<32x128xf32>
    %add3A_596 = arith.constant 1792 : i32
    %add3A_597 = arith.addi %mul3A_40, %add3A_596 : i32
    %add3A_598 = vector.broadcast %add3A_597 : i32 to vector<32x128xi32>
    %add3A_599 = arith.addi %add3A_598, %iota3A : vector<32x128xi32>
    %lt3A_600 = arith.constant 100000 : i32
    %lt3A_601 = vector.broadcast %lt3A_600 : i32 to vector<32x128xi32>
    %lt3A_602 = arith.cmpi slt, %add3A_599, %lt3A_601 : vector<32x128xi32>
    %eq3A_603 = arith.cmpi eq, %add3A_599, %get3A_39 : vector<32x128xi32>
    %and3A_604 = arith.andi %eq3A_603, %lt3A_602 : vector<32x128xi1>
    %jit3A_605 = arith.constant 0.000000e+00 : f32
    %broadcast_in_dim3A_606 = vector.broadcast %jit3A_605 : f32 to vector<32x128xf32>
    %select_n3A_607 = arith.select %and3A_604, %get3A_595, %broadcast_in_dim3A_606 : vector<32x128xi1>, vector<32x128xf32>
    %add3A_608 = arith.addf %add3A_568, %select_n3A_607 : vector<32x128xf32>
    %jit3A_609 = arith.constant 0xFF800000 : f32
    %broadcast_in_dim3A_610 = vector.broadcast %jit3A_609 : f32 to vector<32x128xf32>
    %select_n3A_611 = arith.select %lt3A_602, %get3A_595, %broadcast_in_dim3A_610 : vector<32x128xi1>, vector<32x128xf32>
    %max3A_612 = arith.maximumf %max3A_572, %select_n3A_611 : vector<32x128xf32>
    %min3A_613 = arith.minimumf %max3A_572, %select_n3A_611 : vector<32x128xf32>
    %max3A_614 = arith.maximumf %max3A_574, %min3A_613 : vector<32x128xf32>
    %min3A_615 = arith.minimumf %max3A_574, %min3A_613 : vector<32x128xf32>
    %max3A_616 = arith.maximumf %max3A_576, %min3A_615 : vector<32x128xf32>
    %min3A_617 = arith.minimumf %max3A_576, %min3A_615 : vector<32x128xf32>
    %max3A_618 = arith.maximumf %max3A_578, %min3A_617 : vector<32x128xf32>
    %min3A_619 = arith.minimumf %max3A_578, %min3A_617 : vector<32x128xf32>
    %max3A_620 = arith.maximumf %max3A_580, %min3A_619 : vector<32x128xf32>
    %min3A_621 = arith.minimumf %max3A_580, %min3A_619 : vector<32x128xf32>
    %max3A_622 = arith.maximumf %max3A_582, %min3A_621 : vector<32x128xf32>
    %min3A_623 = arith.minimumf %max3A_582, %min3A_621 : vector<32x128xf32>
    %max3A_624 = arith.maximumf %max3A_584, %min3A_623 : vector<32x128xf32>
    %min3A_625 = arith.minimumf %max3A_584, %min3A_623 : vector<32x128xf32>
    %max3A_626 = arith.maximumf %max3A_586, %min3A_625 : vector<32x128xf32>
    %min3A_627 = arith.minimumf %max3A_586, %min3A_625 : vector<32x128xf32>
    %max3A_628 = arith.maximumf %max3A_588, %min3A_627 : vector<32x128xf32>
    %min3A_629 = arith.minimumf %max3A_588, %min3A_627 : vector<32x128xf32>
    %max3A_630 = arith.maximumf %max3A_590, %min3A_629 : vector<32x128xf32>
    %min3A_631 = arith.minimumf %max3A_590, %min3A_629 : vector<32x128xf32>
    %max3A_632 = arith.maximumf %max3A_592, %min3A_631 : vector<32x128xf32>
    %get3A_633 = arith.constant 0 : index
    %get3A_634 = arith.constant 1920 : index
    %get3A_635 = vector.load %arg1[%get3A_633, %get3A_634] : memref<32x4096xf32, #tpu.memory_space<vmem>>, vector<32x128xf32>
    %add3A_636 = arith.constant 1920 : i32
    %add3A_637 = arith.addi %mul3A_40, %add3A_636 : i32
    %add3A_638 = vector.broadcast %add3A_637 : i32 to vector<32x128xi32>
    %add3A_639 = arith.addi %add3A_638, %iota3A : vector<32x128xi32>
    %lt3A_640 = arith.constant 100000 : i32
    %lt3A_641 = vector.broadcast %lt3A_640 : i32 to vector<32x128xi32>
    %lt3A_642 = arith.cmpi slt, %add3A_639, %lt3A_641 : vector<32x128xi32>
    %eq3A_643 = arith.cmpi eq, %add3A_639, %get3A_39 : vector<32x128xi32>
    %and3A_644 = arith.andi %eq3A_643, %lt3A_642 : vector<32x128xi1>
    %jit3A_645 = arith.constant 0.000000e+00 : f32
    %broadcast_in_dim3A_646 = vector.broadcast %jit3A_645 : f32 to vector<32x128xf32>
    %select_n3A_647 = arith.select %and3A_644, %get3A_635, %broadcast_in_dim3A_646 : vector<32x128xi1>, vector<32x128xf32>
    %add3A_648 = arith.addf %add3A_608, %select_n3A_647 : vector<32x128xf32>
    %jit3A_649 = arith.constant 0xFF800000 : f32
    %broadcast_in_dim3A_650 = vector.broadcast %jit3A_649 : f32 to vector<32x128xf32>
    %select_n3A_651 = arith.select %lt3A_642, %get3A_635, %broadcast_in_dim3A_650 : vector<32x128xi1>, vector<32x128xf32>
    %max3A_652 = arith.maximumf %max3A_612, %select_n3A_651 : vector<32x128xf32>
    %min3A_653 = arith.minimumf %max3A_612, %select_n3A_651 : vector<32x128xf32>
    %max3A_654 = arith.maximumf %max3A_614, %min3A_653 : vector<32x128xf32>
    %min3A_655 = arith.minimumf %max3A_614, %min3A_653 : vector<32x128xf32>
    %max3A_656 = arith.maximumf %max3A_616, %min3A_655 : vector<32x128xf32>
    %min3A_657 = arith.minimumf %max3A_616, %min3A_655 : vector<32x128xf32>
    %max3A_658 = arith.maximumf %max3A_618, %min3A_657 : vector<32x128xf32>
    %min3A_659 = arith.minimumf %max3A_618, %min3A_657 : vector<32x128xf32>
    %max3A_660 = arith.maximumf %max3A_620, %min3A_659 : vector<32x128xf32>
    %min3A_661 = arith.minimumf %max3A_620, %min3A_659 : vector<32x128xf32>
    %max3A_662 = arith.maximumf %max3A_622, %min3A_661 : vector<32x128xf32>
    %min3A_663 = arith.minimumf %max3A_622, %min3A_661 : vector<32x128xf32>
    %max3A_664 = arith.maximumf %max3A_624, %min3A_663 : vector<32x128xf32>
    %min3A_665 = arith.minimumf %max3A_624, %min3A_663 : vector<32x128xf32>
    %max3A_666 = arith.maximumf %max3A_626, %min3A_665 : vector<32x128xf32>
    %min3A_667 = arith.minimumf %max3A_626, %min3A_665 : vector<32x128xf32>
    %max3A_668 = arith.maximumf %max3A_628, %min3A_667 : vector<32x128xf32>
    %min3A_669 = arith.minimumf %max3A_628, %min3A_667 : vector<32x128xf32>
    %max3A_670 = arith.maximumf %max3A_630, %min3A_669 : vector<32x128xf32>
    %min3A_671 = arith.minimumf %max3A_630, %min3A_669 : vector<32x128xf32>
    %max3A_672 = arith.maximumf %max3A_632, %min3A_671 : vector<32x128xf32>
    %get3A_673 = arith.constant 0 : index
    %get3A_674 = arith.constant 2048 : index
    %get3A_675 = vector.load %arg1[%get3A_673, %get3A_674] : memref<32x4096xf32, #tpu.memory_space<vmem>>, vector<32x128xf32>
    %add3A_676 = arith.constant 2048 : i32
    %add3A_677 = arith.addi %mul3A_40, %add3A_676 : i32
    %add3A_678 = vector.broadcast %add3A_677 : i32 to vector<32x128xi32>
    %add3A_679 = arith.addi %add3A_678, %iota3A : vector<32x128xi32>
    %lt3A_680 = arith.constant 100000 : i32
    %lt3A_681 = vector.broadcast %lt3A_680 : i32 to vector<32x128xi32>
    %lt3A_682 = arith.cmpi slt, %add3A_679, %lt3A_681 : vector<32x128xi32>
    %eq3A_683 = arith.cmpi eq, %add3A_679, %get3A_39 : vector<32x128xi32>
    %and3A_684 = arith.andi %eq3A_683, %lt3A_682 : vector<32x128xi1>
    %jit3A_685 = arith.constant 0.000000e+00 : f32
    %broadcast_in_dim3A_686 = vector.broadcast %jit3A_685 : f32 to vector<32x128xf32>
    %select_n3A_687 = arith.select %and3A_684, %get3A_675, %broadcast_in_dim3A_686 : vector<32x128xi1>, vector<32x128xf32>
    %add3A_688 = arith.addf %add3A_648, %select_n3A_687 : vector<32x128xf32>
    %jit3A_689 = arith.constant 0xFF800000 : f32
    %broadcast_in_dim3A_690 = vector.broadcast %jit3A_689 : f32 to vector<32x128xf32>
    %select_n3A_691 = arith.select %lt3A_682, %get3A_675, %broadcast_in_dim3A_690 : vector<32x128xi1>, vector<32x128xf32>
    %max3A_692 = arith.maximumf %max3A_652, %select_n3A_691 : vector<32x128xf32>
    %min3A_693 = arith.minimumf %max3A_652, %select_n3A_691 : vector<32x128xf32>
    %max3A_694 = arith.maximumf %max3A_654, %min3A_693 : vector<32x128xf32>
    %min3A_695 = arith.minimumf %max3A_654, %min3A_693 : vector<32x128xf32>
    %max3A_696 = arith.maximumf %max3A_656, %min3A_695 : vector<32x128xf32>
    %min3A_697 = arith.minimumf %max3A_656, %min3A_695 : vector<32x128xf32>
    %max3A_698 = arith.maximumf %max3A_658, %min3A_697 : vector<32x128xf32>
    %min3A_699 = arith.minimumf %max3A_658, %min3A_697 : vector<32x128xf32>
    %max3A_700 = arith.maximumf %max3A_660, %min3A_699 : vector<32x128xf32>
    %min3A_701 = arith.minimumf %max3A_660, %min3A_699 : vector<32x128xf32>
    %max3A_702 = arith.maximumf %max3A_662, %min3A_701 : vector<32x128xf32>
    %min3A_703 = arith.minimumf %max3A_662, %min3A_701 : vector<32x128xf32>
    %max3A_704 = arith.maximumf %max3A_664, %min3A_703 : vector<32x128xf32>
    %min3A_705 = arith.minimumf %max3A_664, %min3A_703 : vector<32x128xf32>
    %max3A_706 = arith.maximumf %max3A_666, %min3A_705 : vector<32x128xf32>
    %min3A_707 = arith.minimumf %max3A_666, %min3A_705 : vector<32x128xf32>
    %max3A_708 = arith.maximumf %max3A_668, %min3A_707 : vector<32x128xf32>
    %min3A_709 = arith.minimumf %max3A_668, %min3A_707 : vector<32x128xf32>
    %max3A_710 = arith.maximumf %max3A_670, %min3A_709 : vector<32x128xf32>
    %min3A_711 = arith.minimumf %max3A_670, %min3A_709 : vector<32x128xf32>
    %max3A_712 = arith.maximumf %max3A_672, %min3A_711 : vector<32x128xf32>
    %get3A_713 = arith.constant 0 : index
    %get3A_714 = arith.constant 2176 : index
    %get3A_715 = vector.load %arg1[%get3A_713, %get3A_714] : memref<32x4096xf32, #tpu.memory_space<vmem>>, vector<32x128xf32>
    %add3A_716 = arith.constant 2176 : i32
    %add3A_717 = arith.addi %mul3A_40, %add3A_716 : i32
    %add3A_718 = vector.broadcast %add3A_717 : i32 to vector<32x128xi32>
    %add3A_719 = arith.addi %add3A_718, %iota3A : vector<32x128xi32>
    %lt3A_720 = arith.constant 100000 : i32
    %lt3A_721 = vector.broadcast %lt3A_720 : i32 to vector<32x128xi32>
    %lt3A_722 = arith.cmpi slt, %add3A_719, %lt3A_721 : vector<32x128xi32>
    %eq3A_723 = arith.cmpi eq, %add3A_719, %get3A_39 : vector<32x128xi32>
    %and3A_724 = arith.andi %eq3A_723, %lt3A_722 : vector<32x128xi1>
    %jit3A_725 = arith.constant 0.000000e+00 : f32
    %broadcast_in_dim3A_726 = vector.broadcast %jit3A_725 : f32 to vector<32x128xf32>
    %select_n3A_727 = arith.select %and3A_724, %get3A_715, %broadcast_in_dim3A_726 : vector<32x128xi1>, vector<32x128xf32>
    %add3A_728 = arith.addf %add3A_688, %select_n3A_727 : vector<32x128xf32>
    %jit3A_729 = arith.constant 0xFF800000 : f32
    %broadcast_in_dim3A_730 = vector.broadcast %jit3A_729 : f32 to vector<32x128xf32>
    %select_n3A_731 = arith.select %lt3A_722, %get3A_715, %broadcast_in_dim3A_730 : vector<32x128xi1>, vector<32x128xf32>
    %max3A_732 = arith.maximumf %max3A_692, %select_n3A_731 : vector<32x128xf32>
    %min3A_733 = arith.minimumf %max3A_692, %select_n3A_731 : vector<32x128xf32>
    %max3A_734 = arith.maximumf %max3A_694, %min3A_733 : vector<32x128xf32>
    %min3A_735 = arith.minimumf %max3A_694, %min3A_733 : vector<32x128xf32>
    %max3A_736 = arith.maximumf %max3A_696, %min3A_735 : vector<32x128xf32>
    %min3A_737 = arith.minimumf %max3A_696, %min3A_735 : vector<32x128xf32>
    %max3A_738 = arith.maximumf %max3A_698, %min3A_737 : vector<32x128xf32>
    %min3A_739 = arith.minimumf %max3A_698, %min3A_737 : vector<32x128xf32>
    %max3A_740 = arith.maximumf %max3A_700, %min3A_739 : vector<32x128xf32>
    %min3A_741 = arith.minimumf %max3A_700, %min3A_739 : vector<32x128xf32>
    %max3A_742 = arith.maximumf %max3A_702, %min3A_741 : vector<32x128xf32>
    %min3A_743 = arith.minimumf %max3A_702, %min3A_741 : vector<32x128xf32>
    %max3A_744 = arith.maximumf %max3A_704, %min3A_743 : vector<32x128xf32>
    %min3A_745 = arith.minimumf %max3A_704, %min3A_743 : vector<32x128xf32>
    %max3A_746 = arith.maximumf %max3A_706, %min3A_745 : vector<32x128xf32>
    %min3A_747 = arith.minimumf %max3A_706, %min3A_745 : vector<32x128xf32>
    %max3A_748 = arith.maximumf %max3A_708, %min3A_747 : vector<32x128xf32>
    %min3A_749 = arith.minimumf %max3A_708, %min3A_747 : vector<32x128xf32>
    %max3A_750 = arith.maximumf %max3A_710, %min3A_749 : vector<32x128xf32>
    %min3A_751 = arith.minimumf %max3A_710, %min3A_749 : vector<32x128xf32>
    %max3A_752 = arith.maximumf %max3A_712, %min3A_751 : vector<32x128xf32>
    %get3A_753 = arith.constant 0 : index
    %get3A_754 = arith.constant 2304 : index
    %get3A_755 = vector.load %arg1[%get3A_753, %get3A_754] : memref<32x4096xf32, #tpu.memory_space<vmem>>, vector<32x128xf32>
    %add3A_756 = arith.constant 2304 : i32
    %add3A_757 = arith.addi %mul3A_40, %add3A_756 : i32
    %add3A_758 = vector.broadcast %add3A_757 : i32 to vector<32x128xi32>
    %add3A_759 = arith.addi %add3A_758, %iota3A : vector<32x128xi32>
    %lt3A_760 = arith.constant 100000 : i32
    %lt3A_761 = vector.broadcast %lt3A_760 : i32 to vector<32x128xi32>
    %lt3A_762 = arith.cmpi slt, %add3A_759, %lt3A_761 : vector<32x128xi32>
    %eq3A_763 = arith.cmpi eq, %add3A_759, %get3A_39 : vector<32x128xi32>
    %and3A_764 = arith.andi %eq3A_763, %lt3A_762 : vector<32x128xi1>
    %jit3A_765 = arith.constant 0.000000e+00 : f32
    %broadcast_in_dim3A_766 = vector.broadcast %jit3A_765 : f32 to vector<32x128xf32>
    %select_n3A_767 = arith.select %and3A_764, %get3A_755, %broadcast_in_dim3A_766 : vector<32x128xi1>, vector<32x128xf32>
    %add3A_768 = arith.addf %add3A_728, %select_n3A_767 : vector<32x128xf32>
    %jit3A_769 = arith.constant 0xFF800000 : f32
    %broadcast_in_dim3A_770 = vector.broadcast %jit3A_769 : f32 to vector<32x128xf32>
    %select_n3A_771 = arith.select %lt3A_762, %get3A_755, %broadcast_in_dim3A_770 : vector<32x128xi1>, vector<32x128xf32>
    %max3A_772 = arith.maximumf %max3A_732, %select_n3A_771 : vector<32x128xf32>
    %min3A_773 = arith.minimumf %max3A_732, %select_n3A_771 : vector<32x128xf32>
    %max3A_774 = arith.maximumf %max3A_734, %min3A_773 : vector<32x128xf32>
    %min3A_775 = arith.minimumf %max3A_734, %min3A_773 : vector<32x128xf32>
    %max3A_776 = arith.maximumf %max3A_736, %min3A_775 : vector<32x128xf32>
    %min3A_777 = arith.minimumf %max3A_736, %min3A_775 : vector<32x128xf32>
    %max3A_778 = arith.maximumf %max3A_738, %min3A_777 : vector<32x128xf32>
    %min3A_779 = arith.minimumf %max3A_738, %min3A_777 : vector<32x128xf32>
    %max3A_780 = arith.maximumf %max3A_740, %min3A_779 : vector<32x128xf32>
    %min3A_781 = arith.minimumf %max3A_740, %min3A_779 : vector<32x128xf32>
    %max3A_782 = arith.maximumf %max3A_742, %min3A_781 : vector<32x128xf32>
    %min3A_783 = arith.minimumf %max3A_742, %min3A_781 : vector<32x128xf32>
    %max3A_784 = arith.maximumf %max3A_744, %min3A_783 : vector<32x128xf32>
    %min3A_785 = arith.minimumf %max3A_744, %min3A_783 : vector<32x128xf32>
    %max3A_786 = arith.maximumf %max3A_746, %min3A_785 : vector<32x128xf32>
    %min3A_787 = arith.minimumf %max3A_746, %min3A_785 : vector<32x128xf32>
    %max3A_788 = arith.maximumf %max3A_748, %min3A_787 : vector<32x128xf32>
    %min3A_789 = arith.minimumf %max3A_748, %min3A_787 : vector<32x128xf32>
    %max3A_790 = arith.maximumf %max3A_750, %min3A_789 : vector<32x128xf32>
    %min3A_791 = arith.minimumf %max3A_750, %min3A_789 : vector<32x128xf32>
    %max3A_792 = arith.maximumf %max3A_752, %min3A_791 : vector<32x128xf32>
    %get3A_793 = arith.constant 0 : index
    %get3A_794 = arith.constant 2432 : index
    %get3A_795 = vector.load %arg1[%get3A_793, %get3A_794] : memref<32x4096xf32, #tpu.memory_space<vmem>>, vector<32x128xf32>
    %add3A_796 = arith.constant 2432 : i32
    %add3A_797 = arith.addi %mul3A_40, %add3A_796 : i32
    %add3A_798 = vector.broadcast %add3A_797 : i32 to vector<32x128xi32>
    %add3A_799 = arith.addi %add3A_798, %iota3A : vector<32x128xi32>
    %lt3A_800 = arith.constant 100000 : i32
    %lt3A_801 = vector.broadcast %lt3A_800 : i32 to vector<32x128xi32>
    %lt3A_802 = arith.cmpi slt, %add3A_799, %lt3A_801 : vector<32x128xi32>
    %eq3A_803 = arith.cmpi eq, %add3A_799, %get3A_39 : vector<32x128xi32>
    %and3A_804 = arith.andi %eq3A_803, %lt3A_802 : vector<32x128xi1>
    %jit3A_805 = arith.constant 0.000000e+00 : f32
    %broadcast_in_dim3A_806 = vector.broadcast %jit3A_805 : f32 to vector<32x128xf32>
    %select_n3A_807 = arith.select %and3A_804, %get3A_795, %broadcast_in_dim3A_806 : vector<32x128xi1>, vector<32x128xf32>
    %add3A_808 = arith.addf %add3A_768, %select_n3A_807 : vector<32x128xf32>
    %jit3A_809 = arith.constant 0xFF800000 : f32
    %broadcast_in_dim3A_810 = vector.broadcast %jit3A_809 : f32 to vector<32x128xf32>
    %select_n3A_811 = arith.select %lt3A_802, %get3A_795, %broadcast_in_dim3A_810 : vector<32x128xi1>, vector<32x128xf32>
    %max3A_812 = arith.maximumf %max3A_772, %select_n3A_811 : vector<32x128xf32>
    %min3A_813 = arith.minimumf %max3A_772, %select_n3A_811 : vector<32x128xf32>
    %max3A_814 = arith.maximumf %max3A_774, %min3A_813 : vector<32x128xf32>
    %min3A_815 = arith.minimumf %max3A_774, %min3A_813 : vector<32x128xf32>
    %max3A_816 = arith.maximumf %max3A_776, %min3A_815 : vector<32x128xf32>
    %min3A_817 = arith.minimumf %max3A_776, %min3A_815 : vector<32x128xf32>
    %max3A_818 = arith.maximumf %max3A_778, %min3A_817 : vector<32x128xf32>
    %min3A_819 = arith.minimumf %max3A_778, %min3A_817 : vector<32x128xf32>
    %max3A_820 = arith.maximumf %max3A_780, %min3A_819 : vector<32x128xf32>
    %min3A_821 = arith.minimumf %max3A_780, %min3A_819 : vector<32x128xf32>
    %max3A_822 = arith.maximumf %max3A_782, %min3A_821 : vector<32x128xf32>
    %min3A_823 = arith.minimumf %max3A_782, %min3A_821 : vector<32x128xf32>
    %max3A_824 = arith.maximumf %max3A_784, %min3A_823 : vector<32x128xf32>
    %min3A_825 = arith.minimumf %max3A_784, %min3A_823 : vector<32x128xf32>
    %max3A_826 = arith.maximumf %max3A_786, %min3A_825 : vector<32x128xf32>
    %min3A_827 = arith.minimumf %max3A_786, %min3A_825 : vector<32x128xf32>
    %max3A_828 = arith.maximumf %max3A_788, %min3A_827 : vector<32x128xf32>
    %min3A_829 = arith.minimumf %max3A_788, %min3A_827 : vector<32x128xf32>
    %max3A_830 = arith.maximumf %max3A_790, %min3A_829 : vector<32x128xf32>
    %min3A_831 = arith.minimumf %max3A_790, %min3A_829 : vector<32x128xf32>
    %max3A_832 = arith.maximumf %max3A_792, %min3A_831 : vector<32x128xf32>
    %get3A_833 = arith.constant 0 : index
    %get3A_834 = arith.constant 2560 : index
    %get3A_835 = vector.load %arg1[%get3A_833, %get3A_834] : memref<32x4096xf32, #tpu.memory_space<vmem>>, vector<32x128xf32>
    %add3A_836 = arith.constant 2560 : i32
    %add3A_837 = arith.addi %mul3A_40, %add3A_836 : i32
    %add3A_838 = vector.broadcast %add3A_837 : i32 to vector<32x128xi32>
    %add3A_839 = arith.addi %add3A_838, %iota3A : vector<32x128xi32>
    %lt3A_840 = arith.constant 100000 : i32
    %lt3A_841 = vector.broadcast %lt3A_840 : i32 to vector<32x128xi32>
    %lt3A_842 = arith.cmpi slt, %add3A_839, %lt3A_841 : vector<32x128xi32>
    %eq3A_843 = arith.cmpi eq, %add3A_839, %get3A_39 : vector<32x128xi32>
    %and3A_844 = arith.andi %eq3A_843, %lt3A_842 : vector<32x128xi1>
    %jit3A_845 = arith.constant 0.000000e+00 : f32
    %broadcast_in_dim3A_846 = vector.broadcast %jit3A_845 : f32 to vector<32x128xf32>
    %select_n3A_847 = arith.select %and3A_844, %get3A_835, %broadcast_in_dim3A_846 : vector<32x128xi1>, vector<32x128xf32>
    %add3A_848 = arith.addf %add3A_808, %select_n3A_847 : vector<32x128xf32>
    %jit3A_849 = arith.constant 0xFF800000 : f32
    %broadcast_in_dim3A_850 = vector.broadcast %jit3A_849 : f32 to vector<32x128xf32>
    %select_n3A_851 = arith.select %lt3A_842, %get3A_835, %broadcast_in_dim3A_850 : vector<32x128xi1>, vector<32x128xf32>
    %max3A_852 = arith.maximumf %max3A_812, %select_n3A_851 : vector<32x128xf32>
    %min3A_853 = arith.minimumf %max3A_812, %select_n3A_851 : vector<32x128xf32>
    %max3A_854 = arith.maximumf %max3A_814, %min3A_853 : vector<32x128xf32>
    %min3A_855 = arith.minimumf %max3A_814, %min3A_853 : vector<32x128xf32>
    %max3A_856 = arith.maximumf %max3A_816, %min3A_855 : vector<32x128xf32>
    %min3A_857 = arith.minimumf %max3A_816, %min3A_855 : vector<32x128xf32>
    %max3A_858 = arith.maximumf %max3A_818, %min3A_857 : vector<32x128xf32>
    %min3A_859 = arith.minimumf %max3A_818, %min3A_857 : vector<32x128xf32>
    %max3A_860 = arith.maximumf %max3A_820, %min3A_859 : vector<32x128xf32>
    %min3A_861 = arith.minimumf %max3A_820, %min3A_859 : vector<32x128xf32>
    %max3A_862 = arith.maximumf %max3A_822, %min3A_861 : vector<32x128xf32>
    %min3A_863 = arith.minimumf %max3A_822, %min3A_861 : vector<32x128xf32>
    %max3A_864 = arith.maximumf %max3A_824, %min3A_863 : vector<32x128xf32>
    %min3A_865 = arith.minimumf %max3A_824, %min3A_863 : vector<32x128xf32>
    %max3A_866 = arith.maximumf %max3A_826, %min3A_865 : vector<32x128xf32>
    %min3A_867 = arith.minimumf %max3A_826, %min3A_865 : vector<32x128xf32>
    %max3A_868 = arith.maximumf %max3A_828, %min3A_867 : vector<32x128xf32>
    %min3A_869 = arith.minimumf %max3A_828, %min3A_867 : vector<32x128xf32>
    %max3A_870 = arith.maximumf %max3A_830, %min3A_869 : vector<32x128xf32>
    %min3A_871 = arith.minimumf %max3A_830, %min3A_869 : vector<32x128xf32>
    %max3A_872 = arith.maximumf %max3A_832, %min3A_871 : vector<32x128xf32>
    %get3A_873 = arith.constant 0 : index
    %get3A_874 = arith.constant 2688 : index
    %get3A_875 = vector.load %arg1[%get3A_873, %get3A_874] : memref<32x4096xf32, #tpu.memory_space<vmem>>, vector<32x128xf32>
    %add3A_876 = arith.constant 2688 : i32
    %add3A_877 = arith.addi %mul3A_40, %add3A_876 : i32
    %add3A_878 = vector.broadcast %add3A_877 : i32 to vector<32x128xi32>
    %add3A_879 = arith.addi %add3A_878, %iota3A : vector<32x128xi32>
    %lt3A_880 = arith.constant 100000 : i32
    %lt3A_881 = vector.broadcast %lt3A_880 : i32 to vector<32x128xi32>
    %lt3A_882 = arith.cmpi slt, %add3A_879, %lt3A_881 : vector<32x128xi32>
    %eq3A_883 = arith.cmpi eq, %add3A_879, %get3A_39 : vector<32x128xi32>
    %and3A_884 = arith.andi %eq3A_883, %lt3A_882 : vector<32x128xi1>
    %jit3A_885 = arith.constant 0.000000e+00 : f32
    %broadcast_in_dim3A_886 = vector.broadcast %jit3A_885 : f32 to vector<32x128xf32>
    %select_n3A_887 = arith.select %and3A_884, %get3A_875, %broadcast_in_dim3A_886 : vector<32x128xi1>, vector<32x128xf32>
    %add3A_888 = arith.addf %add3A_848, %select_n3A_887 : vector<32x128xf32>
    %jit3A_889 = arith.constant 0xFF800000 : f32
    %broadcast_in_dim3A_890 = vector.broadcast %jit3A_889 : f32 to vector<32x128xf32>
    %select_n3A_891 = arith.select %lt3A_882, %get3A_875, %broadcast_in_dim3A_890 : vector<32x128xi1>, vector<32x128xf32>
    %max3A_892 = arith.maximumf %max3A_852, %select_n3A_891 : vector<32x128xf32>
    %min3A_893 = arith.minimumf %max3A_852, %select_n3A_891 : vector<32x128xf32>
    %max3A_894 = arith.maximumf %max3A_854, %min3A_893 : vector<32x128xf32>
    %min3A_895 = arith.minimumf %max3A_854, %min3A_893 : vector<32x128xf32>
    %max3A_896 = arith.maximumf %max3A_856, %min3A_895 : vector<32x128xf32>
    %min3A_897 = arith.minimumf %max3A_856, %min3A_895 : vector<32x128xf32>
    %max3A_898 = arith.maximumf %max3A_858, %min3A_897 : vector<32x128xf32>
    %min3A_899 = arith.minimumf %max3A_858, %min3A_897 : vector<32x128xf32>
    %max3A_900 = arith.maximumf %max3A_860, %min3A_899 : vector<32x128xf32>
    %min3A_901 = arith.minimumf %max3A_860, %min3A_899 : vector<32x128xf32>
    %max3A_902 = arith.maximumf %max3A_862, %min3A_901 : vector<32x128xf32>
    %min3A_903 = arith.minimumf %max3A_862, %min3A_901 : vector<32x128xf32>
    %max3A_904 = arith.maximumf %max3A_864, %min3A_903 : vector<32x128xf32>
    %min3A_905 = arith.minimumf %max3A_864, %min3A_903 : vector<32x128xf32>
    %max3A_906 = arith.maximumf %max3A_866, %min3A_905 : vector<32x128xf32>
    %min3A_907 = arith.minimumf %max3A_866, %min3A_905 : vector<32x128xf32>
    %max3A_908 = arith.maximumf %max3A_868, %min3A_907 : vector<32x128xf32>
    %min3A_909 = arith.minimumf %max3A_868, %min3A_907 : vector<32x128xf32>
    %max3A_910 = arith.maximumf %max3A_870, %min3A_909 : vector<32x128xf32>
    %min3A_911 = arith.minimumf %max3A_870, %min3A_909 : vector<32x128xf32>
    %max3A_912 = arith.maximumf %max3A_872, %min3A_911 : vector<32x128xf32>
    %get3A_913 = arith.constant 0 : index
    %get3A_914 = arith.constant 2816 : index
    %get3A_915 = vector.load %arg1[%get3A_913, %get3A_914] : memref<32x4096xf32, #tpu.memory_space<vmem>>, vector<32x128xf32>
    %add3A_916 = arith.constant 2816 : i32
    %add3A_917 = arith.addi %mul3A_40, %add3A_916 : i32
    %add3A_918 = vector.broadcast %add3A_917 : i32 to vector<32x128xi32>
    %add3A_919 = arith.addi %add3A_918, %iota3A : vector<32x128xi32>
    %lt3A_920 = arith.constant 100000 : i32
    %lt3A_921 = vector.broadcast %lt3A_920 : i32 to vector<32x128xi32>
    %lt3A_922 = arith.cmpi slt, %add3A_919, %lt3A_921 : vector<32x128xi32>
    %eq3A_923 = arith.cmpi eq, %add3A_919, %get3A_39 : vector<32x128xi32>
    %and3A_924 = arith.andi %eq3A_923, %lt3A_922 : vector<32x128xi1>
    %jit3A_925 = arith.constant 0.000000e+00 : f32
    %broadcast_in_dim3A_926 = vector.broadcast %jit3A_925 : f32 to vector<32x128xf32>
    %select_n3A_927 = arith.select %and3A_924, %get3A_915, %broadcast_in_dim3A_926 : vector<32x128xi1>, vector<32x128xf32>
    %add3A_928 = arith.addf %add3A_888, %select_n3A_927 : vector<32x128xf32>
    %jit3A_929 = arith.constant 0xFF800000 : f32
    %broadcast_in_dim3A_930 = vector.broadcast %jit3A_929 : f32 to vector<32x128xf32>
    %select_n3A_931 = arith.select %lt3A_922, %get3A_915, %broadcast_in_dim3A_930 : vector<32x128xi1>, vector<32x128xf32>
    %max3A_932 = arith.maximumf %max3A_892, %select_n3A_931 : vector<32x128xf32>
    %min3A_933 = arith.minimumf %max3A_892, %select_n3A_931 : vector<32x128xf32>
    %max3A_934 = arith.maximumf %max3A_894, %min3A_933 : vector<32x128xf32>
    %min3A_935 = arith.minimumf %max3A_894, %min3A_933 : vector<32x128xf32>
    %max3A_936 = arith.maximumf %max3A_896, %min3A_935 : vector<32x128xf32>
    %min3A_937 = arith.minimumf %max3A_896, %min3A_935 : vector<32x128xf32>
    %max3A_938 = arith.maximumf %max3A_898, %min3A_937 : vector<32x128xf32>
    %min3A_939 = arith.minimumf %max3A_898, %min3A_937 : vector<32x128xf32>
    %max3A_940 = arith.maximumf %max3A_900, %min3A_939 : vector<32x128xf32>
    %min3A_941 = arith.minimumf %max3A_900, %min3A_939 : vector<32x128xf32>
    %max3A_942 = arith.maximumf %max3A_902, %min3A_941 : vector<32x128xf32>
    %min3A_943 = arith.minimumf %max3A_902, %min3A_941 : vector<32x128xf32>
    %max3A_944 = arith.maximumf %max3A_904, %min3A_943 : vector<32x128xf32>
    %min3A_945 = arith.minimumf %max3A_904, %min3A_943 : vector<32x128xf32>
    %max3A_946 = arith.maximumf %max3A_906, %min3A_945 : vector<32x128xf32>
    %min3A_947 = arith.minimumf %max3A_906, %min3A_945 : vector<32x128xf32>
    %max3A_948 = arith.maximumf %max3A_908, %min3A_947 : vector<32x128xf32>
    %min3A_949 = arith.minimumf %max3A_908, %min3A_947 : vector<32x128xf32>
    %max3A_950 = arith.maximumf %max3A_910, %min3A_949 : vector<32x128xf32>
    %min3A_951 = arith.minimumf %max3A_910, %min3A_949 : vector<32x128xf32>
    %max3A_952 = arith.maximumf %max3A_912, %min3A_951 : vector<32x128xf32>
    %get3A_953 = arith.constant 0 : index
    %get3A_954 = arith.constant 2944 : index
    %get3A_955 = vector.load %arg1[%get3A_953, %get3A_954] : memref<32x4096xf32, #tpu.memory_space<vmem>>, vector<32x128xf32>
    %add3A_956 = arith.constant 2944 : i32
    %add3A_957 = arith.addi %mul3A_40, %add3A_956 : i32
    %add3A_958 = vector.broadcast %add3A_957 : i32 to vector<32x128xi32>
    %add3A_959 = arith.addi %add3A_958, %iota3A : vector<32x128xi32>
    %lt3A_960 = arith.constant 100000 : i32
    %lt3A_961 = vector.broadcast %lt3A_960 : i32 to vector<32x128xi32>
    %lt3A_962 = arith.cmpi slt, %add3A_959, %lt3A_961 : vector<32x128xi32>
    %eq3A_963 = arith.cmpi eq, %add3A_959, %get3A_39 : vector<32x128xi32>
    %and3A_964 = arith.andi %eq3A_963, %lt3A_962 : vector<32x128xi1>
    %jit3A_965 = arith.constant 0.000000e+00 : f32
    %broadcast_in_dim3A_966 = vector.broadcast %jit3A_965 : f32 to vector<32x128xf32>
    %select_n3A_967 = arith.select %and3A_964, %get3A_955, %broadcast_in_dim3A_966 : vector<32x128xi1>, vector<32x128xf32>
    %add3A_968 = arith.addf %add3A_928, %select_n3A_967 : vector<32x128xf32>
    %jit3A_969 = arith.constant 0xFF800000 : f32
    %broadcast_in_dim3A_970 = vector.broadcast %jit3A_969 : f32 to vector<32x128xf32>
    %select_n3A_971 = arith.select %lt3A_962, %get3A_955, %broadcast_in_dim3A_970 : vector<32x128xi1>, vector<32x128xf32>
    %max3A_972 = arith.maximumf %max3A_932, %select_n3A_971 : vector<32x128xf32>
    %min3A_973 = arith.minimumf %max3A_932, %select_n3A_971 : vector<32x128xf32>
    %max3A_974 = arith.maximumf %max3A_934, %min3A_973 : vector<32x128xf32>
    %min3A_975 = arith.minimumf %max3A_934, %min3A_973 : vector<32x128xf32>
    %max3A_976 = arith.maximumf %max3A_936, %min3A_975 : vector<32x128xf32>
    %min3A_977 = arith.minimumf %max3A_936, %min3A_975 : vector<32x128xf32>
    %max3A_978 = arith.maximumf %max3A_938, %min3A_977 : vector<32x128xf32>
    %min3A_979 = arith.minimumf %max3A_938, %min3A_977 : vector<32x128xf32>
    %max3A_980 = arith.maximumf %max3A_940, %min3A_979 : vector<32x128xf32>
    %min3A_981 = arith.minimumf %max3A_940, %min3A_979 : vector<32x128xf32>
    %max3A_982 = arith.maximumf %max3A_942, %min3A_981 : vector<32x128xf32>
    %min3A_983 = arith.minimumf %max3A_942, %min3A_981 : vector<32x128xf32>
    %max3A_984 = arith.maximumf %max3A_944, %min3A_983 : vector<32x128xf32>
    %min3A_985 = arith.minimumf %max3A_944, %min3A_983 : vector<32x128xf32>
    %max3A_986 = arith.maximumf %max3A_946, %min3A_985 : vector<32x128xf32>
    %min3A_987 = arith.minimumf %max3A_946, %min3A_985 : vector<32x128xf32>
    %max3A_988 = arith.maximumf %max3A_948, %min3A_987 : vector<32x128xf32>
    %min3A_989 = arith.minimumf %max3A_948, %min3A_987 : vector<32x128xf32>
    %max3A_990 = arith.maximumf %max3A_950, %min3A_989 : vector<32x128xf32>
    %min3A_991 = arith.minimumf %max3A_950, %min3A_989 : vector<32x128xf32>
    %max3A_992 = arith.maximumf %max3A_952, %min3A_991 : vector<32x128xf32>
    %get3A_993 = arith.constant 0 : index
    %get3A_994 = arith.constant 3072 : index
    %get3A_995 = vector.load %arg1[%get3A_993, %get3A_994] : memref<32x4096xf32, #tpu.memory_space<vmem>>, vector<32x128xf32>
    %add3A_996 = arith.constant 3072 : i32
    %add3A_997 = arith.addi %mul3A_40, %add3A_996 : i32
    %add3A_998 = vector.broadcast %add3A_997 : i32 to vector<32x128xi32>
    %add3A_999 = arith.addi %add3A_998, %iota3A : vector<32x128xi32>
    %lt3A_1000 = arith.constant 100000 : i32
    %lt3A_1001 = vector.broadcast %lt3A_1000 : i32 to vector<32x128xi32>
    %lt3A_1002 = arith.cmpi slt, %add3A_999, %lt3A_1001 : vector<32x128xi32>
    %eq3A_1003 = arith.cmpi eq, %add3A_999, %get3A_39 : vector<32x128xi32>
    %and3A_1004 = arith.andi %eq3A_1003, %lt3A_1002 : vector<32x128xi1>
    %jit3A_1005 = arith.constant 0.000000e+00 : f32
    %broadcast_in_dim3A_1006 = vector.broadcast %jit3A_1005 : f32 to vector<32x128xf32>
    %select_n3A_1007 = arith.select %and3A_1004, %get3A_995, %broadcast_in_dim3A_1006 : vector<32x128xi1>, vector<32x128xf32>
    %add3A_1008 = arith.addf %add3A_968, %select_n3A_1007 : vector<32x128xf32>
    %jit3A_1009 = arith.constant 0xFF800000 : f32
    %broadcast_in_dim3A_1010 = vector.broadcast %jit3A_1009 : f32 to vector<32x128xf32>
    %select_n3A_1011 = arith.select %lt3A_1002, %get3A_995, %broadcast_in_dim3A_1010 : vector<32x128xi1>, vector<32x128xf32>
    %max3A_1012 = arith.maximumf %max3A_972, %select_n3A_1011 : vector<32x128xf32>
    %min3A_1013 = arith.minimumf %max3A_972, %select_n3A_1011 : vector<32x128xf32>
    %max3A_1014 = arith.maximumf %max3A_974, %min3A_1013 : vector<32x128xf32>
    %min3A_1015 = arith.minimumf %max3A_974, %min3A_1013 : vector<32x128xf32>
    %max3A_1016 = arith.maximumf %max3A_976, %min3A_1015 : vector<32x128xf32>
    %min3A_1017 = arith.minimumf %max3A_976, %min3A_1015 : vector<32x128xf32>
    %max3A_1018 = arith.maximumf %max3A_978, %min3A_1017 : vector<32x128xf32>
    %min3A_1019 = arith.minimumf %max3A_978, %min3A_1017 : vector<32x128xf32>
    %max3A_1020 = arith.maximumf %max3A_980, %min3A_1019 : vector<32x128xf32>
    %min3A_1021 = arith.minimumf %max3A_980, %min3A_1019 : vector<32x128xf32>
    %max3A_1022 = arith.maximumf %max3A_982, %min3A_1021 : vector<32x128xf32>
    %min3A_1023 = arith.minimumf %max3A_982, %min3A_1021 : vector<32x128xf32>
    %max3A_1024 = arith.maximumf %max3A_984, %min3A_1023 : vector<32x128xf32>
    %min3A_1025 = arith.minimumf %max3A_984, %min3A_1023 : vector<32x128xf32>
    %max3A_1026 = arith.maximumf %max3A_986, %min3A_1025 : vector<32x128xf32>
    %min3A_1027 = arith.minimumf %max3A_986, %min3A_1025 : vector<32x128xf32>
    %max3A_1028 = arith.maximumf %max3A_988, %min3A_1027 : vector<32x128xf32>
    %min3A_1029 = arith.minimumf %max3A_988, %min3A_1027 : vector<32x128xf32>
    %max3A_1030 = arith.maximumf %max3A_990, %min3A_1029 : vector<32x128xf32>
    %min3A_1031 = arith.minimumf %max3A_990, %min3A_1029 : vector<32x128xf32>
    %max3A_1032 = arith.maximumf %max3A_992, %min3A_1031 : vector<32x128xf32>
    %get3A_1033 = arith.constant 0 : index
    %get3A_1034 = arith.constant 3200 : index
    %get3A_1035 = vector.load %arg1[%get3A_1033, %get3A_1034] : memref<32x4096xf32, #tpu.memory_space<vmem>>, vector<32x128xf32>
    %add3A_1036 = arith.constant 3200 : i32
    %add3A_1037 = arith.addi %mul3A_40, %add3A_1036 : i32
    %add3A_1038 = vector.broadcast %add3A_1037 : i32 to vector<32x128xi32>
    %add3A_1039 = arith.addi %add3A_1038, %iota3A : vector<32x128xi32>
    %lt3A_1040 = arith.constant 100000 : i32
    %lt3A_1041 = vector.broadcast %lt3A_1040 : i32 to vector<32x128xi32>
    %lt3A_1042 = arith.cmpi slt, %add3A_1039, %lt3A_1041 : vector<32x128xi32>
    %eq3A_1043 = arith.cmpi eq, %add3A_1039, %get3A_39 : vector<32x128xi32>
    %and3A_1044 = arith.andi %eq3A_1043, %lt3A_1042 : vector<32x128xi1>
    %jit3A_1045 = arith.constant 0.000000e+00 : f32
    %broadcast_in_dim3A_1046 = vector.broadcast %jit3A_1045 : f32 to vector<32x128xf32>
    %select_n3A_1047 = arith.select %and3A_1044, %get3A_1035, %broadcast_in_dim3A_1046 : vector<32x128xi1>, vector<32x128xf32>
    %add3A_1048 = arith.addf %add3A_1008, %select_n3A_1047 : vector<32x128xf32>
    %jit3A_1049 = arith.constant 0xFF800000 : f32
    %broadcast_in_dim3A_1050 = vector.broadcast %jit3A_1049 : f32 to vector<32x128xf32>
    %select_n3A_1051 = arith.select %lt3A_1042, %get3A_1035, %broadcast_in_dim3A_1050 : vector<32x128xi1>, vector<32x128xf32>
    %max3A_1052 = arith.maximumf %max3A_1012, %select_n3A_1051 : vector<32x128xf32>
    %min3A_1053 = arith.minimumf %max3A_1012, %select_n3A_1051 : vector<32x128xf32>
    %max3A_1054 = arith.maximumf %max3A_1014, %min3A_1053 : vector<32x128xf32>
    %min3A_1055 = arith.minimumf %max3A_1014, %min3A_1053 : vector<32x128xf32>
    %max3A_1056 = arith.maximumf %max3A_1016, %min3A_1055 : vector<32x128xf32>
    %min3A_1057 = arith.minimumf %max3A_1016, %min3A_1055 : vector<32x128xf32>
    %max3A_1058 = arith.maximumf %max3A_1018, %min3A_1057 : vector<32x128xf32>
    %min3A_1059 = arith.minimumf %max3A_1018, %min3A_1057 : vector<32x128xf32>
    %max3A_1060 = arith.maximumf %max3A_1020, %min3A_1059 : vector<32x128xf32>
    %min3A_1061 = arith.minimumf %max3A_1020, %min3A_1059 : vector<32x128xf32>
    %max3A_1062 = arith.maximumf %max3A_1022, %min3A_1061 : vector<32x128xf32>
    %min3A_1063 = arith.minimumf %max3A_1022, %min3A_1061 : vector<32x128xf32>
    %max3A_1064 = arith.maximumf %max3A_1024, %min3A_1063 : vector<32x128xf32>
    %min3A_1065 = arith.minimumf %max3A_1024, %min3A_1063 : vector<32x128xf32>
    %max3A_1066 = arith.maximumf %max3A_1026, %min3A_1065 : vector<32x128xf32>
    %min3A_1067 = arith.minimumf %max3A_1026, %min3A_1065 : vector<32x128xf32>
    %max3A_1068 = arith.maximumf %max3A_1028, %min3A_1067 : vector<32x128xf32>
    %min3A_1069 = arith.minimumf %max3A_1028, %min3A_1067 : vector<32x128xf32>
    %max3A_1070 = arith.maximumf %max3A_1030, %min3A_1069 : vector<32x128xf32>
    %min3A_1071 = arith.minimumf %max3A_1030, %min3A_1069 : vector<32x128xf32>
    %max3A_1072 = arith.maximumf %max3A_1032, %min3A_1071 : vector<32x128xf32>
    %get3A_1073 = arith.constant 0 : index
    %get3A_1074 = arith.constant 3328 : index
    %get3A_1075 = vector.load %arg1[%get3A_1073, %get3A_1074] : memref<32x4096xf32, #tpu.memory_space<vmem>>, vector<32x128xf32>
    %add3A_1076 = arith.constant 3328 : i32
    %add3A_1077 = arith.addi %mul3A_40, %add3A_1076 : i32
    %add3A_1078 = vector.broadcast %add3A_1077 : i32 to vector<32x128xi32>
    %add3A_1079 = arith.addi %add3A_1078, %iota3A : vector<32x128xi32>
    %lt3A_1080 = arith.constant 100000 : i32
    %lt3A_1081 = vector.broadcast %lt3A_1080 : i32 to vector<32x128xi32>
    %lt3A_1082 = arith.cmpi slt, %add3A_1079, %lt3A_1081 : vector<32x128xi32>
    %eq3A_1083 = arith.cmpi eq, %add3A_1079, %get3A_39 : vector<32x128xi32>
    %and3A_1084 = arith.andi %eq3A_1083, %lt3A_1082 : vector<32x128xi1>
    %jit3A_1085 = arith.constant 0.000000e+00 : f32
    %broadcast_in_dim3A_1086 = vector.broadcast %jit3A_1085 : f32 to vector<32x128xf32>
    %select_n3A_1087 = arith.select %and3A_1084, %get3A_1075, %broadcast_in_dim3A_1086 : vector<32x128xi1>, vector<32x128xf32>
    %add3A_1088 = arith.addf %add3A_1048, %select_n3A_1087 : vector<32x128xf32>
    %jit3A_1089 = arith.constant 0xFF800000 : f32
    %broadcast_in_dim3A_1090 = vector.broadcast %jit3A_1089 : f32 to vector<32x128xf32>
    %select_n3A_1091 = arith.select %lt3A_1082, %get3A_1075, %broadcast_in_dim3A_1090 : vector<32x128xi1>, vector<32x128xf32>
    %max3A_1092 = arith.maximumf %max3A_1052, %select_n3A_1091 : vector<32x128xf32>
    %min3A_1093 = arith.minimumf %max3A_1052, %select_n3A_1091 : vector<32x128xf32>
    %max3A_1094 = arith.maximumf %max3A_1054, %min3A_1093 : vector<32x128xf32>
    %min3A_1095 = arith.minimumf %max3A_1054, %min3A_1093 : vector<32x128xf32>
    %max3A_1096 = arith.maximumf %max3A_1056, %min3A_1095 : vector<32x128xf32>
    %min3A_1097 = arith.minimumf %max3A_1056, %min3A_1095 : vector<32x128xf32>
    %max3A_1098 = arith.maximumf %max3A_1058, %min3A_1097 : vector<32x128xf32>
    %min3A_1099 = arith.minimumf %max3A_1058, %min3A_1097 : vector<32x128xf32>
    %max3A_1100 = arith.maximumf %max3A_1060, %min3A_1099 : vector<32x128xf32>
    %min3A_1101 = arith.minimumf %max3A_1060, %min3A_1099 : vector<32x128xf32>
    %max3A_1102 = arith.maximumf %max3A_1062, %min3A_1101 : vector<32x128xf32>
    %min3A_1103 = arith.minimumf %max3A_1062, %min3A_1101 : vector<32x128xf32>
    %max3A_1104 = arith.maximumf %max3A_1064, %min3A_1103 : vector<32x128xf32>
    %min3A_1105 = arith.minimumf %max3A_1064, %min3A_1103 : vector<32x128xf32>
    %max3A_1106 = arith.maximumf %max3A_1066, %min3A_1105 : vector<32x128xf32>
    %min3A_1107 = arith.minimumf %max3A_1066, %min3A_1105 : vector<32x128xf32>
    %max3A_1108 = arith.maximumf %max3A_1068, %min3A_1107 : vector<32x128xf32>
    %min3A_1109 = arith.minimumf %max3A_1068, %min3A_1107 : vector<32x128xf32>
    %max3A_1110 = arith.maximumf %max3A_1070, %min3A_1109 : vector<32x128xf32>
    %min3A_1111 = arith.minimumf %max3A_1070, %min3A_1109 : vector<32x128xf32>
    %max3A_1112 = arith.maximumf %max3A_1072, %min3A_1111 : vector<32x128xf32>
    %get3A_1113 = arith.constant 0 : index
    %get3A_1114 = arith.constant 3456 : index
    %get3A_1115 = vector.load %arg1[%get3A_1113, %get3A_1114] : memref<32x4096xf32, #tpu.memory_space<vmem>>, vector<32x128xf32>
    %add3A_1116 = arith.constant 3456 : i32
    %add3A_1117 = arith.addi %mul3A_40, %add3A_1116 : i32
    %add3A_1118 = vector.broadcast %add3A_1117 : i32 to vector<32x128xi32>
    %add3A_1119 = arith.addi %add3A_1118, %iota3A : vector<32x128xi32>
    %lt3A_1120 = arith.constant 100000 : i32
    %lt3A_1121 = vector.broadcast %lt3A_1120 : i32 to vector<32x128xi32>
    %lt3A_1122 = arith.cmpi slt, %add3A_1119, %lt3A_1121 : vector<32x128xi32>
    %eq3A_1123 = arith.cmpi eq, %add3A_1119, %get3A_39 : vector<32x128xi32>
    %and3A_1124 = arith.andi %eq3A_1123, %lt3A_1122 : vector<32x128xi1>
    %jit3A_1125 = arith.constant 0.000000e+00 : f32
    %broadcast_in_dim3A_1126 = vector.broadcast %jit3A_1125 : f32 to vector<32x128xf32>
    %select_n3A_1127 = arith.select %and3A_1124, %get3A_1115, %broadcast_in_dim3A_1126 : vector<32x128xi1>, vector<32x128xf32>
    %add3A_1128 = arith.addf %add3A_1088, %select_n3A_1127 : vector<32x128xf32>
    %jit3A_1129 = arith.constant 0xFF800000 : f32
    %broadcast_in_dim3A_1130 = vector.broadcast %jit3A_1129 : f32 to vector<32x128xf32>
    %select_n3A_1131 = arith.select %lt3A_1122, %get3A_1115, %broadcast_in_dim3A_1130 : vector<32x128xi1>, vector<32x128xf32>
    %max3A_1132 = arith.maximumf %max3A_1092, %select_n3A_1131 : vector<32x128xf32>
    %min3A_1133 = arith.minimumf %max3A_1092, %select_n3A_1131 : vector<32x128xf32>
    %max3A_1134 = arith.maximumf %max3A_1094, %min3A_1133 : vector<32x128xf32>
    %min3A_1135 = arith.minimumf %max3A_1094, %min3A_1133 : vector<32x128xf32>
    %max3A_1136 = arith.maximumf %max3A_1096, %min3A_1135 : vector<32x128xf32>
    %min3A_1137 = arith.minimumf %max3A_1096, %min3A_1135 : vector<32x128xf32>
    %max3A_1138 = arith.maximumf %max3A_1098, %min3A_1137 : vector<32x128xf32>
    %min3A_1139 = arith.minimumf %max3A_1098, %min3A_1137 : vector<32x128xf32>
    %max3A_1140 = arith.maximumf %max3A_1100, %min3A_1139 : vector<32x128xf32>
    %min3A_1141 = arith.minimumf %max3A_1100, %min3A_1139 : vector<32x128xf32>
    %max3A_1142 = arith.maximumf %max3A_1102, %min3A_1141 : vector<32x128xf32>
    %min3A_1143 = arith.minimumf %max3A_1102, %min3A_1141 : vector<32x128xf32>
    %max3A_1144 = arith.maximumf %max3A_1104, %min3A_1143 : vector<32x128xf32>
    %min3A_1145 = arith.minimumf %max3A_1104, %min3A_1143 : vector<32x128xf32>
    %max3A_1146 = arith.maximumf %max3A_1106, %min3A_1145 : vector<32x128xf32>
    %min3A_1147 = arith.minimumf %max3A_1106, %min3A_1145 : vector<32x128xf32>
    %max3A_1148 = arith.maximumf %max3A_1108, %min3A_1147 : vector<32x128xf32>
    %min3A_1149 = arith.minimumf %max3A_1108, %min3A_1147 : vector<32x128xf32>
    %max3A_1150 = arith.maximumf %max3A_1110, %min3A_1149 : vector<32x128xf32>
    %min3A_1151 = arith.minimumf %max3A_1110, %min3A_1149 : vector<32x128xf32>
    %max3A_1152 = arith.maximumf %max3A_1112, %min3A_1151 : vector<32x128xf32>
    %get3A_1153 = arith.constant 0 : index
    %get3A_1154 = arith.constant 3584 : index
    %get3A_1155 = vector.load %arg1[%get3A_1153, %get3A_1154] : memref<32x4096xf32, #tpu.memory_space<vmem>>, vector<32x128xf32>
    %add3A_1156 = arith.constant 3584 : i32
    %add3A_1157 = arith.addi %mul3A_40, %add3A_1156 : i32
    %add3A_1158 = vector.broadcast %add3A_1157 : i32 to vector<32x128xi32>
    %add3A_1159 = arith.addi %add3A_1158, %iota3A : vector<32x128xi32>
    %lt3A_1160 = arith.constant 100000 : i32
    %lt3A_1161 = vector.broadcast %lt3A_1160 : i32 to vector<32x128xi32>
    %lt3A_1162 = arith.cmpi slt, %add3A_1159, %lt3A_1161 : vector<32x128xi32>
    %eq3A_1163 = arith.cmpi eq, %add3A_1159, %get3A_39 : vector<32x128xi32>
    %and3A_1164 = arith.andi %eq3A_1163, %lt3A_1162 : vector<32x128xi1>
    %jit3A_1165 = arith.constant 0.000000e+00 : f32
    %broadcast_in_dim3A_1166 = vector.broadcast %jit3A_1165 : f32 to vector<32x128xf32>
    %select_n3A_1167 = arith.select %and3A_1164, %get3A_1155, %broadcast_in_dim3A_1166 : vector<32x128xi1>, vector<32x128xf32>
    %add3A_1168 = arith.addf %add3A_1128, %select_n3A_1167 : vector<32x128xf32>
    %jit3A_1169 = arith.constant 0xFF800000 : f32
    %broadcast_in_dim3A_1170 = vector.broadcast %jit3A_1169 : f32 to vector<32x128xf32>
    %select_n3A_1171 = arith.select %lt3A_1162, %get3A_1155, %broadcast_in_dim3A_1170 : vector<32x128xi1>, vector<32x128xf32>
    %max3A_1172 = arith.maximumf %max3A_1132, %select_n3A_1171 : vector<32x128xf32>
    %min3A_1173 = arith.minimumf %max3A_1132, %select_n3A_1171 : vector<32x128xf32>
    %max3A_1174 = arith.maximumf %max3A_1134, %min3A_1173 : vector<32x128xf32>
    %min3A_1175 = arith.minimumf %max3A_1134, %min3A_1173 : vector<32x128xf32>
    %max3A_1176 = arith.maximumf %max3A_1136, %min3A_1175 : vector<32x128xf32>
    %min3A_1177 = arith.minimumf %max3A_1136, %min3A_1175 : vector<32x128xf32>
    %max3A_1178 = arith.maximumf %max3A_1138, %min3A_1177 : vector<32x128xf32>
    %min3A_1179 = arith.minimumf %max3A_1138, %min3A_1177 : vector<32x128xf32>
    %max3A_1180 = arith.maximumf %max3A_1140, %min3A_1179 : vector<32x128xf32>
    %min3A_1181 = arith.minimumf %max3A_1140, %min3A_1179 : vector<32x128xf32>
    %max3A_1182 = arith.maximumf %max3A_1142, %min3A_1181 : vector<32x128xf32>
    %min3A_1183 = arith.minimumf %max3A_1142, %min3A_1181 : vector<32x128xf32>
    %max3A_1184 = arith.maximumf %max3A_1144, %min3A_1183 : vector<32x128xf32>
    %min3A_1185 = arith.minimumf %max3A_1144, %min3A_1183 : vector<32x128xf32>
    %max3A_1186 = arith.maximumf %max3A_1146, %min3A_1185 : vector<32x128xf32>
    %min3A_1187 = arith.minimumf %max3A_1146, %min3A_1185 : vector<32x128xf32>
    %max3A_1188 = arith.maximumf %max3A_1148, %min3A_1187 : vector<32x128xf32>
    %min3A_1189 = arith.minimumf %max3A_1148, %min3A_1187 : vector<32x128xf32>
    %max3A_1190 = arith.maximumf %max3A_1150, %min3A_1189 : vector<32x128xf32>
    %min3A_1191 = arith.minimumf %max3A_1150, %min3A_1189 : vector<32x128xf32>
    %max3A_1192 = arith.maximumf %max3A_1152, %min3A_1191 : vector<32x128xf32>
    %get3A_1193 = arith.constant 0 : index
    %get3A_1194 = arith.constant 3712 : index
    %get3A_1195 = vector.load %arg1[%get3A_1193, %get3A_1194] : memref<32x4096xf32, #tpu.memory_space<vmem>>, vector<32x128xf32>
    %add3A_1196 = arith.constant 3712 : i32
    %add3A_1197 = arith.addi %mul3A_40, %add3A_1196 : i32
    %add3A_1198 = vector.broadcast %add3A_1197 : i32 to vector<32x128xi32>
    %add3A_1199 = arith.addi %add3A_1198, %iota3A : vector<32x128xi32>
    %lt3A_1200 = arith.constant 100000 : i32
    %lt3A_1201 = vector.broadcast %lt3A_1200 : i32 to vector<32x128xi32>
    %lt3A_1202 = arith.cmpi slt, %add3A_1199, %lt3A_1201 : vector<32x128xi32>
    %eq3A_1203 = arith.cmpi eq, %add3A_1199, %get3A_39 : vector<32x128xi32>
    %and3A_1204 = arith.andi %eq3A_1203, %lt3A_1202 : vector<32x128xi1>
    %jit3A_1205 = arith.constant 0.000000e+00 : f32
    %broadcast_in_dim3A_1206 = vector.broadcast %jit3A_1205 : f32 to vector<32x128xf32>
    %select_n3A_1207 = arith.select %and3A_1204, %get3A_1195, %broadcast_in_dim3A_1206 : vector<32x128xi1>, vector<32x128xf32>
    %add3A_1208 = arith.addf %add3A_1168, %select_n3A_1207 : vector<32x128xf32>
    %jit3A_1209 = arith.constant 0xFF800000 : f32
    %broadcast_in_dim3A_1210 = vector.broadcast %jit3A_1209 : f32 to vector<32x128xf32>
    %select_n3A_1211 = arith.select %lt3A_1202, %get3A_1195, %broadcast_in_dim3A_1210 : vector<32x128xi1>, vector<32x128xf32>
    %max3A_1212 = arith.maximumf %max3A_1172, %select_n3A_1211 : vector<32x128xf32>
    %min3A_1213 = arith.minimumf %max3A_1172, %select_n3A_1211 : vector<32x128xf32>
    %max3A_1214 = arith.maximumf %max3A_1174, %min3A_1213 : vector<32x128xf32>
    %min3A_1215 = arith.minimumf %max3A_1174, %min3A_1213 : vector<32x128xf32>
    %max3A_1216 = arith.maximumf %max3A_1176, %min3A_1215 : vector<32x128xf32>
    %min3A_1217 = arith.minimumf %max3A_1176, %min3A_1215 : vector<32x128xf32>
    %max3A_1218 = arith.maximumf %max3A_1178, %min3A_1217 : vector<32x128xf32>
    %min3A_1219 = arith.minimumf %max3A_1178, %min3A_1217 : vector<32x128xf32>
    %max3A_1220 = arith.maximumf %max3A_1180, %min3A_1219 : vector<32x128xf32>
    %min3A_1221 = arith.minimumf %max3A_1180, %min3A_1219 : vector<32x128xf32>
    %max3A_1222 = arith.maximumf %max3A_1182, %min3A_1221 : vector<32x128xf32>
    %min3A_1223 = arith.minimumf %max3A_1182, %min3A_1221 : vector<32x128xf32>
    %max3A_1224 = arith.maximumf %max3A_1184, %min3A_1223 : vector<32x128xf32>
    %min3A_1225 = arith.minimumf %max3A_1184, %min3A_1223 : vector<32x128xf32>
    %max3A_1226 = arith.maximumf %max3A_1186, %min3A_1225 : vector<32x128xf32>
    %min3A_1227 = arith.minimumf %max3A_1186, %min3A_1225 : vector<32x128xf32>
    %max3A_1228 = arith.maximumf %max3A_1188, %min3A_1227 : vector<32x128xf32>
    %min3A_1229 = arith.minimumf %max3A_1188, %min3A_1227 : vector<32x128xf32>
    %max3A_1230 = arith.maximumf %max3A_1190, %min3A_1229 : vector<32x128xf32>
    %min3A_1231 = arith.minimumf %max3A_1190, %min3A_1229 : vector<32x128xf32>
    %max3A_1232 = arith.maximumf %max3A_1192, %min3A_1231 : vector<32x128xf32>
    %get3A_1233 = arith.constant 0 : index
    %get3A_1234 = arith.constant 3840 : index
    %get3A_1235 = vector.load %arg1[%get3A_1233, %get3A_1234] : memref<32x4096xf32, #tpu.memory_space<vmem>>, vector<32x128xf32>
    %add3A_1236 = arith.constant 3840 : i32
    %add3A_1237 = arith.addi %mul3A_40, %add3A_1236 : i32
    %add3A_1238 = vector.broadcast %add3A_1237 : i32 to vector<32x128xi32>
    %add3A_1239 = arith.addi %add3A_1238, %iota3A : vector<32x128xi32>
    %lt3A_1240 = arith.constant 100000 : i32
    %lt3A_1241 = vector.broadcast %lt3A_1240 : i32 to vector<32x128xi32>
    %lt3A_1242 = arith.cmpi slt, %add3A_1239, %lt3A_1241 : vector<32x128xi32>
    %eq3A_1243 = arith.cmpi eq, %add3A_1239, %get3A_39 : vector<32x128xi32>
    %and3A_1244 = arith.andi %eq3A_1243, %lt3A_1242 : vector<32x128xi1>
    %jit3A_1245 = arith.constant 0.000000e+00 : f32
    %broadcast_in_dim3A_1246 = vector.broadcast %jit3A_1245 : f32 to vector<32x128xf32>
    %select_n3A_1247 = arith.select %and3A_1244, %get3A_1235, %broadcast_in_dim3A_1246 : vector<32x128xi1>, vector<32x128xf32>
    %add3A_1248 = arith.addf %add3A_1208, %select_n3A_1247 : vector<32x128xf32>
    %jit3A_1249 = arith.constant 0xFF800000 : f32
    %broadcast_in_dim3A_1250 = vector.broadcast %jit3A_1249 : f32 to vector<32x128xf32>
    %select_n3A_1251 = arith.select %lt3A_1242, %get3A_1235, %broadcast_in_dim3A_1250 : vector<32x128xi1>, vector<32x128xf32>
    %max3A_1252 = arith.maximumf %max3A_1212, %select_n3A_1251 : vector<32x128xf32>
    %min3A_1253 = arith.minimumf %max3A_1212, %select_n3A_1251 : vector<32x128xf32>
    %max3A_1254 = arith.maximumf %max3A_1214, %min3A_1253 : vector<32x128xf32>
    %min3A_1255 = arith.minimumf %max3A_1214, %min3A_1253 : vector<32x128xf32>
    %max3A_1256 = arith.maximumf %max3A_1216, %min3A_1255 : vector<32x128xf32>
    %min3A_1257 = arith.minimumf %max3A_1216, %min3A_1255 : vector<32x128xf32>
    %max3A_1258 = arith.maximumf %max3A_1218, %min3A_1257 : vector<32x128xf32>
    %min3A_1259 = arith.minimumf %max3A_1218, %min3A_1257 : vector<32x128xf32>
    %max3A_1260 = arith.maximumf %max3A_1220, %min3A_1259 : vector<32x128xf32>
    %min3A_1261 = arith.minimumf %max3A_1220, %min3A_1259 : vector<32x128xf32>
    %max3A_1262 = arith.maximumf %max3A_1222, %min3A_1261 : vector<32x128xf32>
    %min3A_1263 = arith.minimumf %max3A_1222, %min3A_1261 : vector<32x128xf32>
    %max3A_1264 = arith.maximumf %max3A_1224, %min3A_1263 : vector<32x128xf32>
    %min3A_1265 = arith.minimumf %max3A_1224, %min3A_1263 : vector<32x128xf32>
    %max3A_1266 = arith.maximumf %max3A_1226, %min3A_1265 : vector<32x128xf32>
    %min3A_1267 = arith.minimumf %max3A_1226, %min3A_1265 : vector<32x128xf32>
    %max3A_1268 = arith.maximumf %max3A_1228, %min3A_1267 : vector<32x128xf32>
    %min3A_1269 = arith.minimumf %max3A_1228, %min3A_1267 : vector<32x128xf32>
    %max3A_1270 = arith.maximumf %max3A_1230, %min3A_1269 : vector<32x128xf32>
    %min3A_1271 = arith.minimumf %max3A_1230, %min3A_1269 : vector<32x128xf32>
    %max3A_1272 = arith.maximumf %max3A_1232, %min3A_1271 : vector<32x128xf32>
    %get3A_1273 = arith.constant 0 : index
    %get3A_1274 = arith.constant 3968 : index
    %get3A_1275 = vector.load %arg1[%get3A_1273, %get3A_1274] : memref<32x4096xf32, #tpu.memory_space<vmem>>, vector<32x128xf32>
    %add3A_1276 = arith.constant 3968 : i32
    %add3A_1277 = arith.addi %mul3A_40, %add3A_1276 : i32
    %add3A_1278 = vector.broadcast %add3A_1277 : i32 to vector<32x128xi32>
    %add3A_1279 = arith.addi %add3A_1278, %iota3A : vector<32x128xi32>
    %lt3A_1280 = arith.constant 100000 : i32
    %lt3A_1281 = vector.broadcast %lt3A_1280 : i32 to vector<32x128xi32>
    %lt3A_1282 = arith.cmpi slt, %add3A_1279, %lt3A_1281 : vector<32x128xi32>
    %eq3A_1283 = arith.cmpi eq, %add3A_1279, %get3A_39 : vector<32x128xi32>
    %and3A_1284 = arith.andi %eq3A_1283, %lt3A_1282 : vector<32x128xi1>
    %jit3A_1285 = arith.constant 0.000000e+00 : f32
    %broadcast_in_dim3A_1286 = vector.broadcast %jit3A_1285 : f32 to vector<32x128xf32>
    %select_n3A_1287 = arith.select %and3A_1284, %get3A_1275, %broadcast_in_dim3A_1286 : vector<32x128xi1>, vector<32x128xf32>
    %add3A_1288 = arith.addf %add3A_1248, %select_n3A_1287 : vector<32x128xf32>
    %jit3A_1289 = arith.constant 0xFF800000 : f32
    %broadcast_in_dim3A_1290 = vector.broadcast %jit3A_1289 : f32 to vector<32x128xf32>
    %select_n3A_1291 = arith.select %lt3A_1282, %get3A_1275, %broadcast_in_dim3A_1290 : vector<32x128xi1>, vector<32x128xf32>
    %max3A_1292 = arith.maximumf %max3A_1252, %select_n3A_1291 : vector<32x128xf32>
    %min3A_1293 = arith.minimumf %max3A_1252, %select_n3A_1291 : vector<32x128xf32>
    %max3A_1294 = arith.maximumf %max3A_1254, %min3A_1293 : vector<32x128xf32>
    %min3A_1295 = arith.minimumf %max3A_1254, %min3A_1293 : vector<32x128xf32>
    %max3A_1296 = arith.maximumf %max3A_1256, %min3A_1295 : vector<32x128xf32>
    %min3A_1297 = arith.minimumf %max3A_1256, %min3A_1295 : vector<32x128xf32>
    %max3A_1298 = arith.maximumf %max3A_1258, %min3A_1297 : vector<32x128xf32>
    %min3A_1299 = arith.minimumf %max3A_1258, %min3A_1297 : vector<32x128xf32>
    %max3A_1300 = arith.maximumf %max3A_1260, %min3A_1299 : vector<32x128xf32>
    %min3A_1301 = arith.minimumf %max3A_1260, %min3A_1299 : vector<32x128xf32>
    %max3A_1302 = arith.maximumf %max3A_1262, %min3A_1301 : vector<32x128xf32>
    %min3A_1303 = arith.minimumf %max3A_1262, %min3A_1301 : vector<32x128xf32>
    %max3A_1304 = arith.maximumf %max3A_1264, %min3A_1303 : vector<32x128xf32>
    %min3A_1305 = arith.minimumf %max3A_1264, %min3A_1303 : vector<32x128xf32>
    %max3A_1306 = arith.maximumf %max3A_1266, %min3A_1305 : vector<32x128xf32>
    %min3A_1307 = arith.minimumf %max3A_1266, %min3A_1305 : vector<32x128xf32>
    %max3A_1308 = arith.maximumf %max3A_1268, %min3A_1307 : vector<32x128xf32>
    %min3A_1309 = arith.minimumf %max3A_1268, %min3A_1307 : vector<32x128xf32>
    %max3A_1310 = arith.maximumf %max3A_1270, %min3A_1309 : vector<32x128xf32>
    %min3A_1311 = arith.minimumf %max3A_1270, %min3A_1309 : vector<32x128xf32>
    %max3A_1312 = arith.maximumf %max3A_1272, %min3A_1311 : vector<32x128xf32>
    %swap3A = arith.constant 0 : index
    %swap3A_1313 = arith.constant 0 : index
    %swap3A_1314 = vector.load %arg4[%swap3A, %swap3A_1313] : memref<32x1408xf32, #tpu.memory_space<vmem>>, vector<32x128xf32>
    tpu.vector_store %arg4[%swap3A, %swap3A_1313], %max3A_1292 {strides = array<i32>} : memref<32x1408xf32, #tpu.memory_space<vmem>>, vector<32x128xf32>,
    %swap3A_1315 = arith.constant 0 : index
    %swap3A_1316 = arith.constant 128 : index
    %swap3A_1317 = vector.load %arg4[%swap3A_1315, %swap3A_1316] : memref<32x1408xf32, #tpu.memory_space<vmem>>, vector<32x128xf32>
    tpu.vector_store %arg4[%swap3A_1315, %swap3A_1316], %max3A_1294 {strides = array<i32>} : memref<32x1408xf32, #tpu.memory_space<vmem>>, vector<32x128xf32>,
    %swap3A_1318 = arith.constant 0 : index
    %swap3A_1319 = arith.constant 256 : index
    %swap3A_1320 = vector.load %arg4[%swap3A_1318, %swap3A_1319] : memref<32x1408xf32, #tpu.memory_space<vmem>>, vector<32x128xf32>
    tpu.vector_store %arg4[%swap3A_1318, %swap3A_1319], %max3A_1296 {strides = array<i32>} : memref<32x1408xf32, #tpu.memory_space<vmem>>, vector<32x128xf32>,
    %swap3A_1321 = arith.constant 0 : index
    %swap3A_1322 = arith.constant 384 : index
    %swap3A_1323 = vector.load %arg4[%swap3A_1321, %swap3A_1322] : memref<32x1408xf32, #tpu.memory_space<vmem>>, vector<32x128xf32>
    tpu.vector_store %arg4[%swap3A_1321, %swap3A_1322], %max3A_1298 {strides = array<i32>} : memref<32x1408xf32, #tpu.memory_space<vmem>>, vector<32x128xf32>,
    %swap3A_1324 = arith.constant 0 : index
    %swap3A_1325 = arith.constant 512 : index
    %swap3A_1326 = vector.load %arg4[%swap3A_1324, %swap3A_1325] : memref<32x1408xf32, #tpu.memory_space<vmem>>, vector<32x128xf32>
    tpu.vector_store %arg4[%swap3A_1324, %swap3A_1325], %max3A_1300 {strides = array<i32>} : memref<32x1408xf32, #tpu.memory_space<vmem>>, vector<32x128xf32>,
    %swap3A_1327 = arith.constant 0 : index
    %swap3A_1328 = arith.constant 640 : index
    %swap3A_1329 = vector.load %arg4[%swap3A_1327, %swap3A_1328] : memref<32x1408xf32, #tpu.memory_space<vmem>>, vector<32x128xf32>
    tpu.vector_store %arg4[%swap3A_1327, %swap3A_1328], %max3A_1302 {strides = array<i32>} : memref<32x1408xf32, #tpu.memory_space<vmem>>, vector<32x128xf32>,
    %swap3A_1330 = arith.constant 0 : index
    %swap3A_1331 = arith.constant 768 : index
    %swap3A_1332 = vector.load %arg4[%swap3A_1330, %swap3A_1331] : memref<32x1408xf32, #tpu.memory_space<vmem>>, vector<32x128xf32>
    tpu.vector_store %arg4[%swap3A_1330, %swap3A_1331], %max3A_1304 {strides = array<i32>} : memref<32x1408xf32, #tpu.memory_space<vmem>>, vector<32x128xf32>,
    %swap3A_1333 = arith.constant 0 : index
    %swap3A_1334 = arith.constant 896 : index
    %swap3A_1335 = vector.load %arg4[%swap3A_1333, %swap3A_1334] : memref<32x1408xf32, #tpu.memory_space<vmem>>, vector<32x128xf32>
    tpu.vector_store %arg4[%swap3A_1333, %swap3A_1334], %max3A_1306 {strides = array<i32>} : memref<32x1408xf32, #tpu.memory_space<vmem>>, vector<32x128xf32>,
    %swap3A_1336 = arith.constant 0 : index
    %swap3A_1337 = arith.constant 1024 : index
    %swap3A_1338 = vector.load %arg4[%swap3A_1336, %swap3A_1337] : memref<32x1408xf32, #tpu.memory_space<vmem>>, vector<32x128xf32>
    tpu.vector_store %arg4[%swap3A_1336, %swap3A_1337], %max3A_1308 {strides = array<i32>} : memref<32x1408xf32, #tpu.memory_space<vmem>>, vector<32x128xf32>,
    %swap3A_1339 = arith.constant 0 : index
    %swap3A_1340 = arith.constant 1152 : index
    %swap3A_1341 = vector.load %arg4[%swap3A_1339, %swap3A_1340] : memref<32x1408xf32, #tpu.memory_space<vmem>>, vector<32x128xf32>
    tpu.vector_store %arg4[%swap3A_1339, %swap3A_1340], %max3A_1310 {strides = array<i32>} : memref<32x1408xf32, #tpu.memory_space<vmem>>, vector<32x128xf32>,
    %swap3A_1342 = arith.constant 0 : index
    %swap3A_1343 = arith.constant 1280 : index
    %swap3A_1344 = vector.load %arg4[%swap3A_1342, %swap3A_1343] : memref<32x1408xf32, #tpu.memory_space<vmem>>, vector<32x128xf32>
    tpu.vector_store %arg4[%swap3A_1342, %swap3A_1343], %max3A_1312 {strides = array<i32>} : memref<32x1408xf32, #tpu.memory_space<vmem>>, vector<32x128xf32>,
    %swap3A_1345 = arith.constant 0 : index
    %swap3A_1346 = arith.constant 0 : index
    %swap3A_1347 = vector.load %arg5[%swap3A_1345, %swap3A_1346] : memref<32x128xf32, #tpu.memory_space<vmem>>, vector<32x128xf32>
    tpu.vector_store %arg5[%swap3A_1345, %swap3A_1346], %add3A_1288 {strides = array<i32>} : memref<32x128xf32, #tpu.memory_space<vmem>>, vector<32x128xf32>,
    %eq3A_1348 = arith.constant 24 : i32
    %eq3A_1349 = arith.cmpi eq, %arg0, %eq3A_1348 : i32
    %convert_element_type3A_1350 = arith.extui %eq3A_1349 : i1 to i32
    %cond3A_1351 = arith.constant 0 : i32
    %cond3A_1352 = arith.cmpi ne, %convert_element_type3A_1350, %cond3A_1351 : i32
    scf.if %cond3A_1352 {
      %get3A_1353 = arith.constant 0 : index
      %get3A_1354 = arith.constant 0 : index
      %get3A_1355 = vector.load %arg4[%get3A_1353, %get3A_1354] : memref<32x1408xf32, #tpu.memory_space<vmem>>, vector<32x1408xf32>
      %iota3A_1356 = tpu.iota {dimensions = array<i32: 1>} : vector<32x1408xi32>
      %broadcast_in_dim3A_1357 = arith.constant 0.000000e+00 : f32
      %broadcast_in_dim3A_1358 = vector.broadcast %broadcast_in_dim3A_1357 : f32 to vector<32x1xf32>
      %reduce_max3A = arith.constant dense<0xFF800000> : vector<32xf32>
      %reduce_max3A_1359 = vector.multi_reduction <maximumf>, %get3A_1355, %reduce_max3A [1] : vector<32x1408xf32> to vector<32xf32>
      %broadcast_in_dim3A_1360 = vector.shape_cast %reduce_max3A_1359 : vector<32xf32> to vector<32x1xf32>
      %add3A_1361 = arith.addf %broadcast_in_dim3A_1358, %broadcast_in_dim3A_1360 : vector<32x1xf32>
      %eq3A_1362 = vector.broadcast %broadcast_in_dim3A_1360 : vector<32x1xf32> to vector<32x1408xf32>
      %eq3A_1363 = arith.cmpf oeq, %get3A_1355, %eq3A_1362 : vector<32x1408xf32>
      %jit3A_1364 = arith.constant 1408 : i32
      %broadcast_in_dim3A_1365 = vector.broadcast %jit3A_1364 : i32 to vector<32x1408xi32>
      %select_n3A_1366 = arith.select %eq3A_1363, %iota3A_1356, %broadcast_in_dim3A_1365 : vector<32x1408xi1>, vector<32x1408xi32>
      %reduce_min3A = arith.constant dense<2147483647> : vector<32xi32>
      %reduce_min3A_1367 = vector.multi_reduction <minsi>, %select_n3A_1366, %reduce_min3A [1] : vector<32x1408xi32> to vector<32xi32>
      %broadcast_in_dim3A_1368 = vector.shape_cast %reduce_min3A_1367 : vector<32xi32> to vector<32x1xi32>
      %eq3A_1369 = vector.broadcast %broadcast_in_dim3A_1368 : vector<32x1xi32> to vector<32x1408xi32>
      %eq3A_1370 = arith.cmpi eq, %iota3A_1356, %eq3A_1369 : vector<32x1408xi32>
      %jit3A_1371 = arith.constant 0xFF800000 : f32
      %broadcast_in_dim3A_1372 = vector.broadcast %jit3A_1371 : f32 to vector<32x1408xf32>
      %select_n3A_1373 = arith.select %eq3A_1370, %broadcast_in_dim3A_1372, %get3A_1355 : vector<32x1408xi1>, vector<32x1408xf32>
      %reduce_max3A_1374 = arith.constant dense<0xFF800000> : vector<32xf32>
      %reduce_max3A_1375 = vector.multi_reduction <maximumf>, %select_n3A_1373, %reduce_max3A_1374 [1] : vector<32x1408xf32> to vector<32xf32>
      %broadcast_in_dim3A_1376 = vector.shape_cast %reduce_max3A_1375 : vector<32xf32> to vector<32x1xf32>
      %add3A_1377 = arith.addf %add3A_1361, %broadcast_in_dim3A_1376 : vector<32x1xf32>
      %eq3A_1378 = vector.broadcast %broadcast_in_dim3A_1376 : vector<32x1xf32> to vector<32x1408xf32>
      %eq3A_1379 = arith.cmpf oeq, %select_n3A_1373, %eq3A_1378 : vector<32x1408xf32>
      %jit3A_1380 = arith.constant 1408 : i32
      %broadcast_in_dim3A_1381 = vector.broadcast %jit3A_1380 : i32 to vector<32x1408xi32>
      %select_n3A_1382 = arith.select %eq3A_1379, %iota3A_1356, %broadcast_in_dim3A_1381 : vector<32x1408xi1>, vector<32x1408xi32>
      %reduce_min3A_1383 = arith.constant dense<2147483647> : vector<32xi32>
      %reduce_min3A_1384 = vector.multi_reduction <minsi>, %select_n3A_1382, %reduce_min3A_1383 [1] : vector<32x1408xi32> to vector<32xi32>
      %broadcast_in_dim3A_1385 = vector.shape_cast %reduce_min3A_1384 : vector<32xi32> to vector<32x1xi32>
      %eq3A_1386 = vector.broadcast %broadcast_in_dim3A_1385 : vector<32x1xi32> to vector<32x1408xi32>
      %eq3A_1387 = arith.cmpi eq, %iota3A_1356, %eq3A_1386 : vector<32x1408xi32>
      %jit3A_1388 = arith.constant 0xFF800000 : f32
      %broadcast_in_dim3A_1389 = vector.broadcast %jit3A_1388 : f32 to vector<32x1408xf32>
      %select_n3A_1390 = arith.select %eq3A_1387, %broadcast_in_dim3A_1389, %select_n3A_1373 : vector<32x1408xi1>, vector<32x1408xf32>
      %reduce_max3A_1391 = arith.constant dense<0xFF800000> : vector<32xf32>
      %reduce_max3A_1392 = vector.multi_reduction <maximumf>, %select_n3A_1390, %reduce_max3A_1391 [1] : vector<32x1408xf32> to vector<32xf32>
      %broadcast_in_dim3A_1393 = vector.shape_cast %reduce_max3A_1392 : vector<32xf32> to vector<32x1xf32>
      %add3A_1394 = arith.addf %add3A_1377, %broadcast_in_dim3A_1393 : vector<32x1xf32>
      %eq3A_1395 = vector.broadcast %broadcast_in_dim3A_1393 : vector<32x1xf32> to vector<32x1408xf32>
      %eq3A_1396 = arith.cmpf oeq, %select_n3A_1390, %eq3A_1395 : vector<32x1408xf32>
      %jit3A_1397 = arith.constant 1408 : i32
      %broadcast_in_dim3A_1398 = vector.broadcast %jit3A_1397 : i32 to vector<32x1408xi32>
      %select_n3A_1399 = arith.select %eq3A_1396, %iota3A_1356, %broadcast_in_dim3A_1398 : vector<32x1408xi1>, vector<32x1408xi32>
      %reduce_min3A_1400 = arith.constant dense<2147483647> : vector<32xi32>
      %reduce_min3A_1401 = vector.multi_reduction <minsi>, %select_n3A_1399, %reduce_min3A_1400 [1] : vector<32x1408xi32> to vector<32xi32>
      %broadcast_in_dim3A_1402 = vector.shape_cast %reduce_min3A_1401 : vector<32xi32> to vector<32x1xi32>
      %eq3A_1403 = vector.broadcast %broadcast_in_dim3A_1402 : vector<32x1xi32> to vector<32x1408xi32>
      %eq3A_1404 = arith.cmpi eq, %iota3A_1356, %eq3A_1403 : vector<32x1408xi32>
      %jit3A_1405 = arith.constant 0xFF800000 : f32
      %broadcast_in_dim3A_1406 = vector.broadcast %jit3A_1405 : f32 to vector<32x1408xf32>
      %select_n3A_1407 = arith.select %eq3A_1404, %broadcast_in_dim3A_1406, %select_n3A_1390 : vector<32x1408xi1>, vector<32x1408xf32>
      %reduce_max3A_1408 = arith.constant dense<0xFF800000> : vector<32xf32>
      %reduce_max3A_1409 = vector.multi_reduction <maximumf>, %select_n3A_1407, %reduce_max3A_1408 [1] : vector<32x1408xf32> to vector<32xf32>
      %broadcast_in_dim3A_1410 = vector.shape_cast %reduce_max3A_1409 : vector<32xf32> to vector<32x1xf32>
      %add3A_1411 = arith.addf %add3A_1394, %broadcast_in_dim3A_1410 : vector<32x1xf32>
      %eq3A_1412 = vector.broadcast %broadcast_in_dim3A_1410 : vector<32x1xf32> to vector<32x1408xf32>
      %eq3A_1413 = arith.cmpf oeq, %select_n3A_1407, %eq3A_1412 : vector<32x1408xf32>
      %jit3A_1414 = arith.constant 1408 : i32
      %broadcast_in_dim3A_1415 = vector.broadcast %jit3A_1414 : i32 to vector<32x1408xi32>
      %select_n3A_1416 = arith.select %eq3A_1413, %iota3A_1356, %broadcast_in_dim3A_1415 : vector<32x1408xi1>, vector<32x1408xi32>
      %reduce_min3A_1417 = arith.constant dense<2147483647> : vector<32xi32>
      %reduce_min3A_1418 = vector.multi_reduction <minsi>, %select_n3A_1416, %reduce_min3A_1417 [1] : vector<32x1408xi32> to vector<32xi32>
      %broadcast_in_dim3A_1419 = vector.shape_cast %reduce_min3A_1418 : vector<32xi32> to vector<32x1xi32>
      %eq3A_1420 = vector.broadcast %broadcast_in_dim3A_1419 : vector<32x1xi32> to vector<32x1408xi32>
      %eq3A_1421 = arith.cmpi eq, %iota3A_1356, %eq3A_1420 : vector<32x1408xi32>
      %jit3A_1422 = arith.constant 0xFF800000 : f32
      %broadcast_in_dim3A_1423 = vector.broadcast %jit3A_1422 : f32 to vector<32x1408xf32>
      %select_n3A_1424 = arith.select %eq3A_1421, %broadcast_in_dim3A_1423, %select_n3A_1407 : vector<32x1408xi1>, vector<32x1408xf32>
      %reduce_max3A_1425 = arith.constant dense<0xFF800000> : vector<32xf32>
      %reduce_max3A_1426 = vector.multi_reduction <maximumf>, %select_n3A_1424, %reduce_max3A_1425 [1] : vector<32x1408xf32> to vector<32xf32>
      %broadcast_in_dim3A_1427 = vector.shape_cast %reduce_max3A_1426 : vector<32xf32> to vector<32x1xf32>
      %add3A_1428 = arith.addf %add3A_1411, %broadcast_in_dim3A_1427 : vector<32x1xf32>
      %eq3A_1429 = vector.broadcast %broadcast_in_dim3A_1427 : vector<32x1xf32> to vector<32x1408xf32>
      %eq3A_1430 = arith.cmpf oeq, %select_n3A_1424, %eq3A_1429 : vector<32x1408xf32>
      %jit3A_1431 = arith.constant 1408 : i32
      %broadcast_in_dim3A_1432 = vector.broadcast %jit3A_1431 : i32 to vector<32x1408xi32>
      %select_n3A_1433 = arith.select %eq3A_1430, %iota3A_1356, %broadcast_in_dim3A_1432 : vector<32x1408xi1>, vector<32x1408xi32>
      %reduce_min3A_1434 = arith.constant dense<2147483647> : vector<32xi32>
      %reduce_min3A_1435 = vector.multi_reduction <minsi>, %select_n3A_1433, %reduce_min3A_1434 [1] : vector<32x1408xi32> to vector<32xi32>
      %broadcast_in_dim3A_1436 = vector.shape_cast %reduce_min3A_1435 : vector<32xi32> to vector<32x1xi32>
      %eq3A_1437 = vector.broadcast %broadcast_in_dim3A_1436 : vector<32x1xi32> to vector<32x1408xi32>
      %eq3A_1438 = arith.cmpi eq, %iota3A_1356, %eq3A_1437 : vector<32x1408xi32>
      %jit3A_1439 = arith.constant 0xFF800000 : f32
      %broadcast_in_dim3A_1440 = vector.broadcast %jit3A_1439 : f32 to vector<32x1408xf32>
      %select_n3A_1441 = arith.select %eq3A_1438, %broadcast_in_dim3A_1440, %select_n3A_1424 : vector<32x1408xi1>, vector<32x1408xf32>
      %reduce_max3A_1442 = arith.constant dense<0xFF800000> : vector<32xf32>
      %reduce_max3A_1443 = vector.multi_reduction <maximumf>, %select_n3A_1441, %reduce_max3A_1442 [1] : vector<32x1408xf32> to vector<32xf32>
      %broadcast_in_dim3A_1444 = vector.shape_cast %reduce_max3A_1443 : vector<32xf32> to vector<32x1xf32>
      %add3A_1445 = arith.addf %add3A_1428, %broadcast_in_dim3A_1444 : vector<32x1xf32>
      %eq3A_1446 = vector.broadcast %broadcast_in_dim3A_1444 : vector<32x1xf32> to vector<32x1408xf32>
      %eq3A_1447 = arith.cmpf oeq, %select_n3A_1441, %eq3A_1446 : vector<32x1408xf32>
      %jit3A_1448 = arith.constant 1408 : i32
      %broadcast_in_dim3A_1449 = vector.broadcast %jit3A_1448 : i32 to vector<32x1408xi32>
      %select_n3A_1450 = arith.select %eq3A_1447, %iota3A_1356, %broadcast_in_dim3A_1449 : vector<32x1408xi1>, vector<32x1408xi32>
      %reduce_min3A_1451 = arith.constant dense<2147483647> : vector<32xi32>
      %reduce_min3A_1452 = vector.multi_reduction <minsi>, %select_n3A_1450, %reduce_min3A_1451 [1] : vector<32x1408xi32> to vector<32xi32>
      %broadcast_in_dim3A_1453 = vector.shape_cast %reduce_min3A_1452 : vector<32xi32> to vector<32x1xi32>
      %eq3A_1454 = vector.broadcast %broadcast_in_dim3A_1453 : vector<32x1xi32> to vector<32x1408xi32>
      %eq3A_1455 = arith.cmpi eq, %iota3A_1356, %eq3A_1454 : vector<32x1408xi32>
      %jit3A_1456 = arith.constant 0xFF800000 : f32
      %broadcast_in_dim3A_1457 = vector.broadcast %jit3A_1456 : f32 to vector<32x1408xf32>
      %select_n3A_1458 = arith.select %eq3A_1455, %broadcast_in_dim3A_1457, %select_n3A_1441 : vector<32x1408xi1>, vector<32x1408xf32>
      %reduce_max3A_1459 = arith.constant dense<0xFF800000> : vector<32xf32>
      %reduce_max3A_1460 = vector.multi_reduction <maximumf>, %select_n3A_1458, %reduce_max3A_1459 [1] : vector<32x1408xf32> to vector<32xf32>
      %broadcast_in_dim3A_1461 = vector.shape_cast %reduce_max3A_1460 : vector<32xf32> to vector<32x1xf32>
      %add3A_1462 = arith.addf %add3A_1445, %broadcast_in_dim3A_1461 : vector<32x1xf32>
      %eq3A_1463 = vector.broadcast %broadcast_in_dim3A_1461 : vector<32x1xf32> to vector<32x1408xf32>
      %eq3A_1464 = arith.cmpf oeq, %select_n3A_1458, %eq3A_1463 : vector<32x1408xf32>
      %jit3A_1465 = arith.constant 1408 : i32
      %broadcast_in_dim3A_1466 = vector.broadcast %jit3A_1465 : i32 to vector<32x1408xi32>
      %select_n3A_1467 = arith.select %eq3A_1464, %iota3A_1356, %broadcast_in_dim3A_1466 : vector<32x1408xi1>, vector<32x1408xi32>
      %reduce_min3A_1468 = arith.constant dense<2147483647> : vector<32xi32>
      %reduce_min3A_1469 = vector.multi_reduction <minsi>, %select_n3A_1467, %reduce_min3A_1468 [1] : vector<32x1408xi32> to vector<32xi32>
      %broadcast_in_dim3A_1470 = vector.shape_cast %reduce_min3A_1469 : vector<32xi32> to vector<32x1xi32>
      %eq3A_1471 = vector.broadcast %broadcast_in_dim3A_1470 : vector<32x1xi32> to vector<32x1408xi32>
      %eq3A_1472 = arith.cmpi eq, %iota3A_1356, %eq3A_1471 : vector<32x1408xi32>
      %jit3A_1473 = arith.constant 0xFF800000 : f32
      %broadcast_in_dim3A_1474 = vector.broadcast %jit3A_1473 : f32 to vector<32x1408xf32>
      %select_n3A_1475 = arith.select %eq3A_1472, %broadcast_in_dim3A_1474, %select_n3A_1458 : vector<32x1408xi1>, vector<32x1408xf32>
      %reduce_max3A_1476 = arith.constant dense<0xFF800000> : vector<32xf32>
      %reduce_max3A_1477 = vector.multi_reduction <maximumf>, %select_n3A_1475, %reduce_max3A_1476 [1] : vector<32x1408xf32> to vector<32xf32>
      %broadcast_in_dim3A_1478 = vector.shape_cast %reduce_max3A_1477 : vector<32xf32> to vector<32x1xf32>
      %add3A_1479 = arith.addf %add3A_1462, %broadcast_in_dim3A_1478 : vector<32x1xf32>
      %eq3A_1480 = vector.broadcast %broadcast_in_dim3A_1478 : vector<32x1xf32> to vector<32x1408xf32>
      %eq3A_1481 = arith.cmpf oeq, %select_n3A_1475, %eq3A_1480 : vector<32x1408xf32>
      %jit3A_1482 = arith.constant 1408 : i32
      %broadcast_in_dim3A_1483 = vector.broadcast %jit3A_1482 : i32 to vector<32x1408xi32>
      %select_n3A_1484 = arith.select %eq3A_1481, %iota3A_1356, %broadcast_in_dim3A_1483 : vector<32x1408xi1>, vector<32x1408xi32>
      %reduce_min3A_1485 = arith.constant dense<2147483647> : vector<32xi32>
      %reduce_min3A_1486 = vector.multi_reduction <minsi>, %select_n3A_1484, %reduce_min3A_1485 [1] : vector<32x1408xi32> to vector<32xi32>
      %broadcast_in_dim3A_1487 = vector.shape_cast %reduce_min3A_1486 : vector<32xi32> to vector<32x1xi32>
      %eq3A_1488 = vector.broadcast %broadcast_in_dim3A_1487 : vector<32x1xi32> to vector<32x1408xi32>
      %eq3A_1489 = arith.cmpi eq, %iota3A_1356, %eq3A_1488 : vector<32x1408xi32>
      %jit3A_1490 = arith.constant 0xFF800000 : f32
      %broadcast_in_dim3A_1491 = vector.broadcast %jit3A_1490 : f32 to vector<32x1408xf32>
      %select_n3A_1492 = arith.select %eq3A_1489, %broadcast_in_dim3A_1491, %select_n3A_1475 : vector<32x1408xi1>, vector<32x1408xf32>
      %reduce_max3A_1493 = arith.constant dense<0xFF800000> : vector<32xf32>
      %reduce_max3A_1494 = vector.multi_reduction <maximumf>, %select_n3A_1492, %reduce_max3A_1493 [1] : vector<32x1408xf32> to vector<32xf32>
      %broadcast_in_dim3A_1495 = vector.shape_cast %reduce_max3A_1494 : vector<32xf32> to vector<32x1xf32>
      %add3A_1496 = arith.addf %add3A_1479, %broadcast_in_dim3A_1495 : vector<32x1xf32>
      %eq3A_1497 = vector.broadcast %broadcast_in_dim3A_1495 : vector<32x1xf32> to vector<32x1408xf32>
      %eq3A_1498 = arith.cmpf oeq, %select_n3A_1492, %eq3A_1497 : vector<32x1408xf32>
      %jit3A_1499 = arith.constant 1408 : i32
      %broadcast_in_dim3A_1500 = vector.broadcast %jit3A_1499 : i32 to vector<32x1408xi32>
      %select_n3A_1501 = arith.select %eq3A_1498, %iota3A_1356, %broadcast_in_dim3A_1500 : vector<32x1408xi1>, vector<32x1408xi32>
      %reduce_min3A_1502 = arith.constant dense<2147483647> : vector<32xi32>
      %reduce_min3A_1503 = vector.multi_reduction <minsi>, %select_n3A_1501, %reduce_min3A_1502 [1] : vector<32x1408xi32> to vector<32xi32>
      %broadcast_in_dim3A_1504 = vector.shape_cast %reduce_min3A_1503 : vector<32xi32> to vector<32x1xi32>
      %eq3A_1505 = vector.broadcast %broadcast_in_dim3A_1504 : vector<32x1xi32> to vector<32x1408xi32>
      %eq3A_1506 = arith.cmpi eq, %iota3A_1356, %eq3A_1505 : vector<32x1408xi32>
      %jit3A_1507 = arith.constant 0xFF800000 : f32
      %broadcast_in_dim3A_1508 = vector.broadcast %jit3A_1507 : f32 to vector<32x1408xf32>
      %select_n3A_1509 = arith.select %eq3A_1506, %broadcast_in_dim3A_1508, %select_n3A_1492 : vector<32x1408xi1>, vector<32x1408xf32>
      %reduce_max3A_1510 = arith.constant dense<0xFF800000> : vector<32xf32>
      %reduce_max3A_1511 = vector.multi_reduction <maximumf>, %select_n3A_1509, %reduce_max3A_1510 [1] : vector<32x1408xf32> to vector<32xf32>
      %broadcast_in_dim3A_1512 = vector.shape_cast %reduce_max3A_1511 : vector<32xf32> to vector<32x1xf32>
      %add3A_1513 = arith.addf %add3A_1496, %broadcast_in_dim3A_1512 : vector<32x1xf32>
      %eq3A_1514 = vector.broadcast %broadcast_in_dim3A_1512 : vector<32x1xf32> to vector<32x1408xf32>
      %eq3A_1515 = arith.cmpf oeq, %select_n3A_1509, %eq3A_1514 : vector<32x1408xf32>
      %jit3A_1516 = arith.constant 1408 : i32
      %broadcast_in_dim3A_1517 = vector.broadcast %jit3A_1516 : i32 to vector<32x1408xi32>
      %select_n3A_1518 = arith.select %eq3A_1515, %iota3A_1356, %broadcast_in_dim3A_1517 : vector<32x1408xi1>, vector<32x1408xi32>
      %reduce_min3A_1519 = arith.constant dense<2147483647> : vector<32xi32>
      %reduce_min3A_1520 = vector.multi_reduction <minsi>, %select_n3A_1518, %reduce_min3A_1519 [1] : vector<32x1408xi32> to vector<32xi32>
      %broadcast_in_dim3A_1521 = vector.shape_cast %reduce_min3A_1520 : vector<32xi32> to vector<32x1xi32>
      %eq3A_1522 = vector.broadcast %broadcast_in_dim3A_1521 : vector<32x1xi32> to vector<32x1408xi32>
      %eq3A_1523 = arith.cmpi eq, %iota3A_1356, %eq3A_1522 : vector<32x1408xi32>
      %jit3A_1524 = arith.constant 0xFF800000 : f32
      %broadcast_in_dim3A_1525 = vector.broadcast %jit3A_1524 : f32 to vector<32x1408xf32>
      %select_n3A_1526 = arith.select %eq3A_1523, %broadcast_in_dim3A_1525, %select_n3A_1509 : vector<32x1408xi1>, vector<32x1408xf32>
      %reduce_max3A_1527 = arith.constant dense<0xFF800000> : vector<32xf32>
      %reduce_max3A_1528 = vector.multi_reduction <maximumf>, %select_n3A_1526, %reduce_max3A_1527 [1] : vector<32x1408xf32> to vector<32xf32>
      %broadcast_in_dim3A_1529 = vector.shape_cast %reduce_max3A_1528 : vector<32xf32> to vector<32x1xf32>
      %add3A_1530 = arith.addf %add3A_1513, %broadcast_in_dim3A_1529 : vector<32x1xf32>
      %get3A_1531 = arith.constant 0 : index
      %get3A_1532 = arith.constant 0 : index
      %get3A_1533 = vector.load %arg5[%get3A_1531, %get3A_1532] : memref<32x128xf32, #tpu.memory_space<vmem>>, vector<32x128xf32>
      %reduce_sum3A = arith.constant dense<0.000000e+00> : vector<32xf32>
      %reduce_sum3A_1534 = vector.multi_reduction <add>, %get3A_1533, %reduce_sum3A [1] : vector<32x128xf32> to vector<32xf32>
      %broadcast_in_dim3A_1535 = vector.shape_cast %reduce_sum3A_1534 : vector<32xf32> to vector<32x1xf32>
      %ge3A = arith.cmpf oge, %broadcast_in_dim3A_1535, %broadcast_in_dim3A_1529 : vector<32x1xf32>
      %select_n3A_1536 = arith.select %ge3A, %broadcast_in_dim3A_1535, %broadcast_in_dim3A_1529 : vector<32x1xi1>, vector<32x1xf32>
      %sub3A = arith.subf %add3A_1530, %select_n3A_1536 : vector<32x1xf32>
      %mul3A_1537 = arith.constant 1.000000e-01 : f32
      %mul3A_1538 = vector.broadcast %mul3A_1537 : f32 to vector<32x1xf32>
      %mul3A_1539 = arith.mulf %sub3A, %mul3A_1538 : vector<32x1xf32>
      %sub3A_1540 = arith.subf %mul3A_1539, %broadcast_in_dim3A_1535 : vector<32x1xf32>
      %reduce_sum3A_1541 = vector.shape_cast %sub3A_1540 : vector<32x1xf32> to vector<1x32x1xf32>
      %reduce_sum3A_1542 = arith.constant dense<0.000000e+00> : vector<1xf32>
      %reduce_sum3A_1543 = vector.multi_reduction <add>, %reduce_sum3A_1541, %reduce_sum3A_1542 [1, 2] : vector<1x32x1xf32> to vector<1xf32>
      %reduce_sum3A_1544 = vector.shape_cast %reduce_sum3A_1543 : vector<1xf32> to vector<1x1x1xf32>
      %reduce_sum3A_1545 = vector.extract %reduce_sum3A_1544[0, 0, 0] : f32 from vector<1x1x1xf32>
      %swap3A_1546 = arith.constant 0 : index
      %swap3A_1547 = memref.load %arg3[%swap3A_1546] : memref<1xf32, #tpu.memory_space<smem>>
      memref.store %reduce_sum3A_1545, %arg3[%swap3A_1546] : memref<1xf32, #tpu.memory_space<smem>>
    } else {
    }
    return
  }
  func.func @transform_0(%arg0: i32) -> (i32, i32) {
    %c1_i32 = arith.constant 1 : i32
    %c0_i32 = arith.constant 0 : i32
    return %c1_i32, %arg0 : i32, i32
  }
  func.func @transform_1(%arg0: i32) -> (i32, i32) {
    %c1_i32 = arith.constant 1 : i32
    %c0_i32 = arith.constant 0 : i32
    %c0_i32_0 = arith.constant 0 : i32
    return %c1_i32, %c0_i32 : i32, i32
  }
  func.func @transform_2(%arg0: i32) -> i32 {
    %c0_i32 = arith.constant 0 : i32
    %c0_i32_0 = arith.constant 0 : i32
    return %c0_i32 : i32
  }
}

</mosaic_0001>

<sc_bundles>
// kernel: kernel.5.cloned.1.call-start
scs
__scs_entry_jumppad:
0x0: {  	(pc) =	sbr.rel $0x88, $3  }
0x1: {  	(tag) =	ssettag $0x0;
	lr =	simm.s32 $0x1  }
0x2: {  	[smem:$0x3F9F] =	sst lr;
	_ =	strace $0xD0000000  }
0x3: {  	_ = 	snop  }
0x4: {  	_ = 	snop  }
0x5: {  	_ = 	snop  }
0x6: {  	_ = 	snop  }
0x7: {  	_ = 	snop  }
__scs_overlays_trampoline_lowered:
0x8: {  	[smem:$0x3FAE] =	sst s0  }
0x9: {  	[smem:$0x3FAF] =	sst s1  }
0xa: {  	[smem:$0x3FB0] =	sst s2  }
0xb: {  	[smem:$0x3FB1] =	sst s3  }
0xc: {  	[smem:$0x3FB2] =	sst s4  }
0xd: {  	[smem:$0x3FB3] =	sst s5  }
0xe: {  	[smem:$0x3FB4] =	sst s6  }
0xf: {  	[smem:$0x3FB5] =	sst s7  }
0x10: {  	[smem:$0x3FB6] =	sst s8  }
0x11: {  	[smem:$0x3FB7] =	sst s9;
	s0 =	simm.s32 @!p0 $0x0  }
0x12: {  	s1 =	sld [smem:$0x3F9D];
	s0 =	simm.s32 @p0 $0x1  }
0x13: {  	[smem:$0x3FB8] =	sst s0;
	s0 =	simm.s32 @!p1 $0x0  }
0x14: {  	s2 =	sld [smem:$0x3F9C];
	s0 =	simm.s32 @p1 $0x1  }
0x15: {  	[smem:$0x3FB9] =	sst s0;
	s0 =	simm.s32 @!p2 $0x0  }
0x16: {  	s3 =	sld [smem:$0x3FDB];
	s0 =	simm.s32 @p2 $0x1  }
0x17: {  	s4 =	simm.s32 $0x1BF5;
	[smem:$0x3FBB] =	sst s0  }
0x18: {  	s0 =	sld [smem:$0x3F9E];
	_ =	swait.ge [sflag:s4], $0x0  }
0x19: {  	s7 =	sld [smem:$0x3F9F]  }
0x1a: {  	s8 =	sadd.s32 $0xFFFFE003, lr  }
0x1b: {  	s9 =	sadd.s32 $0xFFFFFEF7, lr;
	s5 =	simm.s32 $0xFFFFFFFF;
	p2 =	slt.u32 s8, $0xFFFFF086  }
0x1c: {  	p1 =	slt.u32 s9, $0xF7A;
	s5 =	simm.s32 @!p2 $0x0  }
0x1d: {  	s5 =	simm.s32 @p1 $0x1;
	p0 =	seq.s32 s7, s2  }
0x1e: {  	s7 =	smul.u32 @!p0 $0xF7A, s2;
	p2 =	seq.s32 @!p0 s5, $0x0  }
0x1f: {  	s9 =	smul.u32 $0xF7A, s1;
	s8 =	simm.s32 @!p0 $0x1BF5;
	p2 =	por !p2, p0  }
0x20: {  	[sflag:s8] =	ssyncset.s32 @!p0 $0xFFFFF086;
	s6 =	sadd.s32 @!p0 s3, s7;
	s7 =	simm.s32 @!p0 $0x108  }
0x21: {  	s3 =	sadd.s32 s3, s9;
	s6 =	sadd.s32 @!p0 $0x88, s6;
	s7 =	simm.s32 @p2 $0x1082  }
0x22: {  	[simem:s7], [sflag:s8] =	dma.local @!p0 [hbm:s6], $0xF7A  }
0x23: {  	s9 =	sor.u32 $0xD0000000, s2;
	s6 =	simm.s32 $0x108;
	_ =	swait.ge @!p0 [sflag:s8], $0x0  }
0x24: {  	s3 =	sadd.s32 $0x88, s3;
	s6 =	simm.s32 @!p1 $0x1082;
	[sflag:s4] =	ssyncset.s32 $0xFFFFF086  }
0x25: {  	[simem:s6], [sflag:s4] =	dma.local [hbm:s3], $0xF7A  }
0x26: {  	[smem:$0x3F9F] =	sst s1;
	(tag) =	ssettag s2;
	_ =	strace s9  }
0x27: {  	s1 =	sld [smem:$0x3FAF]  }
0x28: {  	s2 =	sld [smem:$0x3FB0]  }
0x29: {  	s4 =	sld [smem:$0x3FB2]  }
0x2a: {  	p0 =	seq.s32 s5, $0x0;
	s5 =	sld [smem:$0x3FB3]  }
0x2b: {  	s6 =	sld [smem:$0x3FB4]  }
0x2c: {  	s7 =	sld [smem:$0x3FB5]  }
0x2d: {  	s3 =	simm.s32 $0x108;
	s8 =	sld [smem:$0x3FB6]  }
0x2e: {  	s3 =	simm.s32 @!p0 $0x1082;
	s9 =	sld [smem:$0x3FB7]  }
0x2f: {  	lr =	sadd.s32 s0, s3;
	s0 =	sld [smem:$0x3FAE]  }
0x30: {  	s3 =	sld [smem:$0x3FB1]  }
0x31: {  	[smem:$0x3FBA] =	sst s10  }
0x32: {  	s10 =	sld [smem:$0x3FB8];
	_ =	sdelay $0x3  }
0x33: {  	p0 =	seq.s32 s10, $0x1;
	s10 =	sld [smem:$0x3FBA];
	_ =	sdelay $0x3  }
0x34: {  	[smem:$0x3FBA] =	sst s10  }
0x35: {  	s10 =	sld [smem:$0x3FB9];
	_ =	sdelay $0x3  }
0x36: {  	p1 =	seq.s32 s10, $0x1;
	s10 =	sld [smem:$0x3FBA];
	_ =	sdelay $0x3  }
0x37: {  	[smem:$0x3FBA] =	sst s10  }
0x38: {  	s10 =	sld [smem:$0x3FBB]  }
0x39: {  	_ = 	snop;
	(pc) =	sbr.ind lr, $3  }
0x3a: {  	_ = 	snop  }
0x3b: {  	_ = 	snop  }
0x3c: {  	p2 =	seq.s32 s10, $0x1;
	s10 =	sld [smem:$0x3FBA]  }
0x3d: {  	_ =	shalt  }
0x3e: {  	_ =	shalt  }
0x3f: {  	_ =	shalt  }
0x40: {  	_ =	shalt  }
0x41: {  	_ =	shalt  }
0x42: {  	_ =	shalt  }
0x43: {  	_ =	shalt  }
0x44: {  	_ =	shalt  }
0x45: {  	_ =	shalt  }
0x46: {  	_ =	shalt  }
0x47: {  	_ =	shalt  }
0x48: {  	_ =	shalt  }
0x49: {  	_ =	shalt  }
0x4a: {  	_ =	shalt  }
0x4b: {  	_ =	shalt  }
0x4c: {  	_ =	shalt  }
0x4d: {  	_ =	shalt  }
0x4e: {  	_ =	shalt  }
0x4f: {  	_ =	shalt  }
0x50: {  	_ =	shalt  }
0x51: {  	_ =	shalt  }
0x52: {  	_ =	shalt  }
0x53: {  	_ =	shalt  }
0x54: {  	_ =	shalt  }
0x55: {  	_ =	shalt  }
0x56: {  	_ =	shalt  }
0x57: {  	_ =	shalt  }
0x58: {  	_ =	shalt  }
0x59: {  	_ =	shalt  }
0x5a: {  	_ =	shalt  }
0x5b: {  	_ =	shalt  }
0x5c: {  	_ =	shalt  }
0x5d: {  	_ =	shalt  }
0x5e: {  	_ =	shalt  }
0x5f: {  	_ =	shalt  }
0x60: {  	_ =	shalt  }
0x61: {  	_ =	shalt  }
0x62: {  	_ =	shalt  }
0x63: {  	_ =	shalt  }
0x64: {  	_ =	shalt  }
0x65: {  	_ =	shalt  }
0x66: {  	_ =	shalt  }
0x67: {  	_ =	shalt  }
0x68: {  	_ =	shalt  }
0x69: {  	_ =	shalt  }
0x6a: {  	_ =	shalt  }
0x6b: {  	_ =	shalt  }
0x6c: {  	_ =	shalt  }
0x6d: {  	_ =	shalt  }
0x6e: {  	_ =	shalt  }
0x6f: {  	_ =	shalt  }
0x70: {  	_ =	shalt  }
0x71: {  	_ =	shalt  }
0x72: {  	_ =	shalt  }
0x73: {  	_ =	shalt  }
0x74: {  	_ =	shalt  }
0x75: {  	_ =	shalt  }
0x76: {  	_ =	shalt  }
0x77: {  	_ =	shalt  }
0x78: {  	_ =	shalt  }
0x79: {  	_ =	shalt  }
0x7a: {  	_ =	shalt  }
0x7b: {  	_ =	shalt  }
0x7c: {  	_ =	shalt  }
0x7d: {  	_ =	shalt  }
0x7e: {  	_ =	shalt  }
0x7f: {  	_ =	shalt  }
0x80: {  	_ =	shalt  }
0x81: {  	_ =	shalt  }
0x82: {  	_ =	shalt  }
0x83: {  	_ =	shalt  }
0x84: {  	_ =	shalt  }
0x85: {  	_ =	shalt  }
0x86: {  	_ =	shalt  }
0x87: {  	_ =	shalt  }
.Lfunc_end0:
.L_simem_size_0:
called_computation_lowered:
.L_overlay_start_0:
0x88: {  	s2 =	sld [smem:$0x3FD9]  }
0x89: {  	s3 =	sld [smem:$0x3FFE];
	_ =	sdelay $0x1  }
0x8a: {  	s1 =	srdreg.scid  }
0x8b: {  	s0 =	sand.u32 $0x1, s1  }
0x8c: {  	s17 =	sshll.u32 s0, $0xA;
	s2 =	sadd.s32 s3, s2  }
0x8d: {  	s2 =	sadd.s32 s2, s17  }
0x8e: {  	[smem:$0x3FC6] =	sst s2  }
0x8f: {  	_ = 	snop  }
0x90: {  	s2 =	sld [smem:$0x3FC9]  }
0x91: {  	s18 =	sld [smem:$0x3FC8];
	(tm) =	ssettm $0x1  }
0x92: {  	s4 =	sld [smem:$0x3FFB];
	_ =	sdelay $0x3  }
0x93: {  	_ =	strace s4  }
0x94: {  	s4 =	sld [smem:$0x3FFC];
	_ =	sdelay $0x3  }
0x95: {  	_ =	strace s4  }
0x96: {  	s4 =	sld [smem:$0x3FFD];
	_ =	sdelay $0x3  }
0x97: {  	_ =	strace s4  }
0x98: {  	_ =	strace $0x8FFFFFFF  }
0x99: {  	s19 =	sld [smem:$0x3FDB];
	_ =	sdelay $0x1  }
0x9a: {  	s5 =	simm.s32 $_scs_section_size  }
0x9b: {  	s6 =	simm.s32 $_size__tile_overlayer_lowered;
	s7 =	simm.s32 $_tile_overlayer_lowered  }
0x9c: {  	s22 =	simm.s32 $0x1BFF;
	s21 =	sshll.u32 s7, $0x1;
	s4 =	sadd.s32 s5, s19  }
0x9d: {  	s8 =	simm.s32 $0x0;
	s20 =	sshll.u32 s6, $0x1;
	s6 =	sadd.s32 s21, s4  }
0x9e: {  	[timem:s8], [sflag:s22] =	dma.local [hbm:s6], s20  }
0x9f: {  	_ =	swait.ge [sflag:s22], s20  }
0xa0: {  	s5 =	ssub.s32 $0x0, s20;
	[sflag:s22] =	ssyncset.done $0x0  }
0xa1: {  	[sflag:s22] =	ssyncadd.s32 s5;
	_ =	sdelay $0x1  }
0xa2: {  	s23 =	simm.s32 $0x1B8B  }
0xa3: {  	_ =	swait.ge [sflag:s23], $0x1  }
0xa4: {  	[sflag:s23] =	ssyncset.done $0x0  }
0xa5: {  	s25 =	simm.s32 $0x1B8E;
	s24 =	sld [smem:$0x3FFE];
	[sflag:s23] =	ssyncadd.s32 $0xFFFFFFFF  }
0xa6: {  	s26 =	simm.s32 $execute0_lowered;
	[smem:$0x3FD2] =	sst s25  }
0xa7: {  	s6 =	sshll.u32 s26, $0x1;
	_ =	strace $0x80000046;
	[dreg:$0x1] =	wrdreg $0xFFFFFFFF  }
0xa8: {  	s28 =	simm.s32 $_size_execute0_lowered;
	s4 =	sadd.s32 s4, s6;
	[dreg:$0x0] =	wrdreg $0x0  }
0xa9: {  	s6 =	sshll.u32 s28, $0x1;
	[dreg:$0x2] =	wrdreg s4  }
0xaa: {  	[dreg:$0x3] =	wrdreg s6  }
0xab: {  	[dreg:$0x4] =	wrdreg $0xC0  }
0xac: {  	_ =	task [dreg:s8], $0x5FFFF  }
0xad: {  	[dreg:$0x1] =	wrdreg $0xFFFFFFFF  }
0xae: {  	[dreg:$0x0] =	wrdreg $0x60  }
0xaf: {  	[dreg:$0x2] =	wrdreg s2  }
0xb0: {  	[dreg:$0x3] =	wrdreg s24  }
0xb1: {  	[dreg:$0x4] =	wrdreg s18  }
0xb2: {  	[dreg:$0x5] =	wrdreg $0x9  }
0xb3: {  	_ =	task.clear_ibuf [dreg:s8], $0x6FFFF;
	_ =	strace $0x90000046  }
0xb4: {  	s29 =	simm.s32 $0x9;
	_ =	strace $0x80000048  }
0xb5: {  	_ =	swait.ge [sflag:s29], $0x1  }
0xb6: {  	[sflag:s29] =	ssyncadd.s32 $0xFFFFFFFF  }
0xb7: {  	_ =	strace $0x90000048  }
0xb8: {  	_ =	sfence  }
0xb9: {  	s30 =	sld [smem:$0x0];
	_ =	sdelay $0x2  }
0xba: {  	s31 =	sshll.u32 s1, $0xD;
	s1 =	sshrl.u32 s1, $0x2  }
0xbb: {  	s3 =	sand.u32 $0x4000, s31;
	s1 =	sadd.s32 s1, s30  }
0xbc: {  	s0 =	sor.u32 s3, s0;
	s1 =	sshll.u32 s1, $0x11  }
0xbd: {  	s0 =	sor.u32 s1, s0  }
0xbe: {  	s0 =	sadd.s32 $0x8F2B, s0  }
0xbf: {  	[sflag:s0] =	ssyncadd.remote.s32 $0x1  }
0xc0: {  	_ =	sfence.sel $0xFFFF  }
0xc1: {  	[dreg:$0x0] =	wrdreg $0xFFFFFFFF;
	(pc) =	sbr.abs _section_cstart, $3  }
0xc2: {  	[dreg:$0x1] =	wrdreg $0xFFFFFFFF  }
0xc3: {  	_ =	task.clear_ibuf [dreg:s8], $0x2FFFF;
	_ =	strace $0x9FFFFFFF  }
0xc4: {  	(tm) =	ssettm $0x7FFFFFFF  }
0xc5: {  	_ =	shalt  }
tec
execute0_lowered:
.L_overlay_start_1:
0x0: {  	(tag) =	ssettag $0x1  }
0x1: {  	s0 =	rddreg [dreg:$0x0]  }
0x2: {  	s1 =	srdreg.scid;
	s4 =	stileid.u32  }
0x3: {  	s2 =	rddreg [dreg:$0x1];
	s15 =	simm.s32 $0x3;
	s16 =	simm.s32 $0x80  }
0x4: {  	s17 =	simm.s32 $0x400;
	s28 =	simm.s32 $0x1C000;
	s29 =	simm.s32 $0x1C380  }
0x5: {  	s31 =	simm.s32 $0x0;
	s1 =	sand.u32 $0x1, s1;
	s3 =	sshll.u32 s4, $0x1  }
0x6: {  	s4 =	sshrl.u32 s4, $0x2;
	s14 =	sor.u32 s1, s3;
	s3 =	simm.s32 $0x0  }
0x7: {  	s6 =	sshll.u32 s4, $0xB;
	s7 =	sshll.u32 s4, $0xA;
	s4 =	smul.u32 $0xC3800, s4  }
0x8: {  	s1 =	ssub.s32 $0x2, s1;
	s5 =	sshll.u32 s14, $0x7;
	[smem:$0x7FF] =	sst s3  }
0x9: {  	s20 =	sshrl.u32 s1, $0x1;
	s5 =	sand.u32 $0x380, s5;
	_ =	strace $0x80000047  }
0xa: {  	s1 =	ssub.s32 s1, s20;
	s20 =	simm.s32 $0x1;
	s6 =	sor.u32 s6, s5  }
0xb: {  	s7 =	sor.u32 s7, s5;
	s9 =	sor.u32 s4, s5;
	s13 =	smax.u32 s1, $0x1  }
0xc: {  	s6 =	sshrl.u32 s6, $0x3;
	s7 =	sshrl.u32 s7, $0x3;
	s5 =	sshrl.u32 s9, $0x3  }
0xd: {  	s21 =	sadd.s32 $0x20000, s9;
	s25 =	sadd.s32 $0x40000, s9;
	s8 =	sadd.s32 $0x60000, s9  }
0xe: {  	s10 =	sadd.s32 $0x80000, s9;
	s11 =	sadd.s32 $0xA0000, s9;
	s12 =	sadd.s32 $0xC0000, s9  }
0xf: {  	s6 =	sadd.s32 s6, s2;
	s2 =	sadd.s32 s7, s2;
	s22 =	sadd.s32 s0, s5  }
0x10: {  	s23 =	sshrl.u32 s21, $0x3;
	s7 =	sshrl.u32 s25, $0x3;
	s8 =	sshrl.u32 s8, $0x3  }
0x11: {  	s10 =	sshrl.u32 s10, $0x3;
	s26 =	sshrl.u32 s11, $0x3;
	s30 =	sshrl.u32 s12, $0x3  }
0x12: {  	[dreg:$0x4] =	wrdreg s22;
	s24 =	sadd.s32 s0, s23;
	s6 =	sadd.s32 $0x800, s6  }
0x13: {  	s7 =	sadd.s32 s0, s7;
	s8 =	sadd.s32 s0, s8;
	s9 =	sadd.s32 s0, s10  }
0x14: {  	v1 =	vimm.f32 $-Inf;
	s10 =	sadd.s32 s0, s26;
	s11 =	sadd.s32 s0, s30;
	s12 =	sadd.s32 $0x1000, s2  }
0x15: {  	v2 =	vimm.s32 $0xB;
	v3 =	vlaneseq.u32;
	v0 =	vmov s14;
	s2 =	simm.s32 $0x1C400;
	s22 =	simm.s32 $0x2;
	[dreg:$0x5] =	wrdreg s24  }
.LBB2_1:
0x16: {  	s0 =	rddreg [dreg:$0x2]  }
0x17: {  	[tilespmem:s2], [sflag:$0x3] =	stream.linear.gather [hbm4b:s0+s3], $0x80, $0x38;
	[tilespmem:$0x1C500] =	vst v63  }
0x18: {  	_ =	swait.ge [sflag:s15], $0x80  }
0x19: {  	[sflag:s15] =	ssyncset.done $0x0  }
0x1a: {  	s1 =	sand.u32 $0x3FF0, s3;
	s0 =	simm.s32 $0x10;
	[sflag:s15] =	ssyncadd.s32 $0xFFFFFF80  }
.LBB2_2:
0x1b: {  	p0 =	sne.s32 s0, $0x38F0;
	[tilespmem:s1+$0x18700] =	vst v1;
	s1 =	smov.u32 s0;
	s0 =	sadd.s32 $0x10, s0  }
.Ltmp0:
0x1c: {  	(pc) =	sbr.rel @p0 .LBB2_2-.Ltmp0, $2  }
0x1d: {  	_ =	sdelay $0x2  }
0x1e: {  	s1 =	sand.u32 $0x3FF0, s1  }
0x1f: {  	[tilespmem:s1+$0x18700] =	vst v1;
	s0 =	simm.s32 $0x0;
	s23 =	rddreg [dreg:$0x4]  }
0x20: {  	[tilespmem:s0], [sflag:$0x1] =	stream.strided.gather [hbm4b:s23+s16], $0x4000, s17, s16, $0x38;
	[tilespmem:$0x1C500] =	vst v63  }
0x21: {  	s24 =	rddreg [dreg:$0x5];
	s25 =	simm.s32 $0x4000  }
0x22: {  	[tilespmem:s25], [sflag:$0x2] =	stream.strided.gather [hbm4b:s24+s16], $0x4000, s17, s16, $0x38;
	[tilespmem:$0x1C500] =	vst v63  }
0x23: {  	s26 =	simm.s32 $0x18600  }
0x24: {  	[tilespmem:s26], [sflag:$0x3] =	stream.strided.gather [hbm4b:s6+s16], $0x100, s17, s16, $0x38;
	[tilespmem:$0x1C500] =	vst v63  }
0x25: {  	_ =	swait.ge [sflag:s15], $0x100  }
0x26: {  	[sflag:s15] =	ssyncset.done $0x0  }
0x27: {  	[sflag:s15] =	ssyncadd.s32 $0xFFFFFF00  }
0x28: {  	_ =	swait.ge [sflag:s20], $0x4000  }
0x29: {  	[sflag:s20] =	ssyncset.done $0x0  }
0x2a: {  	s30 =	simm.s32 $0x8000;
	s0 =	simm.s32 $0x0;
	[sflag:s20] =	ssyncadd.s32 $0xFFFFC000  }
0x2b: {  	[tilespmem:s30], [sflag:$0x1] =	stream.strided.gather [hbm4b:s7+s16], $0x4000, s17, s16, $0x38;
	[tilespmem:$0x1C500] =	vst v63  }
0x2c: {  	v8 =	vld [tilespmem:s0+$0x80]  }
0x2d: {  	v10 =	vld [tilespmem:s0+$0x90]  }
0x2e: {  	v6 =	vld [tilespmem:s0+$0xA0]  }
0x2f: {  	v7 =	vld [tilespmem:s0+$0xB0]  }
0x30: {  	v9 =	vld [tilespmem:s0+$0xC0]  }
0x31: {  	v5 =	vld [tilespmem:s0+$0xD0]  }
0x32: {  	v4 =	vld [tilespmem:s0+$0xE0]  }
0x33: {  	v24 =	vld [tilespmem:s0+$0x0]  }
0x34: {  	v25 =	vld [tilespmem:s0+$0x10]  }
0x35: {  	v21 =	vld [tilespmem:s0+$0x20]  }
0x36: {  	v22 =	vld [tilespmem:s0+$0x30]  }
0x37: {  	v17 =	vimm.f32 $-Inf;
	v18 =	vimm.f32 $-Inf;
	v23 =	vld [tilespmem:s0+$0x40]  }
0x38: {  	v15 =	vimm.f32 $-Inf;
	v16 =	vimm.f32 $-Inf;
	v14 =	vimm.f32 $-Inf;
	v19 =	vld [tilespmem:s0+$0x50]  }
0x39: {  	s1 =	simm.s32 $0x400;
	v13 =	vimm.f32 $-Inf;
	v12 =	vimm.f32 $-Inf;
	v11 =	vimm.f32 $-Inf;
	v20 =	vld [tilespmem:s0+$0x60]  }
.LBB2_4:
0x3a: {  	p0 =	sne.s32 s1, $0xFC00;
	v26 =	vld [tilespmem:s0+$0x70]  }
0x3b: {  	v17 =	vmax.f32 v17, v24;
	v18 =	vmax.f32 v18, v25;
	v24 =	vld [tilespmem:s0+$0xF0];
	s0 =	sshra.s32 s1, $0x2  }
0x3c: {  	v17 =	vmax.f32 v17, v8;
	v18 =	vmax.f32 v18, v10;
	v8 =	vld [tilespmem:s0+$0x80]  }
0x3d: {  	v15 =	vmax.f32 v15, v21;
	v16 =	vmax.f32 v16, v22;
	v14 =	vmax.f32 v14, v23;
	v10 =	vld [tilespmem:s0+$0x90]  }
0x3e: {  	v15 =	vmax.f32 v15, v6;
	v16 =	vmax.f32 v16, v7;
	v14 =	vmax.f32 v14, v9;
	v6 =	vld [tilespmem:s0+$0xA0]  }
0x3f: {  	v13 =	vmax.f32 v13, v19;
	v12 =	vmax.f32 v12, v20;
	v7 =	vld [tilespmem:s0+$0xB0];
	v11 =	vmax.f32 v11, v26  }
0x40: {  	v13 =	vmax.f32 v13, v5;
	v12 =	vmax.f32 v12, v4;
	v9 =	vld [tilespmem:s0+$0xC0];
	v11 =	vmax.f32 v11, v24  }
0x41: {  	v5 =	vld [tilespmem:s0+$0xD0]  }
0x42: {  	v4 =	vld [tilespmem:s0+$0xE0]  }
0x43: {  	v24 =	vld [tilespmem:s0+$0x0]  }
0x44: {  	v25 =	vld [tilespmem:s0+$0x10]  }
.Ltmp1:
0x45: {  	v21 =	vld [tilespmem:s0+$0x20];
	(pc) =	sbr.rel @p0 .LBB2_4-.Ltmp1, $4  }
0x46: {  	v22 =	vld [tilespmem:s0+$0x30]  }
0x47: {  	v23 =	vld [tilespmem:s0+$0x40]  }
0x48: {  	v19 =	vld [tilespmem:s0+$0x50]  }
0x49: {  	s1 =	sadd.s32 $0x400, s1;
	v20 =	vld [tilespmem:s0+$0x60]  }
0x4a: {  	v17 =	vmax.f32 v17, v24  }
0x4b: {  	v26 =	vld [tilespmem:s0+$0x70];
	v18 =	vmax.f32 v18, v25;
	v8 =	vmax.f32 v17, v8  }
0x4c: {  	v24 =	vld [tilespmem:s0+$0xF0];
	v15 =	vmax.f32 v15, v21;
	v10 =	vmax.f32 v18, v10;
	[tilespmem:$0x1C000] =	vst v8  }
0x4d: {  	v6 =	vmax.f32 v15, v6;
	v8 =	vmax.f32 v16, v22;
	[tilespmem:$0x1C010] =	vst v10  }
0x4e: {  	v10 =	vmax.f32 v14, v23;
	[tilespmem:$0x1C020] =	vst v6;
	v7 =	vmax.f32 v8, v7  }
0x4f: {  	v6 =	vmax.f32 v10, v9;
	v8 =	vmax.f32 v13, v19;
	[tilespmem:$0x1C030] =	vst v7  }
0x50: {  	v7 =	vmax.f32 v12, v20;
	v5 =	vmax.f32 v8, v5;
	[tilespmem:$0x1C040] =	vst v6  }
0x51: {  	v6 =	vmax.f32 v11, v26;
	v4 =	vmax.f32 v7, v4;
	[tilespmem:$0x1C050] =	vst v5  }
0x52: {  	v5 =	vmax.f32 v6, v24;
	[tilespmem:$0x1C060] =	vst v4  }
0x53: {  	[tilespmem:$0x1C070] =	vst v5  }
0x54: {  	_ =	swait.ge [sflag:s22], $0x4000  }
0x55: {  	[sflag:s22] =	ssyncset.done $0x0  }
0x56: {  	s30 =	simm.s32 $0xC000;
	s0 =	simm.s32 $0x0;
	[sflag:s22] =	ssyncadd.s32 $0xFFFFC000  }
0x57: {  	[tilespmem:s30], [sflag:$0x2] =	stream.strided.gather [hbm4b:s8+s16], $0x4000, s17, s16, $0x38;
	[tilespmem:$0x1C500] =	vst v63  }
0x58: {  	v8 =	vld [tilespmem:s0+$0x4080]  }
0x59: {  	v10 =	vld [tilespmem:s0+$0x4090]  }
0x5a: {  	v6 =	vld [tilespmem:s0+$0x40A0]  }
0x5b: {  	v7 =	vld [tilespmem:s0+$0x40B0]  }
0x5c: {  	v9 =	vld [tilespmem:s0+$0x40C0]  }
0x5d: {  	v5 =	vld [tilespmem:s0+$0x40D0]  }
0x5e: {  	v4 =	vld [tilespmem:s0+$0x40E0]  }
0x5f: {  	v24 =	vld [tilespmem:s0+$0x4000]  }
0x60: {  	v25 =	vld [tilespmem:s0+$0x4010]  }
0x61: {  	v21 =	vld [tilespmem:s0+$0x4020]  }
0x62: {  	v22 =	vld [tilespmem:s0+$0x4030]  }
0x63: {  	v17 =	vimm.f32 $-Inf;
	v18 =	vimm.f32 $-Inf;
	v23 =	vld [tilespmem:s0+$0x4040]  }
0x64: {  	v15 =	vimm.f32 $-Inf;
	v16 =	vimm.f32 $-Inf;
	v14 =	vimm.f32 $-Inf;
	v19 =	vld [tilespmem:s0+$0x4050]  }
0x65: {  	s1 =	simm.s32 $0x400;
	v13 =	vimm.f32 $-Inf;
	v12 =	vimm.f32 $-Inf;
	v11 =	vimm.f32 $-Inf;
	v20 =	vld [tilespmem:s0+$0x4060]  }
.LBB2_6:
0x66: {  	p0 =	sne.s32 s1, $0xFC00;
	v26 =	vld [tilespmem:s0+$0x4070]  }
0x67: {  	v17 =	vmax.f32 v17, v24;
	v18 =	vmax.f32 v18, v25;
	v24 =	vld [tilespmem:s0+$0x40F0];
	s0 =	sshra.s32 s1, $0x2  }
0x68: {  	v17 =	vmax.f32 v17, v8;
	v18 =	vmax.f32 v18, v10;
	v8 =	vld [tilespmem:s0+$0x4080]  }
0x69: {  	v15 =	vmax.f32 v15, v21;
	v16 =	vmax.f32 v16, v22;
	v14 =	vmax.f32 v14, v23;
	v10 =	vld [tilespmem:s0+$0x4090]  }
0x6a: {  	v15 =	vmax.f32 v15, v6;
	v16 =	vmax.f32 v16, v7;
	v14 =	vmax.f32 v14, v9;
	v6 =	vld [tilespmem:s0+$0x40A0]  }
0x6b: {  	v13 =	vmax.f32 v13, v19;
	v12 =	vmax.f32 v12, v20;
	v7 =	vld [tilespmem:s0+$0x40B0];
	v11 =	vmax.f32 v11, v26  }
0x6c: {  	v13 =	vmax.f32 v13, v5;
	v12 =	vmax.f32 v12, v4;
	v9 =	vld [tilespmem:s0+$0x40C0];
	v11 =	vmax.f32 v11, v24  }
0x6d: {  	v5 =	vld [tilespmem:s0+$0x40D0]  }
0x6e: {  	v4 =	vld [tilespmem:s0+$0x40E0]  }
0x6f: {  	v24 =	vld [tilespmem:s0+$0x4000]  }
0x70: {  	v25 =	vld [tilespmem:s0+$0x4010]  }
.Ltmp2:
0x71: {  	v21 =	vld [tilespmem:s0+$0x4020];
	(pc) =	sbr.rel @p0 .LBB2_6-.Ltmp2, $4  }
0x72: {  	v22 =	vld [tilespmem:s0+$0x4030]  }
0x73: {  	v23 =	vld [tilespmem:s0+$0x4040]  }
0x74: {  	v19 =	vld [tilespmem:s0+$0x4050]  }
0x75: {  	s1 =	sadd.s32 $0x400, s1;
	v20 =	vld [tilespmem:s0+$0x4060]  }
0x76: {  	v17 =	vmax.f32 v17, v24  }
0x77: {  	v26 =	vld [tilespmem:s0+$0x4070];
	v18 =	vmax.f32 v18, v25;
	v8 =	vmax.f32 v17, v8  }
0x78: {  	v24 =	vld [tilespmem:s0+$0x40F0];
	v15 =	vmax.f32 v15, v21;
	v10 =	vmax.f32 v18, v10;
	[tilespmem:$0x1C080] =	vst v8  }
0x79: {  	v6 =	vmax.f32 v15, v6;
	v8 =	vmax.f32 v16, v22;
	[tilespmem:$0x1C090] =	vst v10  }
0x7a: {  	v10 =	vmax.f32 v14, v23;
	[tilespmem:$0x1C0A0] =	vst v6;
	v7 =	vmax.f32 v8, v7  }
0x7b: {  	v6 =	vmax.f32 v10, v9;
	v8 =	vmax.f32 v13, v19;
	[tilespmem:$0x1C0B0] =	vst v7  }
0x7c: {  	v7 =	vmax.f32 v12, v20;
	v5 =	vmax.f32 v8, v5;
	[tilespmem:$0x1C0C0] =	vst v6  }
0x7d: {  	v6 =	vmax.f32 v11, v26;
	v4 =	vmax.f32 v7, v4;
	[tilespmem:$0x1C0D0] =	vst v5  }
0x7e: {  	v5 =	vmax.f32 v6, v24;
	[tilespmem:$0x1C0E0] =	vst v4  }
0x7f: {  	[tilespmem:$0x1C0F0] =	vst v5  }
0x80: {  	_ =	swait.ge [sflag:s20], $0x4000  }
0x81: {  	[sflag:s20] =	ssyncset.done $0x0  }
0x82: {  	s30 =	simm.s32 $0x10000;
	s0 =	simm.s32 $0x0;
	[sflag:s20] =	ssyncadd.s32 $0xFFFFC000  }
0x83: {  	[tilespmem:s30], [sflag:$0x1] =	stream.strided.gather [hbm4b:s9+s16], $0x4000, s17, s16, $0x38;
	[tilespmem:$0x1C500] =	vst v63  }
0x84: {  	v8 =	vld [tilespmem:s0+$0x8080]  }
0x85: {  	v10 =	vld [tilespmem:s0+$0x8090]  }
0x86: {  	v6 =	vld [tilespmem:s0+$0x80A0]  }
0x87: {  	v7 =	vld [tilespmem:s0+$0x80B0]  }
0x88: {  	v9 =	vld [tilespmem:s0+$0x80C0]  }
0x89: {  	v5 =	vld [tilespmem:s0+$0x80D0]  }
0x8a: {  	v4 =	vld [tilespmem:s0+$0x80E0]  }
0x8b: {  	v24 =	vld [tilespmem:s0+$0x8000]  }
0x8c: {  	v25 =	vld [tilespmem:s0+$0x8010]  }
0x8d: {  	v21 =	vld [tilespmem:s0+$0x8020]  }
0x8e: {  	v22 =	vld [tilespmem:s0+$0x8030]  }
0x8f: {  	v17 =	vimm.f32 $-Inf;
	v18 =	vimm.f32 $-Inf;
	v23 =	vld [tilespmem:s0+$0x8040]  }
0x90: {  	v15 =	vimm.f32 $-Inf;
	v16 =	vimm.f32 $-Inf;
	v14 =	vimm.f32 $-Inf;
	v19 =	vld [tilespmem:s0+$0x8050]  }
0x91: {  	s1 =	simm.s32 $0x400;
	v13 =	vimm.f32 $-Inf;
	v12 =	vimm.f32 $-Inf;
	v11 =	vimm.f32 $-Inf;
	v20 =	vld [tilespmem:s0+$0x8060]  }
.LBB2_8:
0x92: {  	p0 =	sne.s32 s1, $0xFC00;
	v26 =	vld [tilespmem:s0+$0x8070]  }
0x93: {  	v17 =	vmax.f32 v17, v24;
	v18 =	vmax.f32 v18, v25;
	v24 =	vld [tilespmem:s0+$0x80F0];
	s0 =	sshra.s32 s1, $0x2  }
0x94: {  	v17 =	vmax.f32 v17, v8;
	v18 =	vmax.f32 v18, v10;
	v8 =	vld [tilespmem:s0+$0x8080]  }
0x95: {  	v15 =	vmax.f32 v15, v21;
	v16 =	vmax.f32 v16, v22;
	v14 =	vmax.f32 v14, v23;
	v10 =	vld [tilespmem:s0+$0x8090]  }
0x96: {  	v15 =	vmax.f32 v15, v6;
	v16 =	vmax.f32 v16, v7;
	v14 =	vmax.f32 v14, v9;
	v6 =	vld [tilespmem:s0+$0x80A0]  }
0x97: {  	v13 =	vmax.f32 v13, v19;
	v12 =	vmax.f32 v12, v20;
	v7 =	vld [tilespmem:s0+$0x80B0];
	v11 =	vmax.f32 v11, v26  }
0x98: {  	v13 =	vmax.f32 v13, v5;
	v12 =	vmax.f32 v12, v4;
	v9 =	vld [tilespmem:s0+$0x80C0];
	v11 =	vmax.f32 v11, v24  }
0x99: {  	v5 =	vld [tilespmem:s0+$0x80D0]  }
0x9a: {  	v4 =	vld [tilespmem:s0+$0x80E0]  }
0x9b: {  	v24 =	vld [tilespmem:s0+$0x8000]  }
0x9c: {  	v25 =	vld [tilespmem:s0+$0x8010]  }
.Ltmp3:
0x9d: {  	v21 =	vld [tilespmem:s0+$0x8020];
	(pc) =	sbr.rel @p0 .LBB2_8-.Ltmp3, $4  }
0x9e: {  	v22 =	vld [tilespmem:s0+$0x8030]  }
0x9f: {  	v23 =	vld [tilespmem:s0+$0x8040]  }
0xa0: {  	v19 =	vld [tilespmem:s0+$0x8050]  }
0xa1: {  	s1 =	sadd.s32 $0x400, s1;
	v20 =	vld [tilespmem:s0+$0x8060]  }
0xa2: {  	v17 =	vmax.f32 v17, v24  }
0xa3: {  	v26 =	vld [tilespmem:s0+$0x8070];
	v18 =	vmax.f32 v18, v25;
	v8 =	vmax.f32 v17, v8  }
0xa4: {  	v24 =	vld [tilespmem:s0+$0x80F0];
	v15 =	vmax.f32 v15, v21;
	v10 =	vmax.f32 v18, v10;
	[tilespmem:$0x1C100] =	vst v8  }
0xa5: {  	v6 =	vmax.f32 v15, v6;
	v8 =	vmax.f32 v16, v22;
	[tilespmem:$0x1C110] =	vst v10  }
0xa6: {  	v10 =	vmax.f32 v14, v23;
	[tilespmem:$0x1C120] =	vst v6;
	v7 =	vmax.f32 v8, v7  }
0xa7: {  	v6 =	vmax.f32 v10, v9;
	v8 =	vmax.f32 v13, v19;
	[tilespmem:$0x1C130] =	vst v7  }
0xa8: {  	v7 =	vmax.f32 v12, v20;
	v5 =	vmax.f32 v8, v5;
	[tilespmem:$0x1C140] =	vst v6  }
0xa9: {  	v6 =	vmax.f32 v11, v26;
	v4 =	vmax.f32 v7, v4;
	[tilespmem:$0x1C150] =	vst v5  }
0xaa: {  	v5 =	vmax.f32 v6, v24;
	[tilespmem:$0x1C160] =	vst v4  }
0xab: {  	[tilespmem:$0x1C170] =	vst v5  }
0xac: {  	_ =	swait.ge [sflag:s22], $0x4000  }
0xad: {  	[sflag:s22] =	ssyncset.done $0x0  }
0xae: {  	s30 =	simm.s32 $0x14000;
	s0 =	simm.s32 $0x0;
	[sflag:s22] =	ssyncadd.s32 $0xFFFFC000  }
0xaf: {  	[tilespmem:s30], [sflag:$0x2] =	stream.strided.gather [hbm4b:s10+s16], $0x4000, s17, s16, $0x38;
	[tilespmem:$0x1C500] =	vst v63  }
0xb0: {  	v8 =	vld [tilespmem:s0+$0xC080]  }
0xb1: {  	v10 =	vld [tilespmem:s0+$0xC090]  }
0xb2: {  	v6 =	vld [tilespmem:s0+$0xC0A0]  }
0xb3: {  	v7 =	vld [tilespmem:s0+$0xC0B0]  }
0xb4: {  	v9 =	vld [tilespmem:s0+$0xC0C0]  }
0xb5: {  	v5 =	vld [tilespmem:s0+$0xC0D0]  }
0xb6: {  	v4 =	vld [tilespmem:s0+$0xC0E0]  }
0xb7: {  	v24 =	vld [tilespmem:s0+$0xC000]  }
0xb8: {  	v25 =	vld [tilespmem:s0+$0xC010]  }
0xb9: {  	v21 =	vld [tilespmem:s0+$0xC020]  }
0xba: {  	v22 =	vld [tilespmem:s0+$0xC030]  }
0xbb: {  	v17 =	vimm.f32 $-Inf;
	v18 =	vimm.f32 $-Inf;
	v23 =	vld [tilespmem:s0+$0xC040]  }
0xbc: {  	v15 =	vimm.f32 $-Inf;
	v16 =	vimm.f32 $-Inf;
	v14 =	vimm.f32 $-Inf;
	v19 =	vld [tilespmem:s0+$0xC050]  }
0xbd: {  	s1 =	simm.s32 $0x400;
	v13 =	vimm.f32 $-Inf;
	v12 =	vimm.f32 $-Inf;
	v11 =	vimm.f32 $-Inf;
	v20 =	vld [tilespmem:s0+$0xC060]  }
.LBB2_10:
0xbe: {  	p0 =	sne.s32 s1, $0xFC00;
	v26 =	vld [tilespmem:s0+$0xC070]  }
0xbf: {  	v17 =	vmax.f32 v17, v24;
	v18 =	vmax.f32 v18, v25;
	v24 =	vld [tilespmem:s0+$0xC0F0];
	s0 =	sshra.s32 s1, $0x2  }
0xc0: {  	v17 =	vmax.f32 v17, v8;
	v18 =	vmax.f32 v18, v10;
	v8 =	vld [tilespmem:s0+$0xC080]  }
0xc1: {  	v15 =	vmax.f32 v15, v21;
	v16 =	vmax.f32 v16, v22;
	v14 =	vmax.f32 v14, v23;
	v10 =	vld [tilespmem:s0+$0xC090]  }
0xc2: {  	v15 =	vmax.f32 v15, v6;
	v16 =	vmax.f32 v16, v7;
	v14 =	vmax.f32 v14, v9;
	v6 =	vld [tilespmem:s0+$0xC0A0]  }
0xc3: {  	v13 =	vmax.f32 v13, v19;
	v12 =	vmax.f32 v12, v20;
	v7 =	vld [tilespmem:s0+$0xC0B0];
	v11 =	vmax.f32 v11, v26  }
0xc4: {  	v13 =	vmax.f32 v13, v5;
	v12 =	vmax.f32 v12, v4;
	v9 =	vld [tilespmem:s0+$0xC0C0];
	v11 =	vmax.f32 v11, v24  }
0xc5: {  	v5 =	vld [tilespmem:s0+$0xC0D0]  }
0xc6: {  	v4 =	vld [tilespmem:s0+$0xC0E0]  }
0xc7: {  	v24 =	vld [tilespmem:s0+$0xC000]  }
0xc8: {  	v25 =	vld [tilespmem:s0+$0xC010]  }
.Ltmp4:
0xc9: {  	v21 =	vld [tilespmem:s0+$0xC020];
	(pc) =	sbr.rel @p0 .LBB2_10-.Ltmp4, $4  }
0xca: {  	v22 =	vld [tilespmem:s0+$0xC030]  }
0xcb: {  	v23 =	vld [tilespmem:s0+$0xC040]  }
0xcc: {  	v19 =	vld [tilespmem:s0+$0xC050]  }
0xcd: {  	s1 =	sadd.s32 $0x400, s1;
	v20 =	vld [tilespmem:s0+$0xC060]  }
0xce: {  	v17 =	vmax.f32 v17, v24  }
0xcf: {  	v26 =	vld [tilespmem:s0+$0xC070];
	v18 =	vmax.f32 v18, v25;
	v8 =	vmax.f32 v17, v8  }
0xd0: {  	v24 =	vld [tilespmem:s0+$0xC0F0];
	v15 =	vmax.f32 v15, v21;
	v10 =	vmax.f32 v18, v10;
	[tilespmem:$0x1C180] =	vst v8  }
0xd1: {  	v6 =	vmax.f32 v15, v6;
	v8 =	vmax.f32 v16, v22;
	[tilespmem:$0x1C190] =	vst v10  }
0xd2: {  	v10 =	vmax.f32 v14, v23;
	[tilespmem:$0x1C1A0] =	vst v6;
	v7 =	vmax.f32 v8, v7  }
0xd3: {  	v6 =	vmax.f32 v10, v9;
	v8 =	vmax.f32 v13, v19;
	[tilespmem:$0x1C1B0] =	vst v7  }
0xd4: {  	v7 =	vmax.f32 v12, v20;
	v5 =	vmax.f32 v8, v5;
	[tilespmem:$0x1C1C0] =	vst v6  }
0xd5: {  	v6 =	vmax.f32 v11, v26;
	v4 =	vmax.f32 v7, v4;
	[tilespmem:$0x1C1D0] =	vst v5  }
0xd6: {  	v5 =	vmax.f32 v6, v24;
	[tilespmem:$0x1C1E0] =	vst v4  }
0xd7: {  	[tilespmem:$0x1C1F0] =	vst v5  }
0xd8: {  	_ =	swait.ge [sflag:s20], $0x4000  }
0xd9: {  	[sflag:s20] =	ssyncset.done $0x0  }
0xda: {  	s30 =	simm.s32 $0x18000;
	s0 =	simm.s32 $0x0;
	[sflag:s20] =	ssyncadd.s32 $0xFFFFC000  }
0xdb: {  	[tilespmem:s30], [sflag:$0x1] =	stream.strided.gather [hbm4b:s11+s16], $0x600, s17, s16, $0x38;
	[tilespmem:$0x1C500] =	vst v63  }
0xdc: {  	v8 =	vld [tilespmem:s0+$0x10080]  }
0xdd: {  	v10 =	vld [tilespmem:s0+$0x10090]  }
0xde: {  	v6 =	vld [tilespmem:s0+$0x100A0]  }
0xdf: {  	v7 =	vld [tilespmem:s0+$0x100B0]  }
0xe0: {  	v9 =	vld [tilespmem:s0+$0x100C0]  }
0xe1: {  	v5 =	vld [tilespmem:s0+$0x100D0]  }
0xe2: {  	v4 =	vld [tilespmem:s0+$0x100E0]  }
0xe3: {  	v24 =	vld [tilespmem:s0+$0x10000]  }
0xe4: {  	v25 =	vld [tilespmem:s0+$0x10010]  }
0xe5: {  	v21 =	vld [tilespmem:s0+$0x10020]  }
0xe6: {  	v22 =	vld [tilespmem:s0+$0x10030]  }
0xe7: {  	v17 =	vimm.f32 $-Inf;
	v18 =	vimm.f32 $-Inf;
	v23 =	vld [tilespmem:s0+$0x10040]  }
0xe8: {  	v15 =	vimm.f32 $-Inf;
	v16 =	vimm.f32 $-Inf;
	v14 =	vimm.f32 $-Inf;
	v19 =	vld [tilespmem:s0+$0x10050]  }
0xe9: {  	s1 =	simm.s32 $0x400;
	v13 =	vimm.f32 $-Inf;
	v12 =	vimm.f32 $-Inf;
	v11 =	vimm.f32 $-Inf;
	v20 =	vld [tilespmem:s0+$0x10060]  }
.LBB2_12:
0xea: {  	p0 =	sne.s32 s1, $0xFC00;
	v26 =	vld [tilespmem:s0+$0x10070]  }
0xeb: {  	v17 =	vmax.f32 v17, v24;
	v18 =	vmax.f32 v18, v25;
	v24 =	vld [tilespmem:s0+$0x100F0];
	s0 =	sshra.s32 s1, $0x2  }
0xec: {  	v17 =	vmax.f32 v17, v8;
	v18 =	vmax.f32 v18, v10;
	v8 =	vld [tilespmem:s0+$0x10080]  }
0xed: {  	v15 =	vmax.f32 v15, v21;
	v16 =	vmax.f32 v16, v22;
	v14 =	vmax.f32 v14, v23;
	v10 =	vld [tilespmem:s0+$0x10090]  }
0xee: {  	v15 =	vmax.f32 v15, v6;
	v16 =	vmax.f32 v16, v7;
	v14 =	vmax.f32 v14, v9;
	v6 =	vld [tilespmem:s0+$0x100A0]  }
0xef: {  	v13 =	vmax.f32 v13, v19;
	v12 =	vmax.f32 v12, v20;
	v7 =	vld [tilespmem:s0+$0x100B0];
	v11 =	vmax.f32 v11, v26  }
0xf0: {  	v13 =	vmax.f32 v13, v5;
	v12 =	vmax.f32 v12, v4;
	v9 =	vld [tilespmem:s0+$0x100C0];
	v11 =	vmax.f32 v11, v24  }
0xf1: {  	v5 =	vld [tilespmem:s0+$0x100D0]  }
0xf2: {  	v4 =	vld [tilespmem:s0+$0x100E0]  }
0xf3: {  	v24 =	vld [tilespmem:s0+$0x10000]  }
0xf4: {  	v25 =	vld [tilespmem:s0+$0x10010]  }
.Ltmp5:
0xf5: {  	v21 =	vld [tilespmem:s0+$0x10020];
	(pc) =	sbr.rel @p0 .LBB2_12-.Ltmp5, $4  }
0xf6: {  	v22 =	vld [tilespmem:s0+$0x10030]  }
0xf7: {  	v23 =	vld [tilespmem:s0+$0x10040]  }
0xf8: {  	v19 =	vld [tilespmem:s0+$0x10050]  }
0xf9: {  	s1 =	sadd.s32 $0x400, s1;
	v20 =	vld [tilespmem:s0+$0x10060]  }
0xfa: {  	v17 =	vmax.f32 v17, v24  }
0xfb: {  	v26 =	vld [tilespmem:s0+$0x10070];
	v18 =	vmax.f32 v18, v25;
	v8 =	vmax.f32 v17, v8  }
0xfc: {  	v24 =	vld [tilespmem:s0+$0x100F0];
	v15 =	vmax.f32 v15, v21;
	v10 =	vmax.f32 v18, v10;
	[tilespmem:$0x1C200] =	vst v8  }
0xfd: {  	v6 =	vmax.f32 v15, v6;
	v8 =	vmax.f32 v16, v22;
	[tilespmem:$0x1C210] =	vst v10  }
0xfe: {  	v10 =	vmax.f32 v14, v23;
	[tilespmem:$0x1C220] =	vst v6;
	v7 =	vmax.f32 v8, v7  }
0xff: {  	v6 =	vmax.f32 v10, v9;
	v8 =	vmax.f32 v13, v19;
	[tilespmem:$0x1C230] =	vst v7  }
0x100: {  	v7 =	vmax.f32 v12, v20;
	v5 =	vmax.f32 v8, v5;
	[tilespmem:$0x1C240] =	vst v6  }
0x101: {  	v6 =	vmax.f32 v11, v26;
	v4 =	vmax.f32 v7, v4;
	[tilespmem:$0x1C250] =	vst v5  }
0x102: {  	v5 =	vmax.f32 v6, v24;
	[tilespmem:$0x1C260] =	vst v4  }
0x103: {  	[tilespmem:$0x1C270] =	vst v5  }
0x104: {  	_ =	swait.ge [sflag:s22], $0x4000  }
0x105: {  	[sflag:s22] =	ssyncset.done $0x0  }
0x106: {  	s0 =	simm.s32 $0x0;
	[sflag:s22] =	ssyncadd.s32 $0xFFFFC000  }
0x107: {  	v8 =	vld [tilespmem:s0+$0x14080]  }
0x108: {  	v10 =	vld [tilespmem:s0+$0x14090]  }
0x109: {  	v6 =	vld [tilespmem:s0+$0x140A0]  }
0x10a: {  	v7 =	vld [tilespmem:s0+$0x140B0]  }
0x10b: {  	v9 =	vld [tilespmem:s0+$0x140C0]  }
0x10c: {  	v5 =	vld [tilespmem:s0+$0x140D0]  }
0x10d: {  	v4 =	vld [tilespmem:s0+$0x140E0]  }
0x10e: {  	v24 =	vld [tilespmem:s0+$0x14000]  }
0x10f: {  	v25 =	vld [tilespmem:s0+$0x14010]  }
0x110: {  	v21 =	vld [tilespmem:s0+$0x14020]  }
0x111: {  	v22 =	vld [tilespmem:s0+$0x14030]  }
0x112: {  	v17 =	vimm.f32 $-Inf;
	v18 =	vimm.f32 $-Inf;
	v23 =	vld [tilespmem:s0+$0x14040]  }
0x113: {  	v15 =	vimm.f32 $-Inf;
	v16 =	vimm.f32 $-Inf;
	v14 =	vimm.f32 $-Inf;
	v19 =	vld [tilespmem:s0+$0x14050]  }
0x114: {  	s1 =	simm.s32 $0x400;
	v13 =	vimm.f32 $-Inf;
	v12 =	vimm.f32 $-Inf;
	v11 =	vimm.f32 $-Inf;
	v20 =	vld [tilespmem:s0+$0x14060]  }
.LBB2_14:
0x115: {  	p0 =	sne.s32 s1, $0xFC00;
	v26 =	vld [tilespmem:s0+$0x14070]  }
0x116: {  	v17 =	vmax.f32 v17, v24;
	v18 =	vmax.f32 v18, v25;
	v24 =	vld [tilespmem:s0+$0x140F0];
	s0 =	sshra.s32 s1, $0x2  }
0x117: {  	v17 =	vmax.f32 v17, v8;
	v18 =	vmax.f32 v18, v10;
	v8 =	vld [tilespmem:s0+$0x14080]  }
0x118: {  	v15 =	vmax.f32 v15, v21;
	v16 =	vmax.f32 v16, v22;
	v14 =	vmax.f32 v14, v23;
	v10 =	vld [tilespmem:s0+$0x14090]  }
0x119: {  	v15 =	vmax.f32 v15, v6;
	v16 =	vmax.f32 v16, v7;
	v14 =	vmax.f32 v14, v9;
	v6 =	vld [tilespmem:s0+$0x140A0]  }
0x11a: {  	v13 =	vmax.f32 v13, v19;
	v12 =	vmax.f32 v12, v20;
	v7 =	vld [tilespmem:s0+$0x140B0];
	v11 =	vmax.f32 v11, v26  }
0x11b: {  	v13 =	vmax.f32 v13, v5;
	v12 =	vmax.f32 v12, v4;
	v9 =	vld [tilespmem:s0+$0x140C0];
	v11 =	vmax.f32 v11, v24  }
0x11c: {  	v5 =	vld [tilespmem:s0+$0x140D0]  }
0x11d: {  	v4 =	vld [tilespmem:s0+$0x140E0]  }
0x11e: {  	v24 =	vld [tilespmem:s0+$0x14000]  }
0x11f: {  	v25 =	vld [tilespmem:s0+$0x14010]  }
.Ltmp6:
0x120: {  	v21 =	vld [tilespmem:s0+$0x14020];
	(pc) =	sbr.rel @p0 .LBB2_14-.Ltmp6, $4  }
0x121: {  	v22 =	vld [tilespmem:s0+$0x14030]  }
0x122: {  	v23 =	vld [tilespmem:s0+$0x14040]  }
0x123: {  	v19 =	vld [tilespmem:s0+$0x14050]  }
0x124: {  	s1 =	sadd.s32 $0x400, s1;
	v20 =	vld [tilespmem:s0+$0x14060]  }
0x125: {  	v17 =	vmax.f32 v17, v24  }
0x126: {  	v26 =	vld [tilespmem:s0+$0x14070];
	v18 =	vmax.f32 v18, v25;
	v8 =	vmax.f32 v17, v8  }
0x127: {  	v24 =	vld [tilespmem:s0+$0x140F0];
	v15 =	vmax.f32 v15, v21;
	v10 =	vmax.f32 v18, v10;
	[tilespmem:$0x1C280] =	vst v8  }
0x128: {  	v6 =	vmax.f32 v15, v6;
	v8 =	vmax.f32 v16, v22;
	[tilespmem:$0x1C290] =	vst v10  }
0x129: {  	v10 =	vmax.f32 v14, v23;
	[tilespmem:$0x1C2A0] =	vst v6;
	v7 =	vmax.f32 v8, v7  }
0x12a: {  	v6 =	vmax.f32 v10, v9;
	v8 =	vmax.f32 v13, v19;
	[tilespmem:$0x1C2B0] =	vst v7  }
0x12b: {  	v7 =	vmax.f32 v12, v20;
	v5 =	vmax.f32 v8, v5;
	[tilespmem:$0x1C2C0] =	vst v6  }
0x12c: {  	v6 =	vmax.f32 v11, v26;
	v4 =	vmax.f32 v7, v4;
	[tilespmem:$0x1C2D0] =	vst v5  }
0x12d: {  	v5 =	vmax.f32 v6, v24;
	[tilespmem:$0x1C2E0] =	vst v4  }
0x12e: {  	[tilespmem:$0x1C2F0] =	vst v5  }
0x12f: {  	_ =	swait.ge [sflag:s20], $0x600  }
0x130: {  	[sflag:s20] =	ssyncset.done $0x0  }
0x131: {  	s0 =	simm.s32 $0x0;
	[sflag:s20] =	ssyncadd.s32 $0xFFFFFA00  }
0x132: {  	v8 =	vld [tilespmem:s0+$0x18080]  }
0x133: {  	v10 =	vld [tilespmem:s0+$0x18090]  }
0x134: {  	v6 =	vld [tilespmem:s0+$0x180A0]  }
0x135: {  	v7 =	vld [tilespmem:s0+$0x180B0]  }
0x136: {  	v9 =	vld [tilespmem:s0+$0x180C0]  }
0x137: {  	v5 =	vld [tilespmem:s0+$0x180D0]  }
0x138: {  	v4 =	vld [tilespmem:s0+$0x180E0]  }
0x139: {  	v24 =	vld [tilespmem:s0+$0x18000]  }
0x13a: {  	v25 =	vld [tilespmem:s0+$0x18010]  }
0x13b: {  	v21 =	vld [tilespmem:s0+$0x18020]  }
0x13c: {  	v22 =	vld [tilespmem:s0+$0x18030]  }
0x13d: {  	v17 =	vimm.f32 $-Inf;
	v18 =	vimm.f32 $-Inf;
	v23 =	vld [tilespmem:s0+$0x18040]  }
0x13e: {  	v15 =	vimm.f32 $-Inf;
	v16 =	vimm.f32 $-Inf;
	v14 =	vimm.f32 $-Inf;
	v19 =	vld [tilespmem:s0+$0x18050]  }
0x13f: {  	s1 =	simm.s32 $0x400;
	v13 =	vimm.f32 $-Inf;
	v12 =	vimm.f32 $-Inf;
	v11 =	vimm.f32 $-Inf;
	v20 =	vld [tilespmem:s0+$0x18060]  }
.LBB2_16:
0x140: {  	p0 =	sne.s32 s1, $0xFC00;
	v26 =	vld [tilespmem:s0+$0x18070]  }
0x141: {  	v17 =	vmax.f32 v17, v24;
	v18 =	vmax.f32 v18, v25;
	v24 =	vld [tilespmem:s0+$0x180F0];
	s0 =	sshra.s32 s1, $0x2  }
0x142: {  	v17 =	vmax.f32 v17, v8;
	v18 =	vmax.f32 v18, v10;
	v8 =	vld [tilespmem:s0+$0x18080]  }
0x143: {  	v15 =	vmax.f32 v15, v21;
	v16 =	vmax.f32 v16, v22;
	v14 =	vmax.f32 v14, v23;
	v10 =	vld [tilespmem:s0+$0x18090]  }
0x144: {  	v15 =	vmax.f32 v15, v6;
	v16 =	vmax.f32 v16, v7;
	v14 =	vmax.f32 v14, v9;
	v6 =	vld [tilespmem:s0+$0x180A0]  }
0x145: {  	v13 =	vmax.f32 v13, v19;
	v12 =	vmax.f32 v12, v20;
	v7 =	vld [tilespmem:s0+$0x180B0];
	v11 =	vmax.f32 v11, v26  }
0x146: {  	v13 =	vmax.f32 v13, v5;
	v12 =	vmax.f32 v12, v4;
	v9 =	vld [tilespmem:s0+$0x180C0];
	v11 =	vmax.f32 v11, v24  }
0x147: {  	v5 =	vld [tilespmem:s0+$0x180D0]  }
0x148: {  	v4 =	vld [tilespmem:s0+$0x180E0]  }
0x149: {  	v24 =	vld [tilespmem:s0+$0x18000]  }
0x14a: {  	v25 =	vld [tilespmem:s0+$0x18010]  }
.Ltmp7:
0x14b: {  	v21 =	vld [tilespmem:s0+$0x18020];
	(pc) =	sbr.rel @p0 .LBB2_16-.Ltmp7, $4  }
0x14c: {  	v22 =	vld [tilespmem:s0+$0x18030]  }
0x14d: {  	v23 =	vld [tilespmem:s0+$0x18040]  }
0x14e: {  	v19 =	vld [tilespmem:s0+$0x18050]  }
0x14f: {  	s1 =	sadd.s32 $0x400, s1;
	v20 =	vld [tilespmem:s0+$0x18060]  }
0x150: {  	v17 =	vmax.f32 v17, v24  }
0x151: {  	v26 =	vld [tilespmem:s0+$0x18070];
	v18 =	vmax.f32 v18, v25;
	v8 =	vmax.f32 v17, v8  }
0x152: {  	v57 =	vld [tilespmem:s0+$0x180F0];
	v15 =	vmax.f32 v15, v21;
	v10 =	vmax.f32 v18, v10;
	[tilespmem:$0x1C300] =	vst v8  }
0x153: {  	v58 =	vmax.f32 v16, v22;
	v6 =	vmax.f32 v15, v6;
	[tilespmem:$0x1C310] =	vst v10  }
0x154: {  	v59 =	vmax.f32 v14, v23;
	v7 =	vmax.f32 v58, v7;
	[tilespmem:$0x1C320] =	vst v6  }
0x155: {  	v60 =	vmax.f32 v59, v9;
	v61 =	vmax.f32 v13, v19;
	[tilespmem:$0x1C330] =	vst v7  }
0x156: {  	v62 =	vmax.f32 v12, v20;
	v5 =	vmax.f32 v61, v5;
	[tilespmem:$0x1C340] =	vst v60  }
0x157: {  	v63 =	vmax.f32 v11, v26;
	v4 =	vmax.f32 v62, v4;
	[tilespmem:$0x1C350] =	vst v5  }
0x158: {  	v5 =	vmax.f32 v63, v57;
	[tilespmem:$0x1C360] =	vst v4  }
0x159: {  	[tilespmem:$0x1C370] =	vst v5  }
0x15a: {  	v4 =	vld.idx.msk [tilespmem:v0+s2+$0x0], $0xffff;
	_ =	sdelay $0x4  }
0x15b: {  	v4 =	vxor.u32 $0x80000000, v4  }
0x15c: {  	(xrf0) =	vmax.scan.msk.u32 $0xffff, v4;
	_ =	sdelay $0x5  }
0x15d: {  	v4, _, _ =	vpop (xrf0)  }
0x15e: {  	(v2sf) =	vpush v4, $0xF;
	_ =	sdelay $0xe  }
0x15f: {  	s25 =	spop (v2sf)  }
0x160: {  	s1 =	sxor.u32 $0x80000000, s25  }
0x161: {  	p1 =	sgt.s32 s25, $0xFFFFFFFF;
	s26 =	sand.u32 $0x3FFF, s25;
	p0 =	slt.s32 s1, $0x1  }
0x162: {  	s14 =	sshra.s32 s1, $0x1F;
	p6 =	sne.s32 s26, $0x0;
	p0 =	por p1, p0  }
0x163: {  	s30 =	sshrl.u32 s14, $0x12;
	p0 =	por !p6, !p0  }
0x164: {  	s14 =	simm.s32 $0x1;
	s2 =	sadd.s32 s30, s1;
	p0 =	por !p0, !p0  }
0x165: {  	s2 =	sshra.s32 s2, $0xE;
	s14 =	simm.s32 @!p0 $0x0  }
0x166: {  	s2 =	ssub.s32 s2, s14  }
0x167: {  	s0 =	sand.u32 $0x7F, s25;
	s2 =	sshll.u32 s2, $0x7  }
0x168: {  	s0 =	sor.u32 s0, s2  }
0x169: {  	v4 =	vmov s0;
	_ =	sdelay $0x4  }
0x16a: {  	[tilespmem:v4+s28+$0x0] =	vst.idx.msk $0x1, v1  }
0x16b: {  	s0 =	simm.s32 $0x0;
	[tilespmem:v2+s29+$0x0] =	vst.idx.msk $0x1, v4  }
.LBB2_18:
0x16c: {  	v4 =	vld [tilespmem:$0x1C000]  }
0x16d: {  	v5 =	vld [tilespmem:$0x1C010]  }
0x16e: {  	v6 =	vld [tilespmem:$0x1C020]  }
0x16f: {  	v7 =	vld [tilespmem:$0x1C030]  }
0x170: {  	v8 =	vld [tilespmem:$0x1C040]  }
0x171: {  	v9 =	vld [tilespmem:$0x1C050]  }
0x172: {  	v10 =	vld [tilespmem:$0x1C060]  }
0x173: {  	v11 =	vld [tilespmem:$0x1C070]  }
0x174: {  	v12 =	vld [tilespmem:$0x1C080]  }
0x175: {  	v13 =	vld [tilespmem:$0x1C090]  }
0x176: {  	v14 =	vld [tilespmem:$0x1C0A0]  }
0x177: {  	v15 =	vld [tilespmem:$0x1C0B0]  }
0x178: {  	v16 =	vld [tilespmem:$0x1C0C0]  }
0x179: {  	v17 =	vld [tilespmem:$0x1C0D0]  }
0x17a: {  	v18 =	vld [tilespmem:$0x1C0E0]  }
0x17b: {  	v19 =	vld [tilespmem:$0x1C0F0]  }
0x17c: {  	v20 =	vld [tilespmem:$0x1C100]  }
0x17d: {  	v21 =	vld [tilespmem:$0x1C110]  }
0x17e: {  	v22 =	vld [tilespmem:$0x1C120]  }
0x17f: {  	v23 =	vld [tilespmem:$0x1C130]  }
0x180: {  	v24 =	vld [tilespmem:$0x1C140]  }
0x181: {  	v25 =	vld [tilespmem:$0x1C150]  }
0x182: {  	v26 =	vld [tilespmem:$0x1C160]  }
0x183: {  	v27 =	vld [tilespmem:$0x1C170]  }
0x184: {  	v28 =	vld [tilespmem:$0x1C180]  }
0x185: {  	v29 =	vld [tilespmem:$0x1C190]  }
0x186: {  	v30 =	vld [tilespmem:$0x1C1A0]  }
0x187: {  	v31 =	vld [tilespmem:$0x1C1B0]  }
0x188: {  	v32 =	vld [tilespmem:$0x1C1C0]  }
0x189: {  	v33 =	vld [tilespmem:$0x1C1D0]  }
0x18a: {  	v34 =	vld [tilespmem:$0x1C1E0]  }
0x18b: {  	v35 =	vld [tilespmem:$0x1C1F0]  }
0x18c: {  	v36 =	vld [tilespmem:$0x1C200]  }
0x18d: {  	v37 =	vld [tilespmem:$0x1C210]  }
0x18e: {  	v38 =	vld [tilespmem:$0x1C220]  }
0x18f: {  	v39 =	vld [tilespmem:$0x1C230]  }
0x190: {  	v40 =	vld [tilespmem:$0x1C240]  }
0x191: {  	v41 =	vld [tilespmem:$0x1C250]  }
0x192: {  	v42 =	vld [tilespmem:$0x1C260]  }
0x193: {  	v43 =	vld [tilespmem:$0x1C270]  }
0x194: {  	v44 =	vld [tilespmem:$0x1C280]  }
0x195: {  	v45 =	vld [tilespmem:$0x1C290]  }
0x196: {  	v4 =	vmax.f32 v4, v12;
	v12 =	vld [tilespmem:$0x1C2A0]  }
0x197: {  	v5 =	vmax.f32 v5, v13;
	v6 =	vmax.f32 v6, v14;
	v7 =	vmax.f32 v7, v15;
	v13 =	vld [tilespmem:$0x1C2B0]  }
0x198: {  	v8 =	vmax.f32 v8, v16;
	v9 =	vmax.f32 v9, v17;
	v10 =	vmax.f32 v10, v18;
	v14 =	vld [tilespmem:$0x1C2C0]  }
0x199: {  	v11 =	vmax.f32 v11, v19;
	v15 =	vld [tilespmem:$0x1C2D0];
	v4 =	vmax.f32 v4, v20;
	v5 =	vmax.f32 v5, v21  }
0x19a: {  	v16 =	vld [tilespmem:$0x1C2E0];
	v6 =	vmax.f32 v6, v22;
	v7 =	vmax.f32 v7, v23;
	v8 =	vmax.f32 v8, v24  }
0x19b: {  	v17 =	vld [tilespmem:$0x1C2F0];
	v9 =	vmax.f32 v9, v25;
	v10 =	vmax.f32 v10, v26;
	v11 =	vmax.f32 v11, v27  }
0x19c: {  	v18 =	vld [tilespmem:$0x1C300];
	v4 =	vmax.f32 v4, v28;
	v5 =	vmax.f32 v5, v29;
	v6 =	vmax.f32 v6, v30  }
0x19d: {  	v19 =	vld [tilespmem:$0x1C310];
	v7 =	vmax.f32 v7, v31;
	v8 =	vmax.f32 v8, v32;
	v9 =	vmax.f32 v9, v33  }
0x19e: {  	v20 =	vld [tilespmem:$0x1C320];
	v10 =	vmax.f32 v10, v34;
	v11 =	vmax.f32 v11, v35;
	v4 =	vmax.f32 v4, v36  }
0x19f: {  	v21 =	vld [tilespmem:$0x1C330];
	v5 =	vmax.f32 v5, v37;
	v6 =	vmax.f32 v6, v38;
	v7 =	vmax.f32 v7, v39  }
0x1a0: {  	v22 =	vld [tilespmem:$0x1C340];
	v8 =	vmax.f32 v8, v40;
	v9 =	vmax.f32 v9, v41;
	v10 =	vmax.f32 v10, v42  }
0x1a1: {  	v23 =	vld [tilespmem:$0x1C350];
	v11 =	vmax.f32 v11, v43;
	v4 =	vmax.f32 v4, v44;
	v5 =	vmax.f32 v5, v45  }
0x1a2: {  	v6 =	vmax.f32 v6, v12;
	v4 =	vmax.f32 v4, v18;
	v5 =	vmax.f32 v5, v19;
	v12 =	vld [tilespmem:$0x1C360]  }
0x1a3: {  	v7 =	vmax.f32 v7, v13;
	v13 =	vld [tilespmem:$0x1C370];
	v6 =	vmax.f32 v6, v20;
	v4 =	vmax.f32 v4, v5  }
0x1a4: {  	v5 =	vmax.f32 v8, v14;
	v7 =	vmax.f32 v7, v21;
	v4 =	vmax.f32 v4, v6  }
0x1a5: {  	v6 =	vmax.f32 v9, v15;
	v5 =	vmax.f32 v5, v22;
	v4 =	vmax.f32 v4, v7  }
0x1a6: {  	v7 =	vmax.f32 v10, v16;
	v6 =	vmax.f32 v6, v23;
	v4 =	vmax.f32 v4, v5  }
0x1a7: {  	v5 =	vmax.f32 v11, v17;
	v7 =	vmax.f32 v7, v12;
	v4 =	vmax.f32 v4, v6  }
0x1a8: {  	s2 =	simm.s32 $0x1C040;
	v5 =	vmax.f32 v5, v13;
	v4 =	vmax.f32 v4, v7  }
0x1a9: {  	v21 =	vld [tilespmem:s2+$0x30];
	v4 =	vmax.f32 v4, v5  }
0x1aa: {  	v9 =	vld [tilespmem:s2+$0xFFFFFFE0];
	(xrf0) =	vmax.scan.msk.f32 $0xffff, v4  }
0x1ab: {  	v10 =	vld [tilespmem:s2+$0xFFFFFFF0]  }
0x1ac: {  	v11 =	vld [tilespmem:s2+$0x0]  }
0x1ad: {  	v7 =	vld [tilespmem:s2+$0xFFFFFFD0]  }
0x1ae: {  	s18 =	simm.s32 $0x0;
	v5 =	vld [tilespmem:s2+$0xFFFFFFC0]  }
0x1af: {  	s14 =	simm.s32 $0x70;
	s19 =	simm.s32 $0x10;
	s21 =	simm.s32 $0x20;
	v19 =	vor.u32 s18, v3;
	v12 =	vld [tilespmem:s2+$0x10]  }
0x1b0: {  	s26 =	simm.s32 $0x50;
	s30 =	simm.s32 $0x60;
	v18 =	vor.u32 s21, v3;
	v8 =	vor.u32 s14, v3;
	v20 =	vor.u32 s19, v3;
	v13 =	vld [tilespmem:s2+$0x20];
	v4, _, _ =	vpop (xrf0)  }
0x1b1: {  	s24 =	simm.s32 $0x30;
	s25 =	simm.s32 $0x40;
	v14 =	vor.u32 s30, v3;
	v15 =	vor.u32 s26, v3;
	v6 =	vbroadcast v4, $0xF  }
0x1b2: {  	v16 =	vor.u32 s25, v3;
	v17 =	vor.u32 s24, v3;
	v4 =	vimm.s32 $0x270F  }
0x1b3: {  	vm5 =	veq.f32 v5, v6;
	vm6 =	veq.f32 v7, v6;
	vm7 =	veq.f32 v9, v6  }
0x1b4: {  	vm4 =	veq.f32 v10, v6;
	vm3 =	veq.f32 v11, v6;
	vm2 =	veq.f32 v12, v6  }
0x1b5: {  	vm1 =	veq.f32 v13, v6;
	vm0 =	veq.f32 v21, v6;
	v13 =	vimm.s32 $0x270F  }
0x1b6: {  	v12 =	vimm.s32 $0x270F;
	v11 =	vimm.s32 $0x270F;
	v10 =	vimm.s32 $0x270F  }
0x1b7: {  	s18 =	simm.s32 $0xF0;
	v9 =	vimm.s32 $0x270F;
	v7 =	vimm.s32 $0x270F;
	v5 =	vimm.s32 $0x270F  }
.LBB2_19:
0x1b8: {  	p0 =	sne.s32 s18, $0x370;
	v19 =	vnsel vm5, $0x270F, v19;
	v20 =	vnsel vm6, $0x270F, v20;
	v18 =	vnsel vm7, $0x270F, v18;
	s2 =	sadd.s32 $0x80, s2  }
0x1b9: {  	v17 =	vnsel vm4, $0x270F, v17;
	v16 =	vnsel vm3, $0x270F, v16;
	v15 =	vnsel vm2, $0x270F, v15;
	v21 =	vld [tilespmem:s2+$0xFFFFFFC0]  }
0x1ba: {  	v14 =	vnsel vm1, $0x270F, v14;
	vm2 =	vlt.s32 v4, v19;
	vm3 =	vlt.s32 v13, v20;
	v22 =	vld [tilespmem:s2+$0xFFFFFFD0]  }
0x1bb: {  	v8 =	vnsel vm0, $0x270F, v8;
	v4 =	vsel vm2, v4, v19;
	v13 =	vsel vm3, v13, v20;
	v23 =	vld [tilespmem:s2+$0xFFFFFFE0]  }
0x1bc: {  	vm0 =	vlt.s32 v12, v18;
	vm1 =	vlt.s32 v11, v17;
	vm2 =	vlt.s32 v10, v16;
	v24 =	vld [tilespmem:s2+$0xFFFFFFF0]  }
0x1bd: {  	v12 =	vsel vm0, v12, v18;
	v11 =	vsel vm1, v11, v17;
	v10 =	vsel vm2, v10, v16;
	v25 =	vld [tilespmem:s2+$0x0]  }
0x1be: {  	vm0 =	vlt.s32 v9, v15;
	vm1 =	vlt.s32 v7, v14;
	vm2 =	vlt.s32 v5, v8;
	v26 =	vld [tilespmem:s2+$0x10]  }
0x1bf: {  	s14 =	sadd.s32 $0xFFFFFF90, s18;
	v9 =	vsel vm0, v9, v15;
	v7 =	vsel vm1, v7, v14;
	v5 =	vsel vm2, v5, v8;
	v27 =	vld [tilespmem:s2+$0x20]  }
0x1c0: {  	s19 =	sadd.s32 $0xFFFFFFA0, s18;
	s21 =	sadd.s32 $0xFFFFFFB0, s18;
	v19 =	vor.u32 s14, v3;
	s14 =	sadd.s32 $0xFFFFFFC0, s18;
	v8 =	vor.u32 s18, v3;
	v28 =	vld [tilespmem:s2+$0x30]  }
.Ltmp8:
0x1c1: {  	v20 =	vor.u32 s19, v3;
	v18 =	vor.u32 s21, v3;
	s19 =	sadd.s32 $0xFFFFFFD0, s18;
	s21 =	sadd.s32 $0xFFFFFFE0, s18;
	(pc) =	sbr.rel @p0 .LBB2_19-.Ltmp8, $4  }
0x1c2: {  	v17 =	vor.u32 s14, v3;
	v16 =	vor.u32 s19, v3;
	v15 =	vor.u32 s21, v3;
	s14 =	sadd.s32 $0xFFFFFFF0, s18  }
0x1c3: {  	v14 =	vor.u32 s14, v3;
	vm5 =	veq.f32 v21, v6;
	vm6 =	veq.f32 v22, v6  }
0x1c4: {  	vm7 =	veq.f32 v23, v6;
	vm4 =	veq.f32 v24, v6;
	vm3 =	veq.f32 v25, v6  }
0x1c5: {  	s18 =	sadd.s32 $0x80, s18;
	vm2 =	veq.f32 v26, v6;
	vm1 =	veq.f32 v27, v6;
	vm0 =	veq.f32 v28, v6  }
0x1c6: {  	v6 =	vnsel vm5, $0x270F, v19;
	v60 =	vnsel vm6, $0x270F, v20  }
0x1c7: {  	vm5 =	vlt.s32 v4, v6;
	vm6 =	vlt.s32 v13, v60  }
0x1c8: {  	v18 =	vnsel vm7, $0x270F, v18;
	v4 =	vsel vm5, v4, v6;
	v6 =	vsel vm6, v13, v60  }
0x1c9: {  	vm15 =	vlt.s32 v12, v18;
	vm6 =	vlt.s32 v4, v6  }
0x1ca: {  	v61 =	vnsel vm4, $0x270F, v17;
	v12 =	vsel vm15, v12, v18;
	v4 =	vsel vm6, v4, v6  }
0x1cb: {  	vm4 =	vlt.s32 v11, v61;
	vm5 =	vlt.s32 v4, v12  }
0x1cc: {  	v11 =	vsel vm4, v11, v61;
	v6 =	vnsel vm3, $0x270F, v16;
	v4 =	vsel vm5, v4, v12  }
0x1cd: {  	vm3 =	vlt.s32 v10, v6;
	vm4 =	vlt.s32 v4, v11  }
0x1ce: {  	v62 =	vnsel vm2, $0x270F, v15;
	v6 =	vsel vm3, v10, v6;
	v4 =	vsel vm4, v4, v11  }
0x1cf: {  	vm2 =	vlt.s32 v9, v62;
	vm3 =	vlt.s32 v4, v6  }
0x1d0: {  	v63 =	vnsel vm1, $0x270F, v14;
	v9 =	vsel vm2, v9, v62;
	v4 =	vsel vm3, v4, v6  }
0x1d1: {  	vm1 =	vlt.s32 v7, v63;
	vm2 =	vlt.s32 v4, v9  }
0x1d2: {  	v7 =	vsel vm1, v7, v63;
	v6 =	vnsel vm0, $0x270F, v8;
	v4 =	vsel vm2, v4, v9  }
0x1d3: {  	vm0 =	vlt.s32 v5, v6;
	vm1 =	vlt.s32 v4, v7  }
0x1d4: {  	v5 =	vsel vm0, v5, v6;
	v4 =	vsel vm1, v4, v7  }
0x1d5: {  	vm0 =	vlt.s32 v4, v5  }
0x1d6: {  	v4 =	vsel vm0, v4, v5  }
0x1d7: {  	v4 =	vxor.u32 $0x80000000, v4  }
0x1d8: {  	(xrf0) =	vmin.scan.msk.u32 $0xffff, v4;
	_ =	sdelay $0x5  }
0x1d9: {  	v4, _, _ =	vpop (xrf0)  }
0x1da: {  	(v2sf) =	vpush v4, $0xF;
	_ =	sdelay $0xe  }
0x1db: {  	s2 =	spop (v2sf)  }
0x1dc: {  	s2 =	sxor.u32 $0x80000000, s2  }
0x1dd: {  	v6 =	vmov s0;
	s0 =	sadd.s32 $0x1, s0;
	v4 =	vmov s2  }
0x1de: {  	p0 =	sne.s32 s0, $0xB  }
.Ltmp9:
0x1df: {  	_ = 	snop;
	(pc) =	sbr.rel @p0 .LBB2_18-.Ltmp9, $4  }
0x1e0: {  	_ = 	snop  }
0x1e1: {  	v5 =	vimm.f32 $-Inf  }
0x1e2: {  	[tilespmem:v4+s28+$0x0] =	vst.idx.msk $0x1, v5  }
0x1e3: {  	[tilespmem:v6+s29+$0x0] =	vst.idx.msk $0x1, v4  }
0x1e4: {  	s0 =	simm.s32 $0x0  }
0x1e5: {  	v4 =	vmov s0;
	_ =	sdelay $0x4  }
0x1e6: {  	v4 =	vld.idx.msk [tilespmem:v4+s29+$0x0], $0xffff;
	_ =	sdelay $0x1  }
0x1e7: {  	s26 =	simm.s32 $0x0  }
0x1e8: {  	v6 =	vmov s26;
	_ =	sdelay $0x1  }
0x1e9: {  	v4 =	vxor.u32 $0x80000000, v4  }
0x1ea: {  	(xrf0) =	vmax.scan.msk.u32 $0xffff, v4;
	_ =	sdelay $0x1  }
0x1eb: {  	v4 =	vld.idx.msk [tilespmem:v6+s29+$0x0], $0xffff;
	_ =	sdelay $0x3  }
0x1ec: {  	v6, _, _ =	vpop (xrf0)  }
0x1ed: {  	v4 =	vxor.u32 $0x80000000, v4;
	(v2sf) =	vpush v6, $0xF  }
0x1ee: {  	s2 =	simm.s32 $0x0;
	(xrf0) =	vmax.scan.msk.u32 $0xffff, v4  }
0x1ef: {  	v6 =	vmov s2;
	_ =	sdelay $0x4  }
0x1f0: {  	v4 =	vld.idx.msk [tilespmem:v6+s29+$0x0], $0xffff;
	v6, _, _ =	vpop (xrf0)  }
0x1f1: {  	(v2sf) =	vpush v6, $0xF;
	_ =	sdelay $0x6  }
0x1f2: {  	s21 =	simm.s32 $0x0;
	v4 =	vxor.u32 $0x80000000, v4;
	s4 =	spop (v2sf)  }
0x1f3: {  	(xrf0) =	vmax.scan.msk.u32 $0xffff, v4;
	v4 =	vmov s21;
	s2 =	sxor.u32 $0x80000000, s4  }
0x1f4: {  	s14 =	sshra.s32 s2, $0x1F  }
0x1f5: {  	s14 =	sshrl.u32 s14, $0x19  }
0x1f6: {  	s14 =	sadd.s32 s14, s2  }
0x1f7: {  	p0 =	sgt.s32 s4, $0xFFFFFFFF;
	p1 =	slt.s32 s2, $0x1;
	s18 =	sand.u32 $0xFFFFFF80, s14  }
0x1f8: {  	v4 =	vld.idx.msk [tilespmem:v4+s29+$0x0], $0xffff;
	p0 =	por p0, p1;
	p6 =	sne.s32 s2, s18  }
0x1f9: {  	s19 =	simm.s32 $0x0;
	p0 =	por !p0, !p6  }
0x1fa: {  	s2 =	simm.s32 $0x1;
	s23 =	spop (v2sf);
	p0 =	por !p0, !p0  }
0x1fb: {  	v6, _, _ =	vpop (xrf0);
	s14 =	sshrl.u32 s14, $0x7;
	s5 =	sxor.u32 $0x80000000, s23;
	s2 =	simm.s32 @!p0 $0x0  }
0x1fc: {  	(v2sf) =	vpush v6, $0xF;
	v6 =	vmov s19;
	s24 =	sshra.s32 s5, $0x1F;
	s2 =	ssub.s32 s14, s2  }
0x1fd: {  	s0 =	sand.u32 $0x7F, s4;
	v4 =	vxor.u32 $0x80000000, v4;
	s25 =	sshrl.u32 s24, $0x19;
	s2 =	sshll.u32 s2, $0xE  }
0x1fe: {  	(xrf0) =	vmax.scan.msk.u32 $0xffff, v4;
	s0 =	sor.u32 s0, s2;
	s2 =	sadd.s32 s25, s5  }
0x1ff: {  	p1 =	sgt.s32 s23, $0xFFFFFFFF;
	p2 =	slt.s32 s5, $0x1;
	s26 =	sand.u32 $0xFFFFFF80, s2  }
0x200: {  	v4 =	vmul.u32 $0x80, v3;
	p0 =	por p1, p2;
	p3 =	sne.s32 s5, s26  }
0x201: {  	v6 =	vld.idx.msk [tilespmem:v6+s29+$0x0], $0xffff;
	s0 =	sadd.s32 $0x0, s0;
	p0 =	por !p0, !p3  }
0x202: {  	s18 =	simm.s32 $0x0;
	v8 =	vor.u32 s0, v4;
	s0 =	simm.s32 $0x1;
	p0 =	por !p0, !p0  }
0x203: {  	v7 =	vmov s18;
	s4 =	sshrl.u32 s2, $0x7;
	s0 =	simm.s32 @!p0 $0x0  }
0x204: {  	v9, _, _ =	vpop (xrf0);
	s0 =	ssub.s32 s4, s0  }
0x205: {  	s23 =	sand.u32 $0x7F, s23;
	(v2sf) =	vpush v9, $0xF;
	s0 =	sshll.u32 s0, $0xE  }
0x206: {  	v6 =	vxor.u32 $0x80000000, v6;
	s0 =	sor.u32 s23, s0  }
0x207: {  	(xrf0) =	vmax.scan.msk.u32 $0xffff, v6;
	s0 =	sadd.s32 $0x800, s0  }
0x208: {  	v7 =	vld.idx.msk [tilespmem:v7+s29+$0x0], $0xffff;
	v6 =	vor.u32 s0, v4;
	_ =	sdelay $0x1  }
0x209: {  	v14 =	vld.idx.msk [tilespmem:v8+s3+$0x0], $0xffff  }
0x20a: {  	s24 =	spop (v2sf)  }
0x20b: {  	s2 =	simm.s32 $0x0;
	s5 =	sxor.u32 $0x80000000, s24  }
0x20c: {  	v7 =	vxor.u32 $0x80000000, v7;
	v8 =	vmov s2;
	s25 =	sshra.s32 s5, $0x1F;
	v9 =	vld.idx.msk [tilespmem:v6+s3+$0x0], $0xffff;
	v6, _, _ =	vpop (xrf0)  }
0x20d: {  	(xrf0) =	vmax.scan.msk.u32 $0xffff, v7;
	s25 =	sshrl.u32 s25, $0x19;
	(v2sf) =	vpush v6, $0xF  }
0x20e: {  	s23 =	sadd.s32 s25, s5;
	v17 =	vmin.f32 v5, v14  }
0x20f: {  	p4 =	sgt.s32 s24, $0xFFFFFFFF;
	p5 =	slt.s32 s5, $0x1;
	s26 =	sand.u32 $0xFFFFFF80, s23;
	v19 =	vmin.f32 v5, v17  }
0x210: {  	p0 =	por p4, p5;
	p6 =	sne.s32 s5, s26;
	v16 =	vmin.f32 v5, v19  }
0x211: {  	v7 =	vld.idx.msk [tilespmem:v8+s29+$0x0], $0xffff;
	p0 =	por !p0, !p6;
	v12 =	vmin.f32 v5, v16  }
0x212: {  	v25 =	vimm.f32 $-Inf;
	v24 =	vimm.f32 $-Inf;
	s0 =	simm.s32 $0x1;
	p0 =	por !p0, !p0;
	v13 =	vmin.f32 v5, v12  }
0x213: {  	v23 =	vimm.f32 $-Inf;
	v22 =	vimm.f32 $-Inf;
	s4 =	sshrl.u32 s23, $0x7;
	s0 =	simm.s32 @!p0 $0x0;
	v6, _, _ =	vpop (xrf0);
	v11 =	vmin.f32 v5, v13;
	s23 =	spop (v2sf)  }
0x214: {  	v21 =	vimm.f32 $-Inf;
	s14 =	ssub.s32 s4, s0;
	s0 =	simm.s32 $0x0;
	(v2sf) =	vpush v6, $0xF;
	v10 =	vmin.f32 v5, v11;
	s26 =	sxor.u32 $0x80000000, s23  }
0x215: {  	v20 =	vimm.f32 $-Inf;
	s24 =	sand.u32 $0x7F, s24;
	s14 =	sshll.u32 s14, $0xE;
	v27 =	vmov s0;
	v8 =	vmin.f32 v5, v10;
	s5 =	sshra.s32 s26, $0x1F  }
0x216: {  	v18 =	vmax.f32 v5, v14;
	v28 =	vxor.u32 $0x80000000, v7;
	s14 =	sor.u32 s24, s14;
	s24 =	simm.s32 $0x1000;
	v7 =	vmin.f32 v5, v8;
	s25 =	sshrl.u32 s5, $0x19  }
0x217: {  	v14 =	vimm.f32 $-Inf;
	v17 =	vmax.f32 v5, v17;
	p1 =	sgt.s32 s23, $0xFFFFFFFF;
	s14 =	sadd.s32 $0x1000, s14;
	v6 =	vmin.f32 v5, v7;
	s30 =	sadd.s32 s25, s26  }
0x218: {  	p2 =	slt.s32 s26, $0x1;
	v26 =	vor.u32 s14, v4;
	v15 =	vmin.f32 v18, v9;
	s25 =	simm.s32 $0x8;
	v6 =	vmax.f32 v5, v6;
	s14 =	sand.u32 $0xFFFFFF80, s30  }
.LBB2_22:
0x219: {  	p0 =	sne.s32 s25, $0x5F;
	p1 =	por p1, p2;
	p2 =	sne.s32 s26, s14  }
0x21a: {  	v29 =	vld.idx.msk [tilespmem:v27+s29+$0x0], $0xffff;
	(xrf0) =	vmax.scan.msk.u32 $0xffff, v28;
	v5 =	vmax.f32 v5, v19;
	v19 =	vmin.f32 v17, v15;
	s14 =	smov.u32 s19;
	s19 =	smov.u32 s18;
	s18 =	smov.u32 s2  }
0x21b: {  	v25 =	vmax.f32 v25, v16;
	s2 =	smov.u32 s0;
	s26 =	sshrl.u32 s30, $0x7;
	p1 =	por !p1, !p2;
	v16 =	vmin.f32 v5, v19  }
0x21c: {  	v24 =	vmax.f32 v24, v12;
	s30 =	simm.s32 $0x1;
	s4 =	spop (v2sf);
	p1 =	por !p1, !p1;
	v12 =	vmin.f32 v25, v16  }
0x21d: {  	s24 =	sadd.s32 $0x800, s24;
	v23 =	vmax.f32 v23, v13;
	s0 =	sshrl.u32 s25, $0x3;
	s30 =	simm.s32 @!p1 $0x0;
	v30 =	vld.idx.msk [tilespmem:v26+s3+$0x0], $0xffff;
	v13 =	vmin.f32 v24, v12  }
0x21e: {  	s21 =	sshll.u32 s21, $0xE;
	v22 =	vmax.f32 v22, v11;
	s23 =	sand.u32 $0x7F, s23;
	s30 =	ssub.s32 s26, s30;
	v11 =	vmin.f32 v23, v13  }
.Ltmp10:
0x21f: {  	v21 =	vmax.f32 v21, v10;
	v27 =	vmov s0;
	s26 =	sxor.u32 $0x80000000, s4;
	s30 =	sshll.u32 s30, $0xE;
	v10 =	vmin.f32 v22, v11;
	(pc) =	sbr.rel @p0 .LBB2_22-.Ltmp10, $4  }
0x220: {  	v20 =	vmax.f32 v20, v8;
	s21 =	ssub.s32 s24, s21;
	v28 =	vxor.u32 $0x80000000, v29;
	s5 =	sshra.s32 s26, $0x1F;
	v26, _, _ =	vpop (xrf0);
	s23 =	sor.u32 s23, s30;
	v8 =	vmin.f32 v21, v10  }
0x221: {  	v14 =	vmax.f32 v14, v7;
	s5 =	sshrl.u32 s5, $0x19;
	(v2sf) =	vpush v26, $0xF;
	s21 =	sadd.s32 s23, s21;
	v7 =	vmin.f32 v20, v8;
	s23 =	smov.u32 s4  }
0x222: {  	v18 =	vmax.f32 v18, v9;
	s30 =	sadd.s32 s5, s26;
	p1 =	sgt.s32 s23, $0xFFFFFFFF;
	v26 =	vor.u32 s21, v4;
	v29 =	vmin.f32 v14, v7;
	s21 =	smov.u32 s14  }
0x223: {  	s25 =	sadd.s32 $0x1, s25;
	v17 =	vmax.f32 v17, v15;
	p2 =	slt.s32 s26, $0x1;
	s14 =	sand.u32 $0xFFFFFF80, s30;
	v15 =	vmin.f32 v18, v30;
	v9 =	vmovc v30;
	v6 =	vmax.f32 v6, v29  }
0x224: {  	_ =	sdelay $0x3  }
0x225: {  	(xrf0) =	vmax.scan.msk.u32 $0xffff, v28;
	v27 =	vld.idx.msk [tilespmem:v27+s29+$0x0], $0xffff;
	_ =	sdelay $0x3  }
0x226: {  	p0 =	por p1, p2;
	p6 =	sne.s32 s26, s14;
	s4 =	spop (v2sf)  }
0x227: {  	s5 =	simm.s32 $0x1;
	s30 =	sshrl.u32 s30, $0x7;
	s24 =	sadd.s32 $0x800, s24;
	v27 =	vxor.u32 $0x80000000, v27  }
0x228: {  	s23 =	sand.u32 $0x7F, s23;
	s21 =	sshll.u32 s21, $0xE;
	s19 =	sshll.u32 s19, $0xE;
	v28, _, _ =	vpop (xrf0);
	(xrf0) =	vmax.scan.msk.u32 $0xffff, v27  }
0x229: {  	s18 =	sshll.u32 s18, $0xE;
	s2 =	sshll.u32 s2, $0xE;
	p0 =	por !p0, !p6;
	(v2sf) =	vpush v28, $0xF  }
0x22a: {  	v16 =	vmax.f32 v25, v16;
	v25 =	vld.idx.msk [tilespmem:v26+s3+$0x0], $0xffff;
	s25 =	sxor.u32 $0x80000000, s4;
	p1 =	sgt.s32 s4, $0xFFFFFFFF;
	s21 =	ssub.s32 s24, s21  }
0x22b: {  	s24 =	sadd.s32 $0x800, s24;
	p0 =	por !p0, !p0;
	s26 =	sshra.s32 s25, $0x1F  }
0x22c: {  	v5 =	vmax.f32 v5, v19;
	s4 =	sand.u32 $0x7F, s4;
	s5 =	simm.s32 @!p0 $0x0;
	s14 =	sshrl.u32 s26, $0x19  }
0x22d: {  	v12 =	vmax.f32 v24, v12;
	v13 =	vmax.f32 v23, v13;
	v11 =	vmax.f32 v22, v11;
	p2 =	slt.s32 s25, $0x1;
	s5 =	ssub.s32 s30, s5;
	s14 =	sadd.s32 s14, s25  }
0x22e: {  	v10 =	vmax.f32 v21, v10;
	v9 =	vmax.f32 v18, v9;
	v8 =	vmax.f32 v20, v8;
	s19 =	ssub.s32 s24, s19;
	s5 =	sshll.u32 s5, $0xE;
	s30 =	sand.u32 $0xFFFFFF80, s14;
	v58, _, _ =	vpop (xrf0)  }
0x22f: {  	v7 =	vmax.f32 v14, v7;
	p0 =	por p1, p2;
	v21 =	vmin.f32 v9, v25;
	s5 =	sor.u32 s23, s5;
	p3 =	sne.s32 s25, s30;
	(v2sf) =	vpush v58, $0xF  }
0x230: {  	v9 =	vmax.f32 v9, v25;
	v27 =	vmin.f32 v17, v15;
	v15 =	vmax.f32 v17, v15;
	s5 =	sadd.s32 s5, s21;
	p0 =	por !p0, !p3;
	s21 =	spop (v2sf)  }
0x231: {  	v19 =	vmin.f32 v5, v27;
	v17 =	vmin.f32 v15, v21;
	v23 =	vor.u32 s5, v4;
	p0 =	por !p0, !p0;
	s5 =	simm.s32 $0x1;
	s25 =	sxor.u32 $0x80000000, s21  }
0x232: {  	s14 =	sshrl.u32 s14, $0x7;
	v5 =	vmax.f32 v5, v27;
	v15 =	vmax.f32 v15, v21;
	v26 =	vmin.f32 v16, v19;
	s5 =	simm.s32 @!p0 $0x0;
	s26 =	sshra.s32 s25, $0x1F  }
0x233: {  	s24 =	sadd.s32 $0x800, s24;
	v27 =	vmin.f32 v5, v17;
	v16 =	vmax.f32 v16, v19;
	v5 =	vmax.f32 v5, v17;
	s5 =	ssub.s32 s14, s5;
	s14 =	sshrl.u32 s26, $0x19  }
0x234: {  	s18 =	ssub.s32 s24, s18;
	v24 =	vmin.f32 v12, v26;
	v14 =	vmin.f32 v16, v27;
	v12 =	vmax.f32 v12, v26;
	s5 =	sshll.u32 s5, $0xE;
	s14 =	sadd.s32 s14, s25  }
0x235: {  	v16 =	vmax.f32 v16, v27;
	v29 =	vmin.f32 v13, v24;
	v26 =	vmin.f32 v12, v14;
	p4 =	sgt.s32 s21, $0xFFFFFFFF;
	p5 =	slt.s32 s25, $0x1;
	s30 =	sand.u32 $0xFFFFFF80, s14  }
0x236: {  	v13 =	vmax.f32 v13, v24;
	v12 =	vmax.f32 v12, v14;
	v22 =	vmin.f32 v11, v29;
	s4 =	sor.u32 s4, s5;
	p0 =	por p4, p5;
	p6 =	sne.s32 s25, s30  }
0x237: {  	v24 =	vmin.f32 v13, v26;
	v11 =	vmax.f32 v11, v29;
	v18 =	vmin.f32 v10, v22;
	s5 =	simm.s32 $0x1;
	v19 =	vld.idx.msk [tilespmem:v23+s3+$0x0], $0xffff;
	s4 =	sadd.s32 s4, s19;
	p0 =	por !p0, !p6  }
0x238: {  	v13 =	vmax.f32 v13, v26;
	v20 =	vmin.f32 v8, v18;
	s21 =	sand.u32 $0x7F, s21;
	v59 =	vor.u32 s4, v4;
	p0 =	por !p0, !p0;
	s19 =	spop (v2sf)  }
0x239: {  	v10 =	vmax.f32 v10, v22;
	v8 =	vmax.f32 v8, v18;
	v23 =	vmin.f32 v7, v20;
	s23 =	sshrl.u32 s14, $0x7;
	s5 =	simm.s32 @!p0 $0x0;
	s25 =	sxor.u32 $0x80000000, s19  }
0x23a: {  	v7 =	vmax.f32 v7, v20;
	v6 =	vmax.f32 v6, v23;
	v23 =	vmin.f32 v11, v24;
	s14 =	sadd.s32 $0x800, s24;
	s4 =	ssub.s32 s23, s5;
	s26 =	sshra.s32 s25, $0x1F  }
0x23b: {  	v11 =	vmax.f32 v11, v24;
	v21 =	vmin.f32 v10, v23;
	v10 =	vmax.f32 v10, v23;
	s2 =	ssub.s32 s14, s2;
	s4 =	sshll.u32 s4, $0xE;
	s5 =	sshrl.u32 s26, $0x19  }
0x23c: {  	v18 =	vmin.f32 v8, v21;
	v8 =	vmax.f32 v8, v21;
	v22 =	vmin.f32 v9, v19;
	p1 =	sgt.s32 s19, $0xFFFFFFFF;
	s4 =	sor.u32 s21, s4;
	s5 =	sadd.s32 s5, s25  }
0x23d: {  	v60 =	vmin.f32 v7, v18;
	v9 =	vmax.f32 v9, v19;
	v25 =	vmin.f32 v15, v22;
	v14 =	vld.idx.msk [tilespmem:v59+s3+$0x0], $0xffff;
	p2 =	slt.s32 s25, $0x1;
	s4 =	sadd.s32 s4, s18;
	s30 =	sand.u32 $0xFFFFFF80, s5  }
0x23e: {  	v7 =	vmax.f32 v7, v18;
	v6 =	vmax.f32 v6, v60;
	v17 =	vmin.f32 v5, v25;
	p0 =	por p1, p2;
	p3 =	sne.s32 s25, s30;
	s18 =	spop (v2sf)  }
0x23f: {  	v15 =	vmax.f32 v15, v22;
	v5 =	vmax.f32 v5, v25;
	v27 =	vmin.f32 v16, v17;
	s19 =	sand.u32 $0x7F, s19;
	p0 =	por !p0, !p3;
	s23 =	sxor.u32 $0x80000000, s18  }
0x240: {  	v16 =	vmax.f32 v16, v17;
	v20 =	vmin.f32 v12, v27;
	v24 =	vor.u32 s4, v4;
	s4 =	simm.s32 $0x1;
	p0 =	por !p0, !p0;
	s24 =	sshra.s32 s23, $0x1F  }
0x241: {  	v12 =	vmax.f32 v12, v27;
	v26 =	vmin.f32 v13, v20;
	v13 =	vmax.f32 v13, v20;
	s5 =	sshrl.u32 s5, $0x7;
	s4 =	simm.s32 @!p0 $0x0;
	s25 =	sshrl.u32 s24, $0x19  }
0x242: {  	v61 =	vmin.f32 v11, v26;
	v19 =	vmin.f32 v9, v14;
	v11 =	vmax.f32 v11, v26;
	p4 =	sgt.s32 s18, $0xFFFFFFFF;
	s4 =	ssub.s32 s5, s4;
	s26 =	sadd.s32 s25, s23  }
0x243: {  	v9 =	vmax.f32 v9, v14;
	v23 =	vmin.f32 v10, v61;
	v22 =	vmin.f32 v15, v19;
	p5 =	slt.s32 s23, $0x1;
	s4 =	sshll.u32 s4, $0xE;
	s30 =	sand.u32 $0xFFFFFF80, s26  }
0x244: {  	v10 =	vmax.f32 v10, v61;
	v15 =	vmax.f32 v15, v19;
	v21 =	vmin.f32 v8, v23;
	p0 =	por p4, p5;
	s4 =	sor.u32 s19, s4;
	p6 =	sne.s32 s23, s30  }
0x245: {  	v18 =	vmin.f32 v5, v22;
	v8 =	vmax.f32 v8, v23;
	v5 =	vmax.f32 v5, v22;
	v17 =	vld.idx.msk [tilespmem:v24+s3+$0x0], $0xffff;
	s2 =	sadd.s32 s4, s2;
	p0 =	por !p0, !p6  }
0x246: {  	v25 =	vmin.f32 v16, v18;
	v16 =	vmax.f32 v16, v18;
	v20 =	vor.u32 s2, v4;
	p0 =	por !p0, !p0;
	s2 =	simm.s32 $0x1  }
0x247: {  	v27 =	vmin.f32 v12, v25;
	v12 =	vmax.f32 v12, v25;
	v24 =	vmin.f32 v7, v21;
	s4 =	sshrl.u32 s26, $0x7;
	s2 =	simm.s32 @!p0 $0x0  }
0x248: {  	s0 =	sshll.u32 s0, $0xE;
	v7 =	vmax.f32 v7, v21;
	v6 =	vmax.f32 v6, v24;
	v24 =	vmin.f32 v13, v27;
	s2 =	ssub.s32 s4, s2  }
0x249: {  	s14 =	sadd.s32 $0x800, s14;
	s18 =	sand.u32 $0x7F, s18;
	v13 =	vmax.f32 v13, v27;
	v26 =	vmin.f32 v11, v24;
	v11 =	vmax.f32 v11, v24;
	s2 =	sshll.u32 s2, $0xE  }
0x24a: {  	s0 =	ssub.s32 s14, s0;
	v14 =	vmin.f32 v10, v26;
	v10 =	vmax.f32 v10, v26;
	v62 =	vmin.f32 v9, v17;
	s2 =	sor.u32 s18, s2  }
0x24b: {  	v22 =	vmin.f32 v8, v14;
	v8 =	vmax.f32 v8, v14;
	v19 =	vmin.f32 v15, v62;
	s0 =	sadd.s32 s2, s0  }
0x24c: {  	v21 =	vmin.f32 v7, v22;
	v23 =	vmin.f32 v5, v19;
	v4 =	vor.u32 s0, v4  }
0x24d: {  	v9 =	vmax.f32 v9, v17;
	v7 =	vmax.f32 v7, v22;
	v18 =	vld.idx.msk [tilespmem:v20+s3+$0x0], $0xffff;
	v20 =	vmin.f32 v16, v23  }
0x24e: {  	v6 =	vmax.f32 v6, v21;
	v15 =	vmax.f32 v15, v62;
	v25 =	vmin.f32 v12, v20  }
0x24f: {  	v5 =	vmax.f32 v5, v19;
	v16 =	vmax.f32 v16, v23;
	v21 =	vmin.f32 v13, v25  }
0x250: {  	v12 =	vmax.f32 v12, v20;
	v13 =	vmax.f32 v13, v25;
	v17 =	vmin.f32 v11, v21  }
0x251: {  	v11 =	vmax.f32 v11, v21;
	v19 =	vmin.f32 v10, v17;
	v10 =	vmax.f32 v10, v17;
	v4 =	vld.idx.msk [tilespmem:v4+s3+$0x0], $0xffff  }
0x252: {  	v24 =	vmin.f32 v9, v18;
	v20 =	vmin.f32 v8, v19;
	v8 =	vmax.f32 v8, v19  }
0x253: {  	v26 =	vmin.f32 v15, v24;
	v21 =	vmin.f32 v7, v20;
	v20 =	vmax.f32 v7, v20  }
0x254: {  	v7 =	vmax.f32 v9, v18;
	v15 =	vmax.f32 v15, v24;
	v27 =	vmin.f32 v5, v26  }
0x255: {  	v6 =	vmax.f32 v6, v21;
	v5 =	vmax.f32 v5, v26;
	v14 =	vmin.f32 v16, v27  }
0x256: {  	v16 =	vmax.f32 v16, v27;
	v23 =	vmin.f32 v12, v14;
	v18 =	vmin.f32 v7, v4  }
0x257: {  	v12 =	vmax.f32 v12, v14;
	v22 =	vmin.f32 v13, v23;
	v21 =	vmin.f32 v15, v18  }
0x258: {  	v14 =	vmax.f32 v13, v23;
	v24 =	vmax.f32 v15, v18;
	v15 =	vmin.f32 v5, v21  }
0x259: {  	v63 =	vmin.f32 v11, v22;
	v26 =	vmax.f32 v7, v4;
	(xrf0) =	vmax.scan.msk.f32 $0xffff, v24;
	v4 =	vmin.f32 v16, v15  }
0x25a: {  	v11 =	vmax.f32 v11, v22;
	v25 =	vmax.f32 v5, v21;
	(xrf0) =	vmax.scan.msk.f32 $0xffff, v26;
	v5 =	vmin.f32 v12, v4  }
0x25b: {  	v17 =	vmin.f32 v10, v63;
	v7 =	vmax.f32 v16, v15;
	(xrf0) =	vmax.scan.msk.f32 $0xffff, v25;
	v15 =	vmin.f32 v14, v5  }
0x25c: {  	v10 =	vmax.f32 v10, v63;
	v13 =	vmax.f32 v12, v4;
	(xrf0) =	vmax.scan.msk.f32 $0xffff, v7;
	v4 =	vmin.f32 v11, v15  }
0x25d: {  	v19 =	vmin.f32 v8, v17;
	v18 =	vmax.f32 v14, v5;
	(xrf0) =	vmax.scan.msk.f32 $0xffff, v13;
	v5 =	vmin.f32 v10, v4  }
0x25e: {  	v9 =	vmin.f32 v20, v19;
	v12 =	vmax.f32 v8, v17;
	v8 =	vmax.f32 v11, v15;
	(xrf0) =	vmax.scan.msk.f32 $0xffff, v18  }
0x25f: {  	v6 =	vmax.f32 v6, v9;
	v14 =	vmax.f32 v10, v4;
	v10 =	vmax.f32 v20, v19;
	v4, _, _ =	vpop (xrf0);
	(xrf0) =	vmax.scan.msk.f32 $0xffff, v8  }
0x260: {  	v9 =	vmin.f32 v12, v5;
	v16 =	vmax.f32 v12, v5;
	v5, _, _ =	vpop (xrf0);
	(v2sf) =	vpush v4, $0xF;
	(xrf0) =	vmax.scan.msk.f32 $0xffff, v14  }
0x261: {  	v11 =	vmin.f32 v10, v9;
	v4 =	vmax.f32 v10, v9;
	(v2sf) =	vpush v5, $0xF;
	v5, _, _ =	vpop (xrf0);
	(xrf0) =	vmax.scan.msk.f32 $0xffff, v16  }
0x262: {  	v9 =	vmax.f32 v6, v11;
	(v2sf) =	vpush v5, $0xF;
	v5, _, _ =	vpop (xrf0);
	(xrf0) =	vmax.scan.msk.f32 $0xffff, v4  }
0x263: {  	(v2sf) =	vpush v5, $0xF;
	v5, _, _ =	vpop (xrf0);
	(xrf0) =	vmax.scan.msk.f32 $0xffff, v9  }
0x264: {  	(v2sf) =	vpush v5, $0xF;
	v5, _, _ =	vpop (xrf0)  }
0x265: {  	(v2sf) =	vpush v5, $0xF;
	v5, _, _ =	vpop (xrf0)  }
0x266: {  	(v2sf) =	vpush v5, $0xF;
	v5, _, _ =	vpop (xrf0)  }
0x267: {  	(v2sf) =	vpush v5, $0xF;
	v5, _, _ =	vpop (xrf0)  }
0x268: {  	(v2sf) =	vpush v5, $0xF;
	v5, _, _ =	vpop (xrf0)  }
0x269: {  	(v2sf) =	vpush v5, $0xF;
	v5, _, _ =	vpop (xrf0)  }
0x26a: {  	(v2sf) =	vpush v5, $0xF;
	_ =	sdelay $0x4  }
0x26b: {  	s19 =	spop (v2sf)  }
0x26c: {  	s21 =	spop (v2sf)  }
0x26d: {  	s0 =	smax.f32 s21, s19;
	s23 =	spop (v2sf)  }
0x26e: {  	s0 =	smax.f32 s0, s23;
	s24 =	spop (v2sf)  }
0x26f: {  	s0 =	smax.f32 s0, s24;
	s25 =	spop (v2sf)  }
0x270: {  	s0 =	smax.f32 s0, s25;
	s26 =	spop (v2sf)  }
0x271: {  	s0 =	smax.f32 s0, s26;
	s30 =	spop (v2sf)  }
0x272: {  	s0 =	smax.f32 s0, s30;
	s4 =	spop (v2sf)  }
0x273: {  	s0 =	smax.f32 s0, s4;
	s5 =	spop (v2sf)  }
0x274: {  	s0 =	smax.f32 s0, s5;
	s14 =	spop (v2sf)  }
0x275: {  	s0 =	smax.f32 s0, s14;
	s18 =	spop (v2sf)  }
0x276: {  	s0 =	smax.f32 s0, s18  }
0x277: {  	v5 =	vor.u32 $0x800000A0, v3;
	vm0 =	veq.f32 v9, s0  }
0x278: {  	v6 =	vor.u32 $0x80000090, v3;
	vm1 =	veq.f32 v4, s0;
	v10 =	vnsel vm0, $0x8000270F, v5  }
0x279: {  	vm0 =	veq.f32 v16, s0;
	v11 =	vsel vm1, v6, v10;
	v10 =	vor.u32 $0x80000080, v3  }
0x27a: {  	vm1 =	veq.f32 v14, s0;
	v12 =	vsel vm0, v10, v11;
	v11 =	vor.u32 $0x80000070, v3  }
0x27b: {  	vm0 =	veq.f32 v8, s0;
	v15 =	vsel vm1, v11, v12;
	v12 =	vor.u32 $0x80000060, v3  }
0x27c: {  	vm1 =	veq.f32 v18, s0;
	v17 =	vsel vm0, v12, v15;
	v15 =	vor.u32 $0x80000050, v3  }
0x27d: {  	vm0 =	veq.f32 v13, s0;
	v19 =	vsel vm1, v15, v17;
	v17 =	vor.u32 $0x80000040, v3  }
0x27e: {  	vm1 =	veq.f32 v7, s0;
	v20 =	vsel vm0, v17, v19;
	v19 =	vor.u32 $0x80000030, v3  }
0x27f: {  	vm0 =	veq.f32 v25, s0;
	v21 =	vsel vm1, v19, v20;
	v20 =	vor.u32 $0x80000020, v3  }
0x280: {  	vm1 =	veq.f32 v24, s0;
	v22 =	vsel vm0, v20, v21;
	v21 =	vor.u32 $0x80000010, v3  }
0x281: {  	vm0 =	veq.f32 v26, s0;
	v23 =	vsel vm1, v21, v22;
	v22 =	vor.u32 $0x80000000, v3  }
0x282: {  	v23 =	vsel vm0, v22, v23  }
0x283: {  	(xrf0) =	vmin.scan.msk.u32 $0xffff, v23;
	_ =	sdelay $0x5  }
0x284: {  	v23, _, _ =	vpop (xrf0)  }
0x285: {  	(v2sf) =	vpush v23, $0xF;
	_ =	sdelay $0xe  }
0x286: {  	s4 =	spop (v2sf)  }
0x287: {  	s19 =	sxor.u32 $0x80000000, s4;
	s21 =	sadd.s32 $0x7FFFFFF0, s4  }
0x288: {  	s2 =	simm.s32 $0x9;
	s23 =	sadd.s32 $0x7FFFFFE0, s4;
	v23 =	vmov s19;
	v27 =	vmov s21  }
0x289: {  	s24 =	sadd.s32 $0x7FFFFFD0, s4;
	s25 =	sadd.s32 $0x7FFFFFC0, s4;
	vm0 =	veq.s32 v23, v3;
	vm1 =	veq.s32 v27, v3;
	v27 =	vmov s23  }
0x28a: {  	s26 =	sadd.s32 $0x7FFFFFB0, s4;
	s18 =	sadd.s32 $0x7FFFFF70, s4;
	v23 =	vsel vm0, $0xFF800000, v26;
	v24 =	vsel vm1, $0xFF800000, v24;
	vm0 =	veq.s32 v27, v3  }
0x28b: {  	s30 =	simm.f32 $0.0e+00;
	s21 =	sadd.s32 $0x7FFFFFA0, s4;
	s19 =	sadd.s32 $0x7FFFFF60, s4;
	v26 =	vmov s24;
	v27 =	vmov s25;
	(xrf0) =	vmax.scan.msk.f32 $0xffff, v24;
	v25 =	vsel vm0, $0xFF800000, v25  }
0x28c: {  	s0 =	sadd.f32 s0, s30;
	s23 =	sadd.s32 $0x7FFFFF90, s4;
	s24 =	sadd.s32 $0x7FFFFF80, s4;
	vm1 =	veq.s32 v26, v3;
	vm0 =	veq.s32 v27, v3;
	v26 =	vmov s26;
	(xrf0) =	vmax.scan.msk.f32 $0xffff, v23  }
.LBB2_24:
0x28d: {  	p0 =	sne.s32 s2, $0x1;
	(xrf0) =	vmax.scan.msk.f32 $0xffff, v25;
	v7 =	vsel vm1, $0xFF800000, v7;
	v13 =	vsel vm0, $0xFF800000, v13;
	vm0 =	veq.s32 v26, v3  }
0x28e: {  	v26 =	vmov s21;
	v27 =	vmov s23;
	(xrf0) =	vmax.scan.msk.f32 $0xffff, v7;
	v18 =	vsel vm0, $0xFF800000, v18  }
0x28f: {  	vm0 =	veq.s32 v26, v3;
	vm1 =	veq.s32 v27, v3;
	v27 =	vmov s24;
	(xrf0) =	vmax.scan.msk.f32 $0xffff, v13  }
0x290: {  	v8 =	vsel vm0, $0xFF800000, v8;
	v14 =	vsel vm1, $0xFF800000, v14;
	vm0 =	veq.s32 v27, v3;
	(xrf0) =	vmax.scan.msk.f32 $0xffff, v18  }
0x291: {  	v28 =	vmov s19;
	v27 =	vmov s18;
	v16 =	vsel vm0, $0xFF800000, v16;
	v26, _, _ =	vpop (xrf0);
	(xrf0) =	vmax.scan.msk.f32 $0xffff, v8  }
0x292: {  	vm1 =	veq.s32 v28, v3;
	vm0 =	veq.s32 v27, v3;
	v29, _, _ =	vpop (xrf0);
	(v2sf) =	vpush v26, $0xF;
	(xrf0) =	vmax.scan.msk.f32 $0xffff, v14  }
0x293: {  	v9 =	vsel vm1, $0xFF800000, v9;
	v4 =	vsel vm0, $0xFF800000, v4;
	(v2sf) =	vpush v29, $0xF;
	v26, _, _ =	vpop (xrf0);
	(xrf0) =	vmax.scan.msk.f32 $0xffff, v16  }
0x294: {  	(v2sf) =	vpush v26, $0xF;
	v26, _, _ =	vpop (xrf0);
	(xrf0) =	vmax.scan.msk.f32 $0xffff, v4  }
0x295: {  	(v2sf) =	vpush v26, $0xF;
	v26, _, _ =	vpop (xrf0);
	(xrf0) =	vmax.scan.msk.f32 $0xffff, v9  }
0x296: {  	(v2sf) =	vpush v26, $0xF;
	v26, _, _ =	vpop (xrf0)  }
0x297: {  	(v2sf) =	vpush v26, $0xF;
	v26, _, _ =	vpop (xrf0)  }
0x298: {  	(v2sf) =	vpush v26, $0xF;
	v26, _, _ =	vpop (xrf0)  }
0x299: {  	(v2sf) =	vpush v26, $0xF;
	v26, _, _ =	vpop (xrf0)  }
0x29a: {  	(v2sf) =	vpush v26, $0xF;
	v26, _, _ =	vpop (xrf0)  }
0x29b: {  	(v2sf) =	vpush v26, $0xF;
	v26, _, _ =	vpop (xrf0)  }
0x29c: {  	(v2sf) =	vpush v26, $0xF;
	_ =	sdelay $0x4  }
0x29d: {  	s4 =	spop (v2sf)  }
0x29e: {  	s5 =	spop (v2sf)  }
0x29f: {  	s4 =	smax.f32 s5, s4;
	s5 =	spop (v2sf)  }
0x2a0: {  	s4 =	smax.f32 s4, s5;
	s5 =	spop (v2sf)  }
0x2a1: {  	s4 =	smax.f32 s4, s5;
	s5 =	spop (v2sf)  }
0x2a2: {  	s4 =	smax.f32 s4, s5;
	s5 =	spop (v2sf)  }
0x2a3: {  	s4 =	smax.f32 s4, s5;
	s5 =	spop (v2sf)  }
0x2a4: {  	s4 =	smax.f32 s4, s5;
	s5 =	spop (v2sf)  }
0x2a5: {  	s4 =	smax.f32 s4, s5;
	s5 =	spop (v2sf)  }
0x2a6: {  	s4 =	smax.f32 s4, s5;
	s5 =	spop (v2sf)  }
0x2a7: {  	s4 =	smax.f32 s4, s5;
	s5 =	spop (v2sf)  }
0x2a8: {  	s4 =	smax.f32 s4, s5  }
0x2a9: {  	s0 =	sadd.f32 s4, s0;
	vm0 =	veq.f32 v9, s4  }
0x2aa: {  	vm1 =	veq.f32 v4, s4;
	v26 =	vnsel vm0, $0x8000270F, v5  }
0x2ab: {  	vm0 =	veq.f32 v16, s4;
	v26 =	vsel vm1, v6, v26  }
0x2ac: {  	vm1 =	veq.f32 v14, s4;
	v26 =	vsel vm0, v10, v26  }
0x2ad: {  	vm0 =	veq.f32 v8, s4;
	v26 =	vsel vm1, v11, v26  }
0x2ae: {  	vm1 =	veq.f32 v18, s4;
	v26 =	vsel vm0, v12, v26  }
0x2af: {  	vm0 =	veq.f32 v13, s4;
	v26 =	vsel vm1, v15, v26  }
0x2b0: {  	vm1 =	veq.f32 v7, s4;
	v26 =	vsel vm0, v17, v26  }
0x2b1: {  	vm0 =	veq.f32 v25, s4;
	v26 =	vsel vm1, v19, v26  }
0x2b2: {  	vm1 =	veq.f32 v24, s4;
	v26 =	vsel vm0, v20, v26  }
0x2b3: {  	vm0 =	veq.f32 v23, s4;
	v26 =	vsel vm1, v21, v26  }
0x2b4: {  	v26 =	vsel vm0, v22, v26  }
0x2b5: {  	(xrf0) =	vmin.scan.msk.u32 $0xffff, v26;
	_ =	sdelay $0x5  }
0x2b6: {  	v26, _, _ =	vpop (xrf0)  }
0x2b7: {  	(v2sf) =	vpush v26, $0xF;
	_ =	sdelay $0xe  }
0x2b8: {  	s4 =	spop (v2sf)  }
0x2b9: {  	s5 =	sxor.u32 $0x80000000, s4  }
0x2ba: {  	s14 =	sadd.s32 $0x7FFFFFF0, s4;
	v26 =	vmov s5;
	s5 =	sadd.s32 $0x7FFFFFE0, s4  }
.Ltmp11:
0x2bb: {  	v27 =	vmov s14;
	s14 =	sadd.s32 $0x7FFFFFD0, s4;
	(pc) =	sbr.rel @p0 .LBB2_24-.Ltmp11, $4  }
0x2bc: {  	s19 =	sadd.s32 $0x7FFFFFB0, s4;
	vm0 =	veq.s32 v26, v3;
	vm1 =	veq.s32 v27, v3;
	v26 =	vmov s5;
	s5 =	sadd.s32 $0x7FFFFFC0, s4  }
0x2bd: {  	s21 =	sadd.s32 $0x7FFFFFA0, s4;
	s23 =	sadd.s32 $0x7FFFFF90, s4;
	v23 =	vsel vm0, $0xFF800000, v23;
	v24 =	vsel vm1, $0xFF800000, v24;
	vm0 =	veq.s32 v26, v3  }
0x2be: {  	s24 =	sadd.s32 $0x7FFFFF80, s4;
	s18 =	sadd.s32 $0x7FFFFF70, s4;
	v26 =	vmov s14;
	v27 =	vmov s5;
	(xrf0) =	vmax.scan.msk.f32 $0xffff, v24;
	v25 =	vsel vm0, $0xFF800000, v25  }
0x2bf: {  	s2 =	sadd.s32 $0xFFFFFFFF, s2;
	vm1 =	veq.s32 v26, v3;
	vm0 =	veq.s32 v27, v3;
	v26 =	vmov s19;
	s19 =	sadd.s32 $0x7FFFFF60, s4;
	(xrf0) =	vmax.scan.msk.f32 $0xffff, v23  }
0x2c0: {  	(xrf0) =	vmax.scan.msk.f32 $0xffff, v25;
	v7 =	vsel vm1, $0xFF800000, v7;
	vm11 =	veq.s32 v26, v3  }
0x2c1: {  	v13 =	vsel vm0, $0xFF800000, v13;
	v51 =	vmov s21;
	v27 =	vmov s23;
	(xrf0) =	vmax.scan.msk.f32 $0xffff, v7  }
0x2c2: {  	v52 =	vmov s24;
	v18 =	vsel vm11, $0xFF800000, v18;
	vm12 =	veq.s32 v51, v3;
	(xrf0) =	vmax.scan.msk.f32 $0xffff, v13  }
0x2c3: {  	v54 =	vmov s18;
	vm13 =	veq.s32 v27, v3;
	v8 =	vsel vm12, $0xFF800000, v8;
	(xrf0) =	vmax.scan.msk.f32 $0xffff, v18  }
0x2c4: {  	v28 =	vmov s19;
	vm14 =	veq.s32 v52, v3;
	v14 =	vsel vm13, $0xFF800000, v14;
	v53, _, _ =	vpop (xrf0);
	(xrf0) =	vmax.scan.msk.f32 $0xffff, v8  }
0x2c5: {  	vm15 =	veq.s32 v54, v3;
	v16 =	vsel vm14, $0xFF800000, v16;
	v29, _, _ =	vpop (xrf0);
	(v2sf) =	vpush v53, $0xF;
	(xrf0) =	vmax.scan.msk.f32 $0xffff, v14  }
0x2c6: {  	vm4 =	veq.s32 v28, v3;
	v4 =	vsel vm15, $0xFF800000, v4;
	(v2sf) =	vpush v29, $0xF;
	v55, _, _ =	vpop (xrf0);
	(xrf0) =	vmax.scan.msk.f32 $0xffff, v16  }
0x2c7: {  	v9 =	vsel vm4, $0xFF800000, v9;
	(v2sf) =	vpush v55, $0xF;
	v56, _, _ =	vpop (xrf0);
	(xrf0) =	vmax.scan.msk.f32 $0xffff, v4  }
0x2c8: {  	(v2sf) =	vpush v56, $0xF;
	v57, _, _ =	vpop (xrf0);
	(xrf0) =	vmax.scan.msk.f32 $0xffff, v9  }
0x2c9: {  	(v2sf) =	vpush v57, $0xF;
	v58, _, _ =	vpop (xrf0)  }
0x2ca: {  	(v2sf) =	vpush v58, $0xF;
	v59, _, _ =	vpop (xrf0)  }
0x2cb: {  	(v2sf) =	vpush v59, $0xF;
	v60, _, _ =	vpop (xrf0)  }
0x2cc: {  	(v2sf) =	vpush v60, $0xF;
	v61, _, _ =	vpop (xrf0)  }
0x2cd: {  	(v2sf) =	vpush v61, $0xF;
	v62, _, _ =	vpop (xrf0)  }
0x2ce: {  	(v2sf) =	vpush v62, $0xF;
	v63, _, _ =	vpop (xrf0)  }
0x2cf: {  	(v2sf) =	vpush v63, $0xF;
	_ =	sdelay $0x4  }
0x2d0: {  	s2 =	spop (v2sf)  }
0x2d1: {  	s4 =	spop (v2sf)  }
0x2d2: {  	s2 =	smax.f32 s4, s2;
	s30 =	spop (v2sf)  }
0x2d3: {  	s2 =	smax.f32 s2, s30;
	s5 =	spop (v2sf)  }
0x2d4: {  	s2 =	smax.f32 s2, s5;
	s14 =	spop (v2sf)  }
0x2d5: {  	s2 =	smax.f32 s2, s14;
	s18 =	spop (v2sf)  }
0x2d6: {  	s2 =	smax.f32 s2, s18;
	s19 =	spop (v2sf)  }
0x2d7: {  	s2 =	smax.f32 s2, s19;
	s21 =	spop (v2sf)  }
0x2d8: {  	s2 =	smax.f32 s2, s21;
	s23 =	spop (v2sf)  }
0x2d9: {  	s2 =	smax.f32 s2, s23;
	s24 =	spop (v2sf)  }
0x2da: {  	s2 =	smax.f32 s2, s24;
	s25 =	spop (v2sf)  }
0x2db: {  	s2 =	smax.f32 s2, s25  }
0x2dc: {  	vm5 =	veq.f32 v9, s2  }
0x2dd: {  	vm6 =	veq.f32 v4, s2;
	v4 =	vnsel vm5, $0x8000270F, v5  }
0x2de: {  	vm7 =	veq.f32 v16, s2;
	v4 =	vsel vm6, v6, v4  }
0x2df: {  	vm8 =	veq.f32 v14, s2;
	v5 =	vmov s1;
	v4 =	vsel vm7, v10, v4  }
0x2e0: {  	vm9 =	veq.f32 v8, s2;
	v4 =	vsel vm8, v11, v4  }
0x2e1: {  	vm10 =	veq.f32 v18, s2;
	v4 =	vsel vm9, v12, v4  }
0x2e2: {  	vm11 =	veq.f32 v13, s2;
	v4 =	vsel vm10, v15, v4  }
0x2e3: {  	vm12 =	veq.f32 v7, s2;
	v4 =	vsel vm11, v17, v4  }
0x2e4: {  	vm13 =	veq.f32 v25, s2;
	v5 =	vld.idx.msk [tilespmem:v5+s3+$0x0], $0xffff;
	v4 =	vsel vm12, v19, v4  }
0x2e5: {  	vm14 =	veq.f32 v24, s2;
	v4 =	vsel vm13, v20, v4  }
0x2e6: {  	vm15 =	veq.f32 v23, s2;
	v4 =	vsel vm14, v21, v4  }
0x2e7: {  	v4 =	vsel vm15, v22, v4  }
0x2e8: {  	(xrf0) =	vmin.scan.msk.u32 $0xffff, v4  }
0x2e9: {  	(xrf0) =	vmax.scan.msk.f32 $0xffff, v5;
	_ =	sdelay $0x4  }
0x2ea: {  	v4, _, _ =	vpop (xrf0)  }
0x2eb: {  	(v2sf) =	vpush v4, $0xF;
	v4, _, _ =	vpop (xrf0)  }
0x2ec: {  	(v2sf) =	vpush v4, $0xF;
	_ =	sdelay $0xd  }
0x2ed: {  	s26 =	spop (v2sf)  }
0x2ee: {  	s1 =	spop (v2sf)  }
0x2ef: {  	p0 =	sge.f32 s1, s2  }
0x2f0: {  	s0 =	sadd.f32 s2, s0  }
0x2f1: {  	s2 =	smov.u32 @p0 s1  }
0x2f2: {  	s0 =	ssub.f32 s0, s2;
	_ =	sdelay $0x1  }
0x2f3: {  	s0 =	smul.f32 $1.000000010e-01, s0;
	_ =	sdelay $0x1  }
0x2f4: {  	s0 =	ssub.f32 s0, s1  }
0x2f5: {  	s31 =	sadd.s32 $0x1, s31  }
0x2f6: {  	p0 =	sne.s32 s31, s13;
	v4 =	vmov s0  }
.Ltmp12:
0x2f7: {  	s30 =	simm.s32 $0x1C480;
	[tilespmem:$0x1C480] =	vst v4;
	(pc) =	sbr.rel @p0 .LBB2_1-.Ltmp12, $4  }
0x2f8: {  	[hbm4b:s12+s3] =	stream.linear.scatter [tilespmem:s30], [sflag:$0x3], $0x80, $0x38;
	[tilespmem:$0x1C500] =	vst v63  }
0x2f9: {  	_ =	swait.ge [sflag:s15], $0x80  }
0x2fa: {  	[sflag:s15] =	ssyncset.done $0x0  }
0x2fb: {  	s2 =	simm.s32 $0x1C400;
	[sflag:s15] =	ssyncadd.s32 $0xFFFFFF80  }
0x2fc: {  	_ =	sfence.sel $0x180000  }
0x2fd: {  	[bflag:$0x0] =	sbarrier.arrive $0xFFFF  }
0x2fe: {  	_ =	strace $0x90000047  }
0x2ff: {  	s0 =	stileid.u32;
	[bflag:$0x2] =	sbarrier.arrive $0xFFFF  }
0x300: {  	p0 =	sne.s32 s0, $0x0;
	s0 =	rddreg [dreg:$0x3]  }
0x301: {  	s0 =	sadd.s32 @!p0 $0x100000, s0  }
0x302: {  	[sflag:s0] =	ssyncadd.tile.s32 @!p0 $0x1;
	_ =	shalt  }
.Lfunc_end2:
_tile_overlayer_lowered:
.L_overlay_start_2:
0x303: {  	(tag) =	ssettag $0x2  }
0x304: {  	s0 =	rddreg [dreg:$0x0];
	s2 =	stileid.u32  }
0x305: {  	s1 =	rddreg [dreg:$0x1];
	p0 =	sne.s32 s2, $0x0  }
0x306: {  	s3 =	rddreg [dreg:$0x2];
	[bflag:$0x3] =	sbarrier.arrive $0xFFFF;
	s2 =	simm.s32 @!p0 $0x1C03  }
0x307: {  	[timem:s3], [sflag:s2] =	dma.local @!p0 [hbm:s0], s1  }
0x308: {  	s0 =	simm.s32 @!p0 $0x3  }
0x309: {  	_ =	swait.ge @!p0 [sflag:s0], s1  }
0x30a: {  	s1 =	ssub.s32 @!p0 $0x0, s1;
	[sflag:s0] =	ssyncset.done @!p0 $0x0  }
0x30b: {  	[sflag:s0] =	ssyncadd.s32 @!p0 s1  }
0x30c: {  	[bflag:$0x3] =	sbarrier.arrive $0xFFFF  }
0x30d: {  	_ =	shalt  }

</sc_bundles>
